<compile_context>
chip_gen: v7x
topology: tpu7x:2x2x1
jax: 0.10.2.dev20260603
libtpu: 0.0.44.dev20260713+nightly
codegen_flags: <defaults>
</compile_context>

<pallas_src>
import functools

import jax
import jax.numpy as jnp
import numpy as np
from jax import lax
from jax.experimental import pallas as pl
from jax.experimental.pallas import tpu as pltpu
from jax.experimental.pallas import tpu_sc as plsc

NN = 10000
NE = 320000
NC, NS, NL = 2, 16, 16
NWORK = NC * NS
CB = 128
NCHUNK = NE // CB
NJ_BASE = NCHUNK // NWORK
NJ_EXTRA = NCHUNK - NJ_BASE * NWORK
INIT_TILES = 10
RPT = NN // INIT_TILES
ISQRT5 = float(1.0 / np.sqrt(5.0))
NB = 2000
EB = 16000
QW = 80
KVW = 160
EFW = 128

_SC_PARAMS = pltpu.CompilerParams(use_tc_tiling_on_sc=False)



def _node1_body(x_ref, wq_ref, bq_ref, wkv_ref, bkv_ref, ws_ref, bs_ref,
                q_ref, kv_ref, xr_ref):
    x = x_ref[...]
    q_ref[...] = jnp.dot(x, wq_ref[...], preferred_element_type=jnp.float32) + bq_ref[...]
    kv_ref[...] = jnp.dot(x, wkv_ref[...], preferred_element_type=jnp.float32) + bkv_ref[...]
    xr_ref[...] = jnp.dot(x, ws_ref[...], preferred_element_type=jnp.float32) + bs_ref[...]


def _eproj_body(eat_ref, w_ref, e_ref):
    e_ref[...] = jax.lax.dot_general(
        eat_ref[...], w_ref[...], (((0,), (0,)), ((), ())),
        preferred_element_type=jnp.float32)


def _gate1_body(a0_ref, a1_ref, xr1_ref, snn_ref, dbb_ref, mh_ref,
                wba_ref, wbb_ref, h1_ref):
    t = a0_ref[...] + a1_ref[...]
    num = jnp.dot(t, snn_ref[...], preferred_element_type=jnp.float32)
    den_b = jnp.dot(t, dbb_ref[...], preferred_element_type=jnp.float32) + 1e-16
    out5 = jnp.dot(num / den_b, mh_ref[...], preferred_element_type=jnp.float32)
    xr = xr1_ref[...]
    b = jax.nn.sigmoid(jnp.dot(out5, wba_ref[...], preferred_element_type=jnp.float32)
                       + jnp.dot(xr, wbb_ref[...], preferred_element_type=jnp.float32))
    h1_ref[...] = b * xr + (1.0 - b) * out5


def _gstats_body(h1_ref, bidxT_ref, gnw_ref, gnms_ref, a_ref, s_ref):
    h1 = h1_ref[...]
    gidT = jax.lax.broadcasted_iota(jnp.int32, (64, NN), 0)
    ohT = (bidxT_ref[...] == gidT).astype(jnp.float32)
    cnt = jnp.sum(ohT, axis=1, keepdims=True)
    inv = 1.0 / jnp.maximum(cnt, 1.0)
    mean_g = jnp.dot(ohT, h1, preferred_element_type=jnp.float32) * inv
    m2_g = jnp.dot(ohT, h1 * h1, preferred_element_type=jnp.float32) * inv
    ms = gnms_ref[...]
    var_g = m2_g - mean_g * mean_g * ms * (2.0 - ms)
    a_ref[...] = mean_g * ms
    s_ref[...] = gnw_ref[...] * jax.lax.rsqrt(var_g + 1e-5)


def _node2_body(h1_ref, bidx_ref, a_ref, s_ref, gnb_ref,
                wq2_ref, bq2_ref, wk2_ref, bk2_ref, wv2_ref, bv2_ref,
                ws2_ref, bs2_ref, p2_ref, p2k_ref, p2v_ref,
                q2_ref, kv2_ref, xr2_ref):
    h1 = h1_ref[...]
    gid = jax.lax.broadcasted_iota(jnp.int32, (NB, 64), 1)
    oh = (bidx_ref[...] == gid).astype(jnp.float32)
    a_n = jnp.dot(oh, a_ref[...], preferred_element_type=jnp.float32)
    s_n = jnp.dot(oh, s_ref[...], preferred_element_type=jnp.float32)
    hh = (h1 - a_n) * s_n + gnb_ref[...]
    hh = jnp.maximum(hh, 0.0)
    q2 = jnp.dot(hh, wq2_ref[...], preferred_element_type=jnp.float32) + bq2_ref[...]
    k2 = jnp.dot(hh, wk2_ref[...], preferred_element_type=jnp.float32) + bk2_ref[...]
    v2 = jnp.dot(hh, wv2_ref[...], preferred_element_type=jnp.float32) + bv2_ref[...]
    q2_ref[...] = jnp.dot(q2, p2_ref[...], preferred_element_type=jnp.float32)
    kv2_ref[...] = (jnp.dot(k2, p2k_ref[...], preferred_element_type=jnp.float32)
                    + jnp.dot(v2, p2v_ref[...], preferred_element_type=jnp.float32))
    xr2_ref[...] = jnp.dot(hh, ws2_ref[...], preferred_element_type=jnp.float32) + bs2_ref[...]


def _final_body(a0_ref, a1_ref, xr2_ref, sn_ref, sd_ref, mh_ref, wa_ref, wb_ref,
                out_ref):
    t = a0_ref[...] + a1_ref[...]
    num = jnp.dot(t, sn_ref[...], preferred_element_type=jnp.float32)
    den = jnp.dot(t, sd_ref[...], preferred_element_type=jnp.float32) + 1e-16
    out1 = jnp.dot(num / den, mh_ref[...], preferred_element_type=jnp.float32)
    xr = xr2_ref[...]
    b = jax.nn.sigmoid(out1 * wa_ref[...] + xr * wb_ref[...])
    out_ref[...] = jax.nn.sigmoid(b * xr + (1.0 - b) * out1)



_MESH = plsc.VectorSubcoreMesh(core_axis_name="c", subcore_axis_name="s")


def _make_edge_kernel(cb, qw, kvw, ew, eoff, mw, edge_compute):
    nchunk = NE // cb
    nj_base = nchunk // NWORK
    nj_extra = nchunk - nj_base * NWORK
    """Pipelined SC edge-sweep kernel.

    Per tile: 128-edge chunks, double-buffered indirect-stream gathers with a
    one-chunk software pipeline; combined [src|dst] index rows so each chunk
    needs a single index DMA; indirect scatter-add rows into the per-SC Spmem
    accumulator.
    """

    @functools.partial(
        pl.kernel,
        out_type=jax.ShapeDtypeStruct((NC * NN, mw), jnp.float32),
        mesh=_MESH,
        scratch_types=[
            pltpu.VMEM((cb,), jnp.int32),
            pltpu.VMEM((cb,), jnp.int32),
            pltpu.VMEM((cb,), jnp.int32),
            pltpu.VMEM((cb,), jnp.int32),
            pltpu.VMEM((cb,), jnp.int32),
            pltpu.VMEM((cb,), jnp.int32),
            pltpu.VMEM((cb, qw), jnp.float32),
            pltpu.VMEM((cb, qw), jnp.float32),
            pltpu.VMEM((cb, kvw), jnp.float32),
            pltpu.VMEM((cb, kvw), jnp.float32),
            pltpu.VMEM((cb, ew), jnp.float32),
            pltpu.VMEM((cb, ew), jnp.float32),
            pltpu.VMEM((cb, mw), jnp.float32),
            pltpu.VMEM((cb, mw), jnp.float32),
            pltpu.VMEM_SHARED((NN, mw), jnp.float32),
            pltpu.SemaphoreType.DMA,
            pltpu.SemaphoreType.DMA,
            pltpu.SemaphoreType.DMA,
            pltpu.SemaphoreType.DMA,
            pltpu.SemaphoreType.DMA,
            pltpu.SemaphoreType.DMA,
        ],
        compiler_params=_SC_PARAMS,
    )
    def _edge(src_hbm, dst_hbm, q_hbm, kv_hbm, e_hbm, z_hbm, out_hbm,
              sv0, sv1, dv0, dv1, ds0, ds1, qv0, qv1, kvv0, kvv1, ev0, ev1,
              mv0, mv1, acc, gsem0, gsem1, isem0, isem1, ssem0, ssem1):
        cid = lax.axis_index("c")
        sid = lax.axis_index("s")
        g = cid * NS + sid
        svs = (sv0, sv1)
        dvs = (dv0, dv1)
        dscats = (ds0, ds1)
        qvs = (qv0, qv1)
        kvvs = (kvv0, kvv1)
        evs = (ev0, ev1)
        mvs = (mv0, mv1)
        gsems = (gsem0, gsem1)
        isems = (isem0, isem1)
        ssems = (ssem0, ssem1)

        @pl.when(sid < INIT_TILES)
        def _init():
            pltpu.sync_copy(z_hbm.at[pl.ds(sid * RPT, RPT)],
                            acc.at[pl.ds(sid * RPT, RPT)])
        plsc.subcore_barrier()

        nj = jnp.where(g < nj_extra, nj_base + 1, nj_base)

        def ebase(j):
            return pl.multiple_of((g + NWORK * j) * cb, cb)

        def fire_idx(j, b):
            pltpu.async_copy(src_hbm.at[pl.ds(ebase(j), cb)], svs[b], isems[b])
            pltpu.async_copy(dst_hbm.at[pl.ds(ebase(j), cb)], dvs[b], isems[b])

        def wait_idx(j, b):
            pltpu.make_async_copy(src_hbm.at[pl.ds(ebase(j), cb)], svs[b],
                                  isems[b]).wait()
            pltpu.make_async_copy(dst_hbm.at[pl.ds(ebase(j), cb)], dvs[b],
                                  isems[b]).wait()

        def fire_gathers(j, b):
            pltpu.async_copy(q_hbm.at[dvs[b]], qvs[b], gsems[b])
            pltpu.async_copy(kv_hbm.at[svs[b]], kvvs[b], gsems[b])
            pltpu.async_copy(e_hbm.at[pl.ds(ebase(j), cb), pl.ds(eoff, ew)],
                             evs[b], gsems[b])

        def wait_gathers(j, b):
            pltpu.make_async_copy(q_hbm.at[dvs[b]], qvs[b], gsems[b]).wait()
            pltpu.make_async_copy(kv_hbm.at[svs[b]], kvvs[b], gsems[b]).wait()
            pltpu.make_async_copy(e_hbm.at[pl.ds(ebase(j), cb), pl.ds(eoff, ew)],
                                  evs[b], gsems[b]).wait()

        def compute_scatter(b, pending):
            @pl.when(pending)
            def _():
                pltpu.make_async_copy(mvs[b], acc.at[dscats[b]], ssems[b]).wait()
            plsc.parallel_loop(0, cb, 1, unroll=8)(
                functools.partial(edge_compute, qvs[b], kvvs[b], evs[b], mvs[b]))
            for o in range(cb // NL):
                dscats[b][pl.ds(o * NL, NL)] = dvs[b][pl.ds(o * NL, NL)]
            pltpu.async_copy(mvs[b], acc.at[dscats[b]], ssems[b], add=True)

        pltpu.sync_copy(src_hbm.at[pl.ds(ebase(0), cb)], sv0)
        pltpu.sync_copy(dst_hbm.at[pl.ds(ebase(0), cb)], dv0)
        fire_gathers(0, 0)
        fire_idx(1, 1)

        def pair_body(p, carry):
            j0 = 2 * p
            j1 = j0 + 1
            wait_gathers(j0, 0)
            wait_idx(j1, 1)
            fire_gathers(j1, 1)
            compute_scatter(0, j0 >= 2)

            @pl.when(j0 + 2 < nj)
            def _():
                fire_idx(j0 + 2, 0)

            wait_gathers(j1, 1)
            compute_scatter(1, j1 >= 3)

            @pl.when(j0 + 2 < nj)
            def _():
                wait_idx(j0 + 2, 0)
                fire_gathers(j0 + 2, 0)

            @pl.when(j1 + 2 < nj)
            def _():
                fire_idx(j1 + 2, 1)
            return carry

        lax.fori_loop(0, nj_base // 2, pair_body, 0)

        @pl.when(nj > nj_base)
        def _tail():
            wait_gathers(nj_base, 0)
            compute_scatter(0, nj_base >= 2)

        pltpu.make_async_copy(mvs[0], acc.at[dscats[0]], ssems[0]).wait()
        pltpu.make_async_copy(mvs[1], acc.at[dscats[1]], ssems[1]).wait()
        plsc.subcore_barrier()

        @pl.when(sid < INIT_TILES)
        def _writeback():
            pltpu.sync_copy(acc.at[pl.ds(sid * RPT, RPT)],
                            out_hbm.at[pl.ds(cid * NN + sid * RPT, RPT)])

    return _edge


def _ec1(qv, kvv, ev, mv, ei):
    ecols = []
    alpha = jnp.zeros((NL,), jnp.float32)
    for ci in range(5):
        qc = qv[ei, pl.ds(ci * NL, NL)]
        kc = kvv[ei, pl.ds(ci * NL, NL)]
        ec = ev[ei, pl.ds(ci * NL, NL)]
        ecols.append(ec)
        alpha = alpha + qc * (kc + ec)
    w = jnp.exp(alpha * ISQRT5)
    for ci in range(5):
        vc = kvv[ei, pl.ds(80 + ci * NL, NL)]
        mv[ei, pl.ds(ci * NL, NL)] = (vc + ecols[ci]) * w
    mv[ei, pl.ds(80, NL)] = w


def _ec2(qv, kvv, ev, mv, ei):
    qc = qv[ei, pl.ds(0, NL)]
    kc = kvv[ei, pl.ds(0, NL)]
    vc = kvv[ei, pl.ds(NL, NL)]
    ec = ev[ei, pl.ds(0, NL)]
    w = jnp.exp(qc * (kc + ec))
    mv[ei, pl.ds(0, NL)] = (vc + ec) * w
    mv[ei, pl.ds(NL, NL)] = w


CB1 = 64
CB2 = 128
_edge1 = _make_edge_kernel(CB1, QW, KVW, 80, 0, 96, _ec1)
_edge2 = _make_edge_kernel(CB2, 16, 32, 16, 80, 32, _ec2)



def _perm1():
    p = np.zeros((50, 80), np.float32)
    for h in range(10):
        for c in range(5):
            p[h * 5 + c, c * 16 + h] = 1.0
    return p


def _perm2():
    p = np.zeros((10, 16), np.float32)
    for h in range(10):
        p[h, h] = 1.0
    return p


def _row_spec(width):
    return pl.BlockSpec((NB, width), lambda i: (i, 0))


def _bcast_spec(shape):
    return pl.BlockSpec(shape, lambda i: (0, 0))


def kernel(x, edge_index, edge_attr, batch_idx, Wq1, bq1, Wk1, bk1, Wv1, bv1,
           We1, Ws1, bs1, Wb1, gn_w, gn_b, gn_ms, Wq2, bq2, Wk2, bk2, Wv2, bv2,
           We2, Ws2, bs2, Wb2):
    f32 = jnp.float32
    src = edge_index[0]
    dst = edge_index[1]
    ngrid = NN // NB

    p1 = _perm1()
    p1k = np.concatenate([p1, np.zeros_like(p1)], axis=1)
    p1v = np.concatenate([np.zeros_like(p1), p1], axis=1)
    p2 = _perm2()
    p2k = np.concatenate([p2, np.zeros_like(p2)], axis=1)
    p2v = np.concatenate([np.zeros_like(p2), p2], axis=1)

    p1k = np.zeros((50, KVW), np.float32)
    p1k[:, :80] = p1
    p1v = np.zeros((50, KVW), np.float32)
    p1v[:, 80:160] = p1
    wq_pad = Wq1 @ p1
    bq_pad = (bq1 @ p1)[None, :]
    wkv_pad = Wk1 @ p1k + Wv1 @ p1v
    bkv_pad = (bk1 @ p1k + bv1 @ p1v)[None, :]
    wef = jnp.concatenate([We1 @ p1, We2 @ p2,
                           jnp.zeros((16, EFW - 96), f32)], axis=1)

    q1, kv1, xr1 = pl.pallas_call(
        _node1_body,
        grid=(ngrid,),
        in_specs=[_row_spec(128), _bcast_spec((128, QW)), _bcast_spec((1, QW)),
                  _bcast_spec((128, KVW)), _bcast_spec((1, KVW)),
                  _bcast_spec((128, 5)), _bcast_spec((1, 5))],
        out_specs=(_row_spec(QW), _row_spec(KVW), _row_spec(5)),
        out_shape=(jax.ShapeDtypeStruct((NN, QW), f32),
                   jax.ShapeDtypeStruct((NN, KVW), f32),
                   jax.ShapeDtypeStruct((NN, 5), f32)),
    )(x, wq_pad, bq_pad, wkv_pad, bkv_pad, Ws1, bs1[None, :])

    ef = pl.pallas_call(
        _eproj_body,
        grid=(NE // EB,),
        in_specs=[pl.BlockSpec((16, EB), lambda i: (0, i)),
                  _bcast_spec((16, EFW))],
        out_specs=pl.BlockSpec((EB, EFW), lambda i: (i, 0)),
        out_shape=jax.ShapeDtypeStruct((NE, EFW), f32),
    )(edge_attr.T, wef)

    acc1 = _edge1(src, dst, q1, kv1, ef, jnp.zeros((NN, 96), f32))

    snn = np.zeros((96, 80), np.float32)
    snn[:80, :] = np.eye(80)
    dbb = np.zeros((96, 80), np.float32)
    for h in range(10):
        for c in range(5):
            dbb[80 + h, c * 16 + h] = 1.0
    mh = np.zeros((80, 5), np.float32)
    for h in range(10):
        for c in range(5):
            mh[c * 16 + h, c] = 0.1
    wba = Wb1[0:5] + Wb1[10:15]
    wbb = Wb1[5:10] - Wb1[10:15]
    nblk = NN // NB
    h1 = pl.pallas_call(
        _gate1_body,
        grid=(ngrid,),
        in_specs=[pl.BlockSpec((NB, 96), lambda i: (i, 0)),
                  pl.BlockSpec((NB, 96), lambda i, n=nblk: (i + n, 0)),
                  _row_spec(5),
                  _bcast_spec((96, 80)), _bcast_spec((96, 80)),
                  _bcast_spec((80, 5)), _bcast_spec((5, 1)),
                  _bcast_spec((5, 1))],
        out_specs=_row_spec(5),
        out_shape=jax.ShapeDtypeStruct((NN, 5), f32),
    )(acc1, acc1, xr1, jnp.asarray(snn), jnp.asarray(dbb), jnp.asarray(mh),
      wba, wbb)

    ga, gs = pl.pallas_call(
        _gstats_body,
        out_shape=(jax.ShapeDtypeStruct((64, 5), f32),
                   jax.ShapeDtypeStruct((64, 5), f32)),
    )(h1, batch_idx[None, :], gn_w[None, :], gn_ms[None, :])

    q2, kv2, xr2 = pl.pallas_call(
        _node2_body,
        grid=(ngrid,),
        in_specs=[_row_spec(5), _row_spec(1),
                  _bcast_spec((64, 5)), _bcast_spec((64, 5)),
                  _bcast_spec((1, 5)),
                  _bcast_spec((5, 10)), _bcast_spec((1, 10)),
                  _bcast_spec((5, 10)), _bcast_spec((1, 10)),
                  _bcast_spec((5, 10)), _bcast_spec((1, 10)),
                  _bcast_spec((5, 1)), _bcast_spec((1, 1)),
                  _bcast_spec((10, 16)), _bcast_spec((10, 32)),
                  _bcast_spec((10, 32))],
        out_specs=(_row_spec(16), _row_spec(32), _row_spec(1)),
        out_shape=(jax.ShapeDtypeStruct((NN, 16), f32),
                   jax.ShapeDtypeStruct((NN, 32), f32),
                   jax.ShapeDtypeStruct((NN, 1), f32)),
    )(h1, batch_idx[:, None], ga, gs, gn_b[None, :],
      Wq2, bq2[None, :], Wk2, bk2[None, :], Wv2, bv2[None, :],
      Ws2, bs2[None, :], jnp.asarray(p2), jnp.asarray(p2k), jnp.asarray(p2v))

    acc2 = _edge2(src, dst, q2, kv2, ef, jnp.zeros((NN, 32), f32))

    sn2 = np.zeros((32, 10), np.float32)
    sn2[:10, :] = np.eye(10)
    sd2 = np.zeros((32, 10), np.float32)
    sd2[16:26, :] = np.eye(10)
    mh2 = np.full((10, 1), 0.1, np.float32)
    wa = (Wb2[0] + Wb2[2])[None, :]
    wb = (Wb2[1] - Wb2[2])[None, :]
    out = pl.pallas_call(
        _final_body,
        grid=(ngrid,),
        in_specs=[pl.BlockSpec((NB, 32), lambda i: (i, 0)),
                  pl.BlockSpec((NB, 32), lambda i, n=nblk: (i + n, 0)),
                  _row_spec(1),
                  _bcast_spec((32, 10)), _bcast_spec((32, 10)),
                  _bcast_spec((10, 1)), _bcast_spec((1, 1)),
                  _bcast_spec((1, 1))],
        out_specs=_row_spec(1),
        out_shape=jax.ShapeDtypeStruct((NN, 1), f32),
    )(acc2, acc2, xr2, jnp.asarray(sn2), jnp.asarray(sd2), jnp.asarray(mh2),
      wa, wb)
    return out

# --- scband reference (transcript-rebuilt; emitter-appended) ---
"""Pipeline reference for scband-m-transformer-conv-f-61237643706854 (READ-ONLY COPY).

The authoritative reference and input builder live on the scoring server;
editing this copy changes nothing except your own understanding.
"""

import jax, jax.numpy as jnp
import numpy as np

N = 10000
E = 320000
D = 128
ED = 16
G = 64

def _lin(k, i, o):
    return jax.random.normal(k, (i, o), jnp.float32) / np.sqrt(i)

def setup_inputs(seed: int = 0):
    key = jax.random.key(seed)
    ks = jax.random.split(key, 32)
    inp = {}
    inp['x'] = jax.random.normal(ks[0], (N, D), jnp.float32)
    inp['edge_index'] = jax.random.randint(ks[1], (2, E), 0, N, dtype=jnp.int32)
    inp['edge_attr'] = jax.random.normal(ks[2], (E, ED), jnp.float32)
    inp['batch_idx'] = jnp.sort(jax.random.randint(ks[3], (N,), 0, G, dtype=jnp.int32))
    inp['Wq1'] = _lin(ks[4], D, 50); inp['bq1'] = jnp.zeros((50,), jnp.float32)
    inp['Wk1'] = _lin(ks[5], D, 50); inp['bk1'] = jnp.zeros((50,), jnp.float32)
    inp['Wv1'] = _lin(ks[6], D, 50); inp['bv1'] = jnp.zeros((50,), jnp.float32)
    inp['We1'] = _lin(ks[7], ED, 50)
    inp['Ws1'] = _lin(ks[8], D, 5); inp['bs1'] = jnp.zeros((5,), jnp.float32)
    inp['Wb1'] = _lin(ks[9], 15, 1)
    inp['gn_w'] = jnp.ones((5,), jnp.float32)
    inp['gn_b'] = jnp.zeros((5,), jnp.float32)
    inp['gn_ms'] = jnp.ones((5,), jnp.float32)
    inp['Wq2'] = _lin(ks[10], 5, 10); inp['bq2'] = jnp.zeros((10,), jnp.float32)
    inp['Wk2'] = _lin(ks[11], 5, 10); inp['bk2'] = jnp.zeros((10,), jnp.float32)
    inp['Wv2'] = _lin(ks[12], 5, 10); inp['bv2'] = jnp.zeros((10,), jnp.float32)
    inp['We2'] = _lin(ks[13], ED, 10)
    inp['Ws2'] = _lin(ks[14], 5, 1); inp['bs2'] = jnp.zeros((1,), jnp.float32)
    inp['Wb2'] = _lin(ks[15], 3, 1)
    return inp

def _seg_softmax(a, seg, num):
    m = jax.ops.segment_max(a, seg, num_segments=num)
    m = jnp.where(jnp.isfinite(m), m, 0.0)
    m = jax.lax.stop_gradient(m)
    e = jnp.exp(a - m[seg])
    s = jax.ops.segment_sum(e, seg, num_segments=num)
    return e / (s[seg] + 1e-16)

def _tconv(x, edge_index, edge_attr, p, H, C):
    n = x.shape[0]
    src = edge_index[0]; dst = edge_index[1]
    q = (x @ p['Wq'] + p['bq']).reshape(n, H, C)
    k = (x @ p['Wk'] + p['bk']).reshape(n, H, C)
    v = (x @ p['Wv'] + p['bv']).reshape(n, H, C)
    e = (edge_attr @ p['We']).reshape(-1, H, C)
    k_j = k[src] + e
    alpha = (q[dst] * k_j).sum(-1) / np.sqrt(C)
    alpha = _seg_softmax(alpha, dst, n)
    msg = (v[src] + e) * alpha[:, :, None]
    out = jax.ops.segment_sum(msg, dst, num_segments=n)
    out = out.mean(axis=1)
    x_r = x @ p['Ws'] + p['bs']
    b = jax.nn.sigmoid(jnp.concatenate([out, x_r, out - x_r], axis=-1) @ p['Wb'])
    return b * x_r + (1.0 - b) * out

def _gnorm(x, batch, w, bias, ms, num):
    cnt = jnp.maximum(jax.ops.segment_sum(jnp.ones((x.shape[0],), x.dtype), batch, num_segments=num), 1.0)
    mean = jax.ops.segment_sum(x, batch, num_segments=num) / cnt[:, None]
    out = x - mean[batch] * ms
    var = jax.ops.segment_sum(out * out, batch, num_segments=num) / cnt[:, None]
    return w * out / jnp.sqrt(var + 1e-5)[batch] + bias

def reference(x, edge_index, edge_attr, batch_idx, Wq1, bq1, Wk1, bk1, Wv1, bv1, We1, Ws1, bs1, Wb1, gn_w, gn_b, gn_ms, Wq2, bq2, Wk2, bk2, Wv2, bv2, We2, Ws2, bs2, Wb2):
    p1 = dict(Wq=Wq1, bq=bq1, Wk=Wk1, bk=bk1, Wv=Wv1, bv=bv1, We=We1, Ws=Ws1, bs=bs1, Wb=Wb1)
    h = _tconv(x, edge_index, edge_attr, p1, 10, 5)
    h = _gnorm(h, batch_idx, gn_w, gn_b, gn_ms, G)
    h = jax.nn.relu(h)
    p2 = dict(Wq=Wq2, bq=bq2, Wk=Wk2, bk=bk2, Wv=Wv2, bv=bv2, We=We2, Ws=Ws2, bs=bs2, Wb=Wb2)
    h = _tconv(h, edge_index, edge_attr, p2, 10, 1)
    return jax.nn.sigmoid(h)

if __name__ == "__main__":
    import jax
    _d = setup_inputs()
    print(jax.jit(kernel)(*tuple(_d.values())))

</pallas_src>

<mosaic_0001>
#map = affine_map<(d0, d1) -> (0)>
#map1 = affine_map<(d0, d1) -> (0, 0)>
module attributes {stable_mosaic.version = 14 : i64} {
  func.func @_edge(%arg0: i32, %arg1: i32, %arg2: memref<320000xi32, #tpu.memory_space<hbm>>, %arg3: memref<320000xi32, #tpu.memory_space<hbm>>, %arg4: memref<10000x16xf32, #tpu.memory_space<hbm>>, %arg5: memref<10000x32xf32, #tpu.memory_space<hbm>>, %arg6: memref<320000x128xf32, #tpu.memory_space<hbm>>, %arg7: memref<10000x32xf32, #tpu.memory_space<hbm>>, %arg8: memref<20000x32xf32, #tpu.memory_space<hbm>>, %arg9: memref<128xi32, #tpu.memory_space<vmem>>, %arg10: memref<128xi32, #tpu.memory_space<vmem>>, %arg11: memref<128xi32, #tpu.memory_space<vmem>>, %arg12: memref<128xi32, #tpu.memory_space<vmem>>, %arg13: memref<128xi32, #tpu.memory_space<vmem>>, %arg14: memref<128xi32, #tpu.memory_space<vmem>>, %arg15: memref<128x16xf32, #tpu.memory_space<vmem>>, %arg16: memref<128x16xf32, #tpu.memory_space<vmem>>, %arg17: memref<128x32xf32, #tpu.memory_space<vmem>>, %arg18: memref<128x32xf32, #tpu.memory_space<vmem>>, %arg19: memref<128x16xf32, #tpu.memory_space<vmem>>, %arg20: memref<128x16xf32, #tpu.memory_space<vmem>>, %arg21: memref<128x32xf32, #tpu.memory_space<vmem>>, %arg22: memref<128x32xf32, #tpu.memory_space<vmem>>, %arg23: memref<10000x32xf32, #tpu.memory_space<vmem_shared>>, %arg24: memref<!tpu.dma_semaphore, #tpu.memory_space<semaphore_mem>>, %arg25: memref<!tpu.dma_semaphore, #tpu.memory_space<semaphore_mem>>, %arg26: memref<!tpu.dma_semaphore, #tpu.memory_space<semaphore_mem>>, %arg27: memref<!tpu.dma_semaphore, #tpu.memory_space<semaphore_mem>>, %arg28: memref<!tpu.dma_semaphore, #tpu.memory_space<semaphore_mem>>, %arg29: memref<!tpu.dma_semaphore, #tpu.memory_space<semaphore_mem>>) attributes {dimension_semantics = [#tpu.dimension_semantics<core_parallel>, #tpu.dimension_semantics<subcore_parallel>], iteration_bounds = array<i64: 2, 16>, scalar_prefetch = 0 : i64, scratch_operands = 21 : i64, tpu.core_type = #tpu.core_type<sc_vector_subcore>, window_params = [{transform_indices = #map}, {transform_indices = #map}, {transform_indices = #map1}, {transform_indices = #map1}, {transform_indices = #map1}, {transform_indices = #map1}, {transform_indices = #map1}]} {
    %mul3A = arith.constant 16 : i32
    %mul3A_0 = arith.muli %arg0, %mul3A : i32
    %add3A = arith.addi %mul3A_0, %arg1 : i32
    %lt3A = arith.constant 10 : i32
    %lt3A_1 = arith.cmpi slt, %arg1, %lt3A : i32
    %convert_element_type3A = arith.extui %lt3A_1 : i1 to i32
    %cond3A = arith.constant 0 : i32
    %cond3A_2 = arith.cmpi ne, %convert_element_type3A, %cond3A : i32
    scf.if %cond3A_2 {
      %mul3A_63 = arith.constant 1000 : i32
      %mul3A_64 = arith.muli %arg1, %mul3A_63 : i32
      %mul3A_65 = arith.constant 1000 : i32
      %mul3A_66 = arith.muli %arg1, %mul3A_65 : i32
      "tpu.region"() ({
        %run_scoped3A = tpu.sem_alloc : memref<!tpu.dma_semaphore, #tpu.memory_space<semaphore_mem>>
        %dma_start3A_67 = arith.constant 0 : i32
        %dma_start3A_68 = tpu.memref_slice %arg23[%mul3A_66, %dma_start3A_67] : memref<10000x32xf32, #tpu.memory_space<vmem_shared>> -> memref<1000x32xf32, #tpu.memory_space<vmem_shared>>
        %dma_start3A_69 = arith.constant 0 : i32
        %dma_start3A_70 = tpu.memref_slice %arg7[%mul3A_64, %dma_start3A_69] : memref<10000x32xf32, #tpu.memory_space<hbm>> -> memref<1000x32xf32, #tpu.memory_space<hbm>>
        tpu.enqueue_dma source(%dma_start3A_70 : memref<1000x32xf32, #tpu.memory_space<hbm>>) target(%dma_start3A_68 : memref<1000x32xf32, #tpu.memory_space<vmem_shared>>) target_semaphore(%run_scoped3A : memref<!tpu.dma_semaphore, #tpu.memory_space<semaphore_mem>>)
        %dma_wait3A_71 = arith.constant 0 : i32
        %dma_wait3A_72 = tpu.memref_slice %arg23[%mul3A_66, %dma_wait3A_71] : memref<10000x32xf32, #tpu.memory_space<vmem_shared>> -> memref<1000x32xf32, #tpu.memory_space<vmem_shared>>
        %dma_wait3A_73 = arith.constant 0 : i32
        %dma_wait3A_74 = tpu.memref_slice %arg7[%mul3A_64, %dma_wait3A_73] : memref<10000x32xf32, #tpu.memory_space<hbm>> -> memref<1000x32xf32, #tpu.memory_space<hbm>>
        tpu.wait_dma2 semaphore(%run_scoped3A : memref<!tpu.dma_semaphore, #tpu.memory_space<semaphore_mem>>) src(%dma_wait3A_74 : memref<1000x32xf32, #tpu.memory_space<hbm>>) dst(%dma_wait3A_72 : memref<1000x32xf32, #tpu.memory_space<vmem_shared>>)
        tpu.yield
      }) : () -> ()
    } else {
    }
    %barrier3A = arith.constant 0 : index
    tpu.barrier barrier_id(%barrier3A)
    %lt3A_3 = arith.constant 4 : i32
    %lt3A_4 = arith.cmpi slt, %add3A, %lt3A_3 : i32
    %jit3A = arith.constant 79 : i32
    %jit3A_5 = arith.constant 78 : i32
    %select_n3A = arith.select %lt3A_4, %jit3A, %jit3A_5 : i32
    %add3A_6 = arith.constant 0 : i32
    %add3A_7 = arith.addi %add3A, %add3A_6 : i32
    %mul3A_8 = arith.constant 128 : i32
    %mul3A_9 = arith.muli %add3A_7, %mul3A_8 : i32
    %multiple_of3A = tpu.assume_multiple %mul3A_9, 128 : i32
    "tpu.region"() ({
      %run_scoped3A = tpu.sem_alloc : memref<!tpu.dma_semaphore, #tpu.memory_space<semaphore_mem>>
      %dma_start3A_63 = tpu.memref_slice %arg2[%multiple_of3A] : memref<320000xi32, #tpu.memory_space<hbm>> -> memref<128xi32, #tpu.memory_space<hbm>>
      %dma_start3A_64 = tpu.memref_slice %arg2[%multiple_of3A] : memref<320000xi32, #tpu.memory_space<hbm>> -> memref<128xi32, #tpu.memory_space<hbm>>
      tpu.enqueue_dma source(%dma_start3A_64 : memref<128xi32, #tpu.memory_space<hbm>>) target(%arg9 : memref<128xi32, #tpu.memory_space<vmem>>) target_semaphore(%run_scoped3A : memref<!tpu.dma_semaphore, #tpu.memory_space<semaphore_mem>>)
      %dma_wait3A_65 = tpu.memref_slice %arg2[%multiple_of3A] : memref<320000xi32, #tpu.memory_space<hbm>> -> memref<128xi32, #tpu.memory_space<hbm>>
      %dma_wait3A_66 = tpu.memref_slice %arg2[%multiple_of3A] : memref<320000xi32, #tpu.memory_space<hbm>> -> memref<128xi32, #tpu.memory_space<hbm>>
      tpu.wait_dma2 semaphore(%run_scoped3A : memref<!tpu.dma_semaphore, #tpu.memory_space<semaphore_mem>>) src(%dma_wait3A_66 : memref<128xi32, #tpu.memory_space<hbm>>) dst(%arg9 : memref<128xi32, #tpu.memory_space<vmem>>)
      tpu.yield
    }) : () -> ()
    %add3A_10 = arith.constant 0 : i32
    %add3A_11 = arith.addi %add3A, %add3A_10 : i32
    %mul3A_12 = arith.constant 128 : i32
    %mul3A_13 = arith.muli %add3A_11, %mul3A_12 : i32
    %multiple_of3A_14 = tpu.assume_multiple %mul3A_13, 128 : i32
    "tpu.region"() ({
      %run_scoped3A = tpu.sem_alloc : memref<!tpu.dma_semaphore, #tpu.memory_space<semaphore_mem>>
      %dma_start3A_63 = tpu.memref_slice %arg3[%multiple_of3A_14] : memref<320000xi32, #tpu.memory_space<hbm>> -> memref<128xi32, #tpu.memory_space<hbm>>
      %dma_start3A_64 = tpu.memref_slice %arg3[%multiple_of3A_14] : memref<320000xi32, #tpu.memory_space<hbm>> -> memref<128xi32, #tpu.memory_space<hbm>>
      tpu.enqueue_dma source(%dma_start3A_64 : memref<128xi32, #tpu.memory_space<hbm>>) target(%arg11 : memref<128xi32, #tpu.memory_space<vmem>>) target_semaphore(%run_scoped3A : memref<!tpu.dma_semaphore, #tpu.memory_space<semaphore_mem>>)
      %dma_wait3A_65 = tpu.memref_slice %arg3[%multiple_of3A_14] : memref<320000xi32, #tpu.memory_space<hbm>> -> memref<128xi32, #tpu.memory_space<hbm>>
      %dma_wait3A_66 = tpu.memref_slice %arg3[%multiple_of3A_14] : memref<320000xi32, #tpu.memory_space<hbm>> -> memref<128xi32, #tpu.memory_space<hbm>>
      tpu.wait_dma2 semaphore(%run_scoped3A : memref<!tpu.dma_semaphore, #tpu.memory_space<semaphore_mem>>) src(%dma_wait3A_66 : memref<128xi32, #tpu.memory_space<hbm>>) dst(%arg11 : memref<128xi32, #tpu.memory_space<vmem>>)
      tpu.yield
    }) : () -> ()
    %dma_start3A = arith.constant 0 : i32
    %dma_start3A_15 = arith.constant 0 : i32
    %dma_start3A_16 = tpu.memref_slice %arg4[%dma_start3A, %dma_start3A_15] : memref<10000x16xf32, #tpu.memory_space<hbm>> -> memref<10000x16xf32, #tpu.memory_space<hbm>>
    tpu.enqueue_indirect_dma source(%dma_start3A_16 : memref<10000x16xf32, #tpu.memory_space<hbm>>) target(%arg15 : memref<128x16xf32, #tpu.memory_space<vmem>>) offsets(%arg11 : memref<128xi32, #tpu.memory_space<vmem>>) semaphore(%arg24 : memref<!tpu.dma_semaphore, #tpu.memory_space<semaphore_mem>>)
    %dma_start3A_17 = arith.constant 0 : i32
    %dma_start3A_18 = arith.constant 0 : i32
    %dma_start3A_19 = tpu.memref_slice %arg5[%dma_start3A_17, %dma_start3A_18] : memref<10000x32xf32, #tpu.memory_space<hbm>> -> memref<10000x32xf32, #tpu.memory_space<hbm>>
    tpu.enqueue_indirect_dma source(%dma_start3A_19 : memref<10000x32xf32, #tpu.memory_space<hbm>>) target(%arg17 : memref<128x32xf32, #tpu.memory_space<vmem>>) offsets(%arg9 : memref<128xi32, #tpu.memory_space<vmem>>) semaphore(%arg24 : memref<!tpu.dma_semaphore, #tpu.memory_space<semaphore_mem>>)
    %add3A_20 = arith.constant 0 : i32
    %add3A_21 = arith.addi %add3A, %add3A_20 : i32
    %mul3A_22 = arith.constant 128 : i32
    %mul3A_23 = arith.muli %add3A_21, %mul3A_22 : i32
    %multiple_of3A_24 = tpu.assume_multiple %mul3A_23, 128 : i32
    %dma_start3A_25 = arith.constant 80 : i32
    %dma_start3A_26 = tpu.memref_slice %arg6[%multiple_of3A_24, %dma_start3A_25] : memref<320000x128xf32, #tpu.memory_space<hbm>> -> memref<128x16xf32, #tpu.memory_space<hbm>>
    %dma_start3A_27 = arith.constant 80 : i32
    %dma_start3A_28 = tpu.memref_slice %arg6[%multiple_of3A_24, %dma_start3A_27] : memref<320000x128xf32, #tpu.memory_space<hbm>> -> memref<128x16xf32, #tpu.memory_space<hbm>>
    tpu.enqueue_dma source(%dma_start3A_28 : memref<128x16xf32, #tpu.memory_space<hbm>>) target(%arg19 : memref<128x16xf32, #tpu.memory_space<vmem>>) target_semaphore(%arg24 : memref<!tpu.dma_semaphore, #tpu.memory_space<semaphore_mem>>)
    %add3A_29 = arith.constant 32 : i32
    %add3A_30 = arith.addi %add3A, %add3A_29 : i32
    %mul3A_31 = arith.constant 128 : i32
    %mul3A_32 = arith.muli %add3A_30, %mul3A_31 : i32
    %multiple_of3A_33 = tpu.assume_multiple %mul3A_32, 128 : i32
    %dma_start3A_34 = tpu.memref_slice %arg2[%multiple_of3A_33] : memref<320000xi32, #tpu.memory_space<hbm>> -> memref<128xi32, #tpu.memory_space<hbm>>
    %dma_start3A_35 = tpu.memref_slice %arg2[%multiple_of3A_33] : memref<320000xi32, #tpu.memory_space<hbm>> -> memref<128xi32, #tpu.memory_space<hbm>>
    tpu.enqueue_dma source(%dma_start3A_35 : memref<128xi32, #tpu.memory_space<hbm>>) target(%arg10 : memref<128xi32, #tpu.memory_space<vmem>>) target_semaphore(%arg27 : memref<!tpu.dma_semaphore, #tpu.memory_space<semaphore_mem>>)
    %add3A_36 = arith.constant 32 : i32
    %add3A_37 = arith.addi %add3A, %add3A_36 : i32
    %mul3A_38 = arith.constant 128 : i32
    %mul3A_39 = arith.muli %add3A_37, %mul3A_38 : i32
    %multiple_of3A_40 = tpu.assume_multiple %mul3A_39, 128 : i32
    %dma_start3A_41 = tpu.memref_slice %arg3[%multiple_of3A_40] : memref<320000xi32, #tpu.memory_space<hbm>> -> memref<128xi32, #tpu.memory_space<hbm>>
    %dma_start3A_42 = tpu.memref_slice %arg3[%multiple_of3A_40] : memref<320000xi32, #tpu.memory_space<hbm>> -> memref<128xi32, #tpu.memory_space<hbm>>
    tpu.enqueue_dma source(%dma_start3A_42 : memref<128xi32, #tpu.memory_space<hbm>>) target(%arg12 : memref<128xi32, #tpu.memory_space<vmem>>) target_semaphore(%arg27 : memref<!tpu.dma_semaphore, #tpu.memory_space<semaphore_mem>>)
    %scan3A = arith.constant 0 : i32
    %scan3A_43 = arith.constant 0 : i32
    %scan3A_44 = arith.constant 39 : i32
    %scan3A_45 = arith.addi %scan3A_43, %scan3A_44 : i32
    %scan3A_46 = arith.constant 1 : i32
    scf.for %scan3A_63 = %scan3A_43 to %scan3A_45 step %scan3A_46  : i32 {
      %mul3A_64 = arith.constant 2 : i32
      %mul3A_65 = arith.muli %mul3A_64, %scan3A_63 : i32
      %add3A_66 = arith.constant 1 : i32
      %add3A_67 = arith.addi %mul3A_65, %add3A_66 : i32
      %dma_wait3A_68 = arith.constant 0 : i32
      %dma_wait3A_69 = arith.constant 0 : i32
      %dma_wait3A_70 = tpu.memref_slice %arg4[%dma_wait3A_68, %dma_wait3A_69] : memref<10000x16xf32, #tpu.memory_space<hbm>> -> memref<10000x16xf32, #tpu.memory_space<hbm>>
      tpu.wait_indirect_dma semaphore(%arg24 : memref<!tpu.dma_semaphore, #tpu.memory_space<semaphore_mem>>) src(%dma_wait3A_70 : memref<10000x16xf32, #tpu.memory_space<hbm>>) dst(%arg15 : memref<128x16xf32, #tpu.memory_space<vmem>>)
      %dma_wait3A_71 = arith.constant 0 : i32
      %dma_wait3A_72 = arith.constant 0 : i32
      %dma_wait3A_73 = tpu.memref_slice %arg5[%dma_wait3A_71, %dma_wait3A_72] : memref<10000x32xf32, #tpu.memory_space<hbm>> -> memref<10000x32xf32, #tpu.memory_space<hbm>>
      tpu.wait_indirect_dma semaphore(%arg24 : memref<!tpu.dma_semaphore, #tpu.memory_space<semaphore_mem>>) src(%dma_wait3A_73 : memref<10000x32xf32, #tpu.memory_space<hbm>>) dst(%arg17 : memref<128x32xf32, #tpu.memory_space<vmem>>)
      %mul3A_74 = arith.constant 32 : i32
      %mul3A_75 = arith.muli %mul3A_74, %mul3A_65 : i32
      %add3A_76 = arith.addi %add3A, %mul3A_75 : i32
      %mul3A_77 = arith.constant 128 : i32
      %mul3A_78 = arith.muli %add3A_76, %mul3A_77 : i32
      %multiple_of3A_79 = tpu.assume_multiple %mul3A_78, 128 : i32
      %dma_wait3A_80 = arith.constant 80 : i32
      %dma_wait3A_81 = tpu.memref_slice %arg6[%multiple_of3A_79, %dma_wait3A_80] : memref<320000x128xf32, #tpu.memory_space<hbm>> -> memref<128x16xf32, #tpu.memory_space<hbm>>
      %dma_wait3A_82 = arith.constant 80 : i32
      %dma_wait3A_83 = tpu.memref_slice %arg6[%multiple_of3A_79, %dma_wait3A_82] : memref<320000x128xf32, #tpu.memory_space<hbm>> -> memref<128x16xf32, #tpu.memory_space<hbm>>
      tpu.wait_dma2 semaphore(%arg24 : memref<!tpu.dma_semaphore, #tpu.memory_space<semaphore_mem>>) src(%dma_wait3A_83 : memref<128x16xf32, #tpu.memory_space<hbm>>) dst(%arg19 : memref<128x16xf32, #tpu.memory_space<vmem>>)
      %mul3A_84 = arith.constant 32 : i32
      %mul3A_85 = arith.muli %mul3A_84, %add3A_67 : i32
      %add3A_86 = arith.addi %add3A, %mul3A_85 : i32
      %mul3A_87 = arith.constant 128 : i32
      %mul3A_88 = arith.muli %add3A_86, %mul3A_87 : i32
      %multiple_of3A_89 = tpu.assume_multiple %mul3A_88, 128 : i32
      %dma_wait3A_90 = tpu.memref_slice %arg2[%multiple_of3A_89] : memref<320000xi32, #tpu.memory_space<hbm>> -> memref<128xi32, #tpu.memory_space<hbm>>
      %dma_wait3A_91 = tpu.memref_slice %arg2[%multiple_of3A_89] : memref<320000xi32, #tpu.memory_space<hbm>> -> memref<128xi32, #tpu.memory_space<hbm>>
      tpu.wait_dma2 semaphore(%arg27 : memref<!tpu.dma_semaphore, #tpu.memory_space<semaphore_mem>>) src(%dma_wait3A_91 : memref<128xi32, #tpu.memory_space<hbm>>) dst(%arg10 : memref<128xi32, #tpu.memory_space<vmem>>)
      %mul3A_92 = arith.constant 32 : i32
      %mul3A_93 = arith.muli %mul3A_92, %add3A_67 : i32
      %add3A_94 = arith.addi %add3A, %mul3A_93 : i32
      %mul3A_95 = arith.constant 128 : i32
      %mul3A_96 = arith.muli %add3A_94, %mul3A_95 : i32
      %multiple_of3A_97 = tpu.assume_multiple %mul3A_96, 128 : i32
      %dma_wait3A_98 = tpu.memref_slice %arg3[%multiple_of3A_97] : memref<320000xi32, #tpu.memory_space<hbm>> -> memref<128xi32, #tpu.memory_space<hbm>>
      %dma_wait3A_99 = tpu.memref_slice %arg3[%multiple_of3A_97] : memref<320000xi32, #tpu.memory_space<hbm>> -> memref<128xi32, #tpu.memory_space<hbm>>
      tpu.wait_dma2 semaphore(%arg27 : memref<!tpu.dma_semaphore, #tpu.memory_space<semaphore_mem>>) src(%dma_wait3A_99 : memref<128xi32, #tpu.memory_space<hbm>>) dst(%arg12 : memref<128xi32, #tpu.memory_space<vmem>>)
      %dma_start3A_100 = arith.constant 0 : i32
      %dma_start3A_101 = arith.constant 0 : i32
      %dma_start3A_102 = tpu.memref_slice %arg4[%dma_start3A_100, %dma_start3A_101] : memref<10000x16xf32, #tpu.memory_space<hbm>> -> memref<10000x16xf32, #tpu.memory_space<hbm>>
      tpu.enqueue_indirect_dma source(%dma_start3A_102 : memref<10000x16xf32, #tpu.memory_space<hbm>>) target(%arg16 : memref<128x16xf32, #tpu.memory_space<vmem>>) offsets(%arg12 : memref<128xi32, #tpu.memory_space<vmem>>) semaphore(%arg25 : memref<!tpu.dma_semaphore, #tpu.memory_space<semaphore_mem>>)
      %dma_start3A_103 = arith.constant 0 : i32
      %dma_start3A_104 = arith.constant 0 : i32
      %dma_start3A_105 = tpu.memref_slice %arg5[%dma_start3A_103, %dma_start3A_104] : memref<10000x32xf32, #tpu.memory_space<hbm>> -> memref<10000x32xf32, #tpu.memory_space<hbm>>
      tpu.enqueue_indirect_dma source(%dma_start3A_105 : memref<10000x32xf32, #tpu.memory_space<hbm>>) target(%arg18 : memref<128x32xf32, #tpu.memory_space<vmem>>) offsets(%arg10 : memref<128xi32, #tpu.memory_space<vmem>>) semaphore(%arg25 : memref<!tpu.dma_semaphore, #tpu.memory_space<semaphore_mem>>)
      %mul3A_106 = arith.constant 32 : i32
      %mul3A_107 = arith.muli %mul3A_106, %add3A_67 : i32
      %add3A_108 = arith.addi %add3A, %mul3A_107 : i32
      %mul3A_109 = arith.constant 128 : i32
      %mul3A_110 = arith.muli %add3A_108, %mul3A_109 : i32
      %multiple_of3A_111 = tpu.assume_multiple %mul3A_110, 128 : i32
      %dma_start3A_112 = arith.constant 80 : i32
      %dma_start3A_113 = tpu.memref_slice %arg6[%multiple_of3A_111, %dma_start3A_112] : memref<320000x128xf32, #tpu.memory_space<hbm>> -> memref<128x16xf32, #tpu.memory_space<hbm>>
      %dma_start3A_114 = arith.constant 80 : i32
      %dma_start3A_115 = tpu.memref_slice %arg6[%multiple_of3A_111, %dma_start3A_114] : memref<320000x128xf32, #tpu.memory_space<hbm>> -> memref<128x16xf32, #tpu.memory_space<hbm>>
      tpu.enqueue_dma source(%dma_start3A_115 : memref<128x16xf32, #tpu.memory_space<hbm>>) target(%arg20 : memref<128x16xf32, #tpu.memory_space<vmem>>) target_semaphore(%arg25 : memref<!tpu.dma_semaphore, #tpu.memory_space<semaphore_mem>>)
      %ge3A = arith.constant 2 : i32
      %ge3A_116 = arith.cmpi sge, %mul3A_65, %ge3A : i32
      %convert_element_type3A_117 = arith.extui %ge3A_116 : i1 to i32
      %cond3A_118 = arith.constant 0 : i32
      %cond3A_119 = arith.cmpi ne, %convert_element_type3A_117, %cond3A_118 : i32
      scf.if %cond3A_119 {
        %dma_wait3A_280 = arith.constant 0 : i32
        %dma_wait3A_281 = arith.constant 0 : i32
        %dma_wait3A_282 = tpu.memref_slice %arg23[%dma_wait3A_280, %dma_wait3A_281] : memref<10000x32xf32, #tpu.memory_space<vmem_shared>> -> memref<10000x32xf32, #tpu.memory_space<vmem_shared>>
        tpu.wait_indirect_dma semaphore(%arg28 : memref<!tpu.dma_semaphore, #tpu.memory_space<semaphore_mem>>) src(%arg21 : memref<128x32xf32, #tpu.memory_space<vmem>>) dst(%dma_wait3A_282 : memref<10000x32xf32, #tpu.memory_space<vmem_shared>>)
      } else {
      }
      %parallel_loop3A = arith.constant 0 : i32
      %parallel_loop3A_120 = arith.constant 128 : i32
      %parallel_loop3A_121 = arith.constant 1 : i32
      scf.for %parallel_loop3A_280 = %parallel_loop3A to %parallel_loop3A_120 step %parallel_loop3A_121  : i32 {
        %parallel_loop3A_281 = arith.index_cast %parallel_loop3A_280 : i32 to index
        %parallel_loop3A_282 = arith.constant 0 : index
        %parallel_loop3A_283 = tpu.vector_load %arg15[%parallel_loop3A_281, %parallel_loop3A_282] {strides = array<i32>} : memref<128x16xf32, #tpu.memory_space<vmem>>, vector<1x16xf32>,
        %parallel_loop3A_284 = vector.shape_cast %parallel_loop3A_283 : vector<1x16xf32> to vector<16xf32>
        %parallel_loop3A_285 = arith.index_cast %parallel_loop3A_280 : i32 to index
        %parallel_loop3A_286 = arith.constant 0 : index
        %parallel_loop3A_287 = tpu.vector_load %arg17[%parallel_loop3A_285, %parallel_loop3A_286] {strides = array<i32>} : memref<128x32xf32, #tpu.memory_space<vmem>>, vector<1x16xf32>,
        %parallel_loop3A_288 = vector.shape_cast %parallel_loop3A_287 : vector<1x16xf32> to vector<16xf32>
        %parallel_loop3A_289 = arith.index_cast %parallel_loop3A_280 : i32 to index
        %parallel_loop3A_290 = arith.constant 16 : index
        %parallel_loop3A_291 = tpu.vector_load %arg17[%parallel_loop3A_289, %parallel_loop3A_290] {strides = array<i32>} : memref<128x32xf32, #tpu.memory_space<vmem>>, vector<1x16xf32>,
        %parallel_loop3A_292 = vector.shape_cast %parallel_loop3A_291 : vector<1x16xf32> to vector<16xf32>
        %parallel_loop3A_293 = arith.index_cast %parallel_loop3A_280 : i32 to index
        %parallel_loop3A_294 = arith.constant 0 : index
        %parallel_loop3A_295 = tpu.vector_load %arg19[%parallel_loop3A_293, %parallel_loop3A_294] {strides = array<i32>} : memref<128x16xf32, #tpu.memory_space<vmem>>, vector<1x16xf32>,
        %parallel_loop3A_296 = vector.shape_cast %parallel_loop3A_295 : vector<1x16xf32> to vector<16xf32>
        %parallel_loop3A_297 = arith.addf %parallel_loop3A_288, %parallel_loop3A_296 : vector<16xf32>
        %parallel_loop3A_298 = arith.mulf %parallel_loop3A_284, %parallel_loop3A_297 : vector<16xf32>
        %parallel_loop3A_299 = math.exp %parallel_loop3A_298 : vector<16xf32>
        %parallel_loop3A_300 = arith.addf %parallel_loop3A_292, %parallel_loop3A_296 : vector<16xf32>
        %parallel_loop3A_301 = arith.mulf %parallel_loop3A_300, %parallel_loop3A_299 : vector<16xf32>
        %parallel_loop3A_302 = arith.index_cast %parallel_loop3A_280 : i32 to index
        %parallel_loop3A_303 = arith.constant 0 : index
        %parallel_loop3A_304 = tpu.vector_load %arg21[%parallel_loop3A_302, %parallel_loop3A_303] {strides = array<i32>} : memref<128x32xf32, #tpu.memory_space<vmem>>, vector<1x16xf32>,
        %parallel_loop3A_305 = vector.shape_cast %parallel_loop3A_304 : vector<1x16xf32> to vector<16xf32>
        %parallel_loop3A_306 = vector.shape_cast %parallel_loop3A_301 : vector<16xf32> to vector<1x16xf32>
        tpu.vector_store %arg21[%parallel_loop3A_302, %parallel_loop3A_303], %parallel_loop3A_306 {strides = array<i32>} : memref<128x32xf32, #tpu.memory_space<vmem>>, vector<1x16xf32>,
        %parallel_loop3A_307 = arith.index_cast %parallel_loop3A_280 : i32 to index
        %parallel_loop3A_308 = arith.constant 16 : index
        %parallel_loop3A_309 = tpu.vector_load %arg21[%parallel_loop3A_307, %parallel_loop3A_308] {strides = array<i32>} : memref<128x32xf32, #tpu.memory_space<vmem>>, vector<1x16xf32>,
        %parallel_loop3A_310 = vector.shape_cast %parallel_loop3A_309 : vector<1x16xf32> to vector<16xf32>
        %parallel_loop3A_311 = vector.shape_cast %parallel_loop3A_299 : vector<16xf32> to vector<1x16xf32>
        tpu.vector_store %arg21[%parallel_loop3A_307, %parallel_loop3A_308], %parallel_loop3A_311 {strides = array<i32>} : memref<128x32xf32, #tpu.memory_space<vmem>>, vector<1x16xf32>,
      } {sc.loop_unroll_factor = 8 : i64, sc.parallel_access}
      %get3A = arith.constant 0 : index
      %get3A_122 = tpu.vector_load %arg11[%get3A] {strides = array<i32>} : memref<128xi32, #tpu.memory_space<vmem>>, vector<16xi32>,
      %get3A_123 = vector.shape_cast %get3A_122 : vector<16xi32> to vector<16xi32>
      %swap3A = arith.constant 0 : index
      %swap3A_124 = tpu.vector_load %arg13[%swap3A] {strides = array<i32>} : memref<128xi32, #tpu.memory_space<vmem>>, vector<16xi32>,
      %swap3A_125 = vector.shape_cast %swap3A_124 : vector<16xi32> to vector<16xi32>
      %swap3A_126 = vector.shape_cast %get3A_123 : vector<16xi32> to vector<16xi32>
      tpu.vector_store %arg13[%swap3A], %swap3A_126 {strides = array<i32>} : memref<128xi32, #tpu.memory_space<vmem>>, vector<16xi32>,
      %get3A_127 = arith.constant 16 : index
      %get3A_128 = tpu.vector_load %arg11[%get3A_127] {strides = array<i32>} : memref<128xi32, #tpu.memory_space<vmem>>, vector<16xi32>,
      %get3A_129 = vector.shape_cast %get3A_128 : vector<16xi32> to vector<16xi32>
      %swap3A_130 = arith.constant 16 : index
      %swap3A_131 = tpu.vector_load %arg13[%swap3A_130] {strides = array<i32>} : memref<128xi32, #tpu.memory_space<vmem>>, vector<16xi32>,
      %swap3A_132 = vector.shape_cast %swap3A_131 : vector<16xi32> to vector<16xi32>
      %swap3A_133 = vector.shape_cast %get3A_129 : vector<16xi32> to vector<16xi32>
      tpu.vector_store %arg13[%swap3A_130], %swap3A_133 {strides = array<i32>} : memref<128xi32, #tpu.memory_space<vmem>>, vector<16xi32>,
      %get3A_134 = arith.constant 32 : index
      %get3A_135 = tpu.vector_load %arg11[%get3A_134] {strides = array<i32>} : memref<128xi32, #tpu.memory_space<vmem>>, vector<16xi32>,
      %get3A_136 = vector.shape_cast %get3A_135 : vector<16xi32> to vector<16xi32>
      %swap3A_137 = arith.constant 32 : index
      %swap3A_138 = tpu.vector_load %arg13[%swap3A_137] {strides = array<i32>} : memref<128xi32, #tpu.memory_space<vmem>>, vector<16xi32>,
      %swap3A_139 = vector.shape_cast %swap3A_138 : vector<16xi32> to vector<16xi32>
      %swap3A_140 = vector.shape_cast %get3A_136 : vector<16xi32> to vector<16xi32>
      tpu.vector_store %arg13[%swap3A_137], %swap3A_140 {strides = array<i32>} : memref<128xi32, #tpu.memory_space<vmem>>, vector<16xi32>,
      %get3A_141 = arith.constant 48 : index
      %get3A_142 = tpu.vector_load %arg11[%get3A_141] {strides = array<i32>} : memref<128xi32, #tpu.memory_space<vmem>>, vector<16xi32>,
      %get3A_143 = vector.shape_cast %get3A_142 : vector<16xi32> to vector<16xi32>
      %swap3A_144 = arith.constant 48 : index
      %swap3A_145 = tpu.vector_load %arg13[%swap3A_144] {strides = array<i32>} : memref<128xi32, #tpu.memory_space<vmem>>, vector<16xi32>,
      %swap3A_146 = vector.shape_cast %swap3A_145 : vector<16xi32> to vector<16xi32>
      %swap3A_147 = vector.shape_cast %get3A_143 : vector<16xi32> to vector<16xi32>
      tpu.vector_store %arg13[%swap3A_144], %swap3A_147 {strides = array<i32>} : memref<128xi32, #tpu.memory_space<vmem>>, vector<16xi32>,
      %get3A_148 = arith.constant 64 : index
      %get3A_149 = tpu.vector_load %arg11[%get3A_148] {strides = array<i32>} : memref<128xi32, #tpu.memory_space<vmem>>, vector<16xi32>,
      %get3A_150 = vector.shape_cast %get3A_149 : vector<16xi32> to vector<16xi32>
      %swap3A_151 = arith.constant 64 : index
      %swap3A_152 = tpu.vector_load %arg13[%swap3A_151] {strides = array<i32>} : memref<128xi32, #tpu.memory_space<vmem>>, vector<16xi32>,
      %swap3A_153 = vector.shape_cast %swap3A_152 : vector<16xi32> to vector<16xi32>
      %swap3A_154 = vector.shape_cast %get3A_150 : vector<16xi32> to vector<16xi32>
      tpu.vector_store %arg13[%swap3A_151], %swap3A_154 {strides = array<i32>} : memref<128xi32, #tpu.memory_space<vmem>>, vector<16xi32>,
      %get3A_155 = arith.constant 80 : index
      %get3A_156 = tpu.vector_load %arg11[%get3A_155] {strides = array<i32>} : memref<128xi32, #tpu.memory_space<vmem>>, vector<16xi32>,
      %get3A_157 = vector.shape_cast %get3A_156 : vector<16xi32> to vector<16xi32>
      %swap3A_158 = arith.constant 80 : index
      %swap3A_159 = tpu.vector_load %arg13[%swap3A_158] {strides = array<i32>} : memref<128xi32, #tpu.memory_space<vmem>>, vector<16xi32>,
      %swap3A_160 = vector.shape_cast %swap3A_159 : vector<16xi32> to vector<16xi32>
      %swap3A_161 = vector.shape_cast %get3A_157 : vector<16xi32> to vector<16xi32>
      tpu.vector_store %arg13[%swap3A_158], %swap3A_161 {strides = array<i32>} : memref<128xi32, #tpu.memory_space<vmem>>, vector<16xi32>,
      %get3A_162 = arith.constant 96 : index
      %get3A_163 = tpu.vector_load %arg11[%get3A_162] {strides = array<i32>} : memref<128xi32, #tpu.memory_space<vmem>>, vector<16xi32>,
      %get3A_164 = vector.shape_cast %get3A_163 : vector<16xi32> to vector<16xi32>
      %swap3A_165 = arith.constant 96 : index
      %swap3A_166 = tpu.vector_load %arg13[%swap3A_165] {strides = array<i32>} : memref<128xi32, #tpu.memory_space<vmem>>, vector<16xi32>,
      %swap3A_167 = vector.shape_cast %swap3A_166 : vector<16xi32> to vector<16xi32>
      %swap3A_168 = vector.shape_cast %get3A_164 : vector<16xi32> to vector<16xi32>
      tpu.vector_store %arg13[%swap3A_165], %swap3A_168 {strides = array<i32>} : memref<128xi32, #tpu.memory_space<vmem>>, vector<16xi32>,
      %get3A_169 = arith.constant 112 : index
      %get3A_170 = tpu.vector_load %arg11[%get3A_169] {strides = array<i32>} : memref<128xi32, #tpu.memory_space<vmem>>, vector<16xi32>,
      %get3A_171 = vector.shape_cast %get3A_170 : vector<16xi32> to vector<16xi32>
      %swap3A_172 = arith.constant 112 : index
      %swap3A_173 = tpu.vector_load %arg13[%swap3A_172] {strides = array<i32>} : memref<128xi32, #tpu.memory_space<vmem>>, vector<16xi32>,
      %swap3A_174 = vector.shape_cast %swap3A_173 : vector<16xi32> to vector<16xi32>
      %swap3A_175 = vector.shape_cast %get3A_171 : vector<16xi32> to vector<16xi32>
      tpu.vector_store %arg13[%swap3A_172], %swap3A_175 {strides = array<i32>} : memref<128xi32, #tpu.memory_space<vmem>>, vector<16xi32>,
      %dma_start3A_176 = arith.constant 0 : i32
      %dma_start3A_177 = arith.constant 0 : i32
      %dma_start3A_178 = tpu.memref_slice %arg23[%dma_start3A_176, %dma_start3A_177] : memref<10000x32xf32, #tpu.memory_space<vmem_shared>> -> memref<10000x32xf32, #tpu.memory_space<vmem_shared>>
      tpu.enqueue_indirect_dma source(%arg21 : memref<128x32xf32, #tpu.memory_space<vmem>>) target(%dma_start3A_178 : memref<10000x32xf32, #tpu.memory_space<vmem_shared>>) offsets(%arg13 : memref<128xi32, #tpu.memory_space<vmem>>) semaphore(%arg28 : memref<!tpu.dma_semaphore, #tpu.memory_space<semaphore_mem>>) {add = true}
      %add3A_179 = arith.constant 2 : i32
      %add3A_180 = arith.addi %mul3A_65, %add3A_179 : i32
      %lt3A_181 = arith.cmpi slt, %add3A_180, %select_n3A : i32
      %convert_element_type3A_182 = arith.extui %lt3A_181 : i1 to i32
      %cond3A_183 = arith.constant 0 : i32
      %cond3A_184 = arith.cmpi ne, %convert_element_type3A_182, %cond3A_183 : i32
      scf.if %cond3A_184 {
        %add3A_280 = arith.constant 2 : i32
        %add3A_281 = arith.addi %mul3A_65, %add3A_280 : i32
        %mul3A_282 = arith.constant 32 : i32
        %mul3A_283 = arith.muli %mul3A_282, %add3A_281 : i32
        %add3A_284 = arith.addi %add3A, %mul3A_283 : i32
        %mul3A_285 = arith.constant 128 : i32
        %mul3A_286 = arith.muli %add3A_284, %mul3A_285 : i32
        %multiple_of3A_287 = tpu.assume_multiple %mul3A_286, 128 : i32
        %dma_start3A_288 = tpu.memref_slice %arg2[%multiple_of3A_287] : memref<320000xi32, #tpu.memory_space<hbm>> -> memref<128xi32, #tpu.memory_space<hbm>>
        %dma_start3A_289 = tpu.memref_slice %arg2[%multiple_of3A_287] : memref<320000xi32, #tpu.memory_space<hbm>> -> memref<128xi32, #tpu.memory_space<hbm>>
        tpu.enqueue_dma source(%dma_start3A_289 : memref<128xi32, #tpu.memory_space<hbm>>) target(%arg9 : memref<128xi32, #tpu.memory_space<vmem>>) target_semaphore(%arg26 : memref<!tpu.dma_semaphore, #tpu.memory_space<semaphore_mem>>)
        %mul3A_290 = arith.constant 32 : i32
        %mul3A_291 = arith.muli %mul3A_290, %add3A_281 : i32
        %add3A_292 = arith.addi %add3A, %mul3A_291 : i32
        %mul3A_293 = arith.constant 128 : i32
        %mul3A_294 = arith.muli %add3A_292, %mul3A_293 : i32
        %multiple_of3A_295 = tpu.assume_multiple %mul3A_294, 128 : i32
        %dma_start3A_296 = tpu.memref_slice %arg3[%multiple_of3A_295] : memref<320000xi32, #tpu.memory_space<hbm>> -> memref<128xi32, #tpu.memory_space<hbm>>
        %dma_start3A_297 = tpu.memref_slice %arg3[%multiple_of3A_295] : memref<320000xi32, #tpu.memory_space<hbm>> -> memref<128xi32, #tpu.memory_space<hbm>>
        tpu.enqueue_dma source(%dma_start3A_297 : memref<128xi32, #tpu.memory_space<hbm>>) target(%arg11 : memref<128xi32, #tpu.memory_space<vmem>>) target_semaphore(%arg26 : memref<!tpu.dma_semaphore, #tpu.memory_space<semaphore_mem>>)
      } else {
      }
      %dma_wait3A_185 = arith.constant 0 : i32
      %dma_wait3A_186 = arith.constant 0 : i32
      %dma_wait3A_187 = tpu.memref_slice %arg4[%dma_wait3A_185, %dma_wait3A_186] : memref<10000x16xf32, #tpu.memory_space<hbm>> -> memref<10000x16xf32, #tpu.memory_space<hbm>>
      tpu.wait_indirect_dma semaphore(%arg25 : memref<!tpu.dma_semaphore, #tpu.memory_space<semaphore_mem>>) src(%dma_wait3A_187 : memref<10000x16xf32, #tpu.memory_space<hbm>>) dst(%arg16 : memref<128x16xf32, #tpu.memory_space<vmem>>)
      %dma_wait3A_188 = arith.constant 0 : i32
      %dma_wait3A_189 = arith.constant 0 : i32
      %dma_wait3A_190 = tpu.memref_slice %arg5[%dma_wait3A_188, %dma_wait3A_189] : memref<10000x32xf32, #tpu.memory_space<hbm>> -> memref<10000x32xf32, #tpu.memory_space<hbm>>
      tpu.wait_indirect_dma semaphore(%arg25 : memref<!tpu.dma_semaphore, #tpu.memory_space<semaphore_mem>>) src(%dma_wait3A_190 : memref<10000x32xf32, #tpu.memory_space<hbm>>) dst(%arg18 : memref<128x32xf32, #tpu.memory_space<vmem>>)
      %mul3A_191 = arith.constant 32 : i32
      %mul3A_192 = arith.muli %mul3A_191, %add3A_67 : i32
      %add3A_193 = arith.addi %add3A, %mul3A_192 : i32
      %mul3A_194 = arith.constant 128 : i32
      %mul3A_195 = arith.muli %add3A_193, %mul3A_194 : i32
      %multiple_of3A_196 = tpu.assume_multiple %mul3A_195, 128 : i32
      %dma_wait3A_197 = arith.constant 80 : i32
      %dma_wait3A_198 = tpu.memref_slice %arg6[%multiple_of3A_196, %dma_wait3A_197] : memref<320000x128xf32, #tpu.memory_space<hbm>> -> memref<128x16xf32, #tpu.memory_space<hbm>>
      %dma_wait3A_199 = arith.constant 80 : i32
      %dma_wait3A_200 = tpu.memref_slice %arg6[%multiple_of3A_196, %dma_wait3A_199] : memref<320000x128xf32, #tpu.memory_space<hbm>> -> memref<128x16xf32, #tpu.memory_space<hbm>>
      tpu.wait_dma2 semaphore(%arg25 : memref<!tpu.dma_semaphore, #tpu.memory_space<semaphore_mem>>) src(%dma_wait3A_200 : memref<128x16xf32, #tpu.memory_space<hbm>>) dst(%arg20 : memref<128x16xf32, #tpu.memory_space<vmem>>)
      %ge3A_201 = arith.constant 3 : i32
      %ge3A_202 = arith.cmpi sge, %add3A_67, %ge3A_201 : i32
      %convert_element_type3A_203 = arith.extui %ge3A_202 : i1 to i32
      %cond3A_204 = arith.constant 0 : i32
      %cond3A_205 = arith.cmpi ne, %convert_element_type3A_203, %cond3A_204 : i32
      scf.if %cond3A_205 {
        %dma_wait3A_280 = arith.constant 0 : i32
        %dma_wait3A_281 = arith.constant 0 : i32
        %dma_wait3A_282 = tpu.memref_slice %arg23[%dma_wait3A_280, %dma_wait3A_281] : memref<10000x32xf32, #tpu.memory_space<vmem_shared>> -> memref<10000x32xf32, #tpu.memory_space<vmem_shared>>
        tpu.wait_indirect_dma semaphore(%arg29 : memref<!tpu.dma_semaphore, #tpu.memory_space<semaphore_mem>>) src(%arg22 : memref<128x32xf32, #tpu.memory_space<vmem>>) dst(%dma_wait3A_282 : memref<10000x32xf32, #tpu.memory_space<vmem_shared>>)
      } else {
      }
      %parallel_loop3A_206 = arith.constant 0 : i32
      %parallel_loop3A_207 = arith.constant 128 : i32
      %parallel_loop3A_208 = arith.constant 1 : i32
      scf.for %parallel_loop3A_280 = %parallel_loop3A_206 to %parallel_loop3A_207 step %parallel_loop3A_208  : i32 {
        %parallel_loop3A_281 = arith.index_cast %parallel_loop3A_280 : i32 to index
        %parallel_loop3A_282 = arith.constant 0 : index
        %parallel_loop3A_283 = tpu.vector_load %arg16[%parallel_loop3A_281, %parallel_loop3A_282] {strides = array<i32>} : memref<128x16xf32, #tpu.memory_space<vmem>>, vector<1x16xf32>,
        %parallel_loop3A_284 = vector.shape_cast %parallel_loop3A_283 : vector<1x16xf32> to vector<16xf32>
        %parallel_loop3A_285 = arith.index_cast %parallel_loop3A_280 : i32 to index
        %parallel_loop3A_286 = arith.constant 0 : index
        %parallel_loop3A_287 = tpu.vector_load %arg18[%parallel_loop3A_285, %parallel_loop3A_286] {strides = array<i32>} : memref<128x32xf32, #tpu.memory_space<vmem>>, vector<1x16xf32>,
        %parallel_loop3A_288 = vector.shape_cast %parallel_loop3A_287 : vector<1x16xf32> to vector<16xf32>
        %parallel_loop3A_289 = arith.index_cast %parallel_loop3A_280 : i32 to index
        %parallel_loop3A_290 = arith.constant 16 : index
        %parallel_loop3A_291 = tpu.vector_load %arg18[%parallel_loop3A_289, %parallel_loop3A_290] {strides = array<i32>} : memref<128x32xf32, #tpu.memory_space<vmem>>, vector<1x16xf32>,
        %parallel_loop3A_292 = vector.shape_cast %parallel_loop3A_291 : vector<1x16xf32> to vector<16xf32>
        %parallel_loop3A_293 = arith.index_cast %parallel_loop3A_280 : i32 to index
        %parallel_loop3A_294 = arith.constant 0 : index
        %parallel_loop3A_295 = tpu.vector_load %arg20[%parallel_loop3A_293, %parallel_loop3A_294] {strides = array<i32>} : memref<128x16xf32, #tpu.memory_space<vmem>>, vector<1x16xf32>,
        %parallel_loop3A_296 = vector.shape_cast %parallel_loop3A_295 : vector<1x16xf32> to vector<16xf32>
        %parallel_loop3A_297 = arith.addf %parallel_loop3A_288, %parallel_loop3A_296 : vector<16xf32>
        %parallel_loop3A_298 = arith.mulf %parallel_loop3A_284, %parallel_loop3A_297 : vector<16xf32>
        %parallel_loop3A_299 = math.exp %parallel_loop3A_298 : vector<16xf32>
        %parallel_loop3A_300 = arith.addf %parallel_loop3A_292, %parallel_loop3A_296 : vector<16xf32>
        %parallel_loop3A_301 = arith.mulf %parallel_loop3A_300, %parallel_loop3A_299 : vector<16xf32>
        %parallel_loop3A_302 = arith.index_cast %parallel_loop3A_280 : i32 to index
        %parallel_loop3A_303 = arith.constant 0 : index
        %parallel_loop3A_304 = tpu.vector_load %arg22[%parallel_loop3A_302, %parallel_loop3A_303] {strides = array<i32>} : memref<128x32xf32, #tpu.memory_space<vmem>>, vector<1x16xf32>,
        %parallel_loop3A_305 = vector.shape_cast %parallel_loop3A_304 : vector<1x16xf32> to vector<16xf32>
        %parallel_loop3A_306 = vector.shape_cast %parallel_loop3A_301 : vector<16xf32> to vector<1x16xf32>
        tpu.vector_store %arg22[%parallel_loop3A_302, %parallel_loop3A_303], %parallel_loop3A_306 {strides = array<i32>} : memref<128x32xf32, #tpu.memory_space<vmem>>, vector<1x16xf32>,
        %parallel_loop3A_307 = arith.index_cast %parallel_loop3A_280 : i32 to index
        %parallel_loop3A_308 = arith.constant 16 : index
        %parallel_loop3A_309 = tpu.vector_load %arg22[%parallel_loop3A_307, %parallel_loop3A_308] {strides = array<i32>} : memref<128x32xf32, #tpu.memory_space<vmem>>, vector<1x16xf32>,
        %parallel_loop3A_310 = vector.shape_cast %parallel_loop3A_309 : vector<1x16xf32> to vector<16xf32>
        %parallel_loop3A_311 = vector.shape_cast %parallel_loop3A_299 : vector<16xf32> to vector<1x16xf32>
        tpu.vector_store %arg22[%parallel_loop3A_307, %parallel_loop3A_308], %parallel_loop3A_311 {strides = array<i32>} : memref<128x32xf32, #tpu.memory_space<vmem>>, vector<1x16xf32>,
      } {sc.loop_unroll_factor = 8 : i64, sc.parallel_access}
      %get3A_209 = arith.constant 0 : index
      %get3A_210 = tpu.vector_load %arg12[%get3A_209] {strides = array<i32>} : memref<128xi32, #tpu.memory_space<vmem>>, vector<16xi32>,
      %get3A_211 = vector.shape_cast %get3A_210 : vector<16xi32> to vector<16xi32>
      %swap3A_212 = arith.constant 0 : index
      %swap3A_213 = tpu.vector_load %arg14[%swap3A_212] {strides = array<i32>} : memref<128xi32, #tpu.memory_space<vmem>>, vector<16xi32>,
      %swap3A_214 = vector.shape_cast %swap3A_213 : vector<16xi32> to vector<16xi32>
      %swap3A_215 = vector.shape_cast %get3A_211 : vector<16xi32> to vector<16xi32>
      tpu.vector_store %arg14[%swap3A_212], %swap3A_215 {strides = array<i32>} : memref<128xi32, #tpu.memory_space<vmem>>, vector<16xi32>,
      %get3A_216 = arith.constant 16 : index
      %get3A_217 = tpu.vector_load %arg12[%get3A_216] {strides = array<i32>} : memref<128xi32, #tpu.memory_space<vmem>>, vector<16xi32>,
      %get3A_218 = vector.shape_cast %get3A_217 : vector<16xi32> to vector<16xi32>
      %swap3A_219 = arith.constant 16 : index
      %swap3A_220 = tpu.vector_load %arg14[%swap3A_219] {strides = array<i32>} : memref<128xi32, #tpu.memory_space<vmem>>, vector<16xi32>,
      %swap3A_221 = vector.shape_cast %swap3A_220 : vector<16xi32> to vector<16xi32>
      %swap3A_222 = vector.shape_cast %get3A_218 : vector<16xi32> to vector<16xi32>
      tpu.vector_store %arg14[%swap3A_219], %swap3A_222 {strides = array<i32>} : memref<128xi32, #tpu.memory_space<vmem>>, vector<16xi32>,
      %get3A_223 = arith.constant 32 : index
      %get3A_224 = tpu.vector_load %arg12[%get3A_223] {strides = array<i32>} : memref<128xi32, #tpu.memory_space<vmem>>, vector<16xi32>,
      %get3A_225 = vector.shape_cast %get3A_224 : vector<16xi32> to vector<16xi32>
      %swap3A_226 = arith.constant 32 : index
      %swap3A_227 = tpu.vector_load %arg14[%swap3A_226] {strides = array<i32>} : memref<128xi32, #tpu.memory_space<vmem>>, vector<16xi32>,
      %swap3A_228 = vector.shape_cast %swap3A_227 : vector<16xi32> to vector<16xi32>
      %swap3A_229 = vector.shape_cast %get3A_225 : vector<16xi32> to vector<16xi32>
      tpu.vector_store %arg14[%swap3A_226], %swap3A_229 {strides = array<i32>} : memref<128xi32, #tpu.memory_space<vmem>>, vector<16xi32>,
      %get3A_230 = arith.constant 48 : index
      %get3A_231 = tpu.vector_load %arg12[%get3A_230] {strides = array<i32>} : memref<128xi32, #tpu.memory_space<vmem>>, vector<16xi32>,
      %get3A_232 = vector.shape_cast %get3A_231 : vector<16xi32> to vector<16xi32>
      %swap3A_233 = arith.constant 48 : index
      %swap3A_234 = tpu.vector_load %arg14[%swap3A_233] {strides = array<i32>} : memref<128xi32, #tpu.memory_space<vmem>>, vector<16xi32>,
      %swap3A_235 = vector.shape_cast %swap3A_234 : vector<16xi32> to vector<16xi32>
      %swap3A_236 = vector.shape_cast %get3A_232 : vector<16xi32> to vector<16xi32>
      tpu.vector_store %arg14[%swap3A_233], %swap3A_236 {strides = array<i32>} : memref<128xi32, #tpu.memory_space<vmem>>, vector<16xi32>,
      %get3A_237 = arith.constant 64 : index
      %get3A_238 = tpu.vector_load %arg12[%get3A_237] {strides = array<i32>} : memref<128xi32, #tpu.memory_space<vmem>>, vector<16xi32>,
      %get3A_239 = vector.shape_cast %get3A_238 : vector<16xi32> to vector<16xi32>
      %swap3A_240 = arith.constant 64 : index
      %swap3A_241 = tpu.vector_load %arg14[%swap3A_240] {strides = array<i32>} : memref<128xi32, #tpu.memory_space<vmem>>, vector<16xi32>,
      %swap3A_242 = vector.shape_cast %swap3A_241 : vector<16xi32> to vector<16xi32>
      %swap3A_243 = vector.shape_cast %get3A_239 : vector<16xi32> to vector<16xi32>
      tpu.vector_store %arg14[%swap3A_240], %swap3A_243 {strides = array<i32>} : memref<128xi32, #tpu.memory_space<vmem>>, vector<16xi32>,
      %get3A_244 = arith.constant 80 : index
      %get3A_245 = tpu.vector_load %arg12[%get3A_244] {strides = array<i32>} : memref<128xi32, #tpu.memory_space<vmem>>, vector<16xi32>,
      %get3A_246 = vector.shape_cast %get3A_245 : vector<16xi32> to vector<16xi32>
      %swap3A_247 = arith.constant 80 : index
      %swap3A_248 = tpu.vector_load %arg14[%swap3A_247] {strides = array<i32>} : memref<128xi32, #tpu.memory_space<vmem>>, vector<16xi32>,
      %swap3A_249 = vector.shape_cast %swap3A_248 : vector<16xi32> to vector<16xi32>
      %swap3A_250 = vector.shape_cast %get3A_246 : vector<16xi32> to vector<16xi32>
      tpu.vector_store %arg14[%swap3A_247], %swap3A_250 {strides = array<i32>} : memref<128xi32, #tpu.memory_space<vmem>>, vector<16xi32>,
      %get3A_251 = arith.constant 96 : index
      %get3A_252 = tpu.vector_load %arg12[%get3A_251] {strides = array<i32>} : memref<128xi32, #tpu.memory_space<vmem>>, vector<16xi32>,
      %get3A_253 = vector.shape_cast %get3A_252 : vector<16xi32> to vector<16xi32>
      %swap3A_254 = arith.constant 96 : index
      %swap3A_255 = tpu.vector_load %arg14[%swap3A_254] {strides = array<i32>} : memref<128xi32, #tpu.memory_space<vmem>>, vector<16xi32>,
      %swap3A_256 = vector.shape_cast %swap3A_255 : vector<16xi32> to vector<16xi32>
      %swap3A_257 = vector.shape_cast %get3A_253 : vector<16xi32> to vector<16xi32>
      tpu.vector_store %arg14[%swap3A_254], %swap3A_257 {strides = array<i32>} : memref<128xi32, #tpu.memory_space<vmem>>, vector<16xi32>,
      %get3A_258 = arith.constant 112 : index
      %get3A_259 = tpu.vector_load %arg12[%get3A_258] {strides = array<i32>} : memref<128xi32, #tpu.memory_space<vmem>>, vector<16xi32>,
      %get3A_260 = vector.shape_cast %get3A_259 : vector<16xi32> to vector<16xi32>
      %swap3A_261 = arith.constant 112 : index
      %swap3A_262 = tpu.vector_load %arg14[%swap3A_261] {strides = array<i32>} : memref<128xi32, #tpu.memory_space<vmem>>, vector<16xi32>,
      %swap3A_263 = vector.shape_cast %swap3A_262 : vector<16xi32> to vector<16xi32>
      %swap3A_264 = vector.shape_cast %get3A_260 : vector<16xi32> to vector<16xi32>
      tpu.vector_store %arg14[%swap3A_261], %swap3A_264 {strides = array<i32>} : memref<128xi32, #tpu.memory_space<vmem>>, vector<16xi32>,
      %dma_start3A_265 = arith.constant 0 : i32
      %dma_start3A_266 = arith.constant 0 : i32
      %dma_start3A_267 = tpu.memref_slice %arg23[%dma_start3A_265, %dma_start3A_266] : memref<10000x32xf32, #tpu.memory_space<vmem_shared>> -> memref<10000x32xf32, #tpu.memory_space<vmem_shared>>
      tpu.enqueue_indirect_dma source(%arg22 : memref<128x32xf32, #tpu.memory_space<vmem>>) target(%dma_start3A_267 : memref<10000x32xf32, #tpu.memory_space<vmem_shared>>) offsets(%arg14 : memref<128xi32, #tpu.memory_space<vmem>>) semaphore(%arg29 : memref<!tpu.dma_semaphore, #tpu.memory_space<semaphore_mem>>) {add = true}
      %add3A_268 = arith.constant 2 : i32
      %add3A_269 = arith.addi %mul3A_65, %add3A_268 : i32
      %lt3A_270 = arith.cmpi slt, %add3A_269, %select_n3A : i32
      %convert_element_type3A_271 = arith.extui %lt3A_270 : i1 to i32
      %cond3A_272 = arith.constant 0 : i32
      %cond3A_273 = arith.cmpi ne, %convert_element_type3A_271, %cond3A_272 : i32
      scf.if %cond3A_273 {
        %add3A_280 = arith.constant 2 : i32
        %add3A_281 = arith.addi %mul3A_65, %add3A_280 : i32
        %mul3A_282 = arith.constant 32 : i32
        %mul3A_283 = arith.muli %mul3A_282, %add3A_281 : i32
        %add3A_284 = arith.addi %add3A, %mul3A_283 : i32
        %mul3A_285 = arith.constant 128 : i32
        %mul3A_286 = arith.muli %add3A_284, %mul3A_285 : i32
        %multiple_of3A_287 = tpu.assume_multiple %mul3A_286, 128 : i32
        %dma_wait3A_288 = tpu.memref_slice %arg2[%multiple_of3A_287] : memref<320000xi32, #tpu.memory_space<hbm>> -> memref<128xi32, #tpu.memory_space<hbm>>
        %dma_wait3A_289 = tpu.memref_slice %arg2[%multiple_of3A_287] : memref<320000xi32, #tpu.memory_space<hbm>> -> memref<128xi32, #tpu.memory_space<hbm>>
        tpu.wait_dma2 semaphore(%arg26 : memref<!tpu.dma_semaphore, #tpu.memory_space<semaphore_mem>>) src(%dma_wait3A_289 : memref<128xi32, #tpu.memory_space<hbm>>) dst(%arg9 : memref<128xi32, #tpu.memory_space<vmem>>)
        %mul3A_290 = arith.constant 32 : i32
        %mul3A_291 = arith.muli %mul3A_290, %add3A_281 : i32
        %add3A_292 = arith.addi %add3A, %mul3A_291 : i32
        %mul3A_293 = arith.constant 128 : i32
        %mul3A_294 = arith.muli %add3A_292, %mul3A_293 : i32
        %multiple_of3A_295 = tpu.assume_multiple %mul3A_294, 128 : i32
        %dma_wait3A_296 = tpu.memref_slice %arg3[%multiple_of3A_295] : memref<320000xi32, #tpu.memory_space<hbm>> -> memref<128xi32, #tpu.memory_space<hbm>>
        %dma_wait3A_297 = tpu.memref_slice %arg3[%multiple_of3A_295] : memref<320000xi32, #tpu.memory_space<hbm>> -> memref<128xi32, #tpu.memory_space<hbm>>
        tpu.wait_dma2 semaphore(%arg26 : memref<!tpu.dma_semaphore, #tpu.memory_space<semaphore_mem>>) src(%dma_wait3A_297 : memref<128xi32, #tpu.memory_space<hbm>>) dst(%arg11 : memref<128xi32, #tpu.memory_space<vmem>>)
        %add3A_298 = arith.constant 2 : i32
        %add3A_299 = arith.addi %mul3A_65, %add3A_298 : i32
        %dma_start3A_300 = arith.constant 0 : i32
        %dma_start3A_301 = arith.constant 0 : i32
        %dma_start3A_302 = tpu.memref_slice %arg4[%dma_start3A_300, %dma_start3A_301] : memref<10000x16xf32, #tpu.memory_space<hbm>> -> memref<10000x16xf32, #tpu.memory_space<hbm>>
        tpu.enqueue_indirect_dma source(%dma_start3A_302 : memref<10000x16xf32, #tpu.memory_space<hbm>>) target(%arg15 : memref<128x16xf32, #tpu.memory_space<vmem>>) offsets(%arg11 : memref<128xi32, #tpu.memory_space<vmem>>) semaphore(%arg24 : memref<!tpu.dma_semaphore, #tpu.memory_space<semaphore_mem>>)
        %dma_start3A_303 = arith.constant 0 : i32
        %dma_start3A_304 = arith.constant 0 : i32
        %dma_start3A_305 = tpu.memref_slice %arg5[%dma_start3A_303, %dma_start3A_304] : memref<10000x32xf32, #tpu.memory_space<hbm>> -> memref<10000x32xf32, #tpu.memory_space<hbm>>
        tpu.enqueue_indirect_dma source(%dma_start3A_305 : memref<10000x32xf32, #tpu.memory_space<hbm>>) target(%arg17 : memref<128x32xf32, #tpu.memory_space<vmem>>) offsets(%arg9 : memref<128xi32, #tpu.memory_space<vmem>>) semaphore(%arg24 : memref<!tpu.dma_semaphore, #tpu.memory_space<semaphore_mem>>)
        %mul3A_306 = arith.constant 32 : i32
        %mul3A_307 = arith.muli %mul3A_306, %add3A_299 : i32
        %add3A_308 = arith.addi %add3A, %mul3A_307 : i32
        %mul3A_309 = arith.constant 128 : i32
        %mul3A_310 = arith.muli %add3A_308, %mul3A_309 : i32
        %multiple_of3A_311 = tpu.assume_multiple %mul3A_310, 128 : i32
        %dma_start3A_312 = arith.constant 80 : i32
        %dma_start3A_313 = tpu.memref_slice %arg6[%multiple_of3A_311, %dma_start3A_312] : memref<320000x128xf32, #tpu.memory_space<hbm>> -> memref<128x16xf32, #tpu.memory_space<hbm>>
        %dma_start3A_314 = arith.constant 80 : i32
        %dma_start3A_315 = tpu.memref_slice %arg6[%multiple_of3A_311, %dma_start3A_314] : memref<320000x128xf32, #tpu.memory_space<hbm>> -> memref<128x16xf32, #tpu.memory_space<hbm>>
        tpu.enqueue_dma source(%dma_start3A_315 : memref<128x16xf32, #tpu.memory_space<hbm>>) target(%arg19 : memref<128x16xf32, #tpu.memory_space<vmem>>) target_semaphore(%arg24 : memref<!tpu.dma_semaphore, #tpu.memory_space<semaphore_mem>>)
      } else {
      }
      %add3A_274 = arith.constant 2 : i32
      %add3A_275 = arith.addi %add3A_67, %add3A_274 : i32
      %lt3A_276 = arith.cmpi slt, %add3A_275, %select_n3A : i32
      %convert_element_type3A_277 = arith.extui %lt3A_276 : i1 to i32
      %cond3A_278 = arith.constant 0 : i32
      %cond3A_279 = arith.cmpi ne, %convert_element_type3A_277, %cond3A_278 : i32
      scf.if %cond3A_279 {
        %add3A_280 = arith.constant 2 : i32
        %add3A_281 = arith.addi %add3A_67, %add3A_280 : i32
        %mul3A_282 = arith.constant 32 : i32
        %mul3A_283 = arith.muli %mul3A_282, %add3A_281 : i32
        %add3A_284 = arith.addi %add3A, %mul3A_283 : i32
        %mul3A_285 = arith.constant 128 : i32
        %mul3A_286 = arith.muli %add3A_284, %mul3A_285 : i32
        %multiple_of3A_287 = tpu.assume_multiple %mul3A_286, 128 : i32
        %dma_start3A_288 = tpu.memref_slice %arg2[%multiple_of3A_287] : memref<320000xi32, #tpu.memory_space<hbm>> -> memref<128xi32, #tpu.memory_space<hbm>>
        %dma_start3A_289 = tpu.memref_slice %arg2[%multiple_of3A_287] : memref<320000xi32, #tpu.memory_space<hbm>> -> memref<128xi32, #tpu.memory_space<hbm>>
        tpu.enqueue_dma source(%dma_start3A_289 : memref<128xi32, #tpu.memory_space<hbm>>) target(%arg10 : memref<128xi32, #tpu.memory_space<vmem>>) target_semaphore(%arg27 : memref<!tpu.dma_semaphore, #tpu.memory_space<semaphore_mem>>)
        %mul3A_290 = arith.constant 32 : i32
        %mul3A_291 = arith.muli %mul3A_290, %add3A_281 : i32
        %add3A_292 = arith.addi %add3A, %mul3A_291 : i32
        %mul3A_293 = arith.constant 128 : i32
        %mul3A_294 = arith.muli %add3A_292, %mul3A_293 : i32
        %multiple_of3A_295 = tpu.assume_multiple %mul3A_294, 128 : i32
        %dma_start3A_296 = tpu.memref_slice %arg3[%multiple_of3A_295] : memref<320000xi32, #tpu.memory_space<hbm>> -> memref<128xi32, #tpu.memory_space<hbm>>
        %dma_start3A_297 = tpu.memref_slice %arg3[%multiple_of3A_295] : memref<320000xi32, #tpu.memory_space<hbm>> -> memref<128xi32, #tpu.memory_space<hbm>>
        tpu.enqueue_dma source(%dma_start3A_297 : memref<128xi32, #tpu.memory_space<hbm>>) target(%arg12 : memref<128xi32, #tpu.memory_space<vmem>>) target_semaphore(%arg27 : memref<!tpu.dma_semaphore, #tpu.memory_space<semaphore_mem>>)
      } else {
      }
    }
    %scan3A_47 = arith.constant 39 : i32
    %gt3A = arith.constant 78 : i32
    %gt3A_48 = arith.cmpi sgt, %select_n3A, %gt3A : i32
    %convert_element_type3A_49 = arith.extui %gt3A_48 : i1 to i32
    %cond3A_50 = arith.constant 0 : i32
    %cond3A_51 = arith.cmpi ne, %convert_element_type3A_49, %cond3A_50 : i32
    scf.if %cond3A_51 {
      %dma_wait3A_63 = arith.constant 0 : i32
      %dma_wait3A_64 = arith.constant 0 : i32
      %dma_wait3A_65 = tpu.memref_slice %arg4[%dma_wait3A_63, %dma_wait3A_64] : memref<10000x16xf32, #tpu.memory_space<hbm>> -> memref<10000x16xf32, #tpu.memory_space<hbm>>
      tpu.wait_indirect_dma semaphore(%arg24 : memref<!tpu.dma_semaphore, #tpu.memory_space<semaphore_mem>>) src(%dma_wait3A_65 : memref<10000x16xf32, #tpu.memory_space<hbm>>) dst(%arg15 : memref<128x16xf32, #tpu.memory_space<vmem>>)
      %dma_wait3A_66 = arith.constant 0 : i32
      %dma_wait3A_67 = arith.constant 0 : i32
      %dma_wait3A_68 = tpu.memref_slice %arg5[%dma_wait3A_66, %dma_wait3A_67] : memref<10000x32xf32, #tpu.memory_space<hbm>> -> memref<10000x32xf32, #tpu.memory_space<hbm>>
      tpu.wait_indirect_dma semaphore(%arg24 : memref<!tpu.dma_semaphore, #tpu.memory_space<semaphore_mem>>) src(%dma_wait3A_68 : memref<10000x32xf32, #tpu.memory_space<hbm>>) dst(%arg17 : memref<128x32xf32, #tpu.memory_space<vmem>>)
      %add3A_69 = arith.constant 2496 : i32
      %add3A_70 = arith.addi %add3A, %add3A_69 : i32
      %mul3A_71 = arith.constant 128 : i32
      %mul3A_72 = arith.muli %add3A_70, %mul3A_71 : i32
      %multiple_of3A_73 = tpu.assume_multiple %mul3A_72, 128 : i32
      %dma_wait3A_74 = arith.constant 80 : i32
      %dma_wait3A_75 = tpu.memref_slice %arg6[%multiple_of3A_73, %dma_wait3A_74] : memref<320000x128xf32, #tpu.memory_space<hbm>> -> memref<128x16xf32, #tpu.memory_space<hbm>>
      %dma_wait3A_76 = arith.constant 80 : i32
      %dma_wait3A_77 = tpu.memref_slice %arg6[%multiple_of3A_73, %dma_wait3A_76] : memref<320000x128xf32, #tpu.memory_space<hbm>> -> memref<128x16xf32, #tpu.memory_space<hbm>>
      tpu.wait_dma2 semaphore(%arg24 : memref<!tpu.dma_semaphore, #tpu.memory_space<semaphore_mem>>) src(%dma_wait3A_77 : memref<128x16xf32, #tpu.memory_space<hbm>>) dst(%arg19 : memref<128x16xf32, #tpu.memory_space<vmem>>)
      %dma_wait3A_78 = arith.constant 0 : i32
      %dma_wait3A_79 = arith.constant 0 : i32
      %dma_wait3A_80 = tpu.memref_slice %arg23[%dma_wait3A_78, %dma_wait3A_79] : memref<10000x32xf32, #tpu.memory_space<vmem_shared>> -> memref<10000x32xf32, #tpu.memory_space<vmem_shared>>
      tpu.wait_indirect_dma semaphore(%arg28 : memref<!tpu.dma_semaphore, #tpu.memory_space<semaphore_mem>>) src(%arg21 : memref<128x32xf32, #tpu.memory_space<vmem>>) dst(%dma_wait3A_80 : memref<10000x32xf32, #tpu.memory_space<vmem_shared>>)
      %parallel_loop3A = arith.constant 0 : i32
      %parallel_loop3A_81 = arith.constant 128 : i32
      %parallel_loop3A_82 = arith.constant 1 : i32
      scf.for %parallel_loop3A_140 = %parallel_loop3A to %parallel_loop3A_81 step %parallel_loop3A_82  : i32 {
        %parallel_loop3A_141 = arith.index_cast %parallel_loop3A_140 : i32 to index
        %parallel_loop3A_142 = arith.constant 0 : index
        %parallel_loop3A_143 = tpu.vector_load %arg15[%parallel_loop3A_141, %parallel_loop3A_142] {strides = array<i32>} : memref<128x16xf32, #tpu.memory_space<vmem>>, vector<1x16xf32>,
        %parallel_loop3A_144 = vector.shape_cast %parallel_loop3A_143 : vector<1x16xf32> to vector<16xf32>
        %parallel_loop3A_145 = arith.index_cast %parallel_loop3A_140 : i32 to index
        %parallel_loop3A_146 = arith.constant 0 : index
        %parallel_loop3A_147 = tpu.vector_load %arg17[%parallel_loop3A_145, %parallel_loop3A_146] {strides = array<i32>} : memref<128x32xf32, #tpu.memory_space<vmem>>, vector<1x16xf32>,
        %parallel_loop3A_148 = vector.shape_cast %parallel_loop3A_147 : vector<1x16xf32> to vector<16xf32>
        %parallel_loop3A_149 = arith.index_cast %parallel_loop3A_140 : i32 to index
        %parallel_loop3A_150 = arith.constant 16 : index
        %parallel_loop3A_151 = tpu.vector_load %arg17[%parallel_loop3A_149, %parallel_loop3A_150] {strides = array<i32>} : memref<128x32xf32, #tpu.memory_space<vmem>>, vector<1x16xf32>,
        %parallel_loop3A_152 = vector.shape_cast %parallel_loop3A_151 : vector<1x16xf32> to vector<16xf32>
        %parallel_loop3A_153 = arith.index_cast %parallel_loop3A_140 : i32 to index
        %parallel_loop3A_154 = arith.constant 0 : index
        %parallel_loop3A_155 = tpu.vector_load %arg19[%parallel_loop3A_153, %parallel_loop3A_154] {strides = array<i32>} : memref<128x16xf32, #tpu.memory_space<vmem>>, vector<1x16xf32>,
        %parallel_loop3A_156 = vector.shape_cast %parallel_loop3A_155 : vector<1x16xf32> to vector<16xf32>
        %parallel_loop3A_157 = arith.addf %parallel_loop3A_148, %parallel_loop3A_156 : vector<16xf32>
        %parallel_loop3A_158 = arith.mulf %parallel_loop3A_144, %parallel_loop3A_157 : vector<16xf32>
        %parallel_loop3A_159 = math.exp %parallel_loop3A_158 : vector<16xf32>
        %parallel_loop3A_160 = arith.addf %parallel_loop3A_152, %parallel_loop3A_156 : vector<16xf32>
        %parallel_loop3A_161 = arith.mulf %parallel_loop3A_160, %parallel_loop3A_159 : vector<16xf32>
        %parallel_loop3A_162 = arith.index_cast %parallel_loop3A_140 : i32 to index
        %parallel_loop3A_163 = arith.constant 0 : index
        %parallel_loop3A_164 = tpu.vector_load %arg21[%parallel_loop3A_162, %parallel_loop3A_163] {strides = array<i32>} : memref<128x32xf32, #tpu.memory_space<vmem>>, vector<1x16xf32>,
        %parallel_loop3A_165 = vector.shape_cast %parallel_loop3A_164 : vector<1x16xf32> to vector<16xf32>
        %parallel_loop3A_166 = vector.shape_cast %parallel_loop3A_161 : vector<16xf32> to vector<1x16xf32>
        tpu.vector_store %arg21[%parallel_loop3A_162, %parallel_loop3A_163], %parallel_loop3A_166 {strides = array<i32>} : memref<128x32xf32, #tpu.memory_space<vmem>>, vector<1x16xf32>,
        %parallel_loop3A_167 = arith.index_cast %parallel_loop3A_140 : i32 to index
        %parallel_loop3A_168 = arith.constant 16 : index
        %parallel_loop3A_169 = tpu.vector_load %arg21[%parallel_loop3A_167, %parallel_loop3A_168] {strides = array<i32>} : memref<128x32xf32, #tpu.memory_space<vmem>>, vector<1x16xf32>,
        %parallel_loop3A_170 = vector.shape_cast %parallel_loop3A_169 : vector<1x16xf32> to vector<16xf32>
        %parallel_loop3A_171 = vector.shape_cast %parallel_loop3A_159 : vector<16xf32> to vector<1x16xf32>
        tpu.vector_store %arg21[%parallel_loop3A_167, %parallel_loop3A_168], %parallel_loop3A_171 {strides = array<i32>} : memref<128x32xf32, #tpu.memory_space<vmem>>, vector<1x16xf32>,
      } {sc.loop_unroll_factor = 8 : i64, sc.parallel_access}
      %get3A = arith.constant 0 : index
      %get3A_83 = tpu.vector_load %arg11[%get3A] {strides = array<i32>} : memref<128xi32, #tpu.memory_space<vmem>>, vector<16xi32>,
      %get3A_84 = vector.shape_cast %get3A_83 : vector<16xi32> to vector<16xi32>
      %swap3A = arith.constant 0 : index
      %swap3A_85 = tpu.vector_load %arg13[%swap3A] {strides = array<i32>} : memref<128xi32, #tpu.memory_space<vmem>>, vector<16xi32>,
      %swap3A_86 = vector.shape_cast %swap3A_85 : vector<16xi32> to vector<16xi32>
      %swap3A_87 = vector.shape_cast %get3A_84 : vector<16xi32> to vector<16xi32>
      tpu.vector_store %arg13[%swap3A], %swap3A_87 {strides = array<i32>} : memref<128xi32, #tpu.memory_space<vmem>>, vector<16xi32>,
      %get3A_88 = arith.constant 16 : index
      %get3A_89 = tpu.vector_load %arg11[%get3A_88] {strides = array<i32>} : memref<128xi32, #tpu.memory_space<vmem>>, vector<16xi32>,
      %get3A_90 = vector.shape_cast %get3A_89 : vector<16xi32> to vector<16xi32>
      %swap3A_91 = arith.constant 16 : index
      %swap3A_92 = tpu.vector_load %arg13[%swap3A_91] {strides = array<i32>} : memref<128xi32, #tpu.memory_space<vmem>>, vector<16xi32>,
      %swap3A_93 = vector.shape_cast %swap3A_92 : vector<16xi32> to vector<16xi32>
      %swap3A_94 = vector.shape_cast %get3A_90 : vector<16xi32> to vector<16xi32>
      tpu.vector_store %arg13[%swap3A_91], %swap3A_94 {strides = array<i32>} : memref<128xi32, #tpu.memory_space<vmem>>, vector<16xi32>,
      %get3A_95 = arith.constant 32 : index
      %get3A_96 = tpu.vector_load %arg11[%get3A_95] {strides = array<i32>} : memref<128xi32, #tpu.memory_space<vmem>>, vector<16xi32>,
      %get3A_97 = vector.shape_cast %get3A_96 : vector<16xi32> to vector<16xi32>
      %swap3A_98 = arith.constant 32 : index
      %swap3A_99 = tpu.vector_load %arg13[%swap3A_98] {strides = array<i32>} : memref<128xi32, #tpu.memory_space<vmem>>, vector<16xi32>,
      %swap3A_100 = vector.shape_cast %swap3A_99 : vector<16xi32> to vector<16xi32>
      %swap3A_101 = vector.shape_cast %get3A_97 : vector<16xi32> to vector<16xi32>
      tpu.vector_store %arg13[%swap3A_98], %swap3A_101 {strides = array<i32>} : memref<128xi32, #tpu.memory_space<vmem>>, vector<16xi32>,
      %get3A_102 = arith.constant 48 : index
      %get3A_103 = tpu.vector_load %arg11[%get3A_102] {strides = array<i32>} : memref<128xi32, #tpu.memory_space<vmem>>, vector<16xi32>,
      %get3A_104 = vector.shape_cast %get3A_103 : vector<16xi32> to vector<16xi32>
      %swap3A_105 = arith.constant 48 : index
      %swap3A_106 = tpu.vector_load %arg13[%swap3A_105] {strides = array<i32>} : memref<128xi32, #tpu.memory_space<vmem>>, vector<16xi32>,
      %swap3A_107 = vector.shape_cast %swap3A_106 : vector<16xi32> to vector<16xi32>
      %swap3A_108 = vector.shape_cast %get3A_104 : vector<16xi32> to vector<16xi32>
      tpu.vector_store %arg13[%swap3A_105], %swap3A_108 {strides = array<i32>} : memref<128xi32, #tpu.memory_space<vmem>>, vector<16xi32>,
      %get3A_109 = arith.constant 64 : index
      %get3A_110 = tpu.vector_load %arg11[%get3A_109] {strides = array<i32>} : memref<128xi32, #tpu.memory_space<vmem>>, vector<16xi32>,
      %get3A_111 = vector.shape_cast %get3A_110 : vector<16xi32> to vector<16xi32>
      %swap3A_112 = arith.constant 64 : index
      %swap3A_113 = tpu.vector_load %arg13[%swap3A_112] {strides = array<i32>} : memref<128xi32, #tpu.memory_space<vmem>>, vector<16xi32>,
      %swap3A_114 = vector.shape_cast %swap3A_113 : vector<16xi32> to vector<16xi32>
      %swap3A_115 = vector.shape_cast %get3A_111 : vector<16xi32> to vector<16xi32>
      tpu.vector_store %arg13[%swap3A_112], %swap3A_115 {strides = array<i32>} : memref<128xi32, #tpu.memory_space<vmem>>, vector<16xi32>,
      %get3A_116 = arith.constant 80 : index
      %get3A_117 = tpu.vector_load %arg11[%get3A_116] {strides = array<i32>} : memref<128xi32, #tpu.memory_space<vmem>>, vector<16xi32>,
      %get3A_118 = vector.shape_cast %get3A_117 : vector<16xi32> to vector<16xi32>
      %swap3A_119 = arith.constant 80 : index
      %swap3A_120 = tpu.vector_load %arg13[%swap3A_119] {strides = array<i32>} : memref<128xi32, #tpu.memory_space<vmem>>, vector<16xi32>,
      %swap3A_121 = vector.shape_cast %swap3A_120 : vector<16xi32> to vector<16xi32>
      %swap3A_122 = vector.shape_cast %get3A_118 : vector<16xi32> to vector<16xi32>
      tpu.vector_store %arg13[%swap3A_119], %swap3A_122 {strides = array<i32>} : memref<128xi32, #tpu.memory_space<vmem>>, vector<16xi32>,
      %get3A_123 = arith.constant 96 : index
      %get3A_124 = tpu.vector_load %arg11[%get3A_123] {strides = array<i32>} : memref<128xi32, #tpu.memory_space<vmem>>, vector<16xi32>,
      %get3A_125 = vector.shape_cast %get3A_124 : vector<16xi32> to vector<16xi32>
      %swap3A_126 = arith.constant 96 : index
      %swap3A_127 = tpu.vector_load %arg13[%swap3A_126] {strides = array<i32>} : memref<128xi32, #tpu.memory_space<vmem>>, vector<16xi32>,
      %swap3A_128 = vector.shape_cast %swap3A_127 : vector<16xi32> to vector<16xi32>
      %swap3A_129 = vector.shape_cast %get3A_125 : vector<16xi32> to vector<16xi32>
      tpu.vector_store %arg13[%swap3A_126], %swap3A_129 {strides = array<i32>} : memref<128xi32, #tpu.memory_space<vmem>>, vector<16xi32>,
      %get3A_130 = arith.constant 112 : index
      %get3A_131 = tpu.vector_load %arg11[%get3A_130] {strides = array<i32>} : memref<128xi32, #tpu.memory_space<vmem>>, vector<16xi32>,
      %get3A_132 = vector.shape_cast %get3A_131 : vector<16xi32> to vector<16xi32>
      %swap3A_133 = arith.constant 112 : index
      %swap3A_134 = tpu.vector_load %arg13[%swap3A_133] {strides = array<i32>} : memref<128xi32, #tpu.memory_space<vmem>>, vector<16xi32>,
      %swap3A_135 = vector.shape_cast %swap3A_134 : vector<16xi32> to vector<16xi32>
      %swap3A_136 = vector.shape_cast %get3A_132 : vector<16xi32> to vector<16xi32>
      tpu.vector_store %arg13[%swap3A_133], %swap3A_136 {strides = array<i32>} : memref<128xi32, #tpu.memory_space<vmem>>, vector<16xi32>,
      %dma_start3A_137 = arith.constant 0 : i32
      %dma_start3A_138 = arith.constant 0 : i32
      %dma_start3A_139 = tpu.memref_slice %arg23[%dma_start3A_137, %dma_start3A_138] : memref<10000x32xf32, #tpu.memory_space<vmem_shared>> -> memref<10000x32xf32, #tpu.memory_space<vmem_shared>>
      tpu.enqueue_indirect_dma source(%arg21 : memref<128x32xf32, #tpu.memory_space<vmem>>) target(%dma_start3A_139 : memref<10000x32xf32, #tpu.memory_space<vmem_shared>>) offsets(%arg13 : memref<128xi32, #tpu.memory_space<vmem>>) semaphore(%arg28 : memref<!tpu.dma_semaphore, #tpu.memory_space<semaphore_mem>>) {add = true}
    } else {
    }
    %dma_wait3A = arith.constant 0 : i32
    %dma_wait3A_52 = arith.constant 0 : i32
    %dma_wait3A_53 = tpu.memref_slice %arg23[%dma_wait3A, %dma_wait3A_52] : memref<10000x32xf32, #tpu.memory_space<vmem_shared>> -> memref<10000x32xf32, #tpu.memory_space<vmem_shared>>
    tpu.wait_indirect_dma semaphore(%arg28 : memref<!tpu.dma_semaphore, #tpu.memory_space<semaphore_mem>>) src(%arg21 : memref<128x32xf32, #tpu.memory_space<vmem>>) dst(%dma_wait3A_53 : memref<10000x32xf32, #tpu.memory_space<vmem_shared>>)
    %dma_wait3A_54 = arith.constant 0 : i32
    %dma_wait3A_55 = arith.constant 0 : i32
    %dma_wait3A_56 = tpu.memref_slice %arg23[%dma_wait3A_54, %dma_wait3A_55] : memref<10000x32xf32, #tpu.memory_space<vmem_shared>> -> memref<10000x32xf32, #tpu.memory_space<vmem_shared>>
    tpu.wait_indirect_dma semaphore(%arg29 : memref<!tpu.dma_semaphore, #tpu.memory_space<semaphore_mem>>) src(%arg22 : memref<128x32xf32, #tpu.memory_space<vmem>>) dst(%dma_wait3A_56 : memref<10000x32xf32, #tpu.memory_space<vmem_shared>>)
    %barrier3A_57 = arith.constant 0 : index
    tpu.barrier barrier_id(%barrier3A_57)
    %lt3A_58 = arith.constant 10 : i32
    %lt3A_59 = arith.cmpi slt, %arg1, %lt3A_58 : i32
    %convert_element_type3A_60 = arith.extui %lt3A_59 : i1 to i32
    %cond3A_61 = arith.constant 0 : i32
    %cond3A_62 = arith.cmpi ne, %convert_element_type3A_60, %cond3A_61 : i32
    scf.if %cond3A_62 {
      %mul3A_63 = arith.constant 1000 : i32
      %mul3A_64 = arith.muli %arg1, %mul3A_63 : i32
      %mul3A_65 = arith.constant 10000 : i32
      %mul3A_66 = arith.muli %arg0, %mul3A_65 : i32
      %mul3A_67 = arith.constant 1000 : i32
      %mul3A_68 = arith.muli %arg1, %mul3A_67 : i32
      %add3A_69 = arith.addi %mul3A_66, %mul3A_68 : i32
      "tpu.region"() ({
        %run_scoped3A = tpu.sem_alloc : memref<!tpu.dma_semaphore, #tpu.memory_space<semaphore_mem>>
        %dma_start3A_70 = arith.constant 0 : i32
        %dma_start3A_71 = tpu.memref_slice %arg8[%add3A_69, %dma_start3A_70] : memref<20000x32xf32, #tpu.memory_space<hbm>> -> memref<1000x32xf32, #tpu.memory_space<hbm>>
        %dma_start3A_72 = arith.constant 0 : i32
        %dma_start3A_73 = tpu.memref_slice %arg23[%mul3A_64, %dma_start3A_72] : memref<10000x32xf32, #tpu.memory_space<vmem_shared>> -> memref<1000x32xf32, #tpu.memory_space<vmem_shared>>
        tpu.enqueue_dma source(%dma_start3A_73 : memref<1000x32xf32, #tpu.memory_space<vmem_shared>>) target(%dma_start3A_71 : memref<1000x32xf32, #tpu.memory_space<hbm>>) target_semaphore(%run_scoped3A : memref<!tpu.dma_semaphore, #tpu.memory_space<semaphore_mem>>)
        %dma_wait3A_74 = arith.constant 0 : i32
        %dma_wait3A_75 = tpu.memref_slice %arg8[%add3A_69, %dma_wait3A_74] : memref<20000x32xf32, #tpu.memory_space<hbm>> -> memref<1000x32xf32, #tpu.memory_space<hbm>>
        %dma_wait3A_76 = arith.constant 0 : i32
        %dma_wait3A_77 = tpu.memref_slice %arg23[%mul3A_64, %dma_wait3A_76] : memref<10000x32xf32, #tpu.memory_space<vmem_shared>> -> memref<1000x32xf32, #tpu.memory_space<vmem_shared>>
        tpu.wait_dma2 semaphore(%run_scoped3A : memref<!tpu.dma_semaphore, #tpu.memory_space<semaphore_mem>>) src(%dma_wait3A_77 : memref<1000x32xf32, #tpu.memory_space<vmem_shared>>) dst(%dma_wait3A_75 : memref<1000x32xf32, #tpu.memory_space<hbm>>)
        tpu.yield
      }) : () -> ()
    } else {
    }
    return
  }
}

#map = affine_map<(d0, d1) -> (0)>
#map1 = affine_map<(d0, d1) -> (0, 0)>
module attributes {stable_mosaic.version = 14 : i64} {
  func.func @_edge(%arg0: i32, %arg1: i32, %arg2: memref<320000xi32, #tpu.memory_space<hbm>>, %arg3: memref<320000xi32, #tpu.memory_space<hbm>>, %arg4: memref<10000x80xf32, #tpu.memory_space<hbm>>, %arg5: memref<10000x160xf32, #tpu.memory_space<hbm>>, %arg6: memref<320000x128xf32, #tpu.memory_space<hbm>>, %arg7: memref<10000x96xf32, #tpu.memory_space<hbm>>, %arg8: memref<20000x96xf32, #tpu.memory_space<hbm>>, %arg9: memref<64xi32, #tpu.memory_space<vmem>>, %arg10: memref<64xi32, #tpu.memory_space<vmem>>, %arg11: memref<64xi32, #tpu.memory_space<vmem>>, %arg12: memref<64xi32, #tpu.memory_space<vmem>>, %arg13: memref<64xi32, #tpu.memory_space<vmem>>, %arg14: memref<64xi32, #tpu.memory_space<vmem>>, %arg15: memref<64x80xf32, #tpu.memory_space<vmem>>, %arg16: memref<64x80xf32, #tpu.memory_space<vmem>>, %arg17: memref<64x160xf32, #tpu.memory_space<vmem>>, %arg18: memref<64x160xf32, #tpu.memory_space<vmem>>, %arg19: memref<64x80xf32, #tpu.memory_space<vmem>>, %arg20: memref<64x80xf32, #tpu.memory_space<vmem>>, %arg21: memref<64x96xf32, #tpu.memory_space<vmem>>, %arg22: memref<64x96xf32, #tpu.memory_space<vmem>>, %arg23: memref<10000x96xf32, #tpu.memory_space<vmem_shared>>, %arg24: memref<!tpu.dma_semaphore, #tpu.memory_space<semaphore_mem>>, %arg25: memref<!tpu.dma_semaphore, #tpu.memory_space<semaphore_mem>>, %arg26: memref<!tpu.dma_semaphore, #tpu.memory_space<semaphore_mem>>, %arg27: memref<!tpu.dma_semaphore, #tpu.memory_space<semaphore_mem>>, %arg28: memref<!tpu.dma_semaphore, #tpu.memory_space<semaphore_mem>>, %arg29: memref<!tpu.dma_semaphore, #tpu.memory_space<semaphore_mem>>) attributes {dimension_semantics = [#tpu.dimension_semantics<core_parallel>, #tpu.dimension_semantics<subcore_parallel>], iteration_bounds = array<i64: 2, 16>, scalar_prefetch = 0 : i64, scratch_operands = 21 : i64, tpu.core_type = #tpu.core_type<sc_vector_subcore>, window_params = [{transform_indices = #map}, {transform_indices = #map}, {transform_indices = #map1}, {transform_indices = #map1}, {transform_indices = #map1}, {transform_indices = #map1}, {transform_indices = #map1}]} {
    %mul3A = arith.constant 16 : i32
    %mul3A_0 = arith.muli %arg0, %mul3A : i32
    %add3A = arith.addi %mul3A_0, %arg1 : i32
    %lt3A = arith.constant 10 : i32
    %lt3A_1 = arith.cmpi slt, %arg1, %lt3A : i32
    %convert_element_type3A = arith.extui %lt3A_1 : i1 to i32
    %cond3A = arith.constant 0 : i32
    %cond3A_2 = arith.cmpi ne, %convert_element_type3A, %cond3A : i32
    scf.if %cond3A_2 {
      %mul3A_63 = arith.constant 1000 : i32
      %mul3A_64 = arith.muli %arg1, %mul3A_63 : i32
      %mul3A_65 = arith.constant 1000 : i32
      %mul3A_66 = arith.muli %arg1, %mul3A_65 : i32
      "tpu.region"() ({
        %run_scoped3A = tpu.sem_alloc : memref<!tpu.dma_semaphore, #tpu.memory_space<semaphore_mem>>
        %dma_start3A_67 = arith.constant 0 : i32
        %dma_start3A_68 = tpu.memref_slice %arg23[%mul3A_66, %dma_start3A_67] : memref<10000x96xf32, #tpu.memory_space<vmem_shared>> -> memref<1000x96xf32, #tpu.memory_space<vmem_shared>>
        %dma_start3A_69 = arith.constant 0 : i32
        %dma_start3A_70 = tpu.memref_slice %arg7[%mul3A_64, %dma_start3A_69] : memref<10000x96xf32, #tpu.memory_space<hbm>> -> memref<1000x96xf32, #tpu.memory_space<hbm>>
        tpu.enqueue_dma source(%dma_start3A_70 : memref<1000x96xf32, #tpu.memory_space<hbm>>) target(%dma_start3A_68 : memref<1000x96xf32, #tpu.memory_space<vmem_shared>>) target_semaphore(%run_scoped3A : memref<!tpu.dma_semaphore, #tpu.memory_space<semaphore_mem>>)
        %dma_wait3A_71 = arith.constant 0 : i32
        %dma_wait3A_72 = tpu.memref_slice %arg23[%mul3A_66, %dma_wait3A_71] : memref<10000x96xf32, #tpu.memory_space<vmem_shared>> -> memref<1000x96xf32, #tpu.memory_space<vmem_shared>>
        %dma_wait3A_73 = arith.constant 0 : i32
        %dma_wait3A_74 = tpu.memref_slice %arg7[%mul3A_64, %dma_wait3A_73] : memref<10000x96xf32, #tpu.memory_space<hbm>> -> memref<1000x96xf32, #tpu.memory_space<hbm>>
        tpu.wait_dma2 semaphore(%run_scoped3A : memref<!tpu.dma_semaphore, #tpu.memory_space<semaphore_mem>>) src(%dma_wait3A_74 : memref<1000x96xf32, #tpu.memory_space<hbm>>) dst(%dma_wait3A_72 : memref<1000x96xf32, #tpu.memory_space<vmem_shared>>)
        tpu.yield
      }) : () -> ()
    } else {
    }
    %barrier3A = arith.constant 0 : index
    tpu.barrier barrier_id(%barrier3A)
    %lt3A_3 = arith.constant 8 : i32
    %lt3A_4 = arith.cmpi slt, %add3A, %lt3A_3 : i32
    %jit3A = arith.constant 157 : i32
    %jit3A_5 = arith.constant 156 : i32
    %select_n3A = arith.select %lt3A_4, %jit3A, %jit3A_5 : i32
    %add3A_6 = arith.constant 0 : i32
    %add3A_7 = arith.addi %add3A, %add3A_6 : i32
    %mul3A_8 = arith.constant 64 : i32
    %mul3A_9 = arith.muli %add3A_7, %mul3A_8 : i32
    %multiple_of3A = tpu.assume_multiple %mul3A_9, 64 : i32
    "tpu.region"() ({
      %run_scoped3A = tpu.sem_alloc : memref<!tpu.dma_semaphore, #tpu.memory_space<semaphore_mem>>
      %dma_start3A_63 = tpu.memref_slice %arg2[%multiple_of3A] : memref<320000xi32, #tpu.memory_space<hbm>> -> memref<64xi32, #tpu.memory_space<hbm>>
      %dma_start3A_64 = tpu.memref_slice %arg2[%multiple_of3A] : memref<320000xi32, #tpu.memory_space<hbm>> -> memref<64xi32, #tpu.memory_space<hbm>>
      tpu.enqueue_dma source(%dma_start3A_64 : memref<64xi32, #tpu.memory_space<hbm>>) target(%arg9 : memref<64xi32, #tpu.memory_space<vmem>>) target_semaphore(%run_scoped3A : memref<!tpu.dma_semaphore, #tpu.memory_space<semaphore_mem>>)
      %dma_wait3A_65 = tpu.memref_slice %arg2[%multiple_of3A] : memref<320000xi32, #tpu.memory_space<hbm>> -> memref<64xi32, #tpu.memory_space<hbm>>
      %dma_wait3A_66 = tpu.memref_slice %arg2[%multiple_of3A] : memref<320000xi32, #tpu.memory_space<hbm>> -> memref<64xi32, #tpu.memory_space<hbm>>
      tpu.wait_dma2 semaphore(%run_scoped3A : memref<!tpu.dma_semaphore, #tpu.memory_space<semaphore_mem>>) src(%dma_wait3A_66 : memref<64xi32, #tpu.memory_space<hbm>>) dst(%arg9 : memref<64xi32, #tpu.memory_space<vmem>>)
      tpu.yield
    }) : () -> ()
    %add3A_10 = arith.constant 0 : i32
    %add3A_11 = arith.addi %add3A, %add3A_10 : i32
    %mul3A_12 = arith.constant 64 : i32
    %mul3A_13 = arith.muli %add3A_11, %mul3A_12 : i32
    %multiple_of3A_14 = tpu.assume_multiple %mul3A_13, 64 : i32
    "tpu.region"() ({
      %run_scoped3A = tpu.sem_alloc : memref<!tpu.dma_semaphore, #tpu.memory_space<semaphore_mem>>
      %dma_start3A_63 = tpu.memref_slice %arg3[%multiple_of3A_14] : memref<320000xi32, #tpu.memory_space<hbm>> -> memref<64xi32, #tpu.memory_space<hbm>>
      %dma_start3A_64 = tpu.memref_slice %arg3[%multiple_of3A_14] : memref<320000xi32, #tpu.memory_space<hbm>> -> memref<64xi32, #tpu.memory_space<hbm>>
      tpu.enqueue_dma source(%dma_start3A_64 : memref<64xi32, #tpu.memory_space<hbm>>) target(%arg11 : memref<64xi32, #tpu.memory_space<vmem>>) target_semaphore(%run_scoped3A : memref<!tpu.dma_semaphore, #tpu.memory_space<semaphore_mem>>)
      %dma_wait3A_65 = tpu.memref_slice %arg3[%multiple_of3A_14] : memref<320000xi32, #tpu.memory_space<hbm>> -> memref<64xi32, #tpu.memory_space<hbm>>
      %dma_wait3A_66 = tpu.memref_slice %arg3[%multiple_of3A_14] : memref<320000xi32, #tpu.memory_space<hbm>> -> memref<64xi32, #tpu.memory_space<hbm>>
      tpu.wait_dma2 semaphore(%run_scoped3A : memref<!tpu.dma_semaphore, #tpu.memory_space<semaphore_mem>>) src(%dma_wait3A_66 : memref<64xi32, #tpu.memory_space<hbm>>) dst(%arg11 : memref<64xi32, #tpu.memory_space<vmem>>)
      tpu.yield
    }) : () -> ()
    %dma_start3A = arith.constant 0 : i32
    %dma_start3A_15 = arith.constant 0 : i32
    %dma_start3A_16 = tpu.memref_slice %arg4[%dma_start3A, %dma_start3A_15] : memref<10000x80xf32, #tpu.memory_space<hbm>> -> memref<10000x80xf32, #tpu.memory_space<hbm>>
    tpu.enqueue_indirect_dma source(%dma_start3A_16 : memref<10000x80xf32, #tpu.memory_space<hbm>>) target(%arg15 : memref<64x80xf32, #tpu.memory_space<vmem>>) offsets(%arg11 : memref<64xi32, #tpu.memory_space<vmem>>) semaphore(%arg24 : memref<!tpu.dma_semaphore, #tpu.memory_space<semaphore_mem>>)
    %dma_start3A_17 = arith.constant 0 : i32
    %dma_start3A_18 = arith.constant 0 : i32
    %dma_start3A_19 = tpu.memref_slice %arg5[%dma_start3A_17, %dma_start3A_18] : memref<10000x160xf32, #tpu.memory_space<hbm>> -> memref<10000x160xf32, #tpu.memory_space<hbm>>
    tpu.enqueue_indirect_dma source(%dma_start3A_19 : memref<10000x160xf32, #tpu.memory_space<hbm>>) target(%arg17 : memref<64x160xf32, #tpu.memory_space<vmem>>) offsets(%arg9 : memref<64xi32, #tpu.memory_space<vmem>>) semaphore(%arg24 : memref<!tpu.dma_semaphore, #tpu.memory_space<semaphore_mem>>)
    %add3A_20 = arith.constant 0 : i32
    %add3A_21 = arith.addi %add3A, %add3A_20 : i32
    %mul3A_22 = arith.constant 64 : i32
    %mul3A_23 = arith.muli %add3A_21, %mul3A_22 : i32
    %multiple_of3A_24 = tpu.assume_multiple %mul3A_23, 64 : i32
    %dma_start3A_25 = arith.constant 0 : i32
    %dma_start3A_26 = tpu.memref_slice %arg6[%multiple_of3A_24, %dma_start3A_25] : memref<320000x128xf32, #tpu.memory_space<hbm>> -> memref<64x80xf32, #tpu.memory_space<hbm>>
    %dma_start3A_27 = arith.constant 0 : i32
    %dma_start3A_28 = tpu.memref_slice %arg6[%multiple_of3A_24, %dma_start3A_27] : memref<320000x128xf32, #tpu.memory_space<hbm>> -> memref<64x80xf32, #tpu.memory_space<hbm>>
    tpu.enqueue_dma source(%dma_start3A_28 : memref<64x80xf32, #tpu.memory_space<hbm>>) target(%arg19 : memref<64x80xf32, #tpu.memory_space<vmem>>) target_semaphore(%arg24 : memref<!tpu.dma_semaphore, #tpu.memory_space<semaphore_mem>>)
    %add3A_29 = arith.constant 32 : i32
    %add3A_30 = arith.addi %add3A, %add3A_29 : i32
    %mul3A_31 = arith.constant 64 : i32
    %mul3A_32 = arith.muli %add3A_30, %mul3A_31 : i32
    %multiple_of3A_33 = tpu.assume_multiple %mul3A_32, 64 : i32
    %dma_start3A_34 = tpu.memref_slice %arg2[%multiple_of3A_33] : memref<320000xi32, #tpu.memory_space<hbm>> -> memref<64xi32, #tpu.memory_space<hbm>>
    %dma_start3A_35 = tpu.memref_slice %arg2[%multiple_of3A_33] : memref<320000xi32, #tpu.memory_space<hbm>> -> memref<64xi32, #tpu.memory_space<hbm>>
    tpu.enqueue_dma source(%dma_start3A_35 : memref<64xi32, #tpu.memory_space<hbm>>) target(%arg10 : memref<64xi32, #tpu.memory_space<vmem>>) target_semaphore(%arg27 : memref<!tpu.dma_semaphore, #tpu.memory_space<semaphore_mem>>)
    %add3A_36 = arith.constant 32 : i32
    %add3A_37 = arith.addi %add3A, %add3A_36 : i32
    %mul3A_38 = arith.constant 64 : i32
    %mul3A_39 = arith.muli %add3A_37, %mul3A_38 : i32
    %multiple_of3A_40 = tpu.assume_multiple %mul3A_39, 64 : i32
    %dma_start3A_41 = tpu.memref_slice %arg3[%multiple_of3A_40] : memref<320000xi32, #tpu.memory_space<hbm>> -> memref<64xi32, #tpu.memory_space<hbm>>
    %dma_start3A_42 = tpu.memref_slice %arg3[%multiple_of3A_40] : memref<320000xi32, #tpu.memory_space<hbm>> -> memref<64xi32, #tpu.memory_space<hbm>>
    tpu.enqueue_dma source(%dma_start3A_42 : memref<64xi32, #tpu.memory_space<hbm>>) target(%arg12 : memref<64xi32, #tpu.memory_space<vmem>>) target_semaphore(%arg27 : memref<!tpu.dma_semaphore, #tpu.memory_space<semaphore_mem>>)
    %scan3A = arith.constant 0 : i32
    %scan3A_43 = arith.constant 0 : i32
    %scan3A_44 = arith.constant 78 : i32
    %scan3A_45 = arith.addi %scan3A_43, %scan3A_44 : i32
    %scan3A_46 = arith.constant 1 : i32
    scf.for %scan3A_63 = %scan3A_43 to %scan3A_45 step %scan3A_46  : i32 {
      %mul3A_64 = arith.constant 2 : i32
      %mul3A_65 = arith.muli %mul3A_64, %scan3A_63 : i32
      %add3A_66 = arith.constant 1 : i32
      %add3A_67 = arith.addi %mul3A_65, %add3A_66 : i32
      %dma_wait3A_68 = arith.constant 0 : i32
      %dma_wait3A_69 = arith.constant 0 : i32
      %dma_wait3A_70 = tpu.memref_slice %arg4[%dma_wait3A_68, %dma_wait3A_69] : memref<10000x80xf32, #tpu.memory_space<hbm>> -> memref<10000x80xf32, #tpu.memory_space<hbm>>
      tpu.wait_indirect_dma semaphore(%arg24 : memref<!tpu.dma_semaphore, #tpu.memory_space<semaphore_mem>>) src(%dma_wait3A_70 : memref<10000x80xf32, #tpu.memory_space<hbm>>) dst(%arg15 : memref<64x80xf32, #tpu.memory_space<vmem>>)
      %dma_wait3A_71 = arith.constant 0 : i32
      %dma_wait3A_72 = arith.constant 0 : i32
      %dma_wait3A_73 = tpu.memref_slice %arg5[%dma_wait3A_71, %dma_wait3A_72] : memref<10000x160xf32, #tpu.memory_space<hbm>> -> memref<10000x160xf32, #tpu.memory_space<hbm>>
      tpu.wait_indirect_dma semaphore(%arg24 : memref<!tpu.dma_semaphore, #tpu.memory_space<semaphore_mem>>) src(%dma_wait3A_73 : memref<10000x160xf32, #tpu.memory_space<hbm>>) dst(%arg17 : memref<64x160xf32, #tpu.memory_space<vmem>>)
      %mul3A_74 = arith.constant 32 : i32
      %mul3A_75 = arith.muli %mul3A_74, %mul3A_65 : i32
      %add3A_76 = arith.addi %add3A, %mul3A_75 : i32
      %mul3A_77 = arith.constant 64 : i32
      %mul3A_78 = arith.muli %add3A_76, %mul3A_77 : i32
      %multiple_of3A_79 = tpu.assume_multiple %mul3A_78, 64 : i32
      %dma_wait3A_80 = arith.constant 0 : i32
      %dma_wait3A_81 = tpu.memref_slice %arg6[%multiple_of3A_79, %dma_wait3A_80] : memref<320000x128xf32, #tpu.memory_space<hbm>> -> memref<64x80xf32, #tpu.memory_space<hbm>>
      %dma_wait3A_82 = arith.constant 0 : i32
      %dma_wait3A_83 = tpu.memref_slice %arg6[%multiple_of3A_79, %dma_wait3A_82] : memref<320000x128xf32, #tpu.memory_space<hbm>> -> memref<64x80xf32, #tpu.memory_space<hbm>>
      tpu.wait_dma2 semaphore(%arg24 : memref<!tpu.dma_semaphore, #tpu.memory_space<semaphore_mem>>) src(%dma_wait3A_83 : memref<64x80xf32, #tpu.memory_space<hbm>>) dst(%arg19 : memref<64x80xf32, #tpu.memory_space<vmem>>)
      %mul3A_84 = arith.constant 32 : i32
      %mul3A_85 = arith.muli %mul3A_84, %add3A_67 : i32
      %add3A_86 = arith.addi %add3A, %mul3A_85 : i32
      %mul3A_87 = arith.constant 64 : i32
      %mul3A_88 = arith.muli %add3A_86, %mul3A_87 : i32
      %multiple_of3A_89 = tpu.assume_multiple %mul3A_88, 64 : i32
      %dma_wait3A_90 = tpu.memref_slice %arg2[%multiple_of3A_89] : memref<320000xi32, #tpu.memory_space<hbm>> -> memref<64xi32, #tpu.memory_space<hbm>>
      %dma_wait3A_91 = tpu.memref_slice %arg2[%multiple_of3A_89] : memref<320000xi32, #tpu.memory_space<hbm>> -> memref<64xi32, #tpu.memory_space<hbm>>
      tpu.wait_dma2 semaphore(%arg27 : memref<!tpu.dma_semaphore, #tpu.memory_space<semaphore_mem>>) src(%dma_wait3A_91 : memref<64xi32, #tpu.memory_space<hbm>>) dst(%arg10 : memref<64xi32, #tpu.memory_space<vmem>>)
      %mul3A_92 = arith.constant 32 : i32
      %mul3A_93 = arith.muli %mul3A_92, %add3A_67 : i32
      %add3A_94 = arith.addi %add3A, %mul3A_93 : i32
      %mul3A_95 = arith.constant 64 : i32
      %mul3A_96 = arith.muli %add3A_94, %mul3A_95 : i32
      %multiple_of3A_97 = tpu.assume_multiple %mul3A_96, 64 : i32
      %dma_wait3A_98 = tpu.memref_slice %arg3[%multiple_of3A_97] : memref<320000xi32, #tpu.memory_space<hbm>> -> memref<64xi32, #tpu.memory_space<hbm>>
      %dma_wait3A_99 = tpu.memref_slice %arg3[%multiple_of3A_97] : memref<320000xi32, #tpu.memory_space<hbm>> -> memref<64xi32, #tpu.memory_space<hbm>>
      tpu.wait_dma2 semaphore(%arg27 : memref<!tpu.dma_semaphore, #tpu.memory_space<semaphore_mem>>) src(%dma_wait3A_99 : memref<64xi32, #tpu.memory_space<hbm>>) dst(%arg12 : memref<64xi32, #tpu.memory_space<vmem>>)
      %dma_start3A_100 = arith.constant 0 : i32
      %dma_start3A_101 = arith.constant 0 : i32
      %dma_start3A_102 = tpu.memref_slice %arg4[%dma_start3A_100, %dma_start3A_101] : memref<10000x80xf32, #tpu.memory_space<hbm>> -> memref<10000x80xf32, #tpu.memory_space<hbm>>
      tpu.enqueue_indirect_dma source(%dma_start3A_102 : memref<10000x80xf32, #tpu.memory_space<hbm>>) target(%arg16 : memref<64x80xf32, #tpu.memory_space<vmem>>) offsets(%arg12 : memref<64xi32, #tpu.memory_space<vmem>>) semaphore(%arg25 : memref<!tpu.dma_semaphore, #tpu.memory_space<semaphore_mem>>)
      %dma_start3A_103 = arith.constant 0 : i32
      %dma_start3A_104 = arith.constant 0 : i32
      %dma_start3A_105 = tpu.memref_slice %arg5[%dma_start3A_103, %dma_start3A_104] : memref<10000x160xf32, #tpu.memory_space<hbm>> -> memref<10000x160xf32, #tpu.memory_space<hbm>>
      tpu.enqueue_indirect_dma source(%dma_start3A_105 : memref<10000x160xf32, #tpu.memory_space<hbm>>) target(%arg18 : memref<64x160xf32, #tpu.memory_space<vmem>>) offsets(%arg10 : memref<64xi32, #tpu.memory_space<vmem>>) semaphore(%arg25 : memref<!tpu.dma_semaphore, #tpu.memory_space<semaphore_mem>>)
      %mul3A_106 = arith.constant 32 : i32
      %mul3A_107 = arith.muli %mul3A_106, %add3A_67 : i32
      %add3A_108 = arith.addi %add3A, %mul3A_107 : i32
      %mul3A_109 = arith.constant 64 : i32
      %mul3A_110 = arith.muli %add3A_108, %mul3A_109 : i32
      %multiple_of3A_111 = tpu.assume_multiple %mul3A_110, 64 : i32
      %dma_start3A_112 = arith.constant 0 : i32
      %dma_start3A_113 = tpu.memref_slice %arg6[%multiple_of3A_111, %dma_start3A_112] : memref<320000x128xf32, #tpu.memory_space<hbm>> -> memref<64x80xf32, #tpu.memory_space<hbm>>
      %dma_start3A_114 = arith.constant 0 : i32
      %dma_start3A_115 = tpu.memref_slice %arg6[%multiple_of3A_111, %dma_start3A_114] : memref<320000x128xf32, #tpu.memory_space<hbm>> -> memref<64x80xf32, #tpu.memory_space<hbm>>
      tpu.enqueue_dma source(%dma_start3A_115 : memref<64x80xf32, #tpu.memory_space<hbm>>) target(%arg20 : memref<64x80xf32, #tpu.memory_space<vmem>>) target_semaphore(%arg25 : memref<!tpu.dma_semaphore, #tpu.memory_space<semaphore_mem>>)
      %ge3A = arith.constant 2 : i32
      %ge3A_116 = arith.cmpi sge, %mul3A_65, %ge3A : i32
      %convert_element_type3A_117 = arith.extui %ge3A_116 : i1 to i32
      %cond3A_118 = arith.constant 0 : i32
      %cond3A_119 = arith.cmpi ne, %convert_element_type3A_117, %cond3A_118 : i32
      scf.if %cond3A_119 {
        %dma_wait3A_224 = arith.constant 0 : i32
        %dma_wait3A_225 = arith.constant 0 : i32
        %dma_wait3A_226 = tpu.memref_slice %arg23[%dma_wait3A_224, %dma_wait3A_225] : memref<10000x96xf32, #tpu.memory_space<vmem_shared>> -> memref<10000x96xf32, #tpu.memory_space<vmem_shared>>
        tpu.wait_indirect_dma semaphore(%arg28 : memref<!tpu.dma_semaphore, #tpu.memory_space<semaphore_mem>>) src(%arg21 : memref<64x96xf32, #tpu.memory_space<vmem>>) dst(%dma_wait3A_226 : memref<10000x96xf32, #tpu.memory_space<vmem_shared>>)
      } else {
      }
      %parallel_loop3A = arith.constant 0 : i32
      %parallel_loop3A_120 = arith.constant 64 : i32
      %parallel_loop3A_121 = arith.constant 1 : i32
      scf.for %parallel_loop3A_224 = %parallel_loop3A to %parallel_loop3A_120 step %parallel_loop3A_121  : i32 {
        %parallel_loop3A_225 = arith.constant 0.000000e+00 : f32
        %parallel_loop3A_226 = vector.broadcast %parallel_loop3A_225 : f32 to vector<16xf32>
        %parallel_loop3A_227 = arith.index_cast %parallel_loop3A_224 : i32 to index
        %parallel_loop3A_228 = arith.constant 0 : index
        %parallel_loop3A_229 = tpu.vector_load %arg15[%parallel_loop3A_227, %parallel_loop3A_228] {strides = array<i32>} : memref<64x80xf32, #tpu.memory_space<vmem>>, vector<1x16xf32>,
        %parallel_loop3A_230 = vector.shape_cast %parallel_loop3A_229 : vector<1x16xf32> to vector<16xf32>
        %parallel_loop3A_231 = arith.index_cast %parallel_loop3A_224 : i32 to index
        %parallel_loop3A_232 = arith.constant 0 : index
        %parallel_loop3A_233 = tpu.vector_load %arg17[%parallel_loop3A_231, %parallel_loop3A_232] {strides = array<i32>} : memref<64x160xf32, #tpu.memory_space<vmem>>, vector<1x16xf32>,
        %parallel_loop3A_234 = vector.shape_cast %parallel_loop3A_233 : vector<1x16xf32> to vector<16xf32>
        %parallel_loop3A_235 = arith.index_cast %parallel_loop3A_224 : i32 to index
        %parallel_loop3A_236 = arith.constant 0 : index
        %parallel_loop3A_237 = tpu.vector_load %arg19[%parallel_loop3A_235, %parallel_loop3A_236] {strides = array<i32>} : memref<64x80xf32, #tpu.memory_space<vmem>>, vector<1x16xf32>,
        %parallel_loop3A_238 = vector.shape_cast %parallel_loop3A_237 : vector<1x16xf32> to vector<16xf32>
        %parallel_loop3A_239 = arith.addf %parallel_loop3A_234, %parallel_loop3A_238 : vector<16xf32>
        %parallel_loop3A_240 = arith.mulf %parallel_loop3A_230, %parallel_loop3A_239 : vector<16xf32>
        %parallel_loop3A_241 = arith.addf %parallel_loop3A_226, %parallel_loop3A_240 : vector<16xf32>
        %parallel_loop3A_242 = arith.index_cast %parallel_loop3A_224 : i32 to index
        %parallel_loop3A_243 = arith.constant 16 : index
        %parallel_loop3A_244 = tpu.vector_load %arg15[%parallel_loop3A_242, %parallel_loop3A_243] {strides = array<i32>} : memref<64x80xf32, #tpu.memory_space<vmem>>, vector<1x16xf32>,
        %parallel_loop3A_245 = vector.shape_cast %parallel_loop3A_244 : vector<1x16xf32> to vector<16xf32>
        %parallel_loop3A_246 = arith.index_cast %parallel_loop3A_224 : i32 to index
        %parallel_loop3A_247 = arith.constant 16 : index
        %parallel_loop3A_248 = tpu.vector_load %arg17[%parallel_loop3A_246, %parallel_loop3A_247] {strides = array<i32>} : memref<64x160xf32, #tpu.memory_space<vmem>>, vector<1x16xf32>,
        %parallel_loop3A_249 = vector.shape_cast %parallel_loop3A_248 : vector<1x16xf32> to vector<16xf32>
        %parallel_loop3A_250 = arith.index_cast %parallel_loop3A_224 : i32 to index
        %parallel_loop3A_251 = arith.constant 16 : index
        %parallel_loop3A_252 = tpu.vector_load %arg19[%parallel_loop3A_250, %parallel_loop3A_251] {strides = array<i32>} : memref<64x80xf32, #tpu.memory_space<vmem>>, vector<1x16xf32>,
        %parallel_loop3A_253 = vector.shape_cast %parallel_loop3A_252 : vector<1x16xf32> to vector<16xf32>
        %parallel_loop3A_254 = arith.addf %parallel_loop3A_249, %parallel_loop3A_253 : vector<16xf32>
        %parallel_loop3A_255 = arith.mulf %parallel_loop3A_245, %parallel_loop3A_254 : vector<16xf32>
        %parallel_loop3A_256 = arith.addf %parallel_loop3A_241, %parallel_loop3A_255 : vector<16xf32>
        %parallel_loop3A_257 = arith.index_cast %parallel_loop3A_224 : i32 to index
        %parallel_loop3A_258 = arith.constant 32 : index
        %parallel_loop3A_259 = tpu.vector_load %arg15[%parallel_loop3A_257, %parallel_loop3A_258] {strides = array<i32>} : memref<64x80xf32, #tpu.memory_space<vmem>>, vector<1x16xf32>,
        %parallel_loop3A_260 = vector.shape_cast %parallel_loop3A_259 : vector<1x16xf32> to vector<16xf32>
        %parallel_loop3A_261 = arith.index_cast %parallel_loop3A_224 : i32 to index
        %parallel_loop3A_262 = arith.constant 32 : index
        %parallel_loop3A_263 = tpu.vector_load %arg17[%parallel_loop3A_261, %parallel_loop3A_262] {strides = array<i32>} : memref<64x160xf32, #tpu.memory_space<vmem>>, vector<1x16xf32>,
        %parallel_loop3A_264 = vector.shape_cast %parallel_loop3A_263 : vector<1x16xf32> to vector<16xf32>
        %parallel_loop3A_265 = arith.index_cast %parallel_loop3A_224 : i32 to index
        %parallel_loop3A_266 = arith.constant 32 : index
        %parallel_loop3A_267 = tpu.vector_load %arg19[%parallel_loop3A_265, %parallel_loop3A_266] {strides = array<i32>} : memref<64x80xf32, #tpu.memory_space<vmem>>, vector<1x16xf32>,
        %parallel_loop3A_268 = vector.shape_cast %parallel_loop3A_267 : vector<1x16xf32> to vector<16xf32>
        %parallel_loop3A_269 = arith.addf %parallel_loop3A_264, %parallel_loop3A_268 : vector<16xf32>
        %parallel_loop3A_270 = arith.mulf %parallel_loop3A_260, %parallel_loop3A_269 : vector<16xf32>
        %parallel_loop3A_271 = arith.addf %parallel_loop3A_256, %parallel_loop3A_270 : vector<16xf32>
        %parallel_loop3A_272 = arith.index_cast %parallel_loop3A_224 : i32 to index
        %parallel_loop3A_273 = arith.constant 48 : index
        %parallel_loop3A_274 = tpu.vector_load %arg15[%parallel_loop3A_272, %parallel_loop3A_273] {strides = array<i32>} : memref<64x80xf32, #tpu.memory_space<vmem>>, vector<1x16xf32>,
        %parallel_loop3A_275 = vector.shape_cast %parallel_loop3A_274 : vector<1x16xf32> to vector<16xf32>
        %parallel_loop3A_276 = arith.index_cast %parallel_loop3A_224 : i32 to index
        %parallel_loop3A_277 = arith.constant 48 : index
        %parallel_loop3A_278 = tpu.vector_load %arg17[%parallel_loop3A_276, %parallel_loop3A_277] {strides = array<i32>} : memref<64x160xf32, #tpu.memory_space<vmem>>, vector<1x16xf32>,
        %parallel_loop3A_279 = vector.shape_cast %parallel_loop3A_278 : vector<1x16xf32> to vector<16xf32>
        %parallel_loop3A_280 = arith.index_cast %parallel_loop3A_224 : i32 to index
        %parallel_loop3A_281 = arith.constant 48 : index
        %parallel_loop3A_282 = tpu.vector_load %arg19[%parallel_loop3A_280, %parallel_loop3A_281] {strides = array<i32>} : memref<64x80xf32, #tpu.memory_space<vmem>>, vector<1x16xf32>,
        %parallel_loop3A_283 = vector.shape_cast %parallel_loop3A_282 : vector<1x16xf32> to vector<16xf32>
        %parallel_loop3A_284 = arith.addf %parallel_loop3A_279, %parallel_loop3A_283 : vector<16xf32>
        %parallel_loop3A_285 = arith.mulf %parallel_loop3A_275, %parallel_loop3A_284 : vector<16xf32>
        %parallel_loop3A_286 = arith.addf %parallel_loop3A_271, %parallel_loop3A_285 : vector<16xf32>
        %parallel_loop3A_287 = arith.index_cast %parallel_loop3A_224 : i32 to index
        %parallel_loop3A_288 = arith.constant 64 : index
        %parallel_loop3A_289 = tpu.vector_load %arg15[%parallel_loop3A_287, %parallel_loop3A_288] {strides = array<i32>} : memref<64x80xf32, #tpu.memory_space<vmem>>, vector<1x16xf32>,
        %parallel_loop3A_290 = vector.shape_cast %parallel_loop3A_289 : vector<1x16xf32> to vector<16xf32>
        %parallel_loop3A_291 = arith.index_cast %parallel_loop3A_224 : i32 to index
        %parallel_loop3A_292 = arith.constant 64 : index
        %parallel_loop3A_293 = tpu.vector_load %arg17[%parallel_loop3A_291, %parallel_loop3A_292] {strides = array<i32>} : memref<64x160xf32, #tpu.memory_space<vmem>>, vector<1x16xf32>,
        %parallel_loop3A_294 = vector.shape_cast %parallel_loop3A_293 : vector<1x16xf32> to vector<16xf32>
        %parallel_loop3A_295 = arith.index_cast %parallel_loop3A_224 : i32 to index
        %parallel_loop3A_296 = arith.constant 64 : index
        %parallel_loop3A_297 = tpu.vector_load %arg19[%parallel_loop3A_295, %parallel_loop3A_296] {strides = array<i32>} : memref<64x80xf32, #tpu.memory_space<vmem>>, vector<1x16xf32>,
        %parallel_loop3A_298 = vector.shape_cast %parallel_loop3A_297 : vector<1x16xf32> to vector<16xf32>
        %parallel_loop3A_299 = arith.addf %parallel_loop3A_294, %parallel_loop3A_298 : vector<16xf32>
        %parallel_loop3A_300 = arith.mulf %parallel_loop3A_290, %parallel_loop3A_299 : vector<16xf32>
        %parallel_loop3A_301 = arith.addf %parallel_loop3A_286, %parallel_loop3A_300 : vector<16xf32>
        %parallel_loop3A_302 = arith.constant 0.44721359 : f32
        %parallel_loop3A_303 = vector.broadcast %parallel_loop3A_302 : f32 to vector<16xf32>
        %parallel_loop3A_304 = arith.mulf %parallel_loop3A_301, %parallel_loop3A_303 : vector<16xf32>
        %parallel_loop3A_305 = math.exp %parallel_loop3A_304 : vector<16xf32>
        %parallel_loop3A_306 = arith.index_cast %parallel_loop3A_224 : i32 to index
        %parallel_loop3A_307 = arith.constant 80 : index
        %parallel_loop3A_308 = tpu.vector_load %arg17[%parallel_loop3A_306, %parallel_loop3A_307] {strides = array<i32>} : memref<64x160xf32, #tpu.memory_space<vmem>>, vector<1x16xf32>,
        %parallel_loop3A_309 = vector.shape_cast %parallel_loop3A_308 : vector<1x16xf32> to vector<16xf32>
        %parallel_loop3A_310 = arith.addf %parallel_loop3A_309, %parallel_loop3A_238 : vector<16xf32>
        %parallel_loop3A_311 = arith.mulf %parallel_loop3A_310, %parallel_loop3A_305 : vector<16xf32>
        %parallel_loop3A_312 = arith.index_cast %parallel_loop3A_224 : i32 to index
        %parallel_loop3A_313 = arith.constant 0 : index
        %parallel_loop3A_314 = tpu.vector_load %arg21[%parallel_loop3A_312, %parallel_loop3A_313] {strides = array<i32>} : memref<64x96xf32, #tpu.memory_space<vmem>>, vector<1x16xf32>,
        %parallel_loop3A_315 = vector.shape_cast %parallel_loop3A_314 : vector<1x16xf32> to vector<16xf32>
        %parallel_loop3A_316 = vector.shape_cast %parallel_loop3A_311 : vector<16xf32> to vector<1x16xf32>
        tpu.vector_store %arg21[%parallel_loop3A_312, %parallel_loop3A_313], %parallel_loop3A_316 {strides = array<i32>} : memref<64x96xf32, #tpu.memory_space<vmem>>, vector<1x16xf32>,
        %parallel_loop3A_317 = arith.index_cast %parallel_loop3A_224 : i32 to index
        %parallel_loop3A_318 = arith.constant 96 : index
        %parallel_loop3A_319 = tpu.vector_load %arg17[%parallel_loop3A_317, %parallel_loop3A_318] {strides = array<i32>} : memref<64x160xf32, #tpu.memory_space<vmem>>, vector<1x16xf32>,
        %parallel_loop3A_320 = vector.shape_cast %parallel_loop3A_319 : vector<1x16xf32> to vector<16xf32>
        %parallel_loop3A_321 = arith.addf %parallel_loop3A_320, %parallel_loop3A_253 : vector<16xf32>
        %parallel_loop3A_322 = arith.mulf %parallel_loop3A_321, %parallel_loop3A_305 : vector<16xf32>
        %parallel_loop3A_323 = arith.index_cast %parallel_loop3A_224 : i32 to index
        %parallel_loop3A_324 = arith.constant 16 : index
        %parallel_loop3A_325 = tpu.vector_load %arg21[%parallel_loop3A_323, %parallel_loop3A_324] {strides = array<i32>} : memref<64x96xf32, #tpu.memory_space<vmem>>, vector<1x16xf32>,
        %parallel_loop3A_326 = vector.shape_cast %parallel_loop3A_325 : vector<1x16xf32> to vector<16xf32>
        %parallel_loop3A_327 = vector.shape_cast %parallel_loop3A_322 : vector<16xf32> to vector<1x16xf32>
        tpu.vector_store %arg21[%parallel_loop3A_323, %parallel_loop3A_324], %parallel_loop3A_327 {strides = array<i32>} : memref<64x96xf32, #tpu.memory_space<vmem>>, vector<1x16xf32>,
        %parallel_loop3A_328 = arith.index_cast %parallel_loop3A_224 : i32 to index
        %parallel_loop3A_329 = arith.constant 112 : index
        %parallel_loop3A_330 = tpu.vector_load %arg17[%parallel_loop3A_328, %parallel_loop3A_329] {strides = array<i32>} : memref<64x160xf32, #tpu.memory_space<vmem>>, vector<1x16xf32>,
        %parallel_loop3A_331 = vector.shape_cast %parallel_loop3A_330 : vector<1x16xf32> to vector<16xf32>
        %parallel_loop3A_332 = arith.addf %parallel_loop3A_331, %parallel_loop3A_268 : vector<16xf32>
        %parallel_loop3A_333 = arith.mulf %parallel_loop3A_332, %parallel_loop3A_305 : vector<16xf32>
        %parallel_loop3A_334 = arith.index_cast %parallel_loop3A_224 : i32 to index
        %parallel_loop3A_335 = arith.constant 32 : index
        %parallel_loop3A_336 = tpu.vector_load %arg21[%parallel_loop3A_334, %parallel_loop3A_335] {strides = array<i32>} : memref<64x96xf32, #tpu.memory_space<vmem>>, vector<1x16xf32>,
        %parallel_loop3A_337 = vector.shape_cast %parallel_loop3A_336 : vector<1x16xf32> to vector<16xf32>
        %parallel_loop3A_338 = vector.shape_cast %parallel_loop3A_333 : vector<16xf32> to vector<1x16xf32>
        tpu.vector_store %arg21[%parallel_loop3A_334, %parallel_loop3A_335], %parallel_loop3A_338 {strides = array<i32>} : memref<64x96xf32, #tpu.memory_space<vmem>>, vector<1x16xf32>,
        %parallel_loop3A_339 = arith.index_cast %parallel_loop3A_224 : i32 to index
        %parallel_loop3A_340 = arith.constant 128 : index
        %parallel_loop3A_341 = tpu.vector_load %arg17[%parallel_loop3A_339, %parallel_loop3A_340] {strides = array<i32>} : memref<64x160xf32, #tpu.memory_space<vmem>>, vector<1x16xf32>,
        %parallel_loop3A_342 = vector.shape_cast %parallel_loop3A_341 : vector<1x16xf32> to vector<16xf32>
        %parallel_loop3A_343 = arith.addf %parallel_loop3A_342, %parallel_loop3A_283 : vector<16xf32>
        %parallel_loop3A_344 = arith.mulf %parallel_loop3A_343, %parallel_loop3A_305 : vector<16xf32>
        %parallel_loop3A_345 = arith.index_cast %parallel_loop3A_224 : i32 to index
        %parallel_loop3A_346 = arith.constant 48 : index
        %parallel_loop3A_347 = tpu.vector_load %arg21[%parallel_loop3A_345, %parallel_loop3A_346] {strides = array<i32>} : memref<64x96xf32, #tpu.memory_space<vmem>>, vector<1x16xf32>,
        %parallel_loop3A_348 = vector.shape_cast %parallel_loop3A_347 : vector<1x16xf32> to vector<16xf32>
        %parallel_loop3A_349 = vector.shape_cast %parallel_loop3A_344 : vector<16xf32> to vector<1x16xf32>
        tpu.vector_store %arg21[%parallel_loop3A_345, %parallel_loop3A_346], %parallel_loop3A_349 {strides = array<i32>} : memref<64x96xf32, #tpu.memory_space<vmem>>, vector<1x16xf32>,
        %parallel_loop3A_350 = arith.index_cast %parallel_loop3A_224 : i32 to index
        %parallel_loop3A_351 = arith.constant 144 : index
        %parallel_loop3A_352 = tpu.vector_load %arg17[%parallel_loop3A_350, %parallel_loop3A_351] {strides = array<i32>} : memref<64x160xf32, #tpu.memory_space<vmem>>, vector<1x16xf32>,
        %parallel_loop3A_353 = vector.shape_cast %parallel_loop3A_352 : vector<1x16xf32> to vector<16xf32>
        %parallel_loop3A_354 = arith.addf %parallel_loop3A_353, %parallel_loop3A_298 : vector<16xf32>
        %parallel_loop3A_355 = arith.mulf %parallel_loop3A_354, %parallel_loop3A_305 : vector<16xf32>
        %parallel_loop3A_356 = arith.index_cast %parallel_loop3A_224 : i32 to index
        %parallel_loop3A_357 = arith.constant 64 : index
        %parallel_loop3A_358 = tpu.vector_load %arg21[%parallel_loop3A_356, %parallel_loop3A_357] {strides = array<i32>} : memref<64x96xf32, #tpu.memory_space<vmem>>, vector<1x16xf32>,
        %parallel_loop3A_359 = vector.shape_cast %parallel_loop3A_358 : vector<1x16xf32> to vector<16xf32>
        %parallel_loop3A_360 = vector.shape_cast %parallel_loop3A_355 : vector<16xf32> to vector<1x16xf32>
        tpu.vector_store %arg21[%parallel_loop3A_356, %parallel_loop3A_357], %parallel_loop3A_360 {strides = array<i32>} : memref<64x96xf32, #tpu.memory_space<vmem>>, vector<1x16xf32>,
        %parallel_loop3A_361 = arith.index_cast %parallel_loop3A_224 : i32 to index
        %parallel_loop3A_362 = arith.constant 80 : index
        %parallel_loop3A_363 = tpu.vector_load %arg21[%parallel_loop3A_361, %parallel_loop3A_362] {strides = array<i32>} : memref<64x96xf32, #tpu.memory_space<vmem>>, vector<1x16xf32>,
        %parallel_loop3A_364 = vector.shape_cast %parallel_loop3A_363 : vector<1x16xf32> to vector<16xf32>
        %parallel_loop3A_365 = vector.shape_cast %parallel_loop3A_305 : vector<16xf32> to vector<1x16xf32>
        tpu.vector_store %arg21[%parallel_loop3A_361, %parallel_loop3A_362], %parallel_loop3A_365 {strides = array<i32>} : memref<64x96xf32, #tpu.memory_space<vmem>>, vector<1x16xf32>,
      } {sc.loop_unroll_factor = 8 : i64, sc.parallel_access}
      %get3A = arith.constant 0 : index
      %get3A_122 = tpu.vector_load %arg11[%get3A] {strides = array<i32>} : memref<64xi32, #tpu.memory_space<vmem>>, vector<16xi32>,
      %get3A_123 = vector.shape_cast %get3A_122 : vector<16xi32> to vector<16xi32>
      %swap3A = arith.constant 0 : index
      %swap3A_124 = tpu.vector_load %arg13[%swap3A] {strides = array<i32>} : memref<64xi32, #tpu.memory_space<vmem>>, vector<16xi32>,
      %swap3A_125 = vector.shape_cast %swap3A_124 : vector<16xi32> to vector<16xi32>
      %swap3A_126 = vector.shape_cast %get3A_123 : vector<16xi32> to vector<16xi32>
      tpu.vector_store %arg13[%swap3A], %swap3A_126 {strides = array<i32>} : memref<64xi32, #tpu.memory_space<vmem>>, vector<16xi32>,
      %get3A_127 = arith.constant 16 : index
      %get3A_128 = tpu.vector_load %arg11[%get3A_127] {strides = array<i32>} : memref<64xi32, #tpu.memory_space<vmem>>, vector<16xi32>,
      %get3A_129 = vector.shape_cast %get3A_128 : vector<16xi32> to vector<16xi32>
      %swap3A_130 = arith.constant 16 : index
      %swap3A_131 = tpu.vector_load %arg13[%swap3A_130] {strides = array<i32>} : memref<64xi32, #tpu.memory_space<vmem>>, vector<16xi32>,
      %swap3A_132 = vector.shape_cast %swap3A_131 : vector<16xi32> to vector<16xi32>
      %swap3A_133 = vector.shape_cast %get3A_129 : vector<16xi32> to vector<16xi32>
      tpu.vector_store %arg13[%swap3A_130], %swap3A_133 {strides = array<i32>} : memref<64xi32, #tpu.memory_space<vmem>>, vector<16xi32>,
      %get3A_134 = arith.constant 32 : index
      %get3A_135 = tpu.vector_load %arg11[%get3A_134] {strides = array<i32>} : memref<64xi32, #tpu.memory_space<vmem>>, vector<16xi32>,
      %get3A_136 = vector.shape_cast %get3A_135 : vector<16xi32> to vector<16xi32>
      %swap3A_137 = arith.constant 32 : index
      %swap3A_138 = tpu.vector_load %arg13[%swap3A_137] {strides = array<i32>} : memref<64xi32, #tpu.memory_space<vmem>>, vector<16xi32>,
      %swap3A_139 = vector.shape_cast %swap3A_138 : vector<16xi32> to vector<16xi32>
      %swap3A_140 = vector.shape_cast %get3A_136 : vector<16xi32> to vector<16xi32>
      tpu.vector_store %arg13[%swap3A_137], %swap3A_140 {strides = array<i32>} : memref<64xi32, #tpu.memory_space<vmem>>, vector<16xi32>,
      %get3A_141 = arith.constant 48 : index
      %get3A_142 = tpu.vector_load %arg11[%get3A_141] {strides = array<i32>} : memref<64xi32, #tpu.memory_space<vmem>>, vector<16xi32>,
      %get3A_143 = vector.shape_cast %get3A_142 : vector<16xi32> to vector<16xi32>
      %swap3A_144 = arith.constant 48 : index
      %swap3A_145 = tpu.vector_load %arg13[%swap3A_144] {strides = array<i32>} : memref<64xi32, #tpu.memory_space<vmem>>, vector<16xi32>,
      %swap3A_146 = vector.shape_cast %swap3A_145 : vector<16xi32> to vector<16xi32>
      %swap3A_147 = vector.shape_cast %get3A_143 : vector<16xi32> to vector<16xi32>
      tpu.vector_store %arg13[%swap3A_144], %swap3A_147 {strides = array<i32>} : memref<64xi32, #tpu.memory_space<vmem>>, vector<16xi32>,
      %dma_start3A_148 = arith.constant 0 : i32
      %dma_start3A_149 = arith.constant 0 : i32
      %dma_start3A_150 = tpu.memref_slice %arg23[%dma_start3A_148, %dma_start3A_149] : memref<10000x96xf32, #tpu.memory_space<vmem_shared>> -> memref<10000x96xf32, #tpu.memory_space<vmem_shared>>
      tpu.enqueue_indirect_dma source(%arg21 : memref<64x96xf32, #tpu.memory_space<vmem>>) target(%dma_start3A_150 : memref<10000x96xf32, #tpu.memory_space<vmem_shared>>) offsets(%arg13 : memref<64xi32, #tpu.memory_space<vmem>>) semaphore(%arg28 : memref<!tpu.dma_semaphore, #tpu.memory_space<semaphore_mem>>) {add = true}
      %add3A_151 = arith.constant 2 : i32
      %add3A_152 = arith.addi %mul3A_65, %add3A_151 : i32
      %lt3A_153 = arith.cmpi slt, %add3A_152, %select_n3A : i32
      %convert_element_type3A_154 = arith.extui %lt3A_153 : i1 to i32
      %cond3A_155 = arith.constant 0 : i32
      %cond3A_156 = arith.cmpi ne, %convert_element_type3A_154, %cond3A_155 : i32
      scf.if %cond3A_156 {
        %add3A_224 = arith.constant 2 : i32
        %add3A_225 = arith.addi %mul3A_65, %add3A_224 : i32
        %mul3A_226 = arith.constant 32 : i32
        %mul3A_227 = arith.muli %mul3A_226, %add3A_225 : i32
        %add3A_228 = arith.addi %add3A, %mul3A_227 : i32
        %mul3A_229 = arith.constant 64 : i32
        %mul3A_230 = arith.muli %add3A_228, %mul3A_229 : i32
        %multiple_of3A_231 = tpu.assume_multiple %mul3A_230, 64 : i32
        %dma_start3A_232 = tpu.memref_slice %arg2[%multiple_of3A_231] : memref<320000xi32, #tpu.memory_space<hbm>> -> memref<64xi32, #tpu.memory_space<hbm>>
        %dma_start3A_233 = tpu.memref_slice %arg2[%multiple_of3A_231] : memref<320000xi32, #tpu.memory_space<hbm>> -> memref<64xi32, #tpu.memory_space<hbm>>
        tpu.enqueue_dma source(%dma_start3A_233 : memref<64xi32, #tpu.memory_space<hbm>>) target(%arg9 : memref<64xi32, #tpu.memory_space<vmem>>) target_semaphore(%arg26 : memref<!tpu.dma_semaphore, #tpu.memory_space<semaphore_mem>>)
        %mul3A_234 = arith.constant 32 : i32
        %mul3A_235 = arith.muli %mul3A_234, %add3A_225 : i32
        %add3A_236 = arith.addi %add3A, %mul3A_235 : i32
        %mul3A_237 = arith.constant 64 : i32
        %mul3A_238 = arith.muli %add3A_236, %mul3A_237 : i32
        %multiple_of3A_239 = tpu.assume_multiple %mul3A_238, 64 : i32
        %dma_start3A_240 = tpu.memref_slice %arg3[%multiple_of3A_239] : memref<320000xi32, #tpu.memory_space<hbm>> -> memref<64xi32, #tpu.memory_space<hbm>>
        %dma_start3A_241 = tpu.memref_slice %arg3[%multiple_of3A_239] : memref<320000xi32, #tpu.memory_space<hbm>> -> memref<64xi32, #tpu.memory_space<hbm>>
        tpu.enqueue_dma source(%dma_start3A_241 : memref<64xi32, #tpu.memory_space<hbm>>) target(%arg11 : memref<64xi32, #tpu.memory_space<vmem>>) target_semaphore(%arg26 : memref<!tpu.dma_semaphore, #tpu.memory_space<semaphore_mem>>)
      } else {
      }
      %dma_wait3A_157 = arith.constant 0 : i32
      %dma_wait3A_158 = arith.constant 0 : i32
      %dma_wait3A_159 = tpu.memref_slice %arg4[%dma_wait3A_157, %dma_wait3A_158] : memref<10000x80xf32, #tpu.memory_space<hbm>> -> memref<10000x80xf32, #tpu.memory_space<hbm>>
      tpu.wait_indirect_dma semaphore(%arg25 : memref<!tpu.dma_semaphore, #tpu.memory_space<semaphore_mem>>) src(%dma_wait3A_159 : memref<10000x80xf32, #tpu.memory_space<hbm>>) dst(%arg16 : memref<64x80xf32, #tpu.memory_space<vmem>>)
      %dma_wait3A_160 = arith.constant 0 : i32
      %dma_wait3A_161 = arith.constant 0 : i32
      %dma_wait3A_162 = tpu.memref_slice %arg5[%dma_wait3A_160, %dma_wait3A_161] : memref<10000x160xf32, #tpu.memory_space<hbm>> -> memref<10000x160xf32, #tpu.memory_space<hbm>>
      tpu.wait_indirect_dma semaphore(%arg25 : memref<!tpu.dma_semaphore, #tpu.memory_space<semaphore_mem>>) src(%dma_wait3A_162 : memref<10000x160xf32, #tpu.memory_space<hbm>>) dst(%arg18 : memref<64x160xf32, #tpu.memory_space<vmem>>)
      %mul3A_163 = arith.constant 32 : i32
      %mul3A_164 = arith.muli %mul3A_163, %add3A_67 : i32
      %add3A_165 = arith.addi %add3A, %mul3A_164 : i32
      %mul3A_166 = arith.constant 64 : i32
      %mul3A_167 = arith.muli %add3A_165, %mul3A_166 : i32
      %multiple_of3A_168 = tpu.assume_multiple %mul3A_167, 64 : i32
      %dma_wait3A_169 = arith.constant 0 : i32
      %dma_wait3A_170 = tpu.memref_slice %arg6[%multiple_of3A_168, %dma_wait3A_169] : memref<320000x128xf32, #tpu.memory_space<hbm>> -> memref<64x80xf32, #tpu.memory_space<hbm>>
      %dma_wait3A_171 = arith.constant 0 : i32
      %dma_wait3A_172 = tpu.memref_slice %arg6[%multiple_of3A_168, %dma_wait3A_171] : memref<320000x128xf32, #tpu.memory_space<hbm>> -> memref<64x80xf32, #tpu.memory_space<hbm>>
      tpu.wait_dma2 semaphore(%arg25 : memref<!tpu.dma_semaphore, #tpu.memory_space<semaphore_mem>>) src(%dma_wait3A_172 : memref<64x80xf32, #tpu.memory_space<hbm>>) dst(%arg20 : memref<64x80xf32, #tpu.memory_space<vmem>>)
      %ge3A_173 = arith.constant 3 : i32
      %ge3A_174 = arith.cmpi sge, %add3A_67, %ge3A_173 : i32
      %convert_element_type3A_175 = arith.extui %ge3A_174 : i1 to i32
      %cond3A_176 = arith.constant 0 : i32
      %cond3A_177 = arith.cmpi ne, %convert_element_type3A_175, %cond3A_176 : i32
      scf.if %cond3A_177 {
        %dma_wait3A_224 = arith.constant 0 : i32
        %dma_wait3A_225 = arith.constant 0 : i32
        %dma_wait3A_226 = tpu.memref_slice %arg23[%dma_wait3A_224, %dma_wait3A_225] : memref<10000x96xf32, #tpu.memory_space<vmem_shared>> -> memref<10000x96xf32, #tpu.memory_space<vmem_shared>>
        tpu.wait_indirect_dma semaphore(%arg29 : memref<!tpu.dma_semaphore, #tpu.memory_space<semaphore_mem>>) src(%arg22 : memref<64x96xf32, #tpu.memory_space<vmem>>) dst(%dma_wait3A_226 : memref<10000x96xf32, #tpu.memory_space<vmem_shared>>)
      } else {
      }
      %parallel_loop3A_178 = arith.constant 0 : i32
      %parallel_loop3A_179 = arith.constant 64 : i32
      %parallel_loop3A_180 = arith.constant 1 : i32
      scf.for %parallel_loop3A_224 = %parallel_loop3A_178 to %parallel_loop3A_179 step %parallel_loop3A_180  : i32 {
        %parallel_loop3A_225 = arith.constant 0.000000e+00 : f32
        %parallel_loop3A_226 = vector.broadcast %parallel_loop3A_225 : f32 to vector<16xf32>
        %parallel_loop3A_227 = arith.index_cast %parallel_loop3A_224 : i32 to index
        %parallel_loop3A_228 = arith.constant 0 : index
        %parallel_loop3A_229 = tpu.vector_load %arg16[%parallel_loop3A_227, %parallel_loop3A_228] {strides = array<i32>} : memref<64x80xf32, #tpu.memory_space<vmem>>, vector<1x16xf32>,
        %parallel_loop3A_230 = vector.shape_cast %parallel_loop3A_229 : vector<1x16xf32> to vector<16xf32>
        %parallel_loop3A_231 = arith.index_cast %parallel_loop3A_224 : i32 to index
        %parallel_loop3A_232 = arith.constant 0 : index
        %parallel_loop3A_233 = tpu.vector_load %arg18[%parallel_loop3A_231, %parallel_loop3A_232] {strides = array<i32>} : memref<64x160xf32, #tpu.memory_space<vmem>>, vector<1x16xf32>,
        %parallel_loop3A_234 = vector.shape_cast %parallel_loop3A_233 : vector<1x16xf32> to vector<16xf32>
        %parallel_loop3A_235 = arith.index_cast %parallel_loop3A_224 : i32 to index
        %parallel_loop3A_236 = arith.constant 0 : index
        %parallel_loop3A_237 = tpu.vector_load %arg20[%parallel_loop3A_235, %parallel_loop3A_236] {strides = array<i32>} : memref<64x80xf32, #tpu.memory_space<vmem>>, vector<1x16xf32>,
        %parallel_loop3A_238 = vector.shape_cast %parallel_loop3A_237 : vector<1x16xf32> to vector<16xf32>
        %parallel_loop3A_239 = arith.addf %parallel_loop3A_234, %parallel_loop3A_238 : vector<16xf32>
        %parallel_loop3A_240 = arith.mulf %parallel_loop3A_230, %parallel_loop3A_239 : vector<16xf32>
        %parallel_loop3A_241 = arith.addf %parallel_loop3A_226, %parallel_loop3A_240 : vector<16xf32>
        %parallel_loop3A_242 = arith.index_cast %parallel_loop3A_224 : i32 to index
        %parallel_loop3A_243 = arith.constant 16 : index
        %parallel_loop3A_244 = tpu.vector_load %arg16[%parallel_loop3A_242, %parallel_loop3A_243] {strides = array<i32>} : memref<64x80xf32, #tpu.memory_space<vmem>>, vector<1x16xf32>,
        %parallel_loop3A_245 = vector.shape_cast %parallel_loop3A_244 : vector<1x16xf32> to vector<16xf32>
        %parallel_loop3A_246 = arith.index_cast %parallel_loop3A_224 : i32 to index
        %parallel_loop3A_247 = arith.constant 16 : index
        %parallel_loop3A_248 = tpu.vector_load %arg18[%parallel_loop3A_246, %parallel_loop3A_247] {strides = array<i32>} : memref<64x160xf32, #tpu.memory_space<vmem>>, vector<1x16xf32>,
        %parallel_loop3A_249 = vector.shape_cast %parallel_loop3A_248 : vector<1x16xf32> to vector<16xf32>
        %parallel_loop3A_250 = arith.index_cast %parallel_loop3A_224 : i32 to index
        %parallel_loop3A_251 = arith.constant 16 : index
        %parallel_loop3A_252 = tpu.vector_load %arg20[%parallel_loop3A_250, %parallel_loop3A_251] {strides = array<i32>} : memref<64x80xf32, #tpu.memory_space<vmem>>, vector<1x16xf32>,
        %parallel_loop3A_253 = vector.shape_cast %parallel_loop3A_252 : vector<1x16xf32> to vector<16xf32>
        %parallel_loop3A_254 = arith.addf %parallel_loop3A_249, %parallel_loop3A_253 : vector<16xf32>
        %parallel_loop3A_255 = arith.mulf %parallel_loop3A_245, %parallel_loop3A_254 : vector<16xf32>
        %parallel_loop3A_256 = arith.addf %parallel_loop3A_241, %parallel_loop3A_255 : vector<16xf32>
        %parallel_loop3A_257 = arith.index_cast %parallel_loop3A_224 : i32 to index
        %parallel_loop3A_258 = arith.constant 32 : index
        %parallel_loop3A_259 = tpu.vector_load %arg16[%parallel_loop3A_257, %parallel_loop3A_258] {strides = array<i32>} : memref<64x80xf32, #tpu.memory_space<vmem>>, vector<1x16xf32>,
        %parallel_loop3A_260 = vector.shape_cast %parallel_loop3A_259 : vector<1x16xf32> to vector<16xf32>
        %parallel_loop3A_261 = arith.index_cast %parallel_loop3A_224 : i32 to index
        %parallel_loop3A_262 = arith.constant 32 : index
        %parallel_loop3A_263 = tpu.vector_load %arg18[%parallel_loop3A_261, %parallel_loop3A_262] {strides = array<i32>} : memref<64x160xf32, #tpu.memory_space<vmem>>, vector<1x16xf32>,
        %parallel_loop3A_264 = vector.shape_cast %parallel_loop3A_263 : vector<1x16xf32> to vector<16xf32>
        %parallel_loop3A_265 = arith.index_cast %parallel_loop3A_224 : i32 to index
        %parallel_loop3A_266 = arith.constant 32 : index
        %parallel_loop3A_267 = tpu.vector_load %arg20[%parallel_loop3A_265, %parallel_loop3A_266] {strides = array<i32>} : memref<64x80xf32, #tpu.memory_space<vmem>>, vector<1x16xf32>,
        %parallel_loop3A_268 = vector.shape_cast %parallel_loop3A_267 : vector<1x16xf32> to vector<16xf32>
        %parallel_loop3A_269 = arith.addf %parallel_loop3A_264, %parallel_loop3A_268 : vector<16xf32>
        %parallel_loop3A_270 = arith.mulf %parallel_loop3A_260, %parallel_loop3A_269 : vector<16xf32>
        %parallel_loop3A_271 = arith.addf %parallel_loop3A_256, %parallel_loop3A_270 : vector<16xf32>
        %parallel_loop3A_272 = arith.index_cast %parallel_loop3A_224 : i32 to index
        %parallel_loop3A_273 = arith.constant 48 : index
        %parallel_loop3A_274 = tpu.vector_load %arg16[%parallel_loop3A_272, %parallel_loop3A_273] {strides = array<i32>} : memref<64x80xf32, #tpu.memory_space<vmem>>, vector<1x16xf32>,
        %parallel_loop3A_275 = vector.shape_cast %parallel_loop3A_274 : vector<1x16xf32> to vector<16xf32>
        %parallel_loop3A_276 = arith.index_cast %parallel_loop3A_224 : i32 to index
        %parallel_loop3A_277 = arith.constant 48 : index
        %parallel_loop3A_278 = tpu.vector_load %arg18[%parallel_loop3A_276, %parallel_loop3A_277] {strides = array<i32>} : memref<64x160xf32, #tpu.memory_space<vmem>>, vector<1x16xf32>,
        %parallel_loop3A_279 = vector.shape_cast %parallel_loop3A_278 : vector<1x16xf32> to vector<16xf32>
        %parallel_loop3A_280 = arith.index_cast %parallel_loop3A_224 : i32 to index
        %parallel_loop3A_281 = arith.constant 48 : index
        %parallel_loop3A_282 = tpu.vector_load %arg20[%parallel_loop3A_280, %parallel_loop3A_281] {strides = array<i32>} : memref<64x80xf32, #tpu.memory_space<vmem>>, vector<1x16xf32>,
        %parallel_loop3A_283 = vector.shape_cast %parallel_loop3A_282 : vector<1x16xf32> to vector<16xf32>
        %parallel_loop3A_284 = arith.addf %parallel_loop3A_279, %parallel_loop3A_283 : vector<16xf32>
        %parallel_loop3A_285 = arith.mulf %parallel_loop3A_275, %parallel_loop3A_284 : vector<16xf32>
        %parallel_loop3A_286 = arith.addf %parallel_loop3A_271, %parallel_loop3A_285 : vector<16xf32>
        %parallel_loop3A_287 = arith.index_cast %parallel_loop3A_224 : i32 to index
        %parallel_loop3A_288 = arith.constant 64 : index
        %parallel_loop3A_289 = tpu.vector_load %arg16[%parallel_loop3A_287, %parallel_loop3A_288] {strides = array<i32>} : memref<64x80xf32, #tpu.memory_space<vmem>>, vector<1x16xf32>,
        %parallel_loop3A_290 = vector.shape_cast %parallel_loop3A_289 : vector<1x16xf32> to vector<16xf32>
        %parallel_loop3A_291 = arith.index_cast %parallel_loop3A_224 : i32 to index
        %parallel_loop3A_292 = arith.constant 64 : index
        %parallel_loop3A_293 = tpu.vector_load %arg18[%parallel_loop3A_291, %parallel_loop3A_292] {strides = array<i32>} : memref<64x160xf32, #tpu.memory_space<vmem>>, vector<1x16xf32>,
        %parallel_loop3A_294 = vector.shape_cast %parallel_loop3A_293 : vector<1x16xf32> to vector<16xf32>
        %parallel_loop3A_295 = arith.index_cast %parallel_loop3A_224 : i32 to index
        %parallel_loop3A_296 = arith.constant 64 : index
        %parallel_loop3A_297 = tpu.vector_load %arg20[%parallel_loop3A_295, %parallel_loop3A_296] {strides = array<i32>} : memref<64x80xf32, #tpu.memory_space<vmem>>, vector<1x16xf32>,
        %parallel_loop3A_298 = vector.shape_cast %parallel_loop3A_297 : vector<1x16xf32> to vector<16xf32>
        %parallel_loop3A_299 = arith.addf %parallel_loop3A_294, %parallel_loop3A_298 : vector<16xf32>
        %parallel_loop3A_300 = arith.mulf %parallel_loop3A_290, %parallel_loop3A_299 : vector<16xf32>
        %parallel_loop3A_301 = arith.addf %parallel_loop3A_286, %parallel_loop3A_300 : vector<16xf32>
        %parallel_loop3A_302 = arith.constant 0.44721359 : f32
        %parallel_loop3A_303 = vector.broadcast %parallel_loop3A_302 : f32 to vector<16xf32>
        %parallel_loop3A_304 = arith.mulf %parallel_loop3A_301, %parallel_loop3A_303 : vector<16xf32>
        %parallel_loop3A_305 = math.exp %parallel_loop3A_304 : vector<16xf32>
        %parallel_loop3A_306 = arith.index_cast %parallel_loop3A_224 : i32 to index
        %parallel_loop3A_307 = arith.constant 80 : index
        %parallel_loop3A_308 = tpu.vector_load %arg18[%parallel_loop3A_306, %parallel_loop3A_307] {strides = array<i32>} : memref<64x160xf32, #tpu.memory_space<vmem>>, vector<1x16xf32>,
        %parallel_loop3A_309 = vector.shape_cast %parallel_loop3A_308 : vector<1x16xf32> to vector<16xf32>
        %parallel_loop3A_310 = arith.addf %parallel_loop3A_309, %parallel_loop3A_238 : vector<16xf32>
        %parallel_loop3A_311 = arith.mulf %parallel_loop3A_310, %parallel_loop3A_305 : vector<16xf32>
        %parallel_loop3A_312 = arith.index_cast %parallel_loop3A_224 : i32 to index
        %parallel_loop3A_313 = arith.constant 0 : index
        %parallel_loop3A_314 = tpu.vector_load %arg22[%parallel_loop3A_312, %parallel_loop3A_313] {strides = array<i32>} : memref<64x96xf32, #tpu.memory_space<vmem>>, vector<1x16xf32>,
        %parallel_loop3A_315 = vector.shape_cast %parallel_loop3A_314 : vector<1x16xf32> to vector<16xf32>
        %parallel_loop3A_316 = vector.shape_cast %parallel_loop3A_311 : vector<16xf32> to vector<1x16xf32>
        tpu.vector_store %arg22[%parallel_loop3A_312, %parallel_loop3A_313], %parallel_loop3A_316 {strides = array<i32>} : memref<64x96xf32, #tpu.memory_space<vmem>>, vector<1x16xf32>,
        %parallel_loop3A_317 = arith.index_cast %parallel_loop3A_224 : i32 to index
        %parallel_loop3A_318 = arith.constant 96 : index
        %parallel_loop3A_319 = tpu.vector_load %arg18[%parallel_loop3A_317, %parallel_loop3A_318] {strides = array<i32>} : memref<64x160xf32, #tpu.memory_space<vmem>>, vector<1x16xf32>,
        %parallel_loop3A_320 = vector.shape_cast %parallel_loop3A_319 : vector<1x16xf32> to vector<16xf32>
        %parallel_loop3A_321 = arith.addf %parallel_loop3A_320, %parallel_loop3A_253 : vector<16xf32>
        %parallel_loop3A_322 = arith.mulf %parallel_loop3A_321, %parallel_loop3A_305 : vector<16xf32>
        %parallel_loop3A_323 = arith.index_cast %parallel_loop3A_224 : i32 to index
        %parallel_loop3A_324 = arith.constant 16 : index
        %parallel_loop3A_325 = tpu.vector_load %arg22[%parallel_loop3A_323, %parallel_loop3A_324] {strides = array<i32>} : memref<64x96xf32, #tpu.memory_space<vmem>>, vector<1x16xf32>,
        %parallel_loop3A_326 = vector.shape_cast %parallel_loop3A_325 : vector<1x16xf32> to vector<16xf32>
        %parallel_loop3A_327 = vector.shape_cast %parallel_loop3A_322 : vector<16xf32> to vector<1x16xf32>
        tpu.vector_store %arg22[%parallel_loop3A_323, %parallel_loop3A_324], %parallel_loop3A_327 {strides = array<i32>} : memref<64x96xf32, #tpu.memory_space<vmem>>, vector<1x16xf32>,
        %parallel_loop3A_328 = arith.index_cast %parallel_loop3A_224 : i32 to index
        %parallel_loop3A_329 = arith.constant 112 : index
        %parallel_loop3A_330 = tpu.vector_load %arg18[%parallel_loop3A_328, %parallel_loop3A_329] {strides = array<i32>} : memref<64x160xf32, #tpu.memory_space<vmem>>, vector<1x16xf32>,
        %parallel_loop3A_331 = vector.shape_cast %parallel_loop3A_330 : vector<1x16xf32> to vector<16xf32>
        %parallel_loop3A_332 = arith.addf %parallel_loop3A_331, %parallel_loop3A_268 : vector<16xf32>
        %parallel_loop3A_333 = arith.mulf %parallel_loop3A_332, %parallel_loop3A_305 : vector<16xf32>
        %parallel_loop3A_334 = arith.index_cast %parallel_loop3A_224 : i32 to index
        %parallel_loop3A_335 = arith.constant 32 : index
        %parallel_loop3A_336 = tpu.vector_load %arg22[%parallel_loop3A_334, %parallel_loop3A_335] {strides = array<i32>} : memref<64x96xf32, #tpu.memory_space<vmem>>, vector<1x16xf32>,
        %parallel_loop3A_337 = vector.shape_cast %parallel_loop3A_336 : vector<1x16xf32> to vector<16xf32>
        %parallel_loop3A_338 = vector.shape_cast %parallel_loop3A_333 : vector<16xf32> to vector<1x16xf32>
        tpu.vector_store %arg22[%parallel_loop3A_334, %parallel_loop3A_335], %parallel_loop3A_338 {strides = array<i32>} : memref<64x96xf32, #tpu.memory_space<vmem>>, vector<1x16xf32>,
        %parallel_loop3A_339 = arith.index_cast %parallel_loop3A_224 : i32 to index
        %parallel_loop3A_340 = arith.constant 128 : index
        %parallel_loop3A_341 = tpu.vector_load %arg18[%parallel_loop3A_339, %parallel_loop3A_340] {strides = array<i32>} : memref<64x160xf32, #tpu.memory_space<vmem>>, vector<1x16xf32>,
        %parallel_loop3A_342 = vector.shape_cast %parallel_loop3A_341 : vector<1x16xf32> to vector<16xf32>
        %parallel_loop3A_343 = arith.addf %parallel_loop3A_342, %parallel_loop3A_283 : vector<16xf32>
        %parallel_loop3A_344 = arith.mulf %parallel_loop3A_343, %parallel_loop3A_305 : vector<16xf32>
        %parallel_loop3A_345 = arith.index_cast %parallel_loop3A_224 : i32 to index
        %parallel_loop3A_346 = arith.constant 48 : index
        %parallel_loop3A_347 = tpu.vector_load %arg22[%parallel_loop3A_345, %parallel_loop3A_346] {strides = array<i32>} : memref<64x96xf32, #tpu.memory_space<vmem>>, vector<1x16xf32>,
        %parallel_loop3A_348 = vector.shape_cast %parallel_loop3A_347 : vector<1x16xf32> to vector<16xf32>
        %parallel_loop3A_349 = vector.shape_cast %parallel_loop3A_344 : vector<16xf32> to vector<1x16xf32>
        tpu.vector_store %arg22[%parallel_loop3A_345, %parallel_loop3A_346], %parallel_loop3A_349 {strides = array<i32>} : memref<64x96xf32, #tpu.memory_space<vmem>>, vector<1x16xf32>,
        %parallel_loop3A_350 = arith.index_cast %parallel_loop3A_224 : i32 to index
        %parallel_loop3A_351 = arith.constant 144 : index
        %parallel_loop3A_352 = tpu.vector_load %arg18[%parallel_loop3A_350, %parallel_loop3A_351] {strides = array<i32>} : memref<64x160xf32, #tpu.memory_space<vmem>>, vector<1x16xf32>,
        %parallel_loop3A_353 = vector.shape_cast %parallel_loop3A_352 : vector<1x16xf32> to vector<16xf32>
        %parallel_loop3A_354 = arith.addf %parallel_loop3A_353, %parallel_loop3A_298 : vector<16xf32>
        %parallel_loop3A_355 = arith.mulf %parallel_loop3A_354, %parallel_loop3A_305 : vector<16xf32>
        %parallel_loop3A_356 = arith.index_cast %parallel_loop3A_224 : i32 to index
        %parallel_loop3A_357 = arith.constant 64 : index
        %parallel_loop3A_358 = tpu.vector_load %arg22[%parallel_loop3A_356, %parallel_loop3A_357] {strides = array<i32>} : memref<64x96xf32, #tpu.memory_space<vmem>>, vector<1x16xf32>,
        %parallel_loop3A_359 = vector.shape_cast %parallel_loop3A_358 : vector<1x16xf32> to vector<16xf32>
        %parallel_loop3A_360 = vector.shape_cast %parallel_loop3A_355 : vector<16xf32> to vector<1x16xf32>
        tpu.vector_store %arg22[%parallel_loop3A_356, %parallel_loop3A_357], %parallel_loop3A_360 {strides = array<i32>} : memref<64x96xf32, #tpu.memory_space<vmem>>, vector<1x16xf32>,
        %parallel_loop3A_361 = arith.index_cast %parallel_loop3A_224 : i32 to index
        %parallel_loop3A_362 = arith.constant 80 : index
        %parallel_loop3A_363 = tpu.vector_load %arg22[%parallel_loop3A_361, %parallel_loop3A_362] {strides = array<i32>} : memref<64x96xf32, #tpu.memory_space<vmem>>, vector<1x16xf32>,
        %parallel_loop3A_364 = vector.shape_cast %parallel_loop3A_363 : vector<1x16xf32> to vector<16xf32>
        %parallel_loop3A_365 = vector.shape_cast %parallel_loop3A_305 : vector<16xf32> to vector<1x16xf32>
        tpu.vector_store %arg22[%parallel_loop3A_361, %parallel_loop3A_362], %parallel_loop3A_365 {strides = array<i32>} : memref<64x96xf32, #tpu.memory_space<vmem>>, vector<1x16xf32>,
      } {sc.loop_unroll_factor = 8 : i64, sc.parallel_access}
      %get3A_181 = arith.constant 0 : index
      %get3A_182 = tpu.vector_load %arg12[%get3A_181] {strides = array<i32>} : memref<64xi32, #tpu.memory_space<vmem>>, vector<16xi32>,
      %get3A_183 = vector.shape_cast %get3A_182 : vector<16xi32> to vector<16xi32>
      %swap3A_184 = arith.constant 0 : index
      %swap3A_185 = tpu.vector_load %arg14[%swap3A_184] {strides = array<i32>} : memref<64xi32, #tpu.memory_space<vmem>>, vector<16xi32>,
      %swap3A_186 = vector.shape_cast %swap3A_185 : vector<16xi32> to vector<16xi32>
      %swap3A_187 = vector.shape_cast %get3A_183 : vector<16xi32> to vector<16xi32>
      tpu.vector_store %arg14[%swap3A_184], %swap3A_187 {strides = array<i32>} : memref<64xi32, #tpu.memory_space<vmem>>, vector<16xi32>,
      %get3A_188 = arith.constant 16 : index
      %get3A_189 = tpu.vector_load %arg12[%get3A_188] {strides = array<i32>} : memref<64xi32, #tpu.memory_space<vmem>>, vector<16xi32>,
      %get3A_190 = vector.shape_cast %get3A_189 : vector<16xi32> to vector<16xi32>
      %swap3A_191 = arith.constant 16 : index
      %swap3A_192 = tpu.vector_load %arg14[%swap3A_191] {strides = array<i32>} : memref<64xi32, #tpu.memory_space<vmem>>, vector<16xi32>,
      %swap3A_193 = vector.shape_cast %swap3A_192 : vector<16xi32> to vector<16xi32>
      %swap3A_194 = vector.shape_cast %get3A_190 : vector<16xi32> to vector<16xi32>
      tpu.vector_store %arg14[%swap3A_191], %swap3A_194 {strides = array<i32>} : memref<64xi32, #tpu.memory_space<vmem>>, vector<16xi32>,
      %get3A_195 = arith.constant 32 : index
      %get3A_196 = tpu.vector_load %arg12[%get3A_195] {strides = array<i32>} : memref<64xi32, #tpu.memory_space<vmem>>, vector<16xi32>,
      %get3A_197 = vector.shape_cast %get3A_196 : vector<16xi32> to vector<16xi32>
      %swap3A_198 = arith.constant 32 : index
      %swap3A_199 = tpu.vector_load %arg14[%swap3A_198] {strides = array<i32>} : memref<64xi32, #tpu.memory_space<vmem>>, vector<16xi32>,
      %swap3A_200 = vector.shape_cast %swap3A_199 : vector<16xi32> to vector<16xi32>
      %swap3A_201 = vector.shape_cast %get3A_197 : vector<16xi32> to vector<16xi32>
      tpu.vector_store %arg14[%swap3A_198], %swap3A_201 {strides = array<i32>} : memref<64xi32, #tpu.memory_space<vmem>>, vector<16xi32>,
      %get3A_202 = arith.constant 48 : index
      %get3A_203 = tpu.vector_load %arg12[%get3A_202] {strides = array<i32>} : memref<64xi32, #tpu.memory_space<vmem>>, vector<16xi32>,
      %get3A_204 = vector.shape_cast %get3A_203 : vector<16xi32> to vector<16xi32>
      %swap3A_205 = arith.constant 48 : index
      %swap3A_206 = tpu.vector_load %arg14[%swap3A_205] {strides = array<i32>} : memref<64xi32, #tpu.memory_space<vmem>>, vector<16xi32>,
      %swap3A_207 = vector.shape_cast %swap3A_206 : vector<16xi32> to vector<16xi32>
      %swap3A_208 = vector.shape_cast %get3A_204 : vector<16xi32> to vector<16xi32>
      tpu.vector_store %arg14[%swap3A_205], %swap3A_208 {strides = array<i32>} : memref<64xi32, #tpu.memory_space<vmem>>, vector<16xi32>,
      %dma_start3A_209 = arith.constant 0 : i32
      %dma_start3A_210 = arith.constant 0 : i32
      %dma_start3A_211 = tpu.memref_slice %arg23[%dma_start3A_209, %dma_start3A_210] : memref<10000x96xf32, #tpu.memory_space<vmem_shared>> -> memref<10000x96xf32, #tpu.memory_space<vmem_shared>>
      tpu.enqueue_indirect_dma source(%arg22 : memref<64x96xf32, #tpu.memory_space<vmem>>) target(%dma_start3A_211 : memref<10000x96xf32, #tpu.memory_space<vmem_shared>>) offsets(%arg14 : memref<64xi32, #tpu.memory_space<vmem>>) semaphore(%arg29 : memref<!tpu.dma_semaphore, #tpu.memory_space<semaphore_mem>>) {add = true}
      %add3A_212 = arith.constant 2 : i32
      %add3A_213 = arith.addi %mul3A_65, %add3A_212 : i32
      %lt3A_214 = arith.cmpi slt, %add3A_213, %select_n3A : i32
      %convert_element_type3A_215 = arith.extui %lt3A_214 : i1 to i32
      %cond3A_216 = arith.constant 0 : i32
      %cond3A_217 = arith.cmpi ne, %convert_element_type3A_215, %cond3A_216 : i32
      scf.if %cond3A_217 {
        %add3A_224 = arith.constant 2 : i32
        %add3A_225 = arith.addi %mul3A_65, %add3A_224 : i32
        %mul3A_226 = arith.constant 32 : i32
        %mul3A_227 = arith.muli %mul3A_226, %add3A_225 : i32
        %add3A_228 = arith.addi %add3A, %mul3A_227 : i32
        %mul3A_229 = arith.constant 64 : i32
        %mul3A_230 = arith.muli %add3A_228, %mul3A_229 : i32
        %multiple_of3A_231 = tpu.assume_multiple %mul3A_230, 64 : i32
        %dma_wait3A_232 = tpu.memref_slice %arg2[%multiple_of3A_231] : memref<320000xi32, #tpu.memory_space<hbm>> -> memref<64xi32, #tpu.memory_space<hbm>>
        %dma_wait3A_233 = tpu.memref_slice %arg2[%multiple_of3A_231] : memref<320000xi32, #tpu.memory_space<hbm>> -> memref<64xi32, #tpu.memory_space<hbm>>
        tpu.wait_dma2 semaphore(%arg26 : memref<!tpu.dma_semaphore, #tpu.memory_space<semaphore_mem>>) src(%dma_wait3A_233 : memref<64xi32, #tpu.memory_space<hbm>>) dst(%arg9 : memref<64xi32, #tpu.memory_space<vmem>>)
        %mul3A_234 = arith.constant 32 : i32
        %mul3A_235 = arith.muli %mul3A_234, %add3A_225 : i32
        %add3A_236 = arith.addi %add3A, %mul3A_235 : i32
        %mul3A_237 = arith.constant 64 : i32
        %mul3A_238 = arith.muli %add3A_236, %mul3A_237 : i32
        %multiple_of3A_239 = tpu.assume_multiple %mul3A_238, 64 : i32
        %dma_wait3A_240 = tpu.memref_slice %arg3[%multiple_of3A_239] : memref<320000xi32, #tpu.memory_space<hbm>> -> memref<64xi32, #tpu.memory_space<hbm>>
        %dma_wait3A_241 = tpu.memref_slice %arg3[%multiple_of3A_239] : memref<320000xi32, #tpu.memory_space<hbm>> -> memref<64xi32, #tpu.memory_space<hbm>>
        tpu.wait_dma2 semaphore(%arg26 : memref<!tpu.dma_semaphore, #tpu.memory_space<semaphore_mem>>) src(%dma_wait3A_241 : memref<64xi32, #tpu.memory_space<hbm>>) dst(%arg11 : memref<64xi32, #tpu.memory_space<vmem>>)
        %add3A_242 = arith.constant 2 : i32
        %add3A_243 = arith.addi %mul3A_65, %add3A_242 : i32
        %dma_start3A_244 = arith.constant 0 : i32
        %dma_start3A_245 = arith.constant 0 : i32
        %dma_start3A_246 = tpu.memref_slice %arg4[%dma_start3A_244, %dma_start3A_245] : memref<10000x80xf32, #tpu.memory_space<hbm>> -> memref<10000x80xf32, #tpu.memory_space<hbm>>
        tpu.enqueue_indirect_dma source(%dma_start3A_246 : memref<10000x80xf32, #tpu.memory_space<hbm>>) target(%arg15 : memref<64x80xf32, #tpu.memory_space<vmem>>) offsets(%arg11 : memref<64xi32, #tpu.memory_space<vmem>>) semaphore(%arg24 : memref<!tpu.dma_semaphore, #tpu.memory_space<semaphore_mem>>)
        %dma_start3A_247 = arith.constant 0 : i32
        %dma_start3A_248 = arith.constant 0 : i32
        %dma_start3A_249 = tpu.memref_slice %arg5[%dma_start3A_247, %dma_start3A_248] : memref<10000x160xf32, #tpu.memory_space<hbm>> -> memref<10000x160xf32, #tpu.memory_space<hbm>>
        tpu.enqueue_indirect_dma source(%dma_start3A_249 : memref<10000x160xf32, #tpu.memory_space<hbm>>) target(%arg17 : memref<64x160xf32, #tpu.memory_space<vmem>>) offsets(%arg9 : memref<64xi32, #tpu.memory_space<vmem>>) semaphore(%arg24 : memref<!tpu.dma_semaphore, #tpu.memory_space<semaphore_mem>>)
        %mul3A_250 = arith.constant 32 : i32
        %mul3A_251 = arith.muli %mul3A_250, %add3A_243 : i32
        %add3A_252 = arith.addi %add3A, %mul3A_251 : i32
        %mul3A_253 = arith.constant 64 : i32
        %mul3A_254 = arith.muli %add3A_252, %mul3A_253 : i32
        %multiple_of3A_255 = tpu.assume_multiple %mul3A_254, 64 : i32
        %dma_start3A_256 = arith.constant 0 : i32
        %dma_start3A_257 = tpu.memref_slice %arg6[%multiple_of3A_255, %dma_start3A_256] : memref<320000x128xf32, #tpu.memory_space<hbm>> -> memref<64x80xf32, #tpu.memory_space<hbm>>
        %dma_start3A_258 = arith.constant 0 : i32
        %dma_start3A_259 = tpu.memref_slice %arg6[%multiple_of3A_255, %dma_start3A_258] : memref<320000x128xf32, #tpu.memory_space<hbm>> -> memref<64x80xf32, #tpu.memory_space<hbm>>
        tpu.enqueue_dma source(%dma_start3A_259 : memref<64x80xf32, #tpu.memory_space<hbm>>) target(%arg19 : memref<64x80xf32, #tpu.memory_space<vmem>>) target_semaphore(%arg24 : memref<!tpu.dma_semaphore, #tpu.memory_space<semaphore_mem>>)
      } else {
      }
      %add3A_218 = arith.constant 2 : i32
      %add3A_219 = arith.addi %add3A_67, %add3A_218 : i32
      %lt3A_220 = arith.cmpi slt, %add3A_219, %select_n3A : i32
      %convert_element_type3A_221 = arith.extui %lt3A_220 : i1 to i32
      %cond3A_222 = arith.constant 0 : i32
      %cond3A_223 = arith.cmpi ne, %convert_element_type3A_221, %cond3A_222 : i32
      scf.if %cond3A_223 {
        %add3A_224 = arith.constant 2 : i32
        %add3A_225 = arith.addi %add3A_67, %add3A_224 : i32
        %mul3A_226 = arith.constant 32 : i32
        %mul3A_227 = arith.muli %mul3A_226, %add3A_225 : i32
        %add3A_228 = arith.addi %add3A, %mul3A_227 : i32
        %mul3A_229 = arith.constant 64 : i32
        %mul3A_230 = arith.muli %add3A_228, %mul3A_229 : i32
        %multiple_of3A_231 = tpu.assume_multiple %mul3A_230, 64 : i32
        %dma_start3A_232 = tpu.memref_slice %arg2[%multiple_of3A_231] : memref<320000xi32, #tpu.memory_space<hbm>> -> memref<64xi32, #tpu.memory_space<hbm>>
        %dma_start3A_233 = tpu.memref_slice %arg2[%multiple_of3A_231] : memref<320000xi32, #tpu.memory_space<hbm>> -> memref<64xi32, #tpu.memory_space<hbm>>
        tpu.enqueue_dma source(%dma_start3A_233 : memref<64xi32, #tpu.memory_space<hbm>>) target(%arg10 : memref<64xi32, #tpu.memory_space<vmem>>) target_semaphore(%arg27 : memref<!tpu.dma_semaphore, #tpu.memory_space<semaphore_mem>>)
        %mul3A_234 = arith.constant 32 : i32
        %mul3A_235 = arith.muli %mul3A_234, %add3A_225 : i32
        %add3A_236 = arith.addi %add3A, %mul3A_235 : i32
        %mul3A_237 = arith.constant 64 : i32
        %mul3A_238 = arith.muli %add3A_236, %mul3A_237 : i32
        %multiple_of3A_239 = tpu.assume_multiple %mul3A_238, 64 : i32
        %dma_start3A_240 = tpu.memref_slice %arg3[%multiple_of3A_239] : memref<320000xi32, #tpu.memory_space<hbm>> -> memref<64xi32, #tpu.memory_space<hbm>>
        %dma_start3A_241 = tpu.memref_slice %arg3[%multiple_of3A_239] : memref<320000xi32, #tpu.memory_space<hbm>> -> memref<64xi32, #tpu.memory_space<hbm>>
        tpu.enqueue_dma source(%dma_start3A_241 : memref<64xi32, #tpu.memory_space<hbm>>) target(%arg12 : memref<64xi32, #tpu.memory_space<vmem>>) target_semaphore(%arg27 : memref<!tpu.dma_semaphore, #tpu.memory_space<semaphore_mem>>)
      } else {
      }
    }
    %scan3A_47 = arith.constant 78 : i32
    %gt3A = arith.constant 156 : i32
    %gt3A_48 = arith.cmpi sgt, %select_n3A, %gt3A : i32
    %convert_element_type3A_49 = arith.extui %gt3A_48 : i1 to i32
    %cond3A_50 = arith.constant 0 : i32
    %cond3A_51 = arith.cmpi ne, %convert_element_type3A_49, %cond3A_50 : i32
    scf.if %cond3A_51 {
      %dma_wait3A_63 = arith.constant 0 : i32
      %dma_wait3A_64 = arith.constant 0 : i32
      %dma_wait3A_65 = tpu.memref_slice %arg4[%dma_wait3A_63, %dma_wait3A_64] : memref<10000x80xf32, #tpu.memory_space<hbm>> -> memref<10000x80xf32, #tpu.memory_space<hbm>>
      tpu.wait_indirect_dma semaphore(%arg24 : memref<!tpu.dma_semaphore, #tpu.memory_space<semaphore_mem>>) src(%dma_wait3A_65 : memref<10000x80xf32, #tpu.memory_space<hbm>>) dst(%arg15 : memref<64x80xf32, #tpu.memory_space<vmem>>)
      %dma_wait3A_66 = arith.constant 0 : i32
      %dma_wait3A_67 = arith.constant 0 : i32
      %dma_wait3A_68 = tpu.memref_slice %arg5[%dma_wait3A_66, %dma_wait3A_67] : memref<10000x160xf32, #tpu.memory_space<hbm>> -> memref<10000x160xf32, #tpu.memory_space<hbm>>
      tpu.wait_indirect_dma semaphore(%arg24 : memref<!tpu.dma_semaphore, #tpu.memory_space<semaphore_mem>>) src(%dma_wait3A_68 : memref<10000x160xf32, #tpu.memory_space<hbm>>) dst(%arg17 : memref<64x160xf32, #tpu.memory_space<vmem>>)
      %add3A_69 = arith.constant 4992 : i32
      %add3A_70 = arith.addi %add3A, %add3A_69 : i32
      %mul3A_71 = arith.constant 64 : i32
      %mul3A_72 = arith.muli %add3A_70, %mul3A_71 : i32
      %multiple_of3A_73 = tpu.assume_multiple %mul3A_72, 64 : i32
      %dma_wait3A_74 = arith.constant 0 : i32
      %dma_wait3A_75 = tpu.memref_slice %arg6[%multiple_of3A_73, %dma_wait3A_74] : memref<320000x128xf32, #tpu.memory_space<hbm>> -> memref<64x80xf32, #tpu.memory_space<hbm>>
      %dma_wait3A_76 = arith.constant 0 : i32
      %dma_wait3A_77 = tpu.memref_slice %arg6[%multiple_of3A_73, %dma_wait3A_76] : memref<320000x128xf32, #tpu.memory_space<hbm>> -> memref<64x80xf32, #tpu.memory_space<hbm>>
      tpu.wait_dma2 semaphore(%arg24 : memref<!tpu.dma_semaphore, #tpu.memory_space<semaphore_mem>>) src(%dma_wait3A_77 : memref<64x80xf32, #tpu.memory_space<hbm>>) dst(%arg19 : memref<64x80xf32, #tpu.memory_space<vmem>>)
      %dma_wait3A_78 = arith.constant 0 : i32
      %dma_wait3A_79 = arith.constant 0 : i32
      %dma_wait3A_80 = tpu.memref_slice %arg23[%dma_wait3A_78, %dma_wait3A_79] : memref<10000x96xf32, #tpu.memory_space<vmem_shared>> -> memref<10000x96xf32, #tpu.memory_space<vmem_shared>>
      tpu.wait_indirect_dma semaphore(%arg28 : memref<!tpu.dma_semaphore, #tpu.memory_space<semaphore_mem>>) src(%arg21 : memref<64x96xf32, #tpu.memory_space<vmem>>) dst(%dma_wait3A_80 : memref<10000x96xf32, #tpu.memory_space<vmem_shared>>)
      %parallel_loop3A = arith.constant 0 : i32
      %parallel_loop3A_81 = arith.constant 64 : i32
      %parallel_loop3A_82 = arith.constant 1 : i32
      scf.for %parallel_loop3A_112 = %parallel_loop3A to %parallel_loop3A_81 step %parallel_loop3A_82  : i32 {
        %parallel_loop3A_113 = arith.constant 0.000000e+00 : f32
        %parallel_loop3A_114 = vector.broadcast %parallel_loop3A_113 : f32 to vector<16xf32>
        %parallel_loop3A_115 = arith.index_cast %parallel_loop3A_112 : i32 to index
        %parallel_loop3A_116 = arith.constant 0 : index
        %parallel_loop3A_117 = tpu.vector_load %arg15[%parallel_loop3A_115, %parallel_loop3A_116] {strides = array<i32>} : memref<64x80xf32, #tpu.memory_space<vmem>>, vector<1x16xf32>,
        %parallel_loop3A_118 = vector.shape_cast %parallel_loop3A_117 : vector<1x16xf32> to vector<16xf32>
        %parallel_loop3A_119 = arith.index_cast %parallel_loop3A_112 : i32 to index
        %parallel_loop3A_120 = arith.constant 0 : index
        %parallel_loop3A_121 = tpu.vector_load %arg17[%parallel_loop3A_119, %parallel_loop3A_120] {strides = array<i32>} : memref<64x160xf32, #tpu.memory_space<vmem>>, vector<1x16xf32>,
        %parallel_loop3A_122 = vector.shape_cast %parallel_loop3A_121 : vector<1x16xf32> to vector<16xf32>
        %parallel_loop3A_123 = arith.index_cast %parallel_loop3A_112 : i32 to index
        %parallel_loop3A_124 = arith.constant 0 : index
        %parallel_loop3A_125 = tpu.vector_load %arg19[%parallel_loop3A_123, %parallel_loop3A_124] {strides = array<i32>} : memref<64x80xf32, #tpu.memory_space<vmem>>, vector<1x16xf32>,
        %parallel_loop3A_126 = vector.shape_cast %parallel_loop3A_125 : vector<1x16xf32> to vector<16xf32>
        %parallel_loop3A_127 = arith.addf %parallel_loop3A_122, %parallel_loop3A_126 : vector<16xf32>
        %parallel_loop3A_128 = arith.mulf %parallel_loop3A_118, %parallel_loop3A_127 : vector<16xf32>
        %parallel_loop3A_129 = arith.addf %parallel_loop3A_114, %parallel_loop3A_128 : vector<16xf32>
        %parallel_loop3A_130 = arith.index_cast %parallel_loop3A_112 : i32 to index
        %parallel_loop3A_131 = arith.constant 16 : index
        %parallel_loop3A_132 = tpu.vector_load %arg15[%parallel_loop3A_130, %parallel_loop3A_131] {strides = array<i32>} : memref<64x80xf32, #tpu.memory_space<vmem>>, vector<1x16xf32>,
        %parallel_loop3A_133 = vector.shape_cast %parallel_loop3A_132 : vector<1x16xf32> to vector<16xf32>
        %parallel_loop3A_134 = arith.index_cast %parallel_loop3A_112 : i32 to index
        %parallel_loop3A_135 = arith.constant 16 : index
        %parallel_loop3A_136 = tpu.vector_load %arg17[%parallel_loop3A_134, %parallel_loop3A_135] {strides = array<i32>} : memref<64x160xf32, #tpu.memory_space<vmem>>, vector<1x16xf32>,
        %parallel_loop3A_137 = vector.shape_cast %parallel_loop3A_136 : vector<1x16xf32> to vector<16xf32>
        %parallel_loop3A_138 = arith.index_cast %parallel_loop3A_112 : i32 to index
        %parallel_loop3A_139 = arith.constant 16 : index
        %parallel_loop3A_140 = tpu.vector_load %arg19[%parallel_loop3A_138, %parallel_loop3A_139] {strides = array<i32>} : memref<64x80xf32, #tpu.memory_space<vmem>>, vector<1x16xf32>,
        %parallel_loop3A_141 = vector.shape_cast %parallel_loop3A_140 : vector<1x16xf32> to vector<16xf32>
        %parallel_loop3A_142 = arith.addf %parallel_loop3A_137, %parallel_loop3A_141 : vector<16xf32>
        %parallel_loop3A_143 = arith.mulf %parallel_loop3A_133, %parallel_loop3A_142 : vector<16xf32>
        %parallel_loop3A_144 = arith.addf %parallel_loop3A_129, %parallel_loop3A_143 : vector<16xf32>
        %parallel_loop3A_145 = arith.index_cast %parallel_loop3A_112 : i32 to index
        %parallel_loop3A_146 = arith.constant 32 : index
        %parallel_loop3A_147 = tpu.vector_load %arg15[%parallel_loop3A_145, %parallel_loop3A_146] {strides = array<i32>} : memref<64x80xf32, #tpu.memory_space<vmem>>, vector<1x16xf32>,
        %parallel_loop3A_148 = vector.shape_cast %parallel_loop3A_147 : vector<1x16xf32> to vector<16xf32>
        %parallel_loop3A_149 = arith.index_cast %parallel_loop3A_112 : i32 to index
        %parallel_loop3A_150 = arith.constant 32 : index
        %parallel_loop3A_151 = tpu.vector_load %arg17[%parallel_loop3A_149, %parallel_loop3A_150] {strides = array<i32>} : memref<64x160xf32, #tpu.memory_space<vmem>>, vector<1x16xf32>,
        %parallel_loop3A_152 = vector.shape_cast %parallel_loop3A_151 : vector<1x16xf32> to vector<16xf32>
        %parallel_loop3A_153 = arith.index_cast %parallel_loop3A_112 : i32 to index
        %parallel_loop3A_154 = arith.constant 32 : index
        %parallel_loop3A_155 = tpu.vector_load %arg19[%parallel_loop3A_153, %parallel_loop3A_154] {strides = array<i32>} : memref<64x80xf32, #tpu.memory_space<vmem>>, vector<1x16xf32>,
        %parallel_loop3A_156 = vector.shape_cast %parallel_loop3A_155 : vector<1x16xf32> to vector<16xf32>
        %parallel_loop3A_157 = arith.addf %parallel_loop3A_152, %parallel_loop3A_156 : vector<16xf32>
        %parallel_loop3A_158 = arith.mulf %parallel_loop3A_148, %parallel_loop3A_157 : vector<16xf32>
        %parallel_loop3A_159 = arith.addf %parallel_loop3A_144, %parallel_loop3A_158 : vector<16xf32>
        %parallel_loop3A_160 = arith.index_cast %parallel_loop3A_112 : i32 to index
        %parallel_loop3A_161 = arith.constant 48 : index
        %parallel_loop3A_162 = tpu.vector_load %arg15[%parallel_loop3A_160, %parallel_loop3A_161] {strides = array<i32>} : memref<64x80xf32, #tpu.memory_space<vmem>>, vector<1x16xf32>,
        %parallel_loop3A_163 = vector.shape_cast %parallel_loop3A_162 : vector<1x16xf32> to vector<16xf32>
        %parallel_loop3A_164 = arith.index_cast %parallel_loop3A_112 : i32 to index
        %parallel_loop3A_165 = arith.constant 48 : index
        %parallel_loop3A_166 = tpu.vector_load %arg17[%parallel_loop3A_164, %parallel_loop3A_165] {strides = array<i32>} : memref<64x160xf32, #tpu.memory_space<vmem>>, vector<1x16xf32>,
        %parallel_loop3A_167 = vector.shape_cast %parallel_loop3A_166 : vector<1x16xf32> to vector<16xf32>
        %parallel_loop3A_168 = arith.index_cast %parallel_loop3A_112 : i32 to index
        %parallel_loop3A_169 = arith.constant 48 : index
        %parallel_loop3A_170 = tpu.vector_load %arg19[%parallel_loop3A_168, %parallel_loop3A_169] {strides = array<i32>} : memref<64x80xf32, #tpu.memory_space<vmem>>, vector<1x16xf32>,
        %parallel_loop3A_171 = vector.shape_cast %parallel_loop3A_170 : vector<1x16xf32> to vector<16xf32>
        %parallel_loop3A_172 = arith.addf %parallel_loop3A_167, %parallel_loop3A_171 : vector<16xf32>
        %parallel_loop3A_173 = arith.mulf %parallel_loop3A_163, %parallel_loop3A_172 : vector<16xf32>
        %parallel_loop3A_174 = arith.addf %parallel_loop3A_159, %parallel_loop3A_173 : vector<16xf32>
        %parallel_loop3A_175 = arith.index_cast %parallel_loop3A_112 : i32 to index
        %parallel_loop3A_176 = arith.constant 64 : index
        %parallel_loop3A_177 = tpu.vector_load %arg15[%parallel_loop3A_175, %parallel_loop3A_176] {strides = array<i32>} : memref<64x80xf32, #tpu.memory_space<vmem>>, vector<1x16xf32>,
        %parallel_loop3A_178 = vector.shape_cast %parallel_loop3A_177 : vector<1x16xf32> to vector<16xf32>
        %parallel_loop3A_179 = arith.index_cast %parallel_loop3A_112 : i32 to index
        %parallel_loop3A_180 = arith.constant 64 : index
        %parallel_loop3A_181 = tpu.vector_load %arg17[%parallel_loop3A_179, %parallel_loop3A_180] {strides = array<i32>} : memref<64x160xf32, #tpu.memory_space<vmem>>, vector<1x16xf32>,
        %parallel_loop3A_182 = vector.shape_cast %parallel_loop3A_181 : vector<1x16xf32> to vector<16xf32>
        %parallel_loop3A_183 = arith.index_cast %parallel_loop3A_112 : i32 to index
        %parallel_loop3A_184 = arith.constant 64 : index
        %parallel_loop3A_185 = tpu.vector_load %arg19[%parallel_loop3A_183, %parallel_loop3A_184] {strides = array<i32>} : memref<64x80xf32, #tpu.memory_space<vmem>>, vector<1x16xf32>,
        %parallel_loop3A_186 = vector.shape_cast %parallel_loop3A_185 : vector<1x16xf32> to vector<16xf32>
        %parallel_loop3A_187 = arith.addf %parallel_loop3A_182, %parallel_loop3A_186 : vector<16xf32>
        %parallel_loop3A_188 = arith.mulf %parallel_loop3A_178, %parallel_loop3A_187 : vector<16xf32>
        %parallel_loop3A_189 = arith.addf %parallel_loop3A_174, %parallel_loop3A_188 : vector<16xf32>
        %parallel_loop3A_190 = arith.constant 0.44721359 : f32
        %parallel_loop3A_191 = vector.broadcast %parallel_loop3A_190 : f32 to vector<16xf32>
        %parallel_loop3A_192 = arith.mulf %parallel_loop3A_189, %parallel_loop3A_191 : vector<16xf32>
        %parallel_loop3A_193 = math.exp %parallel_loop3A_192 : vector<16xf32>
        %parallel_loop3A_194 = arith.index_cast %parallel_loop3A_112 : i32 to index
        %parallel_loop3A_195 = arith.constant 80 : index
        %parallel_loop3A_196 = tpu.vector_load %arg17[%parallel_loop3A_194, %parallel_loop3A_195] {strides = array<i32>} : memref<64x160xf32, #tpu.memory_space<vmem>>, vector<1x16xf32>,
        %parallel_loop3A_197 = vector.shape_cast %parallel_loop3A_196 : vector<1x16xf32> to vector<16xf32>
        %parallel_loop3A_198 = arith.addf %parallel_loop3A_197, %parallel_loop3A_126 : vector<16xf32>
        %parallel_loop3A_199 = arith.mulf %parallel_loop3A_198, %parallel_loop3A_193 : vector<16xf32>
        %parallel_loop3A_200 = arith.index_cast %parallel_loop3A_112 : i32 to index
        %parallel_loop3A_201 = arith.constant 0 : index
        %parallel_loop3A_202 = tpu.vector_load %arg21[%parallel_loop3A_200, %parallel_loop3A_201] {strides = array<i32>} : memref<64x96xf32, #tpu.memory_space<vmem>>, vector<1x16xf32>,
        %parallel_loop3A_203 = vector.shape_cast %parallel_loop3A_202 : vector<1x16xf32> to vector<16xf32>
        %parallel_loop3A_204 = vector.shape_cast %parallel_loop3A_199 : vector<16xf32> to vector<1x16xf32>
        tpu.vector_store %arg21[%parallel_loop3A_200, %parallel_loop3A_201], %parallel_loop3A_204 {strides = array<i32>} : memref<64x96xf32, #tpu.memory_space<vmem>>, vector<1x16xf32>,
        %parallel_loop3A_205 = arith.index_cast %parallel_loop3A_112 : i32 to index
        %parallel_loop3A_206 = arith.constant 96 : index
        %parallel_loop3A_207 = tpu.vector_load %arg17[%parallel_loop3A_205, %parallel_loop3A_206] {strides = array<i32>} : memref<64x160xf32, #tpu.memory_space<vmem>>, vector<1x16xf32>,
        %parallel_loop3A_208 = vector.shape_cast %parallel_loop3A_207 : vector<1x16xf32> to vector<16xf32>
        %parallel_loop3A_209 = arith.addf %parallel_loop3A_208, %parallel_loop3A_141 : vector<16xf32>
        %parallel_loop3A_210 = arith.mulf %parallel_loop3A_209, %parallel_loop3A_193 : vector<16xf32>
        %parallel_loop3A_211 = arith.index_cast %parallel_loop3A_112 : i32 to index
        %parallel_loop3A_212 = arith.constant 16 : index
        %parallel_loop3A_213 = tpu.vector_load %arg21[%parallel_loop3A_211, %parallel_loop3A_212] {strides = array<i32>} : memref<64x96xf32, #tpu.memory_space<vmem>>, vector<1x16xf32>,
        %parallel_loop3A_214 = vector.shape_cast %parallel_loop3A_213 : vector<1x16xf32> to vector<16xf32>
        %parallel_loop3A_215 = vector.shape_cast %parallel_loop3A_210 : vector<16xf32> to vector<1x16xf32>
        tpu.vector_store %arg21[%parallel_loop3A_211, %parallel_loop3A_212], %parallel_loop3A_215 {strides = array<i32>} : memref<64x96xf32, #tpu.memory_space<vmem>>, vector<1x16xf32>,
        %parallel_loop3A_216 = arith.index_cast %parallel_loop3A_112 : i32 to index
        %parallel_loop3A_217 = arith.constant 112 : index
        %parallel_loop3A_218 = tpu.vector_load %arg17[%parallel_loop3A_216, %parallel_loop3A_217] {strides = array<i32>} : memref<64x160xf32, #tpu.memory_space<vmem>>, vector<1x16xf32>,
        %parallel_loop3A_219 = vector.shape_cast %parallel_loop3A_218 : vector<1x16xf32> to vector<16xf32>
        %parallel_loop3A_220 = arith.addf %parallel_loop3A_219, %parallel_loop3A_156 : vector<16xf32>
        %parallel_loop3A_221 = arith.mulf %parallel_loop3A_220, %parallel_loop3A_193 : vector<16xf32>
        %parallel_loop3A_222 = arith.index_cast %parallel_loop3A_112 : i32 to index
        %parallel_loop3A_223 = arith.constant 32 : index
        %parallel_loop3A_224 = tpu.vector_load %arg21[%parallel_loop3A_222, %parallel_loop3A_223] {strides = array<i32>} : memref<64x96xf32, #tpu.memory_space<vmem>>, vector<1x16xf32>,
        %parallel_loop3A_225 = vector.shape_cast %parallel_loop3A_224 : vector<1x16xf32> to vector<16xf32>
        %parallel_loop3A_226 = vector.shape_cast %parallel_loop3A_221 : vector<16xf32> to vector<1x16xf32>
        tpu.vector_store %arg21[%parallel_loop3A_222, %parallel_loop3A_223], %parallel_loop3A_226 {strides = array<i32>} : memref<64x96xf32, #tpu.memory_space<vmem>>, vector<1x16xf32>,
        %parallel_loop3A_227 = arith.index_cast %parallel_loop3A_112 : i32 to index
        %parallel_loop3A_228 = arith.constant 128 : index
        %parallel_loop3A_229 = tpu.vector_load %arg17[%parallel_loop3A_227, %parallel_loop3A_228] {strides = array<i32>} : memref<64x160xf32, #tpu.memory_space<vmem>>, vector<1x16xf32>,
        %parallel_loop3A_230 = vector.shape_cast %parallel_loop3A_229 : vector<1x16xf32> to vector<16xf32>
        %parallel_loop3A_231 = arith.addf %parallel_loop3A_230, %parallel_loop3A_171 : vector<16xf32>
        %parallel_loop3A_232 = arith.mulf %parallel_loop3A_231, %parallel_loop3A_193 : vector<16xf32>
        %parallel_loop3A_233 = arith.index_cast %parallel_loop3A_112 : i32 to index
        %parallel_loop3A_234 = arith.constant 48 : index
        %parallel_loop3A_235 = tpu.vector_load %arg21[%parallel_loop3A_233, %parallel_loop3A_234] {strides = array<i32>} : memref<64x96xf32, #tpu.memory_space<vmem>>, vector<1x16xf32>,
        %parallel_loop3A_236 = vector.shape_cast %parallel_loop3A_235 : vector<1x16xf32> to vector<16xf32>
        %parallel_loop3A_237 = vector.shape_cast %parallel_loop3A_232 : vector<16xf32> to vector<1x16xf32>
        tpu.vector_store %arg21[%parallel_loop3A_233, %parallel_loop3A_234], %parallel_loop3A_237 {strides = array<i32>} : memref<64x96xf32, #tpu.memory_space<vmem>>, vector<1x16xf32>,
        %parallel_loop3A_238 = arith.index_cast %parallel_loop3A_112 : i32 to index
        %parallel_loop3A_239 = arith.constant 144 : index
        %parallel_loop3A_240 = tpu.vector_load %arg17[%parallel_loop3A_238, %parallel_loop3A_239] {strides = array<i32>} : memref<64x160xf32, #tpu.memory_space<vmem>>, vector<1x16xf32>,
        %parallel_loop3A_241 = vector.shape_cast %parallel_loop3A_240 : vector<1x16xf32> to vector<16xf32>
        %parallel_loop3A_242 = arith.addf %parallel_loop3A_241, %parallel_loop3A_186 : vector<16xf32>
        %parallel_loop3A_243 = arith.mulf %parallel_loop3A_242, %parallel_loop3A_193 : vector<16xf32>
        %parallel_loop3A_244 = arith.index_cast %parallel_loop3A_112 : i32 to index
        %parallel_loop3A_245 = arith.constant 64 : index
        %parallel_loop3A_246 = tpu.vector_load %arg21[%parallel_loop3A_244, %parallel_loop3A_245] {strides = array<i32>} : memref<64x96xf32, #tpu.memory_space<vmem>>, vector<1x16xf32>,
        %parallel_loop3A_247 = vector.shape_cast %parallel_loop3A_246 : vector<1x16xf32> to vector<16xf32>
        %parallel_loop3A_248 = vector.shape_cast %parallel_loop3A_243 : vector<16xf32> to vector<1x16xf32>
        tpu.vector_store %arg21[%parallel_loop3A_244, %parallel_loop3A_245], %parallel_loop3A_248 {strides = array<i32>} : memref<64x96xf32, #tpu.memory_space<vmem>>, vector<1x16xf32>,
        %parallel_loop3A_249 = arith.index_cast %parallel_loop3A_112 : i32 to index
        %parallel_loop3A_250 = arith.constant 80 : index
        %parallel_loop3A_251 = tpu.vector_load %arg21[%parallel_loop3A_249, %parallel_loop3A_250] {strides = array<i32>} : memref<64x96xf32, #tpu.memory_space<vmem>>, vector<1x16xf32>,
        %parallel_loop3A_252 = vector.shape_cast %parallel_loop3A_251 : vector<1x16xf32> to vector<16xf32>
        %parallel_loop3A_253 = vector.shape_cast %parallel_loop3A_193 : vector<16xf32> to vector<1x16xf32>
        tpu.vector_store %arg21[%parallel_loop3A_249, %parallel_loop3A_250], %parallel_loop3A_253 {strides = array<i32>} : memref<64x96xf32, #tpu.memory_space<vmem>>, vector<1x16xf32>,
      } {sc.loop_unroll_factor = 8 : i64, sc.parallel_access}
      %get3A = arith.constant 0 : index
      %get3A_83 = tpu.vector_load %arg11[%get3A] {strides = array<i32>} : memref<64xi32, #tpu.memory_space<vmem>>, vector<16xi32>,
      %get3A_84 = vector.shape_cast %get3A_83 : vector<16xi32> to vector<16xi32>
      %swap3A = arith.constant 0 : index
      %swap3A_85 = tpu.vector_load %arg13[%swap3A] {strides = array<i32>} : memref<64xi32, #tpu.memory_space<vmem>>, vector<16xi32>,
      %swap3A_86 = vector.shape_cast %swap3A_85 : vector<16xi32> to vector<16xi32>
      %swap3A_87 = vector.shape_cast %get3A_84 : vector<16xi32> to vector<16xi32>
      tpu.vector_store %arg13[%swap3A], %swap3A_87 {strides = array<i32>} : memref<64xi32, #tpu.memory_space<vmem>>, vector<16xi32>,
      %get3A_88 = arith.constant 16 : index
      %get3A_89 = tpu.vector_load %arg11[%get3A_88] {strides = array<i32>} : memref<64xi32, #tpu.memory_space<vmem>>, vector<16xi32>,
      %get3A_90 = vector.shape_cast %get3A_89 : vector<16xi32> to vector<16xi32>
      %swap3A_91 = arith.constant 16 : index
      %swap3A_92 = tpu.vector_load %arg13[%swap3A_91] {strides = array<i32>} : memref<64xi32, #tpu.memory_space<vmem>>, vector<16xi32>,
      %swap3A_93 = vector.shape_cast %swap3A_92 : vector<16xi32> to vector<16xi32>
      %swap3A_94 = vector.shape_cast %get3A_90 : vector<16xi32> to vector<16xi32>
      tpu.vector_store %arg13[%swap3A_91], %swap3A_94 {strides = array<i32>} : memref<64xi32, #tpu.memory_space<vmem>>, vector<16xi32>,
      %get3A_95 = arith.constant 32 : index
      %get3A_96 = tpu.vector_load %arg11[%get3A_95] {strides = array<i32>} : memref<64xi32, #tpu.memory_space<vmem>>, vector<16xi32>,
      %get3A_97 = vector.shape_cast %get3A_96 : vector<16xi32> to vector<16xi32>
      %swap3A_98 = arith.constant 32 : index
      %swap3A_99 = tpu.vector_load %arg13[%swap3A_98] {strides = array<i32>} : memref<64xi32, #tpu.memory_space<vmem>>, vector<16xi32>,
      %swap3A_100 = vector.shape_cast %swap3A_99 : vector<16xi32> to vector<16xi32>
      %swap3A_101 = vector.shape_cast %get3A_97 : vector<16xi32> to vector<16xi32>
      tpu.vector_store %arg13[%swap3A_98], %swap3A_101 {strides = array<i32>} : memref<64xi32, #tpu.memory_space<vmem>>, vector<16xi32>,
      %get3A_102 = arith.constant 48 : index
      %get3A_103 = tpu.vector_load %arg11[%get3A_102] {strides = array<i32>} : memref<64xi32, #tpu.memory_space<vmem>>, vector<16xi32>,
      %get3A_104 = vector.shape_cast %get3A_103 : vector<16xi32> to vector<16xi32>
      %swap3A_105 = arith.constant 48 : index
      %swap3A_106 = tpu.vector_load %arg13[%swap3A_105] {strides = array<i32>} : memref<64xi32, #tpu.memory_space<vmem>>, vector<16xi32>,
      %swap3A_107 = vector.shape_cast %swap3A_106 : vector<16xi32> to vector<16xi32>
      %swap3A_108 = vector.shape_cast %get3A_104 : vector<16xi32> to vector<16xi32>
      tpu.vector_store %arg13[%swap3A_105], %swap3A_108 {strides = array<i32>} : memref<64xi32, #tpu.memory_space<vmem>>, vector<16xi32>,
      %dma_start3A_109 = arith.constant 0 : i32
      %dma_start3A_110 = arith.constant 0 : i32
      %dma_start3A_111 = tpu.memref_slice %arg23[%dma_start3A_109, %dma_start3A_110] : memref<10000x96xf32, #tpu.memory_space<vmem_shared>> -> memref<10000x96xf32, #tpu.memory_space<vmem_shared>>
      tpu.enqueue_indirect_dma source(%arg21 : memref<64x96xf32, #tpu.memory_space<vmem>>) target(%dma_start3A_111 : memref<10000x96xf32, #tpu.memory_space<vmem_shared>>) offsets(%arg13 : memref<64xi32, #tpu.memory_space<vmem>>) semaphore(%arg28 : memref<!tpu.dma_semaphore, #tpu.memory_space<semaphore_mem>>) {add = true}
    } else {
    }
    %dma_wait3A = arith.constant 0 : i32
    %dma_wait3A_52 = arith.constant 0 : i32
    %dma_wait3A_53 = tpu.memref_slice %arg23[%dma_wait3A, %dma_wait3A_52] : memref<10000x96xf32, #tpu.memory_space<vmem_shared>> -> memref<10000x96xf32, #tpu.memory_space<vmem_shared>>
    tpu.wait_indirect_dma semaphore(%arg28 : memref<!tpu.dma_semaphore, #tpu.memory_space<semaphore_mem>>) src(%arg21 : memref<64x96xf32, #tpu.memory_space<vmem>>) dst(%dma_wait3A_53 : memref<10000x96xf32, #tpu.memory_space<vmem_shared>>)
    %dma_wait3A_54 = arith.constant 0 : i32
    %dma_wait3A_55 = arith.constant 0 : i32
    %dma_wait3A_56 = tpu.memref_slice %arg23[%dma_wait3A_54, %dma_wait3A_55] : memref<10000x96xf32, #tpu.memory_space<vmem_shared>> -> memref<10000x96xf32, #tpu.memory_space<vmem_shared>>
    tpu.wait_indirect_dma semaphore(%arg29 : memref<!tpu.dma_semaphore, #tpu.memory_space<semaphore_mem>>) src(%arg22 : memref<64x96xf32, #tpu.memory_space<vmem>>) dst(%dma_wait3A_56 : memref<10000x96xf32, #tpu.memory_space<vmem_shared>>)
    %barrier3A_57 = arith.constant 0 : index
    tpu.barrier barrier_id(%barrier3A_57)
    %lt3A_58 = arith.constant 10 : i32
    %lt3A_59 = arith.cmpi slt, %arg1, %lt3A_58 : i32
    %convert_element_type3A_60 = arith.extui %lt3A_59 : i1 to i32
    %cond3A_61 = arith.constant 0 : i32
    %cond3A_62 = arith.cmpi ne, %convert_element_type3A_60, %cond3A_61 : i32
    scf.if %cond3A_62 {
      %mul3A_63 = arith.constant 1000 : i32
      %mul3A_64 = arith.muli %arg1, %mul3A_63 : i32
      %mul3A_65 = arith.constant 10000 : i32
      %mul3A_66 = arith.muli %arg0, %mul3A_65 : i32
      %mul3A_67 = arith.constant 1000 : i32
      %mul3A_68 = arith.muli %arg1, %mul3A_67 : i32
      %add3A_69 = arith.addi %mul3A_66, %mul3A_68 : i32
      "tpu.region"() ({
        %run_scoped3A = tpu.sem_alloc : memref<!tpu.dma_semaphore, #tpu.memory_space<semaphore_mem>>
        %dma_start3A_70 = arith.constant 0 : i32
        %dma_start3A_71 = tpu.memref_slice %arg8[%add3A_69, %dma_start3A_70] : memref<20000x96xf32, #tpu.memory_space<hbm>> -> memref<1000x96xf32, #tpu.memory_space<hbm>>
        %dma_start3A_72 = arith.constant 0 : i32
        %dma_start3A_73 = tpu.memref_slice %arg23[%mul3A_64, %dma_start3A_72] : memref<10000x96xf32, #tpu.memory_space<vmem_shared>> -> memref<1000x96xf32, #tpu.memory_space<vmem_shared>>
        tpu.enqueue_dma source(%dma_start3A_73 : memref<1000x96xf32, #tpu.memory_space<vmem_shared>>) target(%dma_start3A_71 : memref<1000x96xf32, #tpu.memory_space<hbm>>) target_semaphore(%run_scoped3A : memref<!tpu.dma_semaphore, #tpu.memory_space<semaphore_mem>>)
        %dma_wait3A_74 = arith.constant 0 : i32
        %dma_wait3A_75 = tpu.memref_slice %arg8[%add3A_69, %dma_wait3A_74] : memref<20000x96xf32, #tpu.memory_space<hbm>> -> memref<1000x96xf32, #tpu.memory_space<hbm>>
        %dma_wait3A_76 = arith.constant 0 : i32
        %dma_wait3A_77 = tpu.memref_slice %arg23[%mul3A_64, %dma_wait3A_76] : memref<10000x96xf32, #tpu.memory_space<vmem_shared>> -> memref<1000x96xf32, #tpu.memory_space<vmem_shared>>
        tpu.wait_dma2 semaphore(%run_scoped3A : memref<!tpu.dma_semaphore, #tpu.memory_space<semaphore_mem>>) src(%dma_wait3A_77 : memref<1000x96xf32, #tpu.memory_space<vmem_shared>>) dst(%dma_wait3A_75 : memref<1000x96xf32, #tpu.memory_space<hbm>>)
        tpu.yield
      }) : () -> ()
    } else {
    }
    return
  }
}

module attributes {stable_mosaic.version = 14 : i64} {
  func.func @_node1_body(%arg0: i32, %arg1: memref<2000x128xf32, #tpu.memory_space<vmem>>, %arg2: memref<128x80xf32, #tpu.memory_space<vmem>>, %arg3: memref<1x80xf32, #tpu.memory_space<vmem>>, %arg4: memref<128x160xf32, #tpu.memory_space<vmem>>, %arg5: memref<1x160xf32, #tpu.memory_space<vmem>>, %arg6: memref<128x5xf32, #tpu.memory_space<vmem>>, %arg7: memref<1x5xf32, #tpu.memory_space<vmem>>, %arg8: memref<2000x80xf32, #tpu.memory_space<vmem>>, %arg9: memref<2000x160xf32, #tpu.memory_space<vmem>>, %arg10: memref<2000x5xf32, #tpu.memory_space<vmem>>) attributes {dimension_semantics = [#tpu.dimension_semantics<arbitrary>], iteration_bounds = array<i64: 5>, scalar_prefetch = 0 : i64, scratch_operands = 0 : i64, tpu.core_type = #tpu.core_type<tc>, window_params = [{transform_indices = @transform_0, window_bounds = array<i64: 2000, 128>}, {pipeline_mode = #tpu.pipeline_mode<synchronous>, transform_indices = @transform_1, window_bounds = array<i64: 128, 80>}, {pipeline_mode = #tpu.pipeline_mode<synchronous>, transform_indices = @transform_2, window_bounds = array<i64: 1, 80>}, {pipeline_mode = #tpu.pipeline_mode<synchronous>, transform_indices = @transform_3, window_bounds = array<i64: 128, 160>}, {pipeline_mode = #tpu.pipeline_mode<synchronous>, transform_indices = @transform_4, window_bounds = array<i64: 1, 160>}, {pipeline_mode = #tpu.pipeline_mode<synchronous>, transform_indices = @transform_5, window_bounds = array<i64: 128, 5>}, {pipeline_mode = #tpu.pipeline_mode<synchronous>, transform_indices = @transform_6, window_bounds = array<i64: 1, 5>}, {transform_indices = @transform_7, window_bounds = array<i64: 2000, 80>}, {transform_indices = @transform_8, window_bounds = array<i64: 2000, 160>}, {transform_indices = @transform_9, window_bounds = array<i64: 2000, 5>}]} {
    %get3A = arith.constant 0 : index
    %get3A_0 = arith.constant 0 : index
    %get3A_1 = vector.load %arg1[%get3A, %get3A_0] : memref<2000x128xf32, #tpu.memory_space<vmem>>, vector<2000x128xf32>
    %get3A_2 = arith.constant 0 : index
    %get3A_3 = arith.constant 0 : index
    %get3A_4 = vector.load %arg2[%get3A_2, %get3A_3] : memref<128x80xf32, #tpu.memory_space<vmem>>, vector<128x80xf32>
    %dot_general3A = arith.constant dense<0.000000e+00> : vector<2000x80xf32>
    %dot_general3A_5 = tpu.matmul %get3A_1, %get3A_4, %dot_general3A {dimension_numbers = #tpu.dot_dimension_numbers<[1], [0], [0], [1], [0, 0, 1, 1], [], []>, transpose_lhs_hint = false} : vector<2000x128xf32>, vector<128x80xf32>, vector<2000x80xf32> -> vector<2000x80xf32>
    %get3A_6 = arith.constant 0 : index
    %get3A_7 = arith.constant 0 : index
    %get3A_8 = vector.load %arg3[%get3A_6, %get3A_7] : memref<1x80xf32, #tpu.memory_space<vmem>>, vector<1x80xf32>
    %add3A = vector.broadcast %get3A_8 : vector<1x80xf32> to vector<2000x80xf32>
    %add3A_9 = arith.addf %dot_general3A_5, %add3A : vector<2000x80xf32>
    %swap3A = arith.constant 0 : index
    %swap3A_10 = arith.constant 0 : index
    %swap3A_11 = vector.load %arg8[%swap3A, %swap3A_10] : memref<2000x80xf32, #tpu.memory_space<vmem>>, vector<2000x80xf32>
    tpu.vector_store %arg8[%swap3A, %swap3A_10], %add3A_9 {strides = array<i32>} : memref<2000x80xf32, #tpu.memory_space<vmem>>, vector<2000x80xf32>,
    %get3A_12 = arith.constant 0 : index
    %get3A_13 = arith.constant 0 : index
    %get3A_14 = vector.load %arg4[%get3A_12, %get3A_13] : memref<128x160xf32, #tpu.memory_space<vmem>>, vector<128x160xf32>
    %dot_general3A_15 = arith.constant dense<0.000000e+00> : vector<2000x160xf32>
    %dot_general3A_16 = tpu.matmul %get3A_1, %get3A_14, %dot_general3A_15 {dimension_numbers = #tpu.dot_dimension_numbers<[1], [0], [0], [1], [0, 0, 1, 1], [], []>, transpose_lhs_hint = false} : vector<2000x128xf32>, vector<128x160xf32>, vector<2000x160xf32> -> vector<2000x160xf32>
    %get3A_17 = arith.constant 0 : index
    %get3A_18 = arith.constant 0 : index
    %get3A_19 = vector.load %arg5[%get3A_17, %get3A_18] : memref<1x160xf32, #tpu.memory_space<vmem>>, vector<1x160xf32>
    %add3A_20 = vector.broadcast %get3A_19 : vector<1x160xf32> to vector<2000x160xf32>
    %add3A_21 = arith.addf %dot_general3A_16, %add3A_20 : vector<2000x160xf32>
    %swap3A_22 = arith.constant 0 : index
    %swap3A_23 = arith.constant 0 : index
    %swap3A_24 = vector.load %arg9[%swap3A_22, %swap3A_23] : memref<2000x160xf32, #tpu.memory_space<vmem>>, vector<2000x160xf32>
    tpu.vector_store %arg9[%swap3A_22, %swap3A_23], %add3A_21 {strides = array<i32>} : memref<2000x160xf32, #tpu.memory_space<vmem>>, vector<2000x160xf32>,
    %get3A_25 = arith.constant 0 : index
    %get3A_26 = arith.constant 0 : index
    %get3A_27 = vector.load %arg6[%get3A_25, %get3A_26] : memref<128x5xf32, #tpu.memory_space<vmem>>, vector<128x5xf32>
    %dot_general3A_28 = arith.constant dense<0.000000e+00> : vector<2000x5xf32>
    %dot_general3A_29 = tpu.matmul %get3A_1, %get3A_27, %dot_general3A_28 {dimension_numbers = #tpu.dot_dimension_numbers<[1], [0], [0], [1], [0, 0, 1, 1], [], []>, transpose_lhs_hint = false} : vector<2000x128xf32>, vector<128x5xf32>, vector<2000x5xf32> -> vector<2000x5xf32>
    %get3A_30 = arith.constant 0 : index
    %get3A_31 = arith.constant 0 : index
    %get3A_32 = vector.load %arg7[%get3A_30, %get3A_31] : memref<1x5xf32, #tpu.memory_space<vmem>>, vector<1x5xf32>
    %add3A_33 = vector.broadcast %get3A_32 : vector<1x5xf32> to vector<2000x5xf32>
    %add3A_34 = arith.addf %dot_general3A_29, %add3A_33 : vector<2000x5xf32>
    %swap3A_35 = arith.constant 0 : index
    %swap3A_36 = arith.constant 0 : index
    %swap3A_37 = vector.load %arg10[%swap3A_35, %swap3A_36] : memref<2000x5xf32, #tpu.memory_space<vmem>>, vector<2000x5xf32>
    tpu.vector_store %arg10[%swap3A_35, %swap3A_36], %add3A_34 {strides = array<i32>} : memref<2000x5xf32, #tpu.memory_space<vmem>>, vector<2000x5xf32>,
    return
  }
  func.func @transform_0(%arg0: i32) -> (i32, i32) {
    %c0_i32 = arith.constant 0 : i32
    %c0_i32_0 = arith.constant 0 : i32
    return %arg0, %c0_i32 : i32, i32
  }
  func.func @transform_1(%arg0: i32) -> (i32, i32) {
    %c0_i32 = arith.constant 0 : i32
    %c0_i32_0 = arith.constant 0 : i32
    %c0_i32_1 = arith.constant 0 : i32
    return %c0_i32, %c0_i32_0 : i32, i32
  }
  func.func @transform_2(%arg0: i32) -> (i32, i32) {
    %c0_i32 = arith.constant 0 : i32
    %c0_i32_0 = arith.constant 0 : i32
    %c0_i32_1 = arith.constant 0 : i32
    return %c0_i32, %c0_i32_0 : i32, i32
  }
  func.func @transform_3(%arg0: i32) -> (i32, i32) {
    %c0_i32 = arith.constant 0 : i32
    %c0_i32_0 = arith.constant 0 : i32
    %c0_i32_1 = arith.constant 0 : i32
    return %c0_i32, %c0_i32_0 : i32, i32
  }
  func.func @transform_4(%arg0: i32) -> (i32, i32) {
    %c0_i32 = arith.constant 0 : i32
    %c0_i32_0 = arith.constant 0 : i32
    %c0_i32_1 = arith.constant 0 : i32
    return %c0_i32, %c0_i32_0 : i32, i32
  }
  func.func @transform_5(%arg0: i32) -> (i32, i32) {
    %c0_i32 = arith.constant 0 : i32
    %c0_i32_0 = arith.constant 0 : i32
    %c0_i32_1 = arith.constant 0 : i32
    return %c0_i32, %c0_i32_0 : i32, i32
  }
  func.func @transform_6(%arg0: i32) -> (i32, i32) {
    %c0_i32 = arith.constant 0 : i32
    %c0_i32_0 = arith.constant 0 : i32
    %c0_i32_1 = arith.constant 0 : i32
    return %c0_i32, %c0_i32_0 : i32, i32
  }
  func.func @transform_7(%arg0: i32) -> (i32, i32) {
    %c0_i32 = arith.constant 0 : i32
    %c0_i32_0 = arith.constant 0 : i32
    return %arg0, %c0_i32 : i32, i32
  }
  func.func @transform_8(%arg0: i32) -> (i32, i32) {
    %c0_i32 = arith.constant 0 : i32
    %c0_i32_0 = arith.constant 0 : i32
    return %arg0, %c0_i32 : i32, i32
  }
  func.func @transform_9(%arg0: i32) -> (i32, i32) {
    %c0_i32 = arith.constant 0 : i32
    %c0_i32_0 = arith.constant 0 : i32
    return %arg0, %c0_i32 : i32, i32
  }
}

module attributes {stable_mosaic.version = 14 : i64} {
  func.func @_eproj_body(%arg0: i32, %arg1: memref<16x16000xf32, #tpu.memory_space<vmem>>, %arg2: memref<16x128xf32, #tpu.memory_space<vmem>>, %arg3: memref<16000x128xf32, #tpu.memory_space<vmem>>) attributes {dimension_semantics = [#tpu.dimension_semantics<arbitrary>], iteration_bounds = array<i64: 20>, scalar_prefetch = 0 : i64, scratch_operands = 0 : i64, tpu.core_type = #tpu.core_type<tc>, window_params = [{transform_indices = @transform_0, window_bounds = array<i64: 16, 16000>}, {pipeline_mode = #tpu.pipeline_mode<synchronous>, transform_indices = @transform_1, window_bounds = array<i64: 16, 128>}, {transform_indices = @transform_2, window_bounds = array<i64: 16000, 128>}]} {
    %get3A = arith.constant 0 : index
    %get3A_0 = arith.constant 0 : index
    %get3A_1 = vector.load %arg1[%get3A, %get3A_0] : memref<16x16000xf32, #tpu.memory_space<vmem>>, vector<16x16000xf32>
    %get3A_2 = arith.constant 0 : index
    %get3A_3 = arith.constant 0 : index
    %get3A_4 = vector.load %arg2[%get3A_2, %get3A_3] : memref<16x128xf32, #tpu.memory_space<vmem>>, vector<16x128xf32>
    %dot_general3A = arith.constant dense<0.000000e+00> : vector<16000x128xf32>
    %dot_general3A_5 = tpu.matmul %get3A_1, %get3A_4, %dot_general3A {dimension_numbers = #tpu.dot_dimension_numbers<[0], [0], [1], [1], [0, 1, 1, 1], [], []>, transpose_lhs_hint = false} : vector<16x16000xf32>, vector<16x128xf32>, vector<16000x128xf32> -> vector<16000x128xf32>
    %swap3A = arith.constant 0 : index
    %swap3A_6 = arith.constant 0 : index
    %swap3A_7 = vector.load %arg3[%swap3A, %swap3A_6] : memref<16000x128xf32, #tpu.memory_space<vmem>>, vector<16000x128xf32>
    tpu.vector_store %arg3[%swap3A, %swap3A_6], %dot_general3A_5 {strides = array<i32>} : memref<16000x128xf32, #tpu.memory_space<vmem>>, vector<16000x128xf32>,
    return
  }
  func.func @transform_0(%arg0: i32) -> (i32, i32) {
    %c0_i32 = arith.constant 0 : i32
    %c0_i32_0 = arith.constant 0 : i32
    return %c0_i32, %arg0 : i32, i32
  }
  func.func @transform_1(%arg0: i32) -> (i32, i32) {
    %c0_i32 = arith.constant 0 : i32
    %c0_i32_0 = arith.constant 0 : i32
    %c0_i32_1 = arith.constant 0 : i32
    return %c0_i32, %c0_i32_0 : i32, i32
  }
  func.func @transform_2(%arg0: i32) -> (i32, i32) {
    %c0_i32 = arith.constant 0 : i32
    %c0_i32_0 = arith.constant 0 : i32
    return %arg0, %c0_i32 : i32, i32
  }
}

module attributes {stable_mosaic.version = 14 : i64} {
  func.func @_gate1_body(%arg0: i32, %arg1: memref<2000x96xf32, #tpu.memory_space<vmem>>, %arg2: memref<2000x96xf32, #tpu.memory_space<vmem>>, %arg3: memref<2000x5xf32, #tpu.memory_space<vmem>>, %arg4: memref<96x80xf32, #tpu.memory_space<vmem>>, %arg5: memref<96x80xf32, #tpu.memory_space<vmem>>, %arg6: memref<80x5xf32, #tpu.memory_space<vmem>>, %arg7: memref<5x1xf32, #tpu.memory_space<vmem>>, %arg8: memref<5x1xf32, #tpu.memory_space<vmem>>, %arg9: memref<2000x5xf32, #tpu.memory_space<vmem>>) attributes {dimension_semantics = [#tpu.dimension_semantics<arbitrary>], iteration_bounds = array<i64: 5>, scalar_prefetch = 0 : i64, scratch_operands = 0 : i64, tpu.core_type = #tpu.core_type<tc>, window_params = [{transform_indices = @transform_0, window_bounds = array<i64: 2000, 96>}, {transform_indices = @transform_1, window_bounds = array<i64: 2000, 96>}, {transform_indices = @transform_2, window_bounds = array<i64: 2000, 5>}, {pipeline_mode = #tpu.pipeline_mode<synchronous>, transform_indices = @transform_3, window_bounds = array<i64: 96, 80>}, {pipeline_mode = #tpu.pipeline_mode<synchronous>, transform_indices = @transform_4, window_bounds = array<i64: 96, 80>}, {pipeline_mode = #tpu.pipeline_mode<synchronous>, transform_indices = @transform_5, window_bounds = array<i64: 80, 5>}, {pipeline_mode = #tpu.pipeline_mode<synchronous>, transform_indices = @transform_6, window_bounds = array<i64: 5, 1>}, {pipeline_mode = #tpu.pipeline_mode<synchronous>, transform_indices = @transform_7, window_bounds = array<i64: 5, 1>}, {transform_indices = @transform_8, window_bounds = array<i64: 2000, 5>}]} {
    %get3A = arith.constant 0 : index
    %get3A_0 = arith.constant 0 : index
    %get3A_1 = vector.load %arg1[%get3A, %get3A_0] : memref<2000x96xf32, #tpu.memory_space<vmem>>, vector<2000x96xf32>
    %get3A_2 = arith.constant 0 : index
    %get3A_3 = arith.constant 0 : index
    %get3A_4 = vector.load %arg2[%get3A_2, %get3A_3] : memref<2000x96xf32, #tpu.memory_space<vmem>>, vector<2000x96xf32>
    %add3A = arith.addf %get3A_1, %get3A_4 : vector<2000x96xf32>
    %get3A_5 = arith.constant 0 : index
    %get3A_6 = arith.constant 0 : index
    %get3A_7 = vector.load %arg4[%get3A_5, %get3A_6] : memref<96x80xf32, #tpu.memory_space<vmem>>, vector<96x80xf32>
    %dot_general3A = arith.constant dense<0.000000e+00> : vector<2000x80xf32>
    %dot_general3A_8 = tpu.matmul %add3A, %get3A_7, %dot_general3A {dimension_numbers = #tpu.dot_dimension_numbers<[1], [0], [0], [1], [0, 0, 1, 1], [], []>, transpose_lhs_hint = false} : vector<2000x96xf32>, vector<96x80xf32>, vector<2000x80xf32> -> vector<2000x80xf32>
    %get3A_9 = arith.constant 0 : index
    %get3A_10 = arith.constant 0 : index
    %get3A_11 = vector.load %arg5[%get3A_9, %get3A_10] : memref<96x80xf32, #tpu.memory_space<vmem>>, vector<96x80xf32>
    %dot_general3A_12 = arith.constant dense<0.000000e+00> : vector<2000x80xf32>
    %dot_general3A_13 = tpu.matmul %add3A, %get3A_11, %dot_general3A_12 {dimension_numbers = #tpu.dot_dimension_numbers<[1], [0], [0], [1], [0, 0, 1, 1], [], []>, transpose_lhs_hint = false} : vector<2000x96xf32>, vector<96x80xf32>, vector<2000x80xf32> -> vector<2000x80xf32>
    %add3A_14 = arith.constant 1.000000e-16 : f32
    %add3A_15 = vector.broadcast %add3A_14 : f32 to vector<2000x80xf32>
    %add3A_16 = arith.addf %dot_general3A_13, %add3A_15 : vector<2000x80xf32>
    %div3A = arith.divf %dot_general3A_8, %add3A_16 : vector<2000x80xf32>
    %get3A_17 = arith.constant 0 : index
    %get3A_18 = arith.constant 0 : index
    %get3A_19 = vector.load %arg6[%get3A_17, %get3A_18] : memref<80x5xf32, #tpu.memory_space<vmem>>, vector<80x5xf32>
    %dot_general3A_20 = arith.constant dense<0.000000e+00> : vector<2000x5xf32>
    %dot_general3A_21 = tpu.matmul %div3A, %get3A_19, %dot_general3A_20 {dimension_numbers = #tpu.dot_dimension_numbers<[1], [0], [0], [1], [0, 0, 1, 1], [], []>, transpose_lhs_hint = false} : vector<2000x80xf32>, vector<80x5xf32>, vector<2000x5xf32> -> vector<2000x5xf32>
    %get3A_22 = arith.constant 0 : index
    %get3A_23 = arith.constant 0 : index
    %get3A_24 = vector.load %arg3[%get3A_22, %get3A_23] : memref<2000x5xf32, #tpu.memory_space<vmem>>, vector<2000x5xf32>
    %get3A_25 = arith.constant 0 : index
    %get3A_26 = arith.constant 0 : index
    %get3A_27 = vector.load %arg7[%get3A_25, %get3A_26] : memref<5x1xf32, #tpu.memory_space<vmem>>, vector<5x1xf32>
    %dot_general3A_28 = arith.constant dense<0.000000e+00> : vector<2000x1xf32>
    %dot_general3A_29 = tpu.matmul %dot_general3A_21, %get3A_27, %dot_general3A_28 {dimension_numbers = #tpu.dot_dimension_numbers<[1], [0], [0], [1], [0, 0, 1, 1], [], []>, transpose_lhs_hint = false} : vector<2000x5xf32>, vector<5x1xf32>, vector<2000x1xf32> -> vector<2000x1xf32>
    %get3A_30 = arith.constant 0 : index
    %get3A_31 = arith.constant 0 : index
    %get3A_32 = vector.load %arg8[%get3A_30, %get3A_31] : memref<5x1xf32, #tpu.memory_space<vmem>>, vector<5x1xf32>
    %dot_general3A_33 = arith.constant dense<0.000000e+00> : vector<2000x1xf32>
    %dot_general3A_34 = tpu.matmul %get3A_24, %get3A_32, %dot_general3A_33 {dimension_numbers = #tpu.dot_dimension_numbers<[1], [0], [0], [1], [0, 0, 1, 1], [], []>, transpose_lhs_hint = false} : vector<2000x5xf32>, vector<5x1xf32>, vector<2000x1xf32> -> vector<2000x1xf32>
    %add3A_35 = arith.addf %dot_general3A_29, %dot_general3A_34 : vector<2000x1xf32>
    %logistic3A = arith.negf %add3A_35 : vector<2000x1xf32>
    %logistic3A_36 = math.exp %logistic3A : vector<2000x1xf32>
    %logistic3A_37 = arith.constant 1.000000e+00 : f32
    %logistic3A_38 = vector.broadcast %logistic3A_37 : f32 to vector<2000x1xf32>
    %logistic3A_39 = arith.addf %logistic3A_38, %logistic3A_36 : vector<2000x1xf32>
    %logistic3A_40 = arith.divf %logistic3A_38, %logistic3A_39 : vector<2000x1xf32>
    %mul3A = vector.broadcast %logistic3A_40 : vector<2000x1xf32> to vector<2000x5xf32>
    %mul3A_41 = arith.mulf %mul3A, %get3A_24 : vector<2000x5xf32>
    %sub3A = arith.constant 1.000000e+00 : f32
    %sub3A_42 = vector.broadcast %sub3A : f32 to vector<2000x1xf32>
    %sub3A_43 = arith.subf %sub3A_42, %logistic3A_40 : vector<2000x1xf32>
    %mul3A_44 = vector.broadcast %sub3A_43 : vector<2000x1xf32> to vector<2000x5xf32>
    %mul3A_45 = arith.mulf %mul3A_44, %dot_general3A_21 : vector<2000x5xf32>
    %add3A_46 = arith.addf %mul3A_41, %mul3A_45 : vector<2000x5xf32>
    %swap3A = arith.constant 0 : index
    %swap3A_47 = arith.constant 0 : index
    %swap3A_48 = vector.load %arg9[%swap3A, %swap3A_47] : memref<2000x5xf32, #tpu.memory_space<vmem>>, vector<2000x5xf32>
    tpu.vector_store %arg9[%swap3A, %swap3A_47], %add3A_46 {strides = array<i32>} : memref<2000x5xf32, #tpu.memory_space<vmem>>, vector<2000x5xf32>,
    return
  }
  func.func @transform_0(%arg0: i32) -> (i32, i32) {
    %c0_i32 = arith.constant 0 : i32
    %c0_i32_0 = arith.constant 0 : i32
    return %arg0, %c0_i32 : i32, i32
  }
  func.func @transform_1(%arg0: i32) -> (i32, i32) {
    %add3A = arith.constant 5 : i32
    %add3A_0 = arith.addi %arg0, %add3A : i32
    %c0_i32 = arith.constant 0 : i32
    %c0_i32_1 = arith.constant 0 : i32
    return %add3A_0, %c0_i32 : i32, i32
  }
  func.func @transform_2(%arg0: i32) -> (i32, i32) {
    %c0_i32 = arith.constant 0 : i32
    %c0_i32_0 = arith.constant 0 : i32
    return %arg0, %c0_i32 : i32, i32
  }
  func.func @transform_3(%arg0: i32) -> (i32, i32) {
    %c0_i32 = arith.constant 0 : i32
    %c0_i32_0 = arith.constant 0 : i32
    %c0_i32_1 = arith.constant 0 : i32
    return %c0_i32, %c0_i32_0 : i32, i32
  }
  func.func @transform_4(%arg0: i32) -> (i32, i32) {
    %c0_i32 = arith.constant 0 : i32
    %c0_i32_0 = arith.constant 0 : i32
    %c0_i32_1 = arith.constant 0 : i32
    return %c0_i32, %c0_i32_0 : i32, i32
  }
  func.func @transform_5(%arg0: i32) -> (i32, i32) {
    %c0_i32 = arith.constant 0 : i32
    %c0_i32_0 = arith.constant 0 : i32
    %c0_i32_1 = arith.constant 0 : i32
    return %c0_i32, %c0_i32_0 : i32, i32
  }
  func.func @transform_6(%arg0: i32) -> (i32, i32) {
    %c0_i32 = arith.constant 0 : i32
    %c0_i32_0 = arith.constant 0 : i32
    %c0_i32_1 = arith.constant 0 : i32
    return %c0_i32, %c0_i32_0 : i32, i32
  }
  func.func @transform_7(%arg0: i32) -> (i32, i32) {
    %c0_i32 = arith.constant 0 : i32
    %c0_i32_0 = arith.constant 0 : i32
    %c0_i32_1 = arith.constant 0 : i32
    return %c0_i32, %c0_i32_0 : i32, i32
  }
  func.func @transform_8(%arg0: i32) -> (i32, i32) {
    %c0_i32 = arith.constant 0 : i32
    %c0_i32_0 = arith.constant 0 : i32
    return %arg0, %c0_i32 : i32, i32
  }
}

module attributes {stable_mosaic.version = 14 : i64} {
  func.func @_gstats_body(%arg0: memref<10000x5xf32, #tpu.memory_space<vmem>>, %arg1: memref<1x10000xi32, #tpu.memory_space<vmem>>, %arg2: memref<1x5xf32, #tpu.memory_space<vmem>>, %arg3: memref<1x5xf32, #tpu.memory_space<vmem>>, %arg4: memref<64x5xf32, #tpu.memory_space<vmem>>, %arg5: memref<64x5xf32, #tpu.memory_space<vmem>>) attributes {dimension_semantics = [], scalar_prefetch = 0 : i64, scratch_operands = 0 : i64, tpu.core_type = #tpu.core_type<tc>} {
    %get3A = arith.constant 0 : index
    %get3A_0 = arith.constant 0 : index
    %get3A_1 = vector.load %arg0[%get3A, %get3A_0] : memref<10000x5xf32, #tpu.memory_space<vmem>>, vector<10000x5xf32>
    %iota3A = tpu.iota {dimensions = array<i32: 0>} : vector<64x10000xi32>
    %get3A_2 = arith.constant 0 : index
    %get3A_3 = arith.constant 0 : index
    %get3A_4 = vector.load %arg1[%get3A_2, %get3A_3] : memref<1x10000xi32, #tpu.memory_space<vmem>>, vector<1x10000xi32>
    %eq3A = vector.broadcast %get3A_4 : vector<1x10000xi32> to vector<64x10000xi32>
    %eq3A_5 = arith.cmpi eq, %eq3A, %iota3A : vector<64x10000xi32>
    %convert_element_type3A = arith.extui %eq3A_5 : vector<64x10000xi1> to vector<64x10000xi32>
    %convert_element_type3A_6 = arith.sitofp %convert_element_type3A : vector<64x10000xi32> to vector<64x10000xf32>
    %reduce_sum3A = arith.constant dense<0.000000e+00> : vector<64xf32>
    %reduce_sum3A_7 = vector.multi_reduction <add>, %convert_element_type3A_6, %reduce_sum3A [1] : vector<64x10000xf32> to vector<64xf32>
    %broadcast_in_dim3A = vector.shape_cast %reduce_sum3A_7 : vector<64xf32> to vector<64x1xf32>
    %max3A = arith.constant 1.000000e+00 : f32
    %max3A_8 = vector.broadcast %max3A : f32 to vector<64x1xf32>
    %max3A_9 = arith.maximumf %broadcast_in_dim3A, %max3A_8 : vector<64x1xf32>
    %div3A = arith.constant 1.000000e+00 : f32
    %div3A_10 = vector.broadcast %div3A : f32 to vector<64x1xf32>
    %div3A_11 = arith.divf %div3A_10, %max3A_9 : vector<64x1xf32>
    %dot_general3A = arith.constant dense<0.000000e+00> : vector<64x5xf32>
    %dot_general3A_12 = tpu.matmul %convert_element_type3A_6, %get3A_1, %dot_general3A {dimension_numbers = #tpu.dot_dimension_numbers<[1], [0], [0], [1], [0, 0, 1, 1], [], []>, transpose_lhs_hint = false} : vector<64x10000xf32>, vector<10000x5xf32>, vector<64x5xf32> -> vector<64x5xf32>
    %mul3A = vector.broadcast %div3A_11 : vector<64x1xf32> to vector<64x5xf32>
    %mul3A_13 = arith.mulf %dot_general3A_12, %mul3A : vector<64x5xf32>
    %mul3A_14 = arith.mulf %get3A_1, %get3A_1 : vector<10000x5xf32>
    %dot_general3A_15 = arith.constant dense<0.000000e+00> : vector<64x5xf32>
    %dot_general3A_16 = tpu.matmul %convert_element_type3A_6, %mul3A_14, %dot_general3A_15 {dimension_numbers = #tpu.dot_dimension_numbers<[1], [0], [0], [1], [0, 0, 1, 1], [], []>, transpose_lhs_hint = false} : vector<64x10000xf32>, vector<10000x5xf32>, vector<64x5xf32> -> vector<64x5xf32>
    %mul3A_17 = vector.broadcast %div3A_11 : vector<64x1xf32> to vector<64x5xf32>
    %mul3A_18 = arith.mulf %dot_general3A_16, %mul3A_17 : vector<64x5xf32>
    %get3A_19 = arith.constant 0 : index
    %get3A_20 = arith.constant 0 : index
    %get3A_21 = vector.load %arg3[%get3A_19, %get3A_20] : memref<1x5xf32, #tpu.memory_space<vmem>>, vector<1x5xf32>
    %mul3A_22 = arith.mulf %mul3A_13, %mul3A_13 : vector<64x5xf32>
    %mul3A_23 = vector.broadcast %get3A_21 : vector<1x5xf32> to vector<64x5xf32>
    %mul3A_24 = arith.mulf %mul3A_22, %mul3A_23 : vector<64x5xf32>
    %sub3A = arith.constant 2.000000e+00 : f32
    %sub3A_25 = vector.broadcast %sub3A : f32 to vector<1x5xf32>
    %sub3A_26 = arith.subf %sub3A_25, %get3A_21 : vector<1x5xf32>
    %mul3A_27 = vector.broadcast %sub3A_26 : vector<1x5xf32> to vector<64x5xf32>
    %mul3A_28 = arith.mulf %mul3A_24, %mul3A_27 : vector<64x5xf32>
    %sub3A_29 = arith.subf %mul3A_18, %mul3A_28 : vector<64x5xf32>
    %mul3A_30 = vector.broadcast %get3A_21 : vector<1x5xf32> to vector<64x5xf32>
    %mul3A_31 = arith.mulf %mul3A_13, %mul3A_30 : vector<64x5xf32>
    %swap3A = arith.constant 0 : index
    %swap3A_32 = arith.constant 0 : index
    %swap3A_33 = vector.load %arg4[%swap3A, %swap3A_32] : memref<64x5xf32, #tpu.memory_space<vmem>>, vector<64x5xf32>
    tpu.vector_store %arg4[%swap3A, %swap3A_32], %mul3A_31 {strides = array<i32>} : memref<64x5xf32, #tpu.memory_space<vmem>>, vector<64x5xf32>,
    %get3A_34 = arith.constant 0 : index
    %get3A_35 = arith.constant 0 : index
    %get3A_36 = vector.load %arg2[%get3A_34, %get3A_35] : memref<1x5xf32, #tpu.memory_space<vmem>>, vector<1x5xf32>
    %add3A = arith.constant 9.99999974E-6 : f32
    %add3A_37 = vector.broadcast %add3A : f32 to vector<64x5xf32>
    %add3A_38 = arith.addf %sub3A_29, %add3A_37 : vector<64x5xf32>
    %rsqrt3A = math.rsqrt %add3A_38 : vector<64x5xf32>
    %mul3A_39 = vector.broadcast %get3A_36 : vector<1x5xf32> to vector<64x5xf32>
    %mul3A_40 = arith.mulf %mul3A_39, %rsqrt3A : vector<64x5xf32>
    %swap3A_41 = arith.constant 0 : index
    %swap3A_42 = arith.constant 0 : index
    %swap3A_43 = vector.load %arg5[%swap3A_41, %swap3A_42] : memref<64x5xf32, #tpu.memory_space<vmem>>, vector<64x5xf32>
    tpu.vector_store %arg5[%swap3A_41, %swap3A_42], %mul3A_40 {strides = array<i32>} : memref<64x5xf32, #tpu.memory_space<vmem>>, vector<64x5xf32>,
    return
  }
}

module attributes {stable_mosaic.version = 14 : i64} {
  func.func @_node2_body(%arg0: i32, %arg1: memref<2000x5xf32, #tpu.memory_space<vmem>>, %arg2: memref<2000x1xi32, #tpu.memory_space<vmem>>, %arg3: memref<64x5xf32, #tpu.memory_space<vmem>>, %arg4: memref<64x5xf32, #tpu.memory_space<vmem>>, %arg5: memref<1x5xf32, #tpu.memory_space<vmem>>, %arg6: memref<5x10xf32, #tpu.memory_space<vmem>>, %arg7: memref<1x10xf32, #tpu.memory_space<vmem>>, %arg8: memref<5x10xf32, #tpu.memory_space<vmem>>, %arg9: memref<1x10xf32, #tpu.memory_space<vmem>>, %arg10: memref<5x10xf32, #tpu.memory_space<vmem>>, %arg11: memref<1x10xf32, #tpu.memory_space<vmem>>, %arg12: memref<5x1xf32, #tpu.memory_space<vmem>>, %arg13: memref<1x1xf32, #tpu.memory_space<vmem>>, %arg14: memref<10x16xf32, #tpu.memory_space<vmem>>, %arg15: memref<10x32xf32, #tpu.memory_space<vmem>>, %arg16: memref<10x32xf32, #tpu.memory_space<vmem>>, %arg17: memref<2000x16xf32, #tpu.memory_space<vmem>>, %arg18: memref<2000x32xf32, #tpu.memory_space<vmem>>, %arg19: memref<2000x1xf32, #tpu.memory_space<vmem>>) attributes {dimension_semantics = [#tpu.dimension_semantics<arbitrary>], iteration_bounds = array<i64: 5>, scalar_prefetch = 0 : i64, scratch_operands = 0 : i64, tpu.core_type = #tpu.core_type<tc>, window_params = [{transform_indices = @transform_0, window_bounds = array<i64: 2000, 5>}, {transform_indices = @transform_1, window_bounds = array<i64: 2000, 1>}, {pipeline_mode = #tpu.pipeline_mode<synchronous>, transform_indices = @transform_2, window_bounds = array<i64: 64, 5>}, {pipeline_mode = #tpu.pipeline_mode<synchronous>, transform_indices = @transform_3, window_bounds = array<i64: 64, 5>}, {pipeline_mode = #tpu.pipeline_mode<synchronous>, transform_indices = @transform_4, window_bounds = array<i64: 1, 5>}, {pipeline_mode = #tpu.pipeline_mode<synchronous>, transform_indices = @transform_5, window_bounds = array<i64: 5, 10>}, {pipeline_mode = #tpu.pipeline_mode<synchronous>, transform_indices = @transform_6, window_bounds = array<i64: 1, 10>}, {pipeline_mode = #tpu.pipeline_mode<synchronous>, transform_indices = @transform_7, window_bounds = array<i64: 5, 10>}, {pipeline_mode = #tpu.pipeline_mode<synchronous>, transform_indices = @transform_8, window_bounds = array<i64: 1, 10>}, {pipeline_mode = #tpu.pipeline_mode<synchronous>, transform_indices = @transform_9, window_bounds = array<i64: 5, 10>}, {pipeline_mode = #tpu.pipeline_mode<synchronous>, transform_indices = @transform_10, window_bounds = array<i64: 1, 10>}, {pipeline_mode = #tpu.pipeline_mode<synchronous>, transform_indices = @transform_11, window_bounds = array<i64: 5, 1>}, {pipeline_mode = #tpu.pipeline_mode<synchronous>, transform_indices = @transform_12, window_bounds = array<i64: 1, 1>}, {pipeline_mode = #tpu.pipeline_mode<synchronous>, transform_indices = @transform_13, window_bounds = array<i64: 10, 16>}, {pipeline_mode = #tpu.pipeline_mode<synchronous>, transform_indices = @transform_14, window_bounds = array<i64: 10, 32>}, {pipeline_mode = #tpu.pipeline_mode<synchronous>, transform_indices = @transform_15, window_bounds = array<i64: 10, 32>}, {transform_indices = @transform_16, window_bounds = array<i64: 2000, 16>}, {transform_indices = @transform_17, window_bounds = array<i64: 2000, 32>}, {transform_indices = @transform_18, window_bounds = array<i64: 2000, 1>}]} {
    %get3A = arith.constant 0 : index
    %get3A_0 = arith.constant 0 : index
    %get3A_1 = vector.load %arg1[%get3A, %get3A_0] : memref<2000x5xf32, #tpu.memory_space<vmem>>, vector<2000x5xf32>
    %iota3A = tpu.iota {dimensions = array<i32: 1>} : vector<2000x64xi32>
    %get3A_2 = arith.constant 0 : index
    %get3A_3 = arith.constant 0 : index
    %get3A_4 = vector.load %arg2[%get3A_2, %get3A_3] : memref<2000x1xi32, #tpu.memory_space<vmem>>, vector<2000x1xi32>
    %eq3A = vector.broadcast %get3A_4 : vector<2000x1xi32> to vector<2000x64xi32>
    %eq3A_5 = arith.cmpi eq, %eq3A, %iota3A : vector<2000x64xi32>
    %convert_element_type3A = arith.extui %eq3A_5 : vector<2000x64xi1> to vector<2000x64xi32>
    %convert_element_type3A_6 = arith.sitofp %convert_element_type3A : vector<2000x64xi32> to vector<2000x64xf32>
    %get3A_7 = arith.constant 0 : index
    %get3A_8 = arith.constant 0 : index
    %get3A_9 = vector.load %arg3[%get3A_7, %get3A_8] : memref<64x5xf32, #tpu.memory_space<vmem>>, vector<64x5xf32>
    %dot_general3A = arith.constant dense<0.000000e+00> : vector<2000x5xf32>
    %dot_general3A_10 = tpu.matmul %convert_element_type3A_6, %get3A_9, %dot_general3A {dimension_numbers = #tpu.dot_dimension_numbers<[1], [0], [0], [1], [0, 0, 1, 1], [], []>, transpose_lhs_hint = false} : vector<2000x64xf32>, vector<64x5xf32>, vector<2000x5xf32> -> vector<2000x5xf32>
    %get3A_11 = arith.constant 0 : index
    %get3A_12 = arith.constant 0 : index
    %get3A_13 = vector.load %arg4[%get3A_11, %get3A_12] : memref<64x5xf32, #tpu.memory_space<vmem>>, vector<64x5xf32>
    %dot_general3A_14 = arith.constant dense<0.000000e+00> : vector<2000x5xf32>
    %dot_general3A_15 = tpu.matmul %convert_element_type3A_6, %get3A_13, %dot_general3A_14 {dimension_numbers = #tpu.dot_dimension_numbers<[1], [0], [0], [1], [0, 0, 1, 1], [], []>, transpose_lhs_hint = false} : vector<2000x64xf32>, vector<64x5xf32>, vector<2000x5xf32> -> vector<2000x5xf32>
    %sub3A = arith.subf %get3A_1, %dot_general3A_10 : vector<2000x5xf32>
    %mul3A = arith.mulf %sub3A, %dot_general3A_15 : vector<2000x5xf32>
    %get3A_16 = arith.constant 0 : index
    %get3A_17 = arith.constant 0 : index
    %get3A_18 = vector.load %arg5[%get3A_16, %get3A_17] : memref<1x5xf32, #tpu.memory_space<vmem>>, vector<1x5xf32>
    %add3A = vector.broadcast %get3A_18 : vector<1x5xf32> to vector<2000x5xf32>
    %add3A_19 = arith.addf %mul3A, %add3A : vector<2000x5xf32>
    %max3A = arith.constant 0.000000e+00 : f32
    %max3A_20 = vector.broadcast %max3A : f32 to vector<2000x5xf32>
    %max3A_21 = arith.maximumf %add3A_19, %max3A_20 : vector<2000x5xf32>
    %get3A_22 = arith.constant 0 : index
    %get3A_23 = arith.constant 0 : index
    %get3A_24 = vector.load %arg6[%get3A_22, %get3A_23] : memref<5x10xf32, #tpu.memory_space<vmem>>, vector<5x10xf32>
    %dot_general3A_25 = arith.constant dense<0.000000e+00> : vector<2000x10xf32>
    %dot_general3A_26 = tpu.matmul %max3A_21, %get3A_24, %dot_general3A_25 {dimension_numbers = #tpu.dot_dimension_numbers<[1], [0], [0], [1], [0, 0, 1, 1], [], []>, transpose_lhs_hint = false} : vector<2000x5xf32>, vector<5x10xf32>, vector<2000x10xf32> -> vector<2000x10xf32>
    %get3A_27 = arith.constant 0 : index
    %get3A_28 = arith.constant 0 : index
    %get3A_29 = vector.load %arg7[%get3A_27, %get3A_28] : memref<1x10xf32, #tpu.memory_space<vmem>>, vector<1x10xf32>
    %add3A_30 = vector.broadcast %get3A_29 : vector<1x10xf32> to vector<2000x10xf32>
    %add3A_31 = arith.addf %dot_general3A_26, %add3A_30 : vector<2000x10xf32>
    %get3A_32 = arith.constant 0 : index
    %get3A_33 = arith.constant 0 : index
    %get3A_34 = vector.load %arg8[%get3A_32, %get3A_33] : memref<5x10xf32, #tpu.memory_space<vmem>>, vector<5x10xf32>
    %dot_general3A_35 = arith.constant dense<0.000000e+00> : vector<2000x10xf32>
    %dot_general3A_36 = tpu.matmul %max3A_21, %get3A_34, %dot_general3A_35 {dimension_numbers = #tpu.dot_dimension_numbers<[1], [0], [0], [1], [0, 0, 1, 1], [], []>, transpose_lhs_hint = false} : vector<2000x5xf32>, vector<5x10xf32>, vector<2000x10xf32> -> vector<2000x10xf32>
    %get3A_37 = arith.constant 0 : index
    %get3A_38 = arith.constant 0 : index
    %get3A_39 = vector.load %arg9[%get3A_37, %get3A_38] : memref<1x10xf32, #tpu.memory_space<vmem>>, vector<1x10xf32>
    %add3A_40 = vector.broadcast %get3A_39 : vector<1x10xf32> to vector<2000x10xf32>
    %add3A_41 = arith.addf %dot_general3A_36, %add3A_40 : vector<2000x10xf32>
    %get3A_42 = arith.constant 0 : index
    %get3A_43 = arith.constant 0 : index
    %get3A_44 = vector.load %arg10[%get3A_42, %get3A_43] : memref<5x10xf32, #tpu.memory_space<vmem>>, vector<5x10xf32>
    %dot_general3A_45 = arith.constant dense<0.000000e+00> : vector<2000x10xf32>
    %dot_general3A_46 = tpu.matmul %max3A_21, %get3A_44, %dot_general3A_45 {dimension_numbers = #tpu.dot_dimension_numbers<[1], [0], [0], [1], [0, 0, 1, 1], [], []>, transpose_lhs_hint = false} : vector<2000x5xf32>, vector<5x10xf32>, vector<2000x10xf32> -> vector<2000x10xf32>
    %get3A_47 = arith.constant 0 : index
    %get3A_48 = arith.constant 0 : index
    %get3A_49 = vector.load %arg11[%get3A_47, %get3A_48] : memref<1x10xf32, #tpu.memory_space<vmem>>, vector<1x10xf32>
    %add3A_50 = vector.broadcast %get3A_49 : vector<1x10xf32> to vector<2000x10xf32>
    %add3A_51 = arith.addf %dot_general3A_46, %add3A_50 : vector<2000x10xf32>
    %get3A_52 = arith.constant 0 : index
    %get3A_53 = arith.constant 0 : index
    %get3A_54 = vector.load %arg14[%get3A_52, %get3A_53] : memref<10x16xf32, #tpu.memory_space<vmem>>, vector<10x16xf32>
    %dot_general3A_55 = arith.constant dense<0.000000e+00> : vector<2000x16xf32>
    %dot_general3A_56 = tpu.matmul %add3A_31, %get3A_54, %dot_general3A_55 {dimension_numbers = #tpu.dot_dimension_numbers<[1], [0], [0], [1], [0, 0, 1, 1], [], []>, transpose_lhs_hint = false} : vector<2000x10xf32>, vector<10x16xf32>, vector<2000x16xf32> -> vector<2000x16xf32>
    %swap3A = arith.constant 0 : index
    %swap3A_57 = arith.constant 0 : index
    %swap3A_58 = vector.load %arg17[%swap3A, %swap3A_57] : memref<2000x16xf32, #tpu.memory_space<vmem>>, vector<2000x16xf32>
    tpu.vector_store %arg17[%swap3A, %swap3A_57], %dot_general3A_56 {strides = array<i32>} : memref<2000x16xf32, #tpu.memory_space<vmem>>, vector<2000x16xf32>,
    %get3A_59 = arith.constant 0 : index
    %get3A_60 = arith.constant 0 : index
    %get3A_61 = vector.load %arg15[%get3A_59, %get3A_60] : memref<10x32xf32, #tpu.memory_space<vmem>>, vector<10x32xf32>
    %dot_general3A_62 = arith.constant dense<0.000000e+00> : vector<2000x32xf32>
    %dot_general3A_63 = tpu.matmul %add3A_41, %get3A_61, %dot_general3A_62 {dimension_numbers = #tpu.dot_dimension_numbers<[1], [0], [0], [1], [0, 0, 1, 1], [], []>, transpose_lhs_hint = false} : vector<2000x10xf32>, vector<10x32xf32>, vector<2000x32xf32> -> vector<2000x32xf32>
    %get3A_64 = arith.constant 0 : index
    %get3A_65 = arith.constant 0 : index
    %get3A_66 = vector.load %arg16[%get3A_64, %get3A_65] : memref<10x32xf32, #tpu.memory_space<vmem>>, vector<10x32xf32>
    %dot_general3A_67 = arith.constant dense<0.000000e+00> : vector<2000x32xf32>
    %dot_general3A_68 = tpu.matmul %add3A_51, %get3A_66, %dot_general3A_67 {dimension_numbers = #tpu.dot_dimension_numbers<[1], [0], [0], [1], [0, 0, 1, 1], [], []>, transpose_lhs_hint = false} : vector<2000x10xf32>, vector<10x32xf32>, vector<2000x32xf32> -> vector<2000x32xf32>
    %add3A_69 = arith.addf %dot_general3A_63, %dot_general3A_68 : vector<2000x32xf32>
    %swap3A_70 = arith.constant 0 : index
    %swap3A_71 = arith.constant 0 : index
    %swap3A_72 = vector.load %arg18[%swap3A_70, %swap3A_71] : memref<2000x32xf32, #tpu.memory_space<vmem>>, vector<2000x32xf32>
    tpu.vector_store %arg18[%swap3A_70, %swap3A_71], %add3A_69 {strides = array<i32>} : memref<2000x32xf32, #tpu.memory_space<vmem>>, vector<2000x32xf32>,
    %get3A_73 = arith.constant 0 : index
    %get3A_74 = arith.constant 0 : index
    %get3A_75 = vector.load %arg12[%get3A_73, %get3A_74] : memref<5x1xf32, #tpu.memory_space<vmem>>, vector<5x1xf32>
    %dot_general3A_76 = arith.constant dense<0.000000e+00> : vector<2000x1xf32>
    %dot_general3A_77 = tpu.matmul %max3A_21, %get3A_75, %dot_general3A_76 {dimension_numbers = #tpu.dot_dimension_numbers<[1], [0], [0], [1], [0, 0, 1, 1], [], []>, transpose_lhs_hint = false} : vector<2000x5xf32>, vector<5x1xf32>, vector<2000x1xf32> -> vector<2000x1xf32>
    %get3A_78 = arith.constant 0 : index
    %get3A_79 = arith.constant 0 : index
    %get3A_80 = vector.load %arg13[%get3A_78, %get3A_79] : memref<1x1xf32, #tpu.memory_space<vmem>>, vector<1x1xf32>
    %add3A_81 = vector.broadcast %get3A_80 : vector<1x1xf32> to vector<2000x1xf32>
    %add3A_82 = arith.addf %dot_general3A_77, %add3A_81 : vector<2000x1xf32>
    %swap3A_83 = arith.constant 0 : index
    %swap3A_84 = arith.constant 0 : index
    %swap3A_85 = vector.load %arg19[%swap3A_83, %swap3A_84] : memref<2000x1xf32, #tpu.memory_space<vmem>>, vector<2000x1xf32>
    tpu.vector_store %arg19[%swap3A_83, %swap3A_84], %add3A_82 {strides = array<i32>} : memref<2000x1xf32, #tpu.memory_space<vmem>>, vector<2000x1xf32>,
    return
  }
  func.func @transform_0(%arg0: i32) -> (i32, i32) {
    %c0_i32 = arith.constant 0 : i32
    %c0_i32_0 = arith.constant 0 : i32
    return %arg0, %c0_i32 : i32, i32
  }
  func.func @transform_1(%arg0: i32) -> (i32, i32) {
    %c0_i32 = arith.constant 0 : i32
    %c0_i32_0 = arith.constant 0 : i32
    return %arg0, %c0_i32 : i32, i32
  }
  func.func @transform_2(%arg0: i32) -> (i32, i32) {
    %c0_i32 = arith.constant 0 : i32
    %c0_i32_0 = arith.constant 0 : i32
    %c0_i32_1 = arith.constant 0 : i32
    return %c0_i32, %c0_i32_0 : i32, i32
  }
  func.func @transform_3(%arg0: i32) -> (i32, i32) {
    %c0_i32 = arith.constant 0 : i32
    %c0_i32_0 = arith.constant 0 : i32
    %c0_i32_1 = arith.constant 0 : i32
    return %c0_i32, %c0_i32_0 : i32, i32
  }
  func.func @transform_4(%arg0: i32) -> (i32, i32) {
    %c0_i32 = arith.constant 0 : i32
    %c0_i32_0 = arith.constant 0 : i32
    %c0_i32_1 = arith.constant 0 : i32
    return %c0_i32, %c0_i32_0 : i32, i32
  }
  func.func @transform_5(%arg0: i32) -> (i32, i32) {
    %c0_i32 = arith.constant 0 : i32
    %c0_i32_0 = arith.constant 0 : i32
    %c0_i32_1 = arith.constant 0 : i32
    return %c0_i32, %c0_i32_0 : i32, i32
  }
  func.func @transform_6(%arg0: i32) -> (i32, i32) {
    %c0_i32 = arith.constant 0 : i32
    %c0_i32_0 = arith.constant 0 : i32
    %c0_i32_1 = arith.constant 0 : i32
    return %c0_i32, %c0_i32_0 : i32, i32
  }
  func.func @transform_7(%arg0: i32) -> (i32, i32) {
    %c0_i32 = arith.constant 0 : i32
    %c0_i32_0 = arith.constant 0 : i32
    %c0_i32_1 = arith.constant 0 : i32
    return %c0_i32, %c0_i32_0 : i32, i32
  }
  func.func @transform_8(%arg0: i32) -> (i32, i32) {
    %c0_i32 = arith.constant 0 : i32
    %c0_i32_0 = arith.constant 0 : i32
    %c0_i32_1 = arith.constant 0 : i32
    return %c0_i32, %c0_i32_0 : i32, i32
  }
  func.func @transform_9(%arg0: i32) -> (i32, i32) {
    %c0_i32 = arith.constant 0 : i32
    %c0_i32_0 = arith.constant 0 : i32
    %c0_i32_1 = arith.constant 0 : i32
    return %c0_i32, %c0_i32_0 : i32, i32
  }
  func.func @transform_10(%arg0: i32) -> (i32, i32) {
    %c0_i32 = arith.constant 0 : i32
    %c0_i32_0 = arith.constant 0 : i32
    %c0_i32_1 = arith.constant 0 : i32
    return %c0_i32, %c0_i32_0 : i32, i32
  }
  func.func @transform_11(%arg0: i32) -> (i32, i32) {
    %c0_i32 = arith.constant 0 : i32
    %c0_i32_0 = arith.constant 0 : i32
    %c0_i32_1 = arith.constant 0 : i32
    return %c0_i32, %c0_i32_0 : i32, i32
  }
  func.func @transform_12(%arg0: i32) -> (i32, i32) {
    %c0_i32 = arith.constant 0 : i32
    %c0_i32_0 = arith.constant 0 : i32
    %c0_i32_1 = arith.constant 0 : i32
    return %c0_i32, %c0_i32_0 : i32, i32
  }
  func.func @transform_13(%arg0: i32) -> (i32, i32) {
    %c0_i32 = arith.constant 0 : i32
    %c0_i32_0 = arith.constant 0 : i32
    %c0_i32_1 = arith.constant 0 : i32
    return %c0_i32, %c0_i32_0 : i32, i32
  }
  func.func @transform_14(%arg0: i32) -> (i32, i32) {
    %c0_i32 = arith.constant 0 : i32
    %c0_i32_0 = arith.constant 0 : i32
    %c0_i32_1 = arith.constant 0 : i32
    return %c0_i32, %c0_i32_0 : i32, i32
  }
  func.func @transform_15(%arg0: i32) -> (i32, i32) {
    %c0_i32 = arith.constant 0 : i32
    %c0_i32_0 = arith.constant 0 : i32
    %c0_i32_1 = arith.constant 0 : i32
    return %c0_i32, %c0_i32_0 : i32, i32
  }
  func.func @transform_16(%arg0: i32) -> (i32, i32) {
    %c0_i32 = arith.constant 0 : i32
    %c0_i32_0 = arith.constant 0 : i32
    return %arg0, %c0_i32 : i32, i32
  }
  func.func @transform_17(%arg0: i32) -> (i32, i32) {
    %c0_i32 = arith.constant 0 : i32
    %c0_i32_0 = arith.constant 0 : i32
    return %arg0, %c0_i32 : i32, i32
  }
  func.func @transform_18(%arg0: i32) -> (i32, i32) {
    %c0_i32 = arith.constant 0 : i32
    %c0_i32_0 = arith.constant 0 : i32
    return %arg0, %c0_i32 : i32, i32
  }
}

module attributes {stable_mosaic.version = 14 : i64} {
  func.func @_final_body(%arg0: i32, %arg1: memref<2000x32xf32, #tpu.memory_space<vmem>>, %arg2: memref<2000x32xf32, #tpu.memory_space<vmem>>, %arg3: memref<2000x1xf32, #tpu.memory_space<vmem>>, %arg4: memref<32x10xf32, #tpu.memory_space<vmem>>, %arg5: memref<32x10xf32, #tpu.memory_space<vmem>>, %arg6: memref<10x1xf32, #tpu.memory_space<vmem>>, %arg7: memref<1x1xf32, #tpu.memory_space<vmem>>, %arg8: memref<1x1xf32, #tpu.memory_space<vmem>>, %arg9: memref<2000x1xf32, #tpu.memory_space<vmem>>) attributes {dimension_semantics = [#tpu.dimension_semantics<arbitrary>], iteration_bounds = array<i64: 5>, scalar_prefetch = 0 : i64, scratch_operands = 0 : i64, tpu.core_type = #tpu.core_type<tc>, window_params = [{transform_indices = @transform_0, window_bounds = array<i64: 2000, 32>}, {transform_indices = @transform_1, window_bounds = array<i64: 2000, 32>}, {transform_indices = @transform_2, window_bounds = array<i64: 2000, 1>}, {pipeline_mode = #tpu.pipeline_mode<synchronous>, transform_indices = @transform_3, window_bounds = array<i64: 32, 10>}, {pipeline_mode = #tpu.pipeline_mode<synchronous>, transform_indices = @transform_4, window_bounds = array<i64: 32, 10>}, {pipeline_mode = #tpu.pipeline_mode<synchronous>, transform_indices = @transform_5, window_bounds = array<i64: 10, 1>}, {pipeline_mode = #tpu.pipeline_mode<synchronous>, transform_indices = @transform_6, window_bounds = array<i64: 1, 1>}, {pipeline_mode = #tpu.pipeline_mode<synchronous>, transform_indices = @transform_7, window_bounds = array<i64: 1, 1>}, {transform_indices = @transform_8, window_bounds = array<i64: 2000, 1>}]} {
    %get3A = arith.constant 0 : index
    %get3A_0 = arith.constant 0 : index
    %get3A_1 = vector.load %arg1[%get3A, %get3A_0] : memref<2000x32xf32, #tpu.memory_space<vmem>>, vector<2000x32xf32>
    %get3A_2 = arith.constant 0 : index
    %get3A_3 = arith.constant 0 : index
    %get3A_4 = vector.load %arg2[%get3A_2, %get3A_3] : memref<2000x32xf32, #tpu.memory_space<vmem>>, vector<2000x32xf32>
    %add3A = arith.addf %get3A_1, %get3A_4 : vector<2000x32xf32>
    %get3A_5 = arith.constant 0 : index
    %get3A_6 = arith.constant 0 : index
    %get3A_7 = vector.load %arg4[%get3A_5, %get3A_6] : memref<32x10xf32, #tpu.memory_space<vmem>>, vector<32x10xf32>
    %dot_general3A = arith.constant dense<0.000000e+00> : vector<2000x10xf32>
    %dot_general3A_8 = tpu.matmul %add3A, %get3A_7, %dot_general3A {dimension_numbers = #tpu.dot_dimension_numbers<[1], [0], [0], [1], [0, 0, 1, 1], [], []>, transpose_lhs_hint = false} : vector<2000x32xf32>, vector<32x10xf32>, vector<2000x10xf32> -> vector<2000x10xf32>
    %get3A_9 = arith.constant 0 : index
    %get3A_10 = arith.constant 0 : index
    %get3A_11 = vector.load %arg5[%get3A_9, %get3A_10] : memref<32x10xf32, #tpu.memory_space<vmem>>, vector<32x10xf32>
    %dot_general3A_12 = arith.constant dense<0.000000e+00> : vector<2000x10xf32>
    %dot_general3A_13 = tpu.matmul %add3A, %get3A_11, %dot_general3A_12 {dimension_numbers = #tpu.dot_dimension_numbers<[1], [0], [0], [1], [0, 0, 1, 1], [], []>, transpose_lhs_hint = false} : vector<2000x32xf32>, vector<32x10xf32>, vector<2000x10xf32> -> vector<2000x10xf32>
    %add3A_14 = arith.constant 1.000000e-16 : f32
    %add3A_15 = vector.broadcast %add3A_14 : f32 to vector<2000x10xf32>
    %add3A_16 = arith.addf %dot_general3A_13, %add3A_15 : vector<2000x10xf32>
    %div3A = arith.divf %dot_general3A_8, %add3A_16 : vector<2000x10xf32>
    %get3A_17 = arith.constant 0 : index
    %get3A_18 = arith.constant 0 : index
    %get3A_19 = vector.load %arg6[%get3A_17, %get3A_18] : memref<10x1xf32, #tpu.memory_space<vmem>>, vector<10x1xf32>
    %dot_general3A_20 = arith.constant dense<0.000000e+00> : vector<2000x1xf32>
    %dot_general3A_21 = tpu.matmul %div3A, %get3A_19, %dot_general3A_20 {dimension_numbers = #tpu.dot_dimension_numbers<[1], [0], [0], [1], [0, 0, 1, 1], [], []>, transpose_lhs_hint = false} : vector<2000x10xf32>, vector<10x1xf32>, vector<2000x1xf32> -> vector<2000x1xf32>
    %get3A_22 = arith.constant 0 : index
    %get3A_23 = arith.constant 0 : index
    %get3A_24 = vector.load %arg3[%get3A_22, %get3A_23] : memref<2000x1xf32, #tpu.memory_space<vmem>>, vector<2000x1xf32>
    %get3A_25 = arith.constant 0 : index
    %get3A_26 = arith.constant 0 : index
    %get3A_27 = vector.load %arg7[%get3A_25, %get3A_26] : memref<1x1xf32, #tpu.memory_space<vmem>>, vector<1x1xf32>
    %mul3A = vector.broadcast %get3A_27 : vector<1x1xf32> to vector<2000x1xf32>
    %mul3A_28 = arith.mulf %dot_general3A_21, %mul3A : vector<2000x1xf32>
    %get3A_29 = arith.constant 0 : index
    %get3A_30 = arith.constant 0 : index
    %get3A_31 = vector.load %arg8[%get3A_29, %get3A_30] : memref<1x1xf32, #tpu.memory_space<vmem>>, vector<1x1xf32>
    %mul3A_32 = vector.broadcast %get3A_31 : vector<1x1xf32> to vector<2000x1xf32>
    %mul3A_33 = arith.mulf %get3A_24, %mul3A_32 : vector<2000x1xf32>
    %add3A_34 = arith.addf %mul3A_28, %mul3A_33 : vector<2000x1xf32>
    %logistic3A = arith.negf %add3A_34 : vector<2000x1xf32>
    %logistic3A_35 = math.exp %logistic3A : vector<2000x1xf32>
    %logistic3A_36 = arith.constant 1.000000e+00 : f32
    %logistic3A_37 = vector.broadcast %logistic3A_36 : f32 to vector<2000x1xf32>
    %logistic3A_38 = arith.addf %logistic3A_37, %logistic3A_35 : vector<2000x1xf32>
    %logistic3A_39 = arith.divf %logistic3A_37, %logistic3A_38 : vector<2000x1xf32>
    %mul3A_40 = arith.mulf %logistic3A_39, %get3A_24 : vector<2000x1xf32>
    %sub3A = arith.constant 1.000000e+00 : f32
    %sub3A_41 = vector.broadcast %sub3A : f32 to vector<2000x1xf32>
    %sub3A_42 = arith.subf %sub3A_41, %logistic3A_39 : vector<2000x1xf32>
    %mul3A_43 = arith.mulf %sub3A_42, %dot_general3A_21 : vector<2000x1xf32>
    %add3A_44 = arith.addf %mul3A_40, %mul3A_43 : vector<2000x1xf32>
    %logistic3A_45 = arith.negf %add3A_44 : vector<2000x1xf32>
    %logistic3A_46 = math.exp %logistic3A_45 : vector<2000x1xf32>
    %logistic3A_47 = arith.constant 1.000000e+00 : f32
    %logistic3A_48 = vector.broadcast %logistic3A_47 : f32 to vector<2000x1xf32>
    %logistic3A_49 = arith.addf %logistic3A_48, %logistic3A_46 : vector<2000x1xf32>
    %logistic3A_50 = arith.divf %logistic3A_48, %logistic3A_49 : vector<2000x1xf32>
    %swap3A = arith.constant 0 : index
    %swap3A_51 = arith.constant 0 : index
    %swap3A_52 = vector.load %arg9[%swap3A, %swap3A_51] : memref<2000x1xf32, #tpu.memory_space<vmem>>, vector<2000x1xf32>
    tpu.vector_store %arg9[%swap3A, %swap3A_51], %logistic3A_50 {strides = array<i32>} : memref<2000x1xf32, #tpu.memory_space<vmem>>, vector<2000x1xf32>,
    return
  }
  func.func @transform_0(%arg0: i32) -> (i32, i32) {
    %c0_i32 = arith.constant 0 : i32
    %c0_i32_0 = arith.constant 0 : i32
    return %arg0, %c0_i32 : i32, i32
  }
  func.func @transform_1(%arg0: i32) -> (i32, i32) {
    %add3A = arith.constant 5 : i32
    %add3A_0 = arith.addi %arg0, %add3A : i32
    %c0_i32 = arith.constant 0 : i32
    %c0_i32_1 = arith.constant 0 : i32
    return %add3A_0, %c0_i32 : i32, i32
  }
  func.func @transform_2(%arg0: i32) -> (i32, i32) {
    %c0_i32 = arith.constant 0 : i32
    %c0_i32_0 = arith.constant 0 : i32
    return %arg0, %c0_i32 : i32, i32
  }
  func.func @transform_3(%arg0: i32) -> (i32, i32) {
    %c0_i32 = arith.constant 0 : i32
    %c0_i32_0 = arith.constant 0 : i32
    %c0_i32_1 = arith.constant 0 : i32
    return %c0_i32, %c0_i32_0 : i32, i32
  }
  func.func @transform_4(%arg0: i32) -> (i32, i32) {
    %c0_i32 = arith.constant 0 : i32
    %c0_i32_0 = arith.constant 0 : i32
    %c0_i32_1 = arith.constant 0 : i32
    return %c0_i32, %c0_i32_0 : i32, i32
  }
  func.func @transform_5(%arg0: i32) -> (i32, i32) {
    %c0_i32 = arith.constant 0 : i32
    %c0_i32_0 = arith.constant 0 : i32
    %c0_i32_1 = arith.constant 0 : i32
    return %c0_i32, %c0_i32_0 : i32, i32
  }
  func.func @transform_6(%arg0: i32) -> (i32, i32) {
    %c0_i32 = arith.constant 0 : i32
    %c0_i32_0 = arith.constant 0 : i32
    %c0_i32_1 = arith.constant 0 : i32
    return %c0_i32, %c0_i32_0 : i32, i32
  }
  func.func @transform_7(%arg0: i32) -> (i32, i32) {
    %c0_i32 = arith.constant 0 : i32
    %c0_i32_0 = arith.constant 0 : i32
    %c0_i32_1 = arith.constant 0 : i32
    return %c0_i32, %c0_i32_0 : i32, i32
  }
  func.func @transform_8(%arg0: i32) -> (i32, i32) {
    %c0_i32 = arith.constant 0 : i32
    %c0_i32_0 = arith.constant 0 : i32
    return %arg0, %c0_i32 : i32, i32
  }
}

</mosaic_0001>

<sc_bundles>
// kernel: kernel.10.cloned.1.call-start
scs
__scs_entry_jumppad:
0x0: {  	(pc) =	sbr.rel $0x88, $3  }
0x1: {  	(tag) =	ssettag $0x0;
	lr =	simm.s32 $0x1  }
0x2: {  	[smem:$0x3F86] =	sst lr;
	_ =	strace $0xD0000000  }
0x3: {  	_ = 	snop  }
0x4: {  	_ = 	snop  }
0x5: {  	_ = 	snop  }
0x6: {  	_ = 	snop  }
0x7: {  	_ = 	snop  }
__scs_overlays_trampoline_lowered:
0x8: {  	[smem:$0x3F95] =	sst s0  }
0x9: {  	[smem:$0x3F96] =	sst s1  }
0xa: {  	[smem:$0x3F97] =	sst s2  }
0xb: {  	[smem:$0x3F98] =	sst s3  }
0xc: {  	[smem:$0x3F99] =	sst s4  }
0xd: {  	[smem:$0x3F9A] =	sst s5  }
0xe: {  	[smem:$0x3F9B] =	sst s6  }
0xf: {  	[smem:$0x3F9C] =	sst s7  }
0x10: {  	[smem:$0x3F9D] =	sst s8  }
0x11: {  	[smem:$0x3F9E] =	sst s9;
	s0 =	simm.s32 @!p0 $0x0  }
0x12: {  	s1 =	sld [smem:$0x3F84];
	s0 =	simm.s32 @p0 $0x1  }
0x13: {  	[smem:$0x3F9F] =	sst s0;
	s0 =	simm.s32 @!p1 $0x0  }
0x14: {  	s2 =	sld [smem:$0x3F83];
	s0 =	simm.s32 @p1 $0x1  }
0x15: {  	[smem:$0x3FA0] =	sst s0;
	s0 =	simm.s32 @!p2 $0x0  }
0x16: {  	s3 =	sld [smem:$0x3FDB];
	s0 =	simm.s32 @p2 $0x1  }
0x17: {  	s4 =	simm.s32 $0x1BF5;
	[smem:$0x3FA2] =	sst s0  }
0x18: {  	s0 =	sld [smem:$0x3F85];
	_ =	swait.ge [sflag:s4], $0x0  }
0x19: {  	s7 =	sld [smem:$0x3F86]  }
0x1a: {  	s8 =	sadd.s32 $0xFFFFE003, lr  }
0x1b: {  	s9 =	sadd.s32 $0xFFFFFEF7, lr;
	s5 =	simm.s32 $0xFFFFFFFF;
	p2 =	slt.u32 s8, $0xFFFFF086  }
0x1c: {  	p1 =	slt.u32 s9, $0xF7A;
	s5 =	simm.s32 @!p2 $0x0  }
0x1d: {  	s5 =	simm.s32 @p1 $0x1;
	p0 =	seq.s32 s7, s2  }
0x1e: {  	s7 =	smul.u32 @!p0 $0xF7A, s2;
	p2 =	seq.s32 @!p0 s5, $0x0  }
0x1f: {  	s9 =	smul.u32 $0xF7A, s1;
	s8 =	simm.s32 @!p0 $0x1BF5;
	p2 =	por !p2, p0  }
0x20: {  	[sflag:s8] =	ssyncset.s32 @!p0 $0xFFFFF086;
	s6 =	sadd.s32 @!p0 s3, s7;
	s7 =	simm.s32 @!p0 $0x108  }
0x21: {  	s3 =	sadd.s32 s3, s9;
	s6 =	sadd.s32 @!p0 $0x88, s6;
	s7 =	simm.s32 @p2 $0x1082  }
0x22: {  	[simem:s7], [sflag:s8] =	dma.local @!p0 [hbm:s6], $0xF7A  }
0x23: {  	s9 =	sor.u32 $0xD0000000, s2;
	s6 =	simm.s32 $0x108;
	_ =	swait.ge @!p0 [sflag:s8], $0x0  }
0x24: {  	s3 =	sadd.s32 $0x88, s3;
	s6 =	simm.s32 @!p1 $0x1082;
	[sflag:s4] =	ssyncset.s32 $0xFFFFF086  }
0x25: {  	[simem:s6], [sflag:s4] =	dma.local [hbm:s3], $0xF7A  }
0x26: {  	[smem:$0x3F86] =	sst s1;
	(tag) =	ssettag s2;
	_ =	strace s9  }
0x27: {  	s1 =	sld [smem:$0x3F96]  }
0x28: {  	s2 =	sld [smem:$0x3F97]  }
0x29: {  	s4 =	sld [smem:$0x3F99]  }
0x2a: {  	p0 =	seq.s32 s5, $0x0;
	s5 =	sld [smem:$0x3F9A]  }
0x2b: {  	s6 =	sld [smem:$0x3F9B]  }
0x2c: {  	s7 =	sld [smem:$0x3F9C]  }
0x2d: {  	s3 =	simm.s32 $0x108;
	s8 =	sld [smem:$0x3F9D]  }
0x2e: {  	s3 =	simm.s32 @!p0 $0x1082;
	s9 =	sld [smem:$0x3F9E]  }
0x2f: {  	lr =	sadd.s32 s0, s3;
	s0 =	sld [smem:$0x3F95]  }
0x30: {  	s3 =	sld [smem:$0x3F98]  }
0x31: {  	[smem:$0x3FA1] =	sst s10  }
0x32: {  	s10 =	sld [smem:$0x3F9F];
	_ =	sdelay $0x3  }
0x33: {  	p0 =	seq.s32 s10, $0x1;
	s10 =	sld [smem:$0x3FA1];
	_ =	sdelay $0x3  }
0x34: {  	[smem:$0x3FA1] =	sst s10  }
0x35: {  	s10 =	sld [smem:$0x3FA0];
	_ =	sdelay $0x3  }
0x36: {  	p1 =	seq.s32 s10, $0x1;
	s10 =	sld [smem:$0x3FA1];
	_ =	sdelay $0x3  }
0x37: {  	[smem:$0x3FA1] =	sst s10  }
0x38: {  	s10 =	sld [smem:$0x3FA2]  }
0x39: {  	_ = 	snop;
	(pc) =	sbr.ind lr, $3  }
0x3a: {  	_ = 	snop  }
0x3b: {  	_ = 	snop  }
0x3c: {  	p2 =	seq.s32 s10, $0x1;
	s10 =	sld [smem:$0x3FA1]  }
0x3d: {  	_ =	shalt  }
0x3e: {  	_ =	shalt  }
0x3f: {  	_ =	shalt  }
0x40: {  	_ =	shalt  }
0x41: {  	_ =	shalt  }
0x42: {  	_ =	shalt  }
0x43: {  	_ =	shalt  }
0x44: {  	_ =	shalt  }
0x45: {  	_ =	shalt  }
0x46: {  	_ =	shalt  }
0x47: {  	_ =	shalt  }
0x48: {  	_ =	shalt  }
0x49: {  	_ =	shalt  }
0x4a: {  	_ =	shalt  }
0x4b: {  	_ =	shalt  }
0x4c: {  	_ =	shalt  }
0x4d: {  	_ =	shalt  }
0x4e: {  	_ =	shalt  }
0x4f: {  	_ =	shalt  }
0x50: {  	_ =	shalt  }
0x51: {  	_ =	shalt  }
0x52: {  	_ =	shalt  }
0x53: {  	_ =	shalt  }
0x54: {  	_ =	shalt  }
0x55: {  	_ =	shalt  }
0x56: {  	_ =	shalt  }
0x57: {  	_ =	shalt  }
0x58: {  	_ =	shalt  }
0x59: {  	_ =	shalt  }
0x5a: {  	_ =	shalt  }
0x5b: {  	_ =	shalt  }
0x5c: {  	_ =	shalt  }
0x5d: {  	_ =	shalt  }
0x5e: {  	_ =	shalt  }
0x5f: {  	_ =	shalt  }
0x60: {  	_ =	shalt  }
0x61: {  	_ =	shalt  }
0x62: {  	_ =	shalt  }
0x63: {  	_ =	shalt  }
0x64: {  	_ =	shalt  }
0x65: {  	_ =	shalt  }
0x66: {  	_ =	shalt  }
0x67: {  	_ =	shalt  }
0x68: {  	_ =	shalt  }
0x69: {  	_ =	shalt  }
0x6a: {  	_ =	shalt  }
0x6b: {  	_ =	shalt  }
0x6c: {  	_ =	shalt  }
0x6d: {  	_ =	shalt  }
0x6e: {  	_ =	shalt  }
0x6f: {  	_ =	shalt  }
0x70: {  	_ =	shalt  }
0x71: {  	_ =	shalt  }
0x72: {  	_ =	shalt  }
0x73: {  	_ =	shalt  }
0x74: {  	_ =	shalt  }
0x75: {  	_ =	shalt  }
0x76: {  	_ =	shalt  }
0x77: {  	_ =	shalt  }
0x78: {  	_ =	shalt  }
0x79: {  	_ =	shalt  }
0x7a: {  	_ =	shalt  }
0x7b: {  	_ =	shalt  }
0x7c: {  	_ =	shalt  }
0x7d: {  	_ =	shalt  }
0x7e: {  	_ =	shalt  }
0x7f: {  	_ =	shalt  }
0x80: {  	_ =	shalt  }
0x81: {  	_ =	shalt  }
0x82: {  	_ =	shalt  }
0x83: {  	_ =	shalt  }
0x84: {  	_ =	shalt  }
0x85: {  	_ =	shalt  }
0x86: {  	_ =	shalt  }
0x87: {  	_ =	shalt  }
.Lfunc_end0:
.L_simem_size_0:
called_computation_lowered:
.L_overlay_start_0:
0x88: {  	s2 =	sld [smem:$0x3FD9]  }
0x89: {  	s3 =	sld [smem:$0x3FFE];
	_ =	sdelay $0x1  }
0x8a: {  	s1 =	srdreg.scid  }
0x8b: {  	s0 =	sand.u32 $0x1, s1  }
0x8c: {  	s16 =	sshll.u32 s0, $0xA;
	s2 =	sadd.s32 s3, s2  }
0x8d: {  	s2 =	sadd.s32 s2, s16  }
0x8e: {  	[smem:$0x3FAD] =	sst s2  }
0x8f: {  	_ = 	snop  }
0x90: {  	(tm) =	ssettm $0x1  }
0x91: {  	s17 =	sld [smem:$0x3FFB];
	_ =	sdelay $0x3  }
0x92: {  	_ =	strace s17  }
0x93: {  	s2 =	sld [smem:$0x3FFC];
	_ =	sdelay $0x3  }
0x94: {  	_ =	strace s2  }
0x95: {  	s2 =	sld [smem:$0x3FFD];
	_ =	sdelay $0x3  }
0x96: {  	_ =	strace s2  }
0x97: {  	_ =	strace $0x8FFFFFFF  }
0x98: {  	s18 =	sld [smem:$0x3FDB];
	_ =	sdelay $0x1  }
0x99: {  	s19 =	simm.s32 $_scs_section_size  }
0x9a: {  	s4 =	simm.s32 $_size__tile_overlayer_lowered;
	s5 =	simm.s32 $_tile_overlayer_lowered  }
0x9b: {  	s22 =	simm.s32 $0x1BFF;
	s21 =	sshll.u32 s5, $0x1;
	s2 =	sadd.s32 s19, s18  }
0x9c: {  	s6 =	simm.s32 $0x0;
	s20 =	sshll.u32 s4, $0x1;
	s4 =	sadd.s32 s21, s2  }
0x9d: {  	[timem:s6], [sflag:s22] =	dma.local [hbm:s4], s20  }
0x9e: {  	_ =	swait.ge [sflag:s22], s20  }
0x9f: {  	s3 =	ssub.s32 $0x0, s20;
	[sflag:s22] =	ssyncset.done $0x0  }
0xa0: {  	[sflag:s22] =	ssyncadd.s32 s3;
	_ =	sdelay $0x1  }
0xa1: {  	s23 =	simm.s32 $0x1B8B  }
0xa2: {  	_ =	swait.ge [sflag:s23], $0x1  }
0xa3: {  	[sflag:s23] =	ssyncset.done $0x0  }
0xa4: {  	s25 =	simm.s32 $0x1B8E;
	s24 =	sld [smem:$0x3FFE];
	[sflag:s23] =	ssyncadd.s32 $0xFFFFFFFF  }
0xa5: {  	s26 =	simm.s32 $execute0_lowered;
	[smem:$0x3FD2] =	sst s25  }
0xa6: {  	s4 =	sshll.u32 s26, $0x1;
	_ =	strace $0x80000046;
	[dreg:$0x1] =	wrdreg $0xFFFFFFFF  }
0xa7: {  	s28 =	simm.s32 $_size_execute0_lowered;
	s2 =	sadd.s32 s2, s4;
	[dreg:$0x0] =	wrdreg $0x0  }
0xa8: {  	s4 =	sshll.u32 s28, $0x1;
	[dreg:$0x2] =	wrdreg s2  }
0xa9: {  	[dreg:$0x3] =	wrdreg s4  }
0xaa: {  	[dreg:$0x4] =	wrdreg $0xC0  }
0xab: {  	_ =	task [dreg:s6], $0x5FFFF  }
0xac: {  	[dreg:$0x1] =	wrdreg $0xFFFFFFFF  }
0xad: {  	[dreg:$0x0] =	wrdreg $0x60  }
0xae: {  	[dreg:$0x2] =	wrdreg s24  }
0xaf: {  	[dreg:$0x3] =	wrdreg $0xD1800  }
0xb0: {  	[dreg:$0x4] =	wrdreg $0x9  }
0xb1: {  	_ =	task.clear_ibuf [dreg:s6], $0x5FFFF;
	_ =	strace $0x90000046  }
0xb2: {  	s29 =	simm.s32 $0x9;
	_ =	strace $0x80000048  }
0xb3: {  	_ =	swait.ge [sflag:s29], $0x1  }
0xb4: {  	[sflag:s29] =	ssyncadd.s32 $0xFFFFFFFF  }
0xb5: {  	_ =	strace $0x90000048  }
0xb6: {  	_ =	sfence  }
0xb7: {  	s30 =	sld [smem:$0x0];
	_ =	sdelay $0x2  }
0xb8: {  	s31 =	sshll.u32 s1, $0xD;
	s1 =	sshrl.u32 s1, $0x2  }
0xb9: {  	s3 =	sand.u32 $0x4000, s31;
	s1 =	sadd.s32 s1, s30  }
0xba: {  	s0 =	sor.u32 s3, s0;
	s1 =	sshll.u32 s1, $0x11  }
0xbb: {  	s0 =	sor.u32 s1, s0  }
0xbc: {  	s0 =	sadd.s32 $0x8F2B, s0  }
0xbd: {  	[sflag:s0] =	ssyncadd.remote.s32 $0x1  }
0xbe: {  	_ =	sfence.sel $0xFFFF  }
0xbf: {  	[dreg:$0x0] =	wrdreg $0xFFFFFFFF;
	(pc) =	sbr.abs _section_cstart, $3  }
0xc0: {  	[dreg:$0x1] =	wrdreg $0xFFFFFFFF  }
0xc1: {  	_ =	task.clear_ibuf [dreg:s6], $0x2FFFF;
	_ =	strace $0x9FFFFFFF  }
0xc2: {  	(tm) =	ssettm $0x7FFFFFFF  }
0xc3: {  	_ =	shalt  }
tec
execute0_lowered:
.L_overlay_start_1:
0x0: {  	(tag) =	ssettag $0x1  }
0x1: {  	s0 =	rddreg [dreg:$0x0]  }
0x2: {  	s14 =	rddreg [dreg:$0x1];
	s1 =	simm.s32 $0x0;
	s22 =	srdreg.scid  }
0x3: {  	s15 =	stileid.u32;
	s31 =	simm.s32 $0x1;
	[smem:$0x7FF] =	sst s1  }
0x4: {  	s1 =	sand.u32 $0x1, s22;
	s4 =	sadd.s32 $0x27E00, s0;
	s3 =	smul.u32 $0x17700, s15  }
0x5: {  	s5 =	sadd.s32 $0x1E000, s0;
	s6 =	sadd.s32 $0x5800, s0;
	s10 =	smul.u32 $0x2EE0, s15  }
0x6: {  	s7 =	sadd.s32 $0x7AC00, s0;
	s29 =	smul.u32 $0x5DC00, s15;
	_ =	strace $0x80000047  }
0x7: {  	s2 =	sshll.u32 s1, $0x4;
	s8 =	smul.u32 $0x1D4C0, s1;
	s1 =	ssub.s32 $0x2, s1  }
0x8: {  	s2 =	sor.u32 s15, s2;
	s11 =	sshrl.u32 s3, $0x3;
	s23 =	sshrl.u32 s1, $0x1  }
0x9: {  	s3 =	sadd.s32 s3, s14;
	s30 =	sshrl.u32 s29, $0x2;
	s9 =	sshll.u32 s2, $0xA  }
0xa: {  	s8 =	sadd.s32 s10, s8;
	s11 =	sadd.s32 s11, s0;
	s1 =	ssub.s32 s1, s23  }
0xb: {  	p0 =	slt.u32 s2, $0x8;
	s10 =	sshll.u32 s2, $0x3;
	s23 =	simm.s32 $0x40  }
0xc: {  	p1 =	sgt.u32 s2, $0x7;
	s9 =	sadd.s32 s9, s0;
	s24 =	sadd.s32 $0x31C00, s11  }
0xd: {  	s0 =	sadd.s32 s8, s0;
	s25 =	sadd.s32 s4, s10;
	[dreg:$0x3] =	wrdreg s24  }
0xe: {  	s8 =	simm.s32 $0x9D;
	s26 =	sadd.s32 s5, s10;
	[dreg:$0x4] =	wrdreg s25  }
0xf: {  	s28 =	sor.u32 $0x100, s10;
	s1 =	smax.u32 s1, $0x1;
	[dreg:$0x5] =	wrdreg s26  }
0x10: {  	s8 =	simm.s32 @!p0 $0x9C;
	s12 =	sadd.s32 s4, s28;
	[dreg:$0xa] =	wrdreg s1  }
0x11: {  	s13 =	sadd.s32 $0xABA00, s9;
	s11 =	sadd.s32 s5, s28;
	[dreg:$0x6] =	wrdreg s12  }
0x12: {  	s9 =	sadd.s32 $0xB3A00, s9;
	p0 =	sgt.u32 s15, $0x9;
	[dreg:$0x7] =	wrdreg s11  }
.Ltmp0:
0x13: {  	s0 =	sadd.s32 $0x58DA00, s0;
	[dreg:$0x8] =	wrdreg s9;
	(pc) =	sbr.rel .LBB2_1-.Ltmp0, $4  }
0x14: {  	[dreg:$0x9] =	wrdreg s0;
	s0 =	sadd.s32 s30, s14;
	s1 =	sshrl.u32 @!p0 s3, $0x3  }
0x15: {  	s9 =	sshll.u32 @!p0 s15, $0x6;
	[dreg:$0xc] =	wrdreg s1;
	s0 =	sshrl.u32 @!p0 s0, $0x3  }
0x16: {  	s11 =	simm.s32 $0x2;
	s9 =	sor.u32 @!p0 $0x1C07, s9;
	[dreg:$0xd] =	wrdreg s0  }
0x17: {  	s3 =	simm.s32 $0x0;
	s0 =	simm.s32 $0x4;
	[dreg:$0xb] =	wrdreg s9  }
.LBB2_11:
0x18: {  	s1 =	simm.s32 $0x5  }
0x19: {  	_ =	swait.ge [sflag:s1], $0x1800  }
0x1a: {  	[sflag:s1] =	ssyncset.done $0x0  }
0x1b: {  	s29 =	simm.s32 $0x6;
	[sflag:s1] =	ssyncadd.s32 $0xFFFFE800  }
0x1c: {  	_ =	swait.ge [sflag:s29], $0x1800  }
0x1d: {  	[sflag:s29] =	ssyncset.done $0x0  }
0x1e: {  	[sflag:s29] =	ssyncadd.s32 $0xFFFFE800  }
0x1f: {  	[bflag:$0x0] =	sbarrier.arrive $0xFFFF  }
0x20: {  	s1 =	rddreg [dreg:$0x9]  }
0x21: {  	s9 =	rddreg [dreg:$0xb]  }
0x22: {  	s2 =	rddreg [dreg:$0xd]  }
0x23: {  	[hbm:s1], [sflag:s9] =	dma.local @!p0 [spmem:s2], $0x2EE0  }
0x24: {  	s1 =	simm.s32 @!p0 $0x7  }
0x25: {  	_ =	swait.ge @!p0 [sflag:s1], $0x2EE0  }
0x26: {  	s3 =	sadd.s32 $0x1, s3;
	s30 =	rddreg [dreg:$0xa]  }
0x27: {  	p2 =	sne.s32 s3, s30  }
.Ltmp1:
0x28: {  	_ = 	snop;
	(pc) =	sbr.rel @!p2 .LBB2_12-.Ltmp1, $3  }
0x29: {  	_ =	sdelay $0x1  }
0x2a: {  	[sflag:s1] =	ssyncset.done @!p0 $0x0  }
0x2b: {  	[sflag:s1] =	ssyncadd.s32 @!p0 $0xFFFFD120  }
.LBB2_1:
0x2c: {  	[dreg:$0xe] =	wrdreg s3  }
0x2d: {  	s1 =	rddreg [dreg:$0x3]  }
0x2e: {  	s2 =	rddreg [dreg:$0xc]  }
0x2f: {  	[spmem:s2], [sflag:s9] =	dma.local @!p0 [hbm:s1], $0x2EE0  }
0x30: {  	s1 =	simm.s32 @!p0 $0x7  }
0x31: {  	_ =	swait.ge @!p0 [sflag:s1], $0x2EE0  }
0x32: {  	[sflag:s1] =	ssyncset.done @!p0 $0x0  }
0x33: {  	[sflag:s1] =	ssyncadd.s32 @!p0 $0xFFFFD120  }
0x34: {  	[bflag:$0x0] =	sbarrier.arrive $0xFFFF  }
0x35: {  	s17 =	simm.s32 $0x0;
	s19 =	simm.s32 $0x7;
	s18 =	rddreg [dreg:$0x4]  }
0x36: {  	[tilespmem:s17], [sflag:$0x7] =	stream.linear.gather [hbm4b:s18+s17], $0x40, $0x38;
	[tilespmem:$0x1BBE0] =	vst v63  }
0x37: {  	_ =	swait.ge [sflag:s19], $0x40  }
0x38: {  	[sflag:s19] =	ssyncset.done $0x0  }
0x39: {  	s21 =	simm.s32 $0x80;
	s20 =	rddreg [dreg:$0x5];
	[sflag:s19] =	ssyncadd.s32 $0xFFFFFFC0  }
0x3a: {  	[tilespmem:s21], [sflag:$0x7] =	stream.linear.gather [hbm4b:s20+s17], $0x40, $0x38;
	[tilespmem:$0x1BBE0] =	vst v63  }
0x3b: {  	_ =	swait.ge [sflag:s19], $0x40  }
0x3c: {  	[sflag:s19] =	ssyncset.done $0x0  }
0x3d: {  	s22 =	simm.s32 $0x180;
	[sflag:s19] =	ssyncadd.s32 $0xFFFFFFC0  }
0x3e: {  	[tilespmem:s22], [sflag:$0x1] =	stream.indirect.gather [hbm4b:s6+s23], $0x50, s21, s23, $0xb8;
	[tilespmem:$0x1BBE0] =	vst v63  }
0x3f: {  	s24 =	simm.s32 $0x2980  }
0x40: {  	[tilespmem:s24], [sflag:$0x1] =	stream.indirect.gather [hbm4b:s7+s23], $0xA0, s17, s23, $0xb8;
	[tilespmem:$0x1BBE0] =	vst v63  }
0x41: {  	s25 =	simm.s32 $0x50;
	s26 =	simm.s32 $0x7980  }
0x42: {  	[tilespmem:s26], [sflag:$0x1] =	stream.strided.gather [hbm4b:s13+s25], $0x1400, s21, s25, $0x38;
	[tilespmem:$0x1BBE0] =	vst v63  }
0x43: {  	s28 =	rddreg [dreg:$0x6]  }
0x44: {  	[tilespmem:s23], [sflag:$0x4] =	stream.linear.gather [hbm4b:s28+s17], $0x40, $0x38;
	[tilespmem:$0x1BBE0] =	vst v63  }
0x45: {  	s30 =	simm.s32 $0xC0;
	s20 =	simm.s32 $0x0;
	s29 =	rddreg [dreg:$0x7]  }
0x46: {  	[tilespmem:s30], [sflag:$0x4] =	stream.linear.gather [hbm4b:s29+s17], $0x40, $0x38;
	[tilespmem:$0x1BBE0] =	vst v63  }
.LBB2_2:
0x47: {  	_ =	swait.ge [sflag:s31], $0x1400  }
0x48: {  	[sflag:s31] =	ssyncset.done $0x0  }
0x49: {  	[sflag:s31] =	ssyncadd.s32 $0xFFFFEC00  }
0x4a: {  	_ =	swait.ge [sflag:s31], $0x2800  }
0x4b: {  	[sflag:s31] =	ssyncset.done $0x0  }
0x4c: {  	[sflag:s31] =	ssyncadd.s32 $0xFFFFD800  }
0x4d: {  	_ =	swait.ge [sflag:s31], $0x1400  }
0x4e: {  	[sflag:s31] =	ssyncset.done $0x0  }
0x4f: {  	[sflag:s31] =	ssyncadd.s32 $0xFFFFEC00  }
0x50: {  	_ =	swait.ge [sflag:s0], $0x40  }
0x51: {  	[sflag:s0] =	ssyncset.done $0x0  }
0x52: {  	[sflag:s0] =	ssyncadd.s32 $0xFFFFFFC0  }
0x53: {  	_ =	swait.ge [sflag:s0], $0x40  }
0x54: {  	s1 =	simm.s32 $0xC0;
	s2 =	simm.s32 $0x1580;
	[sflag:s0] =	ssyncset.done $0x0  }
0x55: {  	s26 =	simm.s32 $0x5180;
	s28 =	sshll.u32 s20, $0x10;
	[sflag:s0] =	ssyncadd.s32 $0xFFFFFFC0  }
0x56: {  	[tilespmem:s2], [sflag:$0x2] =	stream.indirect.gather [hbm4b:s6+s23], $0x50, s1, s23, $0xb8;
	[tilespmem:$0x1BBE0] =	vst v63  }
0x57: {  	s30 =	simm.s32 $0x80;
	s3 =	simm.s32 $0x50;
	s29 =	rddreg [dreg:$0x8]  }
0x58: {  	[tilespmem:s26], [sflag:$0x2] =	stream.indirect.gather [hbm4b:s7+s23], $0xA0, s23, s23, $0xb8;
	[tilespmem:$0x1BBE0] =	vst v63  }
0x59: {  	s9 =	simm.s32 $0x8D80;
	p3 =	seq.s32 s20, $0x0;
	s1 =	sadd.s32 s28, s29  }
0x5a: {  	[tilespmem:s9], [sflag:$0x2] =	stream.strided.gather [hbm4b:s1+s3], $0x1400, s30, s3, $0x38;
	[tilespmem:$0x1BBE0] =	vst v63  }
0x5b: {  	s1 =	simm.s32 @!p3 $0x5  }
0x5c: {  	_ =	swait.ge @!p3 [sflag:s1], $0x1800  }
0x5d: {  	[sflag:s1] =	ssyncset.done @!p3 $0x0  }
0x5e: {  	s25 =	sshll.u32 s20, $0x1;
	s17 =	simm.s32 $0x0;
	[sflag:s1] =	ssyncadd.s32 @!p3 $0xFFFFE800  }
.LBB2_3:
0x5f: {  	s1 =	smul.u32 $0x50, s17;
	_ =	sdelay $0x1  }
0x60: {  	v14 =	vld [tilespmem:s1+$0x180]  }
0x61: {  	v23 =	vld [tilespmem:s1+$0x7980]  }
0x62: {  	v16 =	vld [tilespmem:s1+$0x190]  }
0x63: {  	v13 =	vld [tilespmem:s1+$0x7990]  }
0x64: {  	v25 =	vld [tilespmem:s1+$0x1A0]  }
0x65: {  	v5 =	vld [tilespmem:s1+$0x79A0]  }
0x66: {  	v32 =	vld [tilespmem:s1+$0x1B0]  }
0x67: {  	s2 =	smul.u32 $0x280, s17;
	v6 =	vld [tilespmem:s1+$0x79B0]  }
0x68: {  	v39 =	vld [tilespmem:s1+$0x1C0]  }
0x69: {  	s19 =	sshra.s32 s2, $0x2;
	v10 =	vld [tilespmem:s1+$0x79C0]  }
0x6a: {  	v15 =	vld [tilespmem:s19+$0x2980]  }
0x6b: {  	v21 =	vld [tilespmem:s19+$0x2990]  }
0x6c: {  	v30 =	vld [tilespmem:s19+$0x29A0]  }
0x6d: {  	s26 =	sor.u32 $0x1, s17;
	v35 =	vld [tilespmem:s19+$0x29B0]  }
0x6e: {  	s24 =	smul.u32 $0x50, s26;
	v40 =	vld [tilespmem:s19+$0x29C0]  }
0x6f: {  	v0 =	vld [tilespmem:s19+$0x29D0]  }
0x70: {  	v41 =	vld [tilespmem:s24+$0x180]  }
0x71: {  	v2 =	vld [tilespmem:s24+$0x7980]  }
0x72: {  	v43 =	vld [tilespmem:s24+$0x190]  }
0x73: {  	v4 =	vld [tilespmem:s24+$0x7990]  }
0x74: {  	v45 =	vld [tilespmem:s24+$0x1A0]  }
0x75: {  	v7 =	vld [tilespmem:s24+$0x79A0]  }
0x76: {  	v47 =	vld [tilespmem:s24+$0x1B0]  }
0x77: {  	s12 =	sor.u32 $0x2, s17;
	v9 =	vld [tilespmem:s24+$0x79B0]  }
0x78: {  	s29 =	smul.u32 $0x50, s12;
	v49 =	vld [tilespmem:s24+$0x1C0]  }
0x79: {  	v11 =	vld [tilespmem:s24+$0x79C0]  }
0x7a: {  	v51 =	vld [tilespmem:s29+$0x180]  }
0x7b: {  	v53 =	vld [tilespmem:s29+$0x190]  }
0x7c: {  	v1 =	vld [tilespmem:s29+$0x7990]  }
0x7d: {  	v55 =	vld [tilespmem:s29+$0x1A0]  }
0x7e: {  	v3 =	vld [tilespmem:s29+$0x79A0]  }
0x7f: {  	v57 =	vld [tilespmem:s29+$0x1B0]  }
0x80: {  	s14 =	sor.u32 $0x3, s17;
	v8 =	vld [tilespmem:s29+$0x79B0]  }
0x81: {  	s30 =	smul.u32 $0x50, s14;
	v29 =	vld [tilespmem:s29+$0x1C0]  }
0x82: {  	v58 =	vld [tilespmem:s29+$0x79C0]  }
0x83: {  	v34 =	vld [tilespmem:s30+$0x180]  }
0x84: {  	v18 =	vld [tilespmem:s30+$0x7980]  }
0x85: {  	v63 =	vld [tilespmem:s30+$0x190]  }
0x86: {  	v61 =	vld [tilespmem:s30+$0x7990]  }
0x87: {  	v19 =	vld [tilespmem:s30+$0x1A0]  }
0x88: {  	v59 =	vld [tilespmem:s30+$0x79A0]  }
0x89: {  	v26 =	vld [tilespmem:s30+$0x1B0]  }
0x8a: {  	s28 =	smul.u32 $0x280, s26;
	v20 =	vld [tilespmem:s30+$0x79B0]  }
0x8b: {  	v31 =	vld [tilespmem:s30+$0x1C0]  }
0x8c: {  	s15 =	sshra.s32 s28, $0x2;
	v37 =	vld [tilespmem:s30+$0x79C0]  }
0x8d: {  	v42 =	vld [tilespmem:s15+$0x2980]  }
0x8e: {  	v44 =	vld [tilespmem:s15+$0x2990]  }
0x8f: {  	s3 =	smul.u32 $0x280, s12;
	v46 =	vld [tilespmem:s15+$0x29A0]  }
0x90: {  	v48 =	vld [tilespmem:s15+$0x29B0]  }
0x91: {  	s3 =	sshra.s32 s3, $0x2;
	v50 =	vld [tilespmem:s15+$0x29C0]  }
0x92: {  	v52 =	vld [tilespmem:s3+$0x2980]  }
0x93: {  	v54 =	vld [tilespmem:s3+$0x2990]  }
0x94: {  	s9 =	smul.u32 $0x280, s14;
	v56 =	vld [tilespmem:s3+$0x29A0]  }
0x95: {  	v12 =	vld [tilespmem:s3+$0x29B0]  }
0x96: {  	s21 =	sshra.s32 s9, $0x2;
	v17 =	vld [tilespmem:s3+$0x29C0]  }
0x97: {  	v62 =	vld [tilespmem:s21+$0x2980]  }
0x98: {  	v27 =	vld [tilespmem:s21+$0x2990]  }
0x99: {  	s28 =	sor.u32 $0x5, s17;
	v36 =	vld [tilespmem:s21+$0x29A0]  }
0x9a: {  	v28 =	vld [tilespmem:s21+$0x29B0];
	s22 =	smul.u32 $0x280, s28  }
0x9b: {  	v33 =	vld [tilespmem:s21+$0x29C0]  }
0x9c: {  	s2 =	sshra.s32 s22, $0x2;
	[tilespmem:$0x1FE80] =	vst v0;
	v0 =	vld [tilespmem:s29+$0x7980]  }
0x9d: {  	s9 =	smul.u32 $0x50, s28;
	[tilespmem:$0x1FF60] =	vst v13;
	v21 =	vadd.f32 v13, v21;
	v13 =	vld [tilespmem:s2+$0x2980]  }
0x9e: {  	[tilespmem:$0x1FFB0] =	vst v6;
	s29 =	sor.u32 $0x4, s17;
	v6 =	vadd.f32 v6, v35;
	v35 =	vld [tilespmem:s2+$0x2990]  }
0x9f: {  	[tilespmem:$0x1FF90] =	vst v5;
	s16 =	smul.u32 $0x50, s29;
	v16 =	vmul.f32 v21, v16;
	v21 =	vadd.f32 v5, v30;
	v5 =	vld [tilespmem:s9+$0x7980]  }
0xa0: {  	v30 =	vld [tilespmem:s9+$0x190]  }
0xa1: {  	[tilespmem:$0x1FEC0] =	vst v37;
	v37 =	vld [tilespmem:s16+$0x180]  }
0xa2: {  	v24 =	vld [tilespmem:s16+$0x7980]  }
0xa3: {  	v38 =	vld [tilespmem:s16+$0x190]  }
0xa4: {  	[tilespmem:$0x1FEA0] =	vst v28;
	v28 =	vld [tilespmem:s16+$0x7990]  }
0xa5: {  	s18 =	smul.u32 $0x280, s29;
	v60 =	vld [tilespmem:s16+$0x1A0]  }
0xa6: {  	[tilespmem:$0x1FFE0] =	vst v10;
	v22 =	vld [tilespmem:s16+$0x1B0]  }
0xa7: {  	[tilespmem:$0x1FE90] =	vst v19;
	s18 =	sshra.s32 s18, $0x2;
	v19 =	vld [tilespmem:s16+$0x79B0]  }
0xa8: {  	[tilespmem:$0x1FEF0] =	vst v31;
	v31 =	vld [tilespmem:s18+$0x29B0]  }
0xa9: {  	[tilespmem:$0x1FEB0] =	vst v26;
	v26 =	vld [tilespmem:s18+$0x2980]  }
0xaa: {  	[tilespmem:$0x1FED0] =	vst v33;
	v33 =	vld [tilespmem:s18+$0x2990]  }
0xab: {  	v40 =	vadd.f32 v10, v40;
	v10 =	vadd.f32 v0, v52;
	v52 =	vld [tilespmem:s9+$0x1B0];
	[tilespmem:$0x1FEE0] =	vst v38  }
0xac: {  	v38 =	vld [tilespmem:s18+$0x29A0];
	[tilespmem:$0x1FF20] =	vst v22  }
0xad: {  	v22 =	vld [tilespmem:s16+$0x1C0];
	[tilespmem:$0x1FF10] =	vst v31;
	v31 =	vadd.f32 v23, v15  }
0xae: {  	s30 =	sor.u32 $0x6, s17;
	[tilespmem:$0x1FF00] =	vst v60;
	v60 =	vld [tilespmem:s16+$0x79A0]  }
0xaf: {  	v15 =	vld [tilespmem:s16+$0x79C0];
	s16 =	smul.u32 $0x50, s30;
	v14 =	vmul.f32 v31, v14  }
0xb0: {  	v31 =	vld [tilespmem:s9+$0x180]  }
0xb1: {  	[tilespmem:$0x1FFF0] =	vst v11;
	v11 =	vadd.f32 v11, v50;
	v50 =	vld [tilespmem:s16+$0x190];
	v14 =	vadd.f32 $0.0e+00, v14  }
0xb2: {  	v46 =	vadd.f32 v7, v46;
	[tilespmem:$0x1FF40] =	vst v22;
	v22 =	vld [tilespmem:s18+$0x29C0]  }
0xb3: {  	[tilespmem:$0x1FFA0] =	vst v7;
	v7 =	vadd.f32 v9, v48;
	v48 =	vld [tilespmem:s16+$0x1A0];
	v14 =	vadd.f32 v16, v14;
	v16 =	vmul.f32 v21, v25  }
0xb4: {  	v25 =	vld [tilespmem:s9+$0x7990]  }
0xb5: {  	v14 =	vadd.f32 v16, v14;
	v16 =	vmul.f32 v6, v32;
	v6 =	vadd.f32 v2, v42;
	v42 =	vld [tilespmem:s9+$0x1A0]  }
0xb6: {  	v32 =	vld [tilespmem:s2+$0x29A0]  }
0xb7: {  	[tilespmem:$0x1FF30] =	vst v22;
	v22 =	vld [tilespmem:s9+$0x79A0]  }
0xb8: {  	[tilespmem:$0x1FF50] =	vst v2;
	v14 =	vadd.f32 v16, v14;
	v2 =	vmul.f32 v6, v41;
	v6 =	vadd.f32 v4, v44;
	v16 =	vld [tilespmem:s2+$0x29B0]  }
0xb9: {  	[tilespmem:$0x1FF70] =	vst v4;
	v4 =	vadd.f32 v1, v54;
	v44 =	vld [tilespmem:s9+$0x79B0]  }
0xba: {  	v41 =	vmul.f32 v6, v43;
	v6 =	vmul.f32 v46, v45;
	v46 =	vld [tilespmem:s9+$0x1C0]  }
0xbb: {  	s24 =	smul.u32 $0x280, s30;
	[tilespmem:$0x1FFC0] =	vst v9;
	v9 =	vmul.f32 v4, v53;
	v53 =	vld [tilespmem:s2+$0x29C0]  }
0xbc: {  	v21 =	vmov v0;
	v0 =	vadd.f32 $0.0e+00, v2;
	v43 =	vld [tilespmem:s9+$0x79C0]  }
0xbd: {  	s24 =	sshra.s32 s24, $0x2;
	v2 =	vmul.f32 v10, v51;
	v10 =	vadd.f32 v3, v56;
	v51 =	vld [tilespmem:s16+$0x180]  }
0xbe: {  	s22 =	sor.u32 $0x7, s17;
	v41 =	vadd.f32 v41, v0;
	v0 =	vmul.f32 v11, v49;
	v49 =	vld [tilespmem:s24+$0x2990]  }
0xbf: {  	s1 =	smul.u32 $0x50, s22;
	v45 =	vmul.f32 v7, v47;
	v7 =	vadd.f32 v18, v62;
	v54 =	vmul.f32 v10, v55;
	v10 =	vld [tilespmem:$0x1FE80]  }
0xc0: {  	v39 =	vmul.f32 v40, v39;
	v55 =	vadd.f32 v8, v12;
	v12 =	vld [tilespmem:$0x1FEA0]  }
0xc1: {  	[tilespmem:$0x1FFD0] =	vst v8;
	v40 =	vadd.f32 $0.0e+00, v2;
	v8 =	vmul.f32 v7, v34;
	v7 =	vld [tilespmem:s1+$0x190]  }
0xc2: {  	v14 =	vadd.f32 v39, v14;
	v2 =	vmov v3;
	v3 =	vmul.f32 v55, v57;
	v55 =	vld [tilespmem:s24+$0x29A0]  }
0xc3: {  	v41 =	vadd.f32 v6, v41;
	v40 =	vadd.f32 v9, v40;
	v57 =	vld [tilespmem:s16+$0x79A0]  }
0xc4: {  	v4 =	vadd.f32 v58, v17;
	v9 =	vadd.f32 v61, v27;
	v27 =	vld [tilespmem:s16+$0x79B0]  }
0xc5: {  	[tilespmem:$0x1FF80] =	vst v1;
	v56 =	vadd.f32 v45, v41;
	v45 =	vld [tilespmem:s24+$0x2980];
	v1 =	vadd.f32 v54, v40  }
0xc6: {  	v14 =	vmul.f32 $4.472135900e-01, v14;
	v40 =	vld [tilespmem:s16+$0x7980]  }
0xc7: {  	v6 =	vmul.f32 v4, v29;
	v41 =	vld [tilespmem:s16+$0x7990];
	v39 =	vadd.f32 v0, v56;
	v47 =	vadd.f32 v3, v1  }
0xc8: {  	v34 =	vmul.f32 v9, v63;
	v63 =	vadd.f32 v24, v26;
	v26 =	vadd.f32 v28, v33;
	v33 =	vld [tilespmem:$0x1FED0]  }
0xc9: {  	v54 =	vadd.f32 v59, v36;
	v36 =	vld [tilespmem:$0x1FEE0];
	v47 =	vadd.f32 v6, v47;
	v39 =	vmul.f32 $4.472135900e-01, v39  }
0xca: {  	v14 =	vmul.f32 $1.442695020e+00, v14;
	v9 =	vld [tilespmem:s1+$0x180]  }
0xcb: {  	v17 =	vmovc v18;
	v56 =	vadd.f32 v10, v23;
	v23 =	vld [tilespmem:s16+$0x79C0];
	v11 =	vmul.f32 $1.442695020e+00, v39;
	v18 =	vmul.f32 $4.472135900e-01, v47  }
0xcc: {  	(erf) = vpow2.f32 v14;
	v0 =	vmul.f32 v63, v37;
	v37 =	vadd.f32 v60, v38;
	v38 =	vld [tilespmem:$0x1FEF0]  }
0xcd: {  	v63 =	vadd.f32 v5, v13;
	(erf) = vpow2.f32 v11;
	v62 =	vmul.f32 $1.442695020e+00, v18;
	v11 =	vld [tilespmem:$0x1FE90]  }
0xce: {  	v13 =	vld [tilespmem:$0x1FF00]  }
0xcf: {  	v1 =	vmul.f32 v63, v31;
	v31 =	vld [tilespmem:$0x1FF30]  }
0xd0: {  	v14 =	vadd.f32 $0.0e+00, v8;
	v47 =	vld [tilespmem:s16+$0x1B0]  }
0xd1: {  	(erf) = vpow2.f32 v62;
	v62 =	vmov v28;
	v28 =	vld [tilespmem:$0x1FEB0]  }
0xd2: {  	v14 =	vadd.f32 v34, v14;
	v4 =	vmul.f32 v54, v11;
	v11 =	vld [tilespmem:s16+$0x1C0]  }
0xd3: {  	v54 =	vld [tilespmem:$0x1FEC0]  }
0xd4: {  	s16 =	smul.u32 $0x280, s22;
	v4 =	vadd.f32 v4, v14;
	v14 =	vld [tilespmem:$0x1FF10]  }
0xd5: {  	v0 =	vadd.f32 $0.0e+00, v0;
	v3 =	vmul.f32 v26, v36;
	v36 =	vld [tilespmem:s1+$0x79A0]  }
0xd6: {  	v18 =	vmov v24;
	v24 =	vadd.f32 v20, v12;
	v12 =	vld [tilespmem:s24+$0x29B0];
	s9 =	sshra.s32 s16, $0x2  }
0xd7: {  	v0 =	vadd.f32 v3, v0;
	v3 =	vmul.f32 v37, v13;
	v13 =	vld [tilespmem:s9+$0x2980]  }
0xd8: {  	v26 =	vadd.f32 v25, v35;
	v29 =	vmul.f32 v24, v28;
	v28 =	vld [tilespmem:$0x1FF20];
	v34 =	vadd.f32 v54, v33  }
0xd9: {  	v35 =	vadd.f32 v40, v45;
	v24 =	vadd.f32 v19, v14;
	v14 =	vld [tilespmem:s9+$0x2990]  }
0xda: {  	v45 =	vadd.f32 v44, v16;
	v4 =	vadd.f32 v29, v4;
	v39 =	vmul.f32 v34, v38;
	v34 =	vld [tilespmem:$0x1FF40]  }
0xdb: {  	v1 =	vadd.f32 $0.0e+00, v1;
	v63 =	vmul.f32 v35, v51;
	v0 =	vadd.f32 v3, v0;
	v38 =	vld [tilespmem:s1+$0x7990]  }
0xdc: {  	v33 =	vadd.f32 v22, v32;
	v29 =	vmovc v5;
	v5 =	vmul.f32 v26, v30;
	v4 =	vadd.f32 v39, v4;
	v39 =	vld [tilespmem:s1+$0x7980]  }
0xdd: {  	v6 =	vadd.f32 v15, v31;
	v12 =	vadd.f32 v27, v12;
	v26 =	vld [tilespmem:s9+$0x29A0];
	v3 =	vmul.f32 v24, v28  }
0xde: {  	v10 =	vld [tilespmem:s24+$0x29C0];
	v42 =	vmul.f32 v33, v42;
	v24 =	vadd.f32 v41, v49;
	v1 =	vadd.f32 v5, v1  }
0xdf: {  	v16 =	vld [tilespmem:s1+$0x1A0];
	v28 =	vmul.f32 v45, v52;
	v49 =	vadd.f32 v57, v55;
	v0 =	vadd.f32 v3, v0  }
0xe0: {  	v33 =	vld [tilespmem:s1+$0x79C0];
	v4 =	vmul.f32 $4.472135900e-01, v4;
	v3 =	vmul.f32 v6, v34;
	v1 =	vadd.f32 v42, v1  }
0xe1: {  	v42 =	vadd.f32 v43, v53;
	v6 =	vmul.f32 v24, v50;
	v50 =	vld [tilespmem:s9+$0x29B0];
	v13 =	vadd.f32 v39, v13  }
0xe2: {  	v8 =	vmul.f32 v49, v48;
	v52 =	vadd.f32 v38, v14;
	v34 =	vld [tilespmem:s1+$0x79B0];
	v55 =	vadd.f32 v36, v26  }
0xe3: {  	v45 =	vld [tilespmem:s1+$0x1B0];
	v0 =	vadd.f32 v3, v0;
	v3 =	vadd.f32 $0.0e+00, v63;
	v51 =	vmul.f32 v13, v9  }
0xe4: {  	v53 =	vld [tilespmem:s9+$0x29C0];
	v4 =	vmul.f32 $1.442695020e+00, v4;
	v1 =	vadd.f32 v28, v1;
	v46 =	vmul.f32 v42, v46  }
0xe5: {  	v37 =	vpop (erf);
	v7 =	vmul.f32 v52, v7;
	v3 =	vadd.f32 v6, v3;
	v6 =	vadd.f32 $0.0e+00, v51  }
0xe6: {  	v14 =	vld [tilespmem:s1+$0x1C0];
	v63 =	vmul.f32 v12, v47;
	v12 =	vadd.f32 v23, v10;
	v28 =	vmul.f32 v37, v56  }
0xe7: {  	v9 =	vmul.f32 v55, v16;
	v24 =	vadd.f32 v34, v50;
	v6 =	vadd.f32 v7, v6  }
0xe8: {  	v32 =	vld [tilespmem:$0x1FF50];
	(erf) = vpow2.f32 v4;
	v1 =	vadd.f32 v46, v1;
	v3 =	vadd.f32 v8, v3  }
0xe9: {  	v16 =	vld [tilespmem:s15+$0x29D0];
	v26 =	vadd.f32 v33, v53;
	v5 =	vmul.f32 v24, v45;
	v6 =	vadd.f32 v9, v6  }
0xea: {  	s16 =	smul.u32 $0x180, s17;
	v0 =	vmul.f32 $4.472135900e-01, v0;
	v3 =	vadd.f32 v63, v3;
	v7 =	vmul.f32 v12, v11  }
0xeb: {  	v31 =	vld [tilespmem:s3+$0x29D0];
	v1 =	vmul.f32 $4.472135900e-01, v1;
	v30 =	vmul.f32 v26, v14;
	v5 =	vadd.f32 v5, v6  }
0xec: {  	v49 =	vld [tilespmem:$0x1FF60];
	s1 =	sshra.s32 s16, $0x2;
	v0 =	vmul.f32 $1.442695020e+00, v0;
	v3 =	vadd.f32 v7, v3  }
0xed: {  	v42 =	vld [tilespmem:s21+$0x29D0];
	[tilespmem:s1+$0xA180] =	vst v28;
	v1 =	vmul.f32 $1.442695020e+00, v1;
	v5 =	vadd.f32 v30, v5  }
0xee: {  	v35 =	vld [tilespmem:s19+$0x29E0];
	(erf) = vpow2.f32 v0;
	v4 =	vadd.f32 v16, v32;
	v3 =	vmul.f32 $4.472135900e-01, v3  }
0xef: {  	s26 =	smul.u32 $0x180, s26;
	v52 =	vld [tilespmem:$0x1FF70];
	v24 =	vpop (erf);
	(erf) = vpow2.f32 v1;
	v5 =	vmul.f32 $4.472135900e-01, v5  }
0xf0: {  	v46 =	vld [tilespmem:s18+$0x29D0];
	v4 =	vmul.f32 v24, v4;
	v3 =	vmul.f32 $1.442695020e+00, v3  }
0xf1: {  	s16 =	sshra.s32 s26, $0x2;
	v13 =	vld [tilespmem:$0x1FF80];
	v48 =	vmul.f32 $1.442695020e+00, v5  }
0xf2: {  	v50 =	vld [tilespmem:s2+$0x29D0];
	v26 =	vpop (erf);
	v1 =	vadd.f32 v42, v17;
	[tilespmem:s16+$0xA180] =	vst v4;
	(erf) = vpow2.f32 v3  }
0xf3: {  	s14 =	smul.u32 $0x180, s14;
	v0 =	vadd.f32 v35, v49;
	v17 =	vpop (erf);
	v47 =	vld [tilespmem:s15+$0x29E0];
	(erf) = vpow2.f32 v48  }
0xf4: {  	v53 =	vld [tilespmem:s9+$0x29D0];
	v45 =	vadd.f32 v31, v21;
	v1 =	vmul.f32 v17, v1  }
0xf5: {  	s12 =	smul.u32 $0x180, s12;
	s14 =	sshra.s32 s14, $0x2;
	v51 =	vld [tilespmem:s24+$0x29D0];
	v0 =	vmul.f32 v37, v0  }
0xf6: {  	v6 =	vadd.f32 v46, v18;
	v4 =	vmul.f32 v26, v45;
	v30 =	vld [tilespmem:$0x1FF90];
	[tilespmem:s14+$0xA180] =	vst v1  }
0xf7: {  	s12 =	sshra.s32 s12, $0x2;
	s29 =	smul.u32 $0x180, s29;
	[tilespmem:s1+$0xA190] =	vst v0;
	v63 =	vld [tilespmem:s21+$0x29E0];
	v28 =	vpop (erf);
	v5 =	vadd.f32 v50, v29  }
0xf8: {  	s28 =	smul.u32 $0x180, s28;
	[tilespmem:s12+$0xA180] =	vst v4;
	v55 =	vld [tilespmem:s19+$0x29F0];
	v56 =	vmul.f32 v28, v6;
	v0 =	vadd.f32 v47, v52;
	v18 =	vpop (erf)  }
0xf9: {  	s26 =	sshra.s32 s29, $0x2;
	v4 =	vld [tilespmem:s3+$0x29E0];
	v12 =	vmul.f32 v18, v5  }
0xfa: {  	s28 =	sshra.s32 s28, $0x2;
	v42 =	vld [tilespmem:$0x1FFA0];
	v3 =	vadd.f32 v51, v40;
	[tilespmem:s26+$0xA180] =	vst v56;
	v0 =	vmul.f32 v24, v0  }
0xfb: {  	s30 =	smul.u32 $0x180, s30;
	v21 =	vadd.f32 v53, v39;
	v14 =	vld [tilespmem:s18+$0x29E0];
	[tilespmem:s28+$0xA180] =	vst v12;
	v29 =	vpop (erf)  }
0xfc: {  	s22 =	smul.u32 $0x180, s22;
	v6 =	vadd.f32 v63, v61;
	[tilespmem:s16+$0xA190] =	vst v0;
	v31 =	vld [tilespmem:s2+$0x29E0];
	v3 =	vmul.f32 v29, v3;
	v9 =	vpop (erf)  }
0xfd: {  	s29 =	sshra.s32 s30, $0x2;
	v7 =	vadd.f32 v55, v30;
	v16 =	vld [tilespmem:s15+$0x29F0];
	v32 =	vmul.f32 v9, v21  }
0xfe: {  	s22 =	sshra.s32 s22, $0x2;
	v55 =	vld [tilespmem:$0x1FFB0];
	v0 =	vadd.f32 v4, v13;
	v6 =	vmul.f32 v17, v6;
	[tilespmem:s29+$0xA180] =	vst v3  }
0xff: {  	v35 =	vmul.f32 v37, v7;
	v39 =	vld [tilespmem:s24+$0x29E0];
	[tilespmem:s22+$0xA180] =	vst v32  }
0x100: {  	v0 =	vmul.f32 v26, v0;
	[tilespmem:s14+$0xA190] =	vst v6;
	v4 =	vadd.f32 v14, v62;
	v45 =	vld [tilespmem:s9+$0x29E0]  }
0x101: {  	[tilespmem:s1+$0xA1A0] =	vst v35;
	v48 =	vld [tilespmem:s21+$0x29F0];
	v47 =	vadd.f32 v31, v25  }
0x102: {  	v46 =	vld [tilespmem:s19+$0x2A00];
	[tilespmem:s12+$0xA190] =	vst v0;
	v4 =	vmul.f32 v28, v4;
	v1 =	vadd.f32 v16, v42  }
0x103: {  	v40 =	vld [tilespmem:s3+$0x29F0];
	v49 =	vmul.f32 v18, v47  }
0x104: {  	v13 =	vld [tilespmem:$0x1FFC0];
	[tilespmem:s26+$0xA190] =	vst v4;
	v1 =	vmul.f32 v24, v1;
	v0 =	vadd.f32 v39, v41  }
0x105: {  	v51 =	vld [tilespmem:s18+$0x29F0];
	[tilespmem:s28+$0xA190] =	vst v49;
	v52 =	vadd.f32 v45, v38  }
0x106: {  	v8 =	vadd.f32 v48, v59;
	[tilespmem:s16+$0xA1A0] =	vst v1;
	v56 =	vld [tilespmem:s2+$0x29F0];
	v0 =	vmul.f32 v29, v0  }
0x107: {  	v6 =	vadd.f32 v46, v55;
	v53 =	vld [tilespmem:s15+$0x2A00];
	v59 =	vmul.f32 v9, v52  }
0x108: {  	v32 =	vld [tilespmem:$0x1FFD0];
	v50 =	vadd.f32 v40, v2;
	v12 =	vmul.f32 v17, v8;
	[tilespmem:s29+$0xA190] =	vst v0  }
0x109: {  	v61 =	vmul.f32 v6, v37;
	v62 =	vld [tilespmem:s24+$0x29F0];
	[tilespmem:s22+$0xA190] =	vst v59  }
0x10a: {  	v1 =	vmul.f32 v26, v50;
	[tilespmem:s14+$0xA1A0] =	vst v12;
	v3 =	vadd.f32 v51, v60;
	v16 =	vld [tilespmem:s9+$0x29F0]  }
0x10b: {  	[tilespmem:s1+$0xA1B0] =	vst v61;
	v30 =	vld [tilespmem:s21+$0x2A00];
	v25 =	vadd.f32 v56, v22  }
0x10c: {  	v21 =	vld [tilespmem:s19+$0x2A10];
	[tilespmem:s12+$0xA1A0] =	vst v1;
	v3 =	vmul.f32 v28, v3;
	v14 =	vadd.f32 v53, v13  }
0x10d: {  	[tilespmem:s1+$0xA1D0] =	vst v37;
	v63 =	vld [tilespmem:s3+$0x2A00];
	v31 =	vmul.f32 v18, v25  }
0x10e: {  	v38 =	vld [tilespmem:$0x1FFE0];
	[tilespmem:s26+$0xA1A0] =	vst v3;
	v4 =	vmul.f32 v14, v24;
	v1 =	vadd.f32 v62, v57  }
0x10f: {  	v35 =	vld [tilespmem:s18+$0x2A00];
	[tilespmem:s28+$0xA1A0] =	vst v31;
	v36 =	vadd.f32 v16, v36  }
0x110: {  	v7 =	vadd.f32 v30, v20;
	[tilespmem:s16+$0xA1B0] =	vst v4;
	v39 =	vld [tilespmem:s2+$0x2A00];
	v1 =	vmul.f32 v29, v1  }
0x111: {  	v4 =	vld [tilespmem:s15+$0x2A10];
	[tilespmem:s16+$0xA1D0] =	vst v24;
	v40 =	vmul.f32 v9, v36  }
0x112: {  	v47 =	vld [tilespmem:$0x1FFF0];
	v0 =	vadd.f32 v63, v32;
	v46 =	vmul.f32 v7, v17;
	[tilespmem:s29+$0xA1A0] =	vst v1  }
0x113: {  	v5 =	vadd.f32 v21, v38;
	v42 =	vld [tilespmem:s24+$0x2A00];
	[tilespmem:s22+$0xA1A0] =	vst v40  }
0x114: {  	v0 =	vmul.f32 v0, v26;
	[tilespmem:s14+$0xA1B0] =	vst v46;
	v48 =	vld [tilespmem:s9+$0x2A00]  }
0x115: {  	v41 =	vmul.f32 v5, v37;
	v3 =	vadd.f32 v35, v19;
	v50 =	vld [tilespmem:s21+$0x2A10];
	[tilespmem:s14+$0xA1D0] =	vst v17  }
0x116: {  	[tilespmem:s12+$0xA1B0] =	vst v0;
	v49 =	vadd.f32 v39, v44  }
0x117: {  	[tilespmem:s1+$0xA1C0] =	vst v41;
	v3 =	vmul.f32 v3, v28  }
0x118: {  	v45 =	vld [tilespmem:s3+$0x2A10];
	[tilespmem:s12+$0xA1D0] =	vst v26;
	v1 =	vmul.f32 v49, v18;
	v0 =	vadd.f32 v42, v27  }
0x119: {  	[tilespmem:s26+$0xA1B0] =	vst v3;
	v52 =	vadd.f32 v48, v34  }
0x11a: {  	v2 =	vadd.f32 v4, v47;
	v3 =	vld [tilespmem:s18+$0x2A10];
	[tilespmem:s28+$0xA1B0] =	vst v1;
	v0 =	vmul.f32 v0, v29  }
0x11b: {  	[tilespmem:s26+$0xA1D0] =	vst v28;
	v53 =	vld [tilespmem:s2+$0x2A10];
	v55 =	vmul.f32 v52, v9  }
0x11c: {  	v2 =	vmul.f32 v2, v24;
	v54 =	vadd.f32 v50, v54;
	[tilespmem:s29+$0xA1B0] =	vst v0  }
0x11d: {  	v51 =	vadd.f32 v45, v58;
	v56 =	vld [tilespmem:s24+$0x2A10];
	[tilespmem:s22+$0xA1B0] =	vst v55  }
0x11e: {  	[tilespmem:s16+$0xA1C0] =	vst v2;
	v58 =	vmul.f32 v54, v17;
	v59 =	vld [tilespmem:s9+$0x2A10]  }
0x11f: {  	[tilespmem:s28+$0xA1D0] =	vst v18;
	v2 =	vmul.f32 v51, v26;
	v57 =	vadd.f32 v3, v15  }
0x120: {  	[tilespmem:s14+$0xA1C0] =	vst v58;
	v60 =	vadd.f32 v53, v43  }
0x121: {  	[tilespmem:s12+$0xA1C0] =	vst v2;
	v2 =	vmul.f32 v57, v28  }
0x122: {  	p2 =	slt.u32 s17, $0x38;
	[tilespmem:s29+$0xA1D0] =	vst v29;
	v0 =	vmul.f32 v60, v18;
	v1 =	vadd.f32 v56, v23  }
.Ltmp2:
0x123: {  	[tilespmem:s26+$0xA1C0] =	vst v2;
	v62 =	vadd.f32 v59, v33;
	(pc) =	sbr.rel @p2 .LBB2_3-.Ltmp2, $4  }
0x124: {  	[tilespmem:s28+$0xA1C0] =	vst v0;
	v61 =	vmul.f32 v1, v29  }
0x125: {  	[tilespmem:s22+$0xA1D0] =	vst v9;
	v63 =	vmul.f32 v62, v9  }
0x126: {  	s30 =	sadd.s32 $0x8, s17;
	[tilespmem:s29+$0xA1C0] =	vst v61  }
0x127: {  	s17 =	smov.u32 s30;
	[tilespmem:s22+$0xA1C0] =	vst v63  }
0x128: {  	v0 =	vld [tilespmem:$0x80]  }
0x129: {  	v1 =	vld [tilespmem:$0x90]  }
0x12a: {  	v2 =	vld [tilespmem:$0xA0]  }
0x12b: {  	v3 =	vld [tilespmem:$0xB0];
	_ =	sdelay $0x1  }
0x12c: {  	[tilespmem:$0x100] =	vst v0  }
0x12d: {  	[tilespmem:$0x110] =	vst v1  }
0x12e: {  	s1 =	rddreg [dreg:$0x1];
	s17 =	sadd.s32 $0x2, s25;
	[tilespmem:$0x120] =	vst v2  }
0x12f: {  	s2 =	simm.s32 $0x100;
	s3 =	simm.s32 $0xA180;
	p2 =	sge.u32 s17, s8;
	[tilespmem:$0x130] =	vst v3  }
0x130: {  	[spmem:s1] =	stream.indirect.scatter.add.f32 [tilespmem:s3], [sflag:$0x5], $0x60, s2, s23, $0xb8;
	[tilespmem:$0x1BBE0] =	vst v63  }
0x131: {  	s1 =	sshll.u32 @!p2 s17, $0x8  }
0x132: {  	s1 =	sor.u32 @!p2 s10, s1  }
0x133: {  	s3 =	simm.s32 @!p2 $0x0;
	s2 =	sadd.s32 @!p2 s4, s1  }
0x134: {  	[tilespmem:s3], [sflag:$0x3] =	stream.linear.gather @!p2 [hbm4b:s2+s3], $0x40, $0x38;
	[tilespmem:$0x1BBE0] =	vst v63  }
0x135: {  	s1 =	sadd.s32 @!p2 s5, s1;
	s2 =	simm.s32 @!p2 $0x80  }
0x136: {  	[tilespmem:s2], [sflag:$0x3] =	stream.linear.gather @!p2 [hbm4b:s1+s3], $0x40, $0x38;
	[tilespmem:$0x1BBE0] =	vst v63  }
0x137: {  	_ =	swait.ge [sflag:s11], $0x1400  }
0x138: {  	[sflag:s11] =	ssyncset.done $0x0  }
0x139: {  	[sflag:s11] =	ssyncadd.s32 $0xFFFFEC00  }
0x13a: {  	_ =	swait.ge [sflag:s11], $0x2800  }
0x13b: {  	[sflag:s11] =	ssyncset.done $0x0  }
0x13c: {  	[sflag:s11] =	ssyncadd.s32 $0xFFFFD800  }
0x13d: {  	_ =	swait.ge [sflag:s11], $0x1400  }
0x13e: {  	[sflag:s11] =	ssyncset.done $0x0  }
0x13f: {  	s1 =	simm.s32 @!p3 $0x6;
	[sflag:s11] =	ssyncadd.s32 $0xFFFFEC00  }
0x140: {  	_ =	swait.ge @!p3 [sflag:s1], $0x1800  }
0x141: {  	[sflag:s1] =	ssyncset.done @!p3 $0x0  }
0x142: {  	s19 =	simm.s32 $0x0;
	[sflag:s1] =	ssyncadd.s32 @!p3 $0xFFFFE800  }
.LBB2_5:
0x143: {  	s1 =	smul.u32 $0x50, s19;
	_ =	sdelay $0x1  }
0x144: {  	v14 =	vld [tilespmem:s1+$0x1580]  }
0x145: {  	v23 =	vld [tilespmem:s1+$0x8D80]  }
0x146: {  	v16 =	vld [tilespmem:s1+$0x1590]  }
0x147: {  	v13 =	vld [tilespmem:s1+$0x8D90]  }
0x148: {  	v25 =	vld [tilespmem:s1+$0x15A0]  }
0x149: {  	v5 =	vld [tilespmem:s1+$0x8DA0]  }
0x14a: {  	v32 =	vld [tilespmem:s1+$0x15B0]  }
0x14b: {  	s2 =	smul.u32 $0x280, s19;
	v6 =	vld [tilespmem:s1+$0x8DB0]  }
0x14c: {  	v39 =	vld [tilespmem:s1+$0x15C0]  }
0x14d: {  	s15 =	sshra.s32 s2, $0x2;
	v10 =	vld [tilespmem:s1+$0x8DC0]  }
0x14e: {  	v15 =	vld [tilespmem:s15+$0x5180]  }
0x14f: {  	v21 =	vld [tilespmem:s15+$0x5190]  }
0x150: {  	v30 =	vld [tilespmem:s15+$0x51A0]  }
0x151: {  	s12 =	sor.u32 $0x1, s19;
	v35 =	vld [tilespmem:s15+$0x51B0]  }
0x152: {  	s24 =	smul.u32 $0x50, s12;
	v40 =	vld [tilespmem:s15+$0x51C0]  }
0x153: {  	v0 =	vld [tilespmem:s15+$0x51D0]  }
0x154: {  	v41 =	vld [tilespmem:s24+$0x1580]  }
0x155: {  	v2 =	vld [tilespmem:s24+$0x8D80]  }
0x156: {  	v43 =	vld [tilespmem:s24+$0x1590]  }
0x157: {  	v4 =	vld [tilespmem:s24+$0x8D90]  }
0x158: {  	v45 =	vld [tilespmem:s24+$0x15A0]  }
0x159: {  	v7 =	vld [tilespmem:s24+$0x8DA0]  }
0x15a: {  	v47 =	vld [tilespmem:s24+$0x15B0]  }
0x15b: {  	s14 =	sor.u32 $0x2, s19;
	v9 =	vld [tilespmem:s24+$0x8DB0]  }
0x15c: {  	s28 =	smul.u32 $0x50, s14;
	v49 =	vld [tilespmem:s24+$0x15C0]  }
0x15d: {  	v11 =	vld [tilespmem:s24+$0x8DC0]  }
0x15e: {  	v51 =	vld [tilespmem:s28+$0x1580]  }
0x15f: {  	v53 =	vld [tilespmem:s28+$0x1590]  }
0x160: {  	v1 =	vld [tilespmem:s28+$0x8D90]  }
0x161: {  	v55 =	vld [tilespmem:s28+$0x15A0]  }
0x162: {  	v3 =	vld [tilespmem:s28+$0x8DA0]  }
0x163: {  	v57 =	vld [tilespmem:s28+$0x15B0]  }
0x164: {  	s29 =	sor.u32 $0x3, s19;
	v8 =	vld [tilespmem:s28+$0x8DB0]  }
0x165: {  	s30 =	smul.u32 $0x50, s29;
	v29 =	vld [tilespmem:s28+$0x15C0]  }
0x166: {  	v58 =	vld [tilespmem:s28+$0x8DC0]  }
0x167: {  	v34 =	vld [tilespmem:s30+$0x1580]  }
0x168: {  	v18 =	vld [tilespmem:s30+$0x8D80]  }
0x169: {  	v63 =	vld [tilespmem:s30+$0x1590]  }
0x16a: {  	v61 =	vld [tilespmem:s30+$0x8D90]  }
0x16b: {  	v19 =	vld [tilespmem:s30+$0x15A0]  }
0x16c: {  	v59 =	vld [tilespmem:s30+$0x8DA0]  }
0x16d: {  	v26 =	vld [tilespmem:s30+$0x15B0]  }
0x16e: {  	s26 =	smul.u32 $0x280, s12;
	v20 =	vld [tilespmem:s30+$0x8DB0]  }
0x16f: {  	v31 =	vld [tilespmem:s30+$0x15C0]  }
0x170: {  	s3 =	sshra.s32 s26, $0x2;
	v37 =	vld [tilespmem:s30+$0x8DC0]  }
0x171: {  	v42 =	vld [tilespmem:s3+$0x5180]  }
0x172: {  	v44 =	vld [tilespmem:s3+$0x5190]  }
0x173: {  	s9 =	smul.u32 $0x280, s14;
	v46 =	vld [tilespmem:s3+$0x51A0]  }
0x174: {  	v48 =	vld [tilespmem:s3+$0x51B0]  }
0x175: {  	s21 =	sshra.s32 s9, $0x2;
	v50 =	vld [tilespmem:s3+$0x51C0]  }
0x176: {  	v52 =	vld [tilespmem:s21+$0x5180]  }
0x177: {  	v54 =	vld [tilespmem:s21+$0x5190]  }
0x178: {  	s22 =	smul.u32 $0x280, s29;
	v56 =	vld [tilespmem:s21+$0x51A0]  }
0x179: {  	v12 =	vld [tilespmem:s21+$0x51B0]  }
0x17a: {  	s18 =	sshra.s32 s22, $0x2;
	v17 =	vld [tilespmem:s21+$0x51C0]  }
0x17b: {  	v62 =	vld [tilespmem:s18+$0x5180]  }
0x17c: {  	v27 =	vld [tilespmem:s18+$0x5190]  }
0x17d: {  	s9 =	sor.u32 $0x4, s19;
	v36 =	vld [tilespmem:s18+$0x51A0]  }
0x17e: {  	v28 =	vld [tilespmem:s18+$0x51B0];
	s24 =	smul.u32 $0x50, s9  }
0x17f: {  	v33 =	vld [tilespmem:s18+$0x51C0]  }
0x180: {  	v24 =	vld [tilespmem:s24+$0x8D80]  }
0x181: {  	v38 =	vld [tilespmem:s24+$0x1590]  }
0x182: {  	v60 =	vld [tilespmem:s24+$0x15A0]  }
0x183: {  	s16 =	smul.u32 $0x280, s9;
	v22 =	vld [tilespmem:s24+$0x15B0]  }
0x184: {  	[tilespmem:$0x1FD00] =	vst v0;
	v0 =	vld [tilespmem:s28+$0x8D80]  }
0x185: {  	s2 =	sshra.s32 s16, $0x2;
	[tilespmem:$0x1FD40] =	vst v37;
	v37 =	vld [tilespmem:s24+$0x1580]  }
0x186: {  	[tilespmem:$0x1FD30] =	vst v26;
	v26 =	vld [tilespmem:s2+$0x5180]  }
0x187: {  	[tilespmem:$0x1FD70] =	vst v31;
	v31 =	vld [tilespmem:s2+$0x51B0]  }
0x188: {  	s30 =	sor.u32 $0x5, s19;
	[tilespmem:$0x1FD10] =	vst v19;
	v19 =	vld [tilespmem:s24+$0x8DB0]  }
0x189: {  	s16 =	smul.u32 $0x50, s30;
	v21 =	vadd.f32 v13, v21;
	[tilespmem:$0x1FD50] =	vst v33;
	v33 =	vld [tilespmem:s2+$0x5190]  }
0x18a: {  	[tilespmem:$0x1FD20] =	vst v28;
	v28 =	vld [tilespmem:s24+$0x8D90]  }
0x18b: {  	[tilespmem:$0x1FE10] =	vst v5;
	v16 =	vmul.f32 v21, v16;
	v21 =	vadd.f32 v5, v30;
	v5 =	vld [tilespmem:s16+$0x8D80]  }
0x18c: {  	v30 =	vld [tilespmem:s16+$0x1590]  }
0x18d: {  	[tilespmem:$0x1FD60] =	vst v38;
	v38 =	vld [tilespmem:s2+$0x51A0]  }
0x18e: {  	[tilespmem:$0x1FD80] =	vst v60;
	v60 =	vld [tilespmem:s24+$0x8DA0]  }
0x18f: {  	s22 =	smul.u32 $0x280, s30;
	[tilespmem:$0x1FDA0] =	vst v22;
	v22 =	vld [tilespmem:s24+$0x15C0]  }
0x190: {  	[tilespmem:$0x1FD90] =	vst v31;
	v31 =	vadd.f32 v23, v15;
	v15 =	vld [tilespmem:s24+$0x8DC0]  }
0x191: {  	[tilespmem:$0x1FE60] =	vst v10;
	v40 =	vadd.f32 v10, v40;
	s24 =	sshra.s32 s22, $0x2;
	v10 =	vadd.f32 v0, v52;
	v52 =	vld [tilespmem:s16+$0x15B0]  }
0x192: {  	[tilespmem:$0x1FDE0] =	vst v13;
	v13 =	vld [tilespmem:s24+$0x5180]  }
0x193: {  	[tilespmem:$0x1FE30] =	vst v6;
	v6 =	vadd.f32 v6, v35;
	s22 =	sor.u32 $0x6, s19;
	v35 =	vld [tilespmem:s24+$0x5190];
	v14 =	vmul.f32 v31, v14  }
0x194: {  	s28 =	smul.u32 $0x50, s22;
	v31 =	vld [tilespmem:s16+$0x1580]  }
0x195: {  	[tilespmem:$0x1FDC0] =	vst v22;
	v22 =	vld [tilespmem:s2+$0x51C0];
	v14 =	vadd.f32 $0.0e+00, v14  }
0x196: {  	[tilespmem:$0x1FE70] =	vst v11;
	v46 =	vadd.f32 v7, v46;
	v11 =	vadd.f32 v11, v50;
	v50 =	vld [tilespmem:s28+$0x1590]  }
0x197: {  	[tilespmem:$0x1FE20] =	vst v7;
	v7 =	vadd.f32 v9, v48;
	v48 =	vld [tilespmem:s28+$0x15A0];
	v14 =	vadd.f32 v16, v14;
	v16 =	vmul.f32 v21, v25  }
0x198: {  	v25 =	vld [tilespmem:s16+$0x8D90]  }
0x199: {  	v14 =	vadd.f32 v16, v14;
	v16 =	vmul.f32 v6, v32;
	v6 =	vadd.f32 v2, v42;
	v42 =	vld [tilespmem:s16+$0x15A0]  }
0x19a: {  	v32 =	vld [tilespmem:s24+$0x51A0]  }
0x19b: {  	[tilespmem:$0x1FDB0] =	vst v22;
	v22 =	vld [tilespmem:s16+$0x8DA0]  }
0x19c: {  	[tilespmem:$0x1FDD0] =	vst v2;
	v14 =	vadd.f32 v16, v14;
	v2 =	vmul.f32 v6, v41;
	v6 =	vadd.f32 v4, v44;
	v16 =	vld [tilespmem:s24+$0x51B0]  }
0x19d: {  	[tilespmem:$0x1FDF0] =	vst v4;
	v4 =	vadd.f32 v1, v54;
	v44 =	vld [tilespmem:s16+$0x8DB0]  }
0x19e: {  	v41 =	vmul.f32 v6, v43;
	v6 =	vmul.f32 v46, v45;
	v46 =	vld [tilespmem:s16+$0x15C0]  }
0x19f: {  	[tilespmem:$0x1FE40] =	vst v9;
	s26 =	smul.u32 $0x280, s22;
	v9 =	vmul.f32 v4, v53;
	v53 =	vld [tilespmem:s24+$0x51C0]  }
0x1a0: {  	v21 =	vmov v0;
	v0 =	vadd.f32 $0.0e+00, v2;
	v43 =	vld [tilespmem:s16+$0x8DC0]  }
0x1a1: {  	s26 =	sshra.s32 s26, $0x2;
	v2 =	vmul.f32 v10, v51;
	v10 =	vadd.f32 v3, v56;
	v51 =	vld [tilespmem:s28+$0x1580]  }
0x1a2: {  	s1 =	sor.u32 $0x7, s19;
	v41 =	vadd.f32 v41, v0;
	v0 =	vmul.f32 v11, v49;
	v49 =	vld [tilespmem:s26+$0x5190]  }
0x1a3: {  	v45 =	vmul.f32 v7, v47;
	v7 =	vadd.f32 v18, v62;
	s16 =	smul.u32 $0x50, s1;
	v54 =	vmul.f32 v10, v55;
	v10 =	vld [tilespmem:$0x1FD00]  }
0x1a4: {  	v39 =	vmul.f32 v40, v39;
	v55 =	vadd.f32 v8, v12;
	v12 =	vld [tilespmem:$0x1FD20]  }
0x1a5: {  	[tilespmem:$0x1FE50] =	vst v8;
	v40 =	vadd.f32 $0.0e+00, v2;
	v8 =	vmul.f32 v7, v34;
	v7 =	vld [tilespmem:s16+$0x1590]  }
0x1a6: {  	v14 =	vadd.f32 v39, v14;
	v2 =	vmov v3;
	v3 =	vmul.f32 v55, v57;
	v55 =	vld [tilespmem:s26+$0x51A0]  }
0x1a7: {  	v41 =	vadd.f32 v6, v41;
	v40 =	vadd.f32 v9, v40;
	v57 =	vld [tilespmem:s28+$0x8DA0]  }
0x1a8: {  	v4 =	vadd.f32 v58, v17;
	v9 =	vadd.f32 v61, v27;
	v27 =	vld [tilespmem:s28+$0x8DB0]  }
0x1a9: {  	[tilespmem:$0x1FE00] =	vst v1;
	v56 =	vadd.f32 v45, v41;
	v45 =	vld [tilespmem:s26+$0x5180];
	v1 =	vadd.f32 v54, v40  }
0x1aa: {  	v14 =	vmul.f32 $4.472135900e-01, v14;
	v40 =	vld [tilespmem:s28+$0x8D80]  }
0x1ab: {  	v6 =	vmul.f32 v4, v29;
	v41 =	vld [tilespmem:s28+$0x8D90];
	v39 =	vadd.f32 v0, v56;
	v47 =	vadd.f32 v3, v1  }
0x1ac: {  	v34 =	vmul.f32 v9, v63;
	v63 =	vadd.f32 v24, v26;
	v26 =	vadd.f32 v28, v33;
	v33 =	vld [tilespmem:$0x1FD50]  }
0x1ad: {  	v54 =	vadd.f32 v59, v36;
	v36 =	vld [tilespmem:$0x1FD60];
	v47 =	vadd.f32 v6, v47;
	v39 =	vmul.f32 $4.472135900e-01, v39  }
0x1ae: {  	v14 =	vmul.f32 $1.442695020e+00, v14;
	v9 =	vld [tilespmem:s16+$0x1580]  }
0x1af: {  	v17 =	vmovc v18;
	v56 =	vadd.f32 v10, v23;
	v23 =	vld [tilespmem:s28+$0x8DC0];
	v11 =	vmul.f32 $1.442695020e+00, v39;
	v18 =	vmul.f32 $4.472135900e-01, v47  }
0x1b0: {  	(erf) = vpow2.f32 v14;
	v0 =	vmul.f32 v63, v37;
	v37 =	vadd.f32 v60, v38;
	v38 =	vld [tilespmem:$0x1FD70]  }
0x1b1: {  	v63 =	vadd.f32 v5, v13;
	(erf) = vpow2.f32 v11;
	v62 =	vmul.f32 $1.442695020e+00, v18;
	v11 =	vld [tilespmem:$0x1FD10]  }
0x1b2: {  	v13 =	vld [tilespmem:$0x1FD80]  }
0x1b3: {  	v1 =	vmul.f32 v63, v31;
	v31 =	vld [tilespmem:$0x1FDB0]  }
0x1b4: {  	v14 =	vadd.f32 $0.0e+00, v8;
	v47 =	vld [tilespmem:s28+$0x15B0]  }
0x1b5: {  	(erf) = vpow2.f32 v62;
	v62 =	vmov v28;
	v28 =	vld [tilespmem:$0x1FD30]  }
0x1b6: {  	v14 =	vadd.f32 v34, v14;
	v4 =	vmul.f32 v54, v11;
	v11 =	vld [tilespmem:s28+$0x15C0]  }
0x1b7: {  	v54 =	vld [tilespmem:$0x1FD40]  }
0x1b8: {  	s28 =	smul.u32 $0x280, s1;
	v4 =	vadd.f32 v4, v14;
	v14 =	vld [tilespmem:$0x1FD90]  }
0x1b9: {  	v0 =	vadd.f32 $0.0e+00, v0;
	v3 =	vmul.f32 v26, v36;
	v36 =	vld [tilespmem:s16+$0x8DA0]  }
0x1ba: {  	v18 =	vmov v24;
	v24 =	vadd.f32 v20, v12;
	v12 =	vld [tilespmem:s26+$0x51B0];
	s28 =	sshra.s32 s28, $0x2  }
0x1bb: {  	v0 =	vadd.f32 v3, v0;
	v3 =	vmul.f32 v37, v13;
	v13 =	vld [tilespmem:s28+$0x5180]  }
0x1bc: {  	v26 =	vadd.f32 v25, v35;
	v29 =	vmul.f32 v24, v28;
	v28 =	vld [tilespmem:$0x1FDA0];
	v34 =	vadd.f32 v54, v33  }
0x1bd: {  	v35 =	vadd.f32 v40, v45;
	v24 =	vadd.f32 v19, v14;
	v14 =	vld [tilespmem:s28+$0x5190]  }
0x1be: {  	v45 =	vadd.f32 v44, v16;
	v4 =	vadd.f32 v29, v4;
	v39 =	vmul.f32 v34, v38;
	v34 =	vld [tilespmem:$0x1FDC0]  }
0x1bf: {  	v1 =	vadd.f32 $0.0e+00, v1;
	v63 =	vmul.f32 v35, v51;
	v0 =	vadd.f32 v3, v0;
	v38 =	vld [tilespmem:s16+$0x8D90]  }
0x1c0: {  	v33 =	vadd.f32 v22, v32;
	v29 =	vmovc v5;
	v5 =	vmul.f32 v26, v30;
	v4 =	vadd.f32 v39, v4;
	v39 =	vld [tilespmem:s16+$0x8D80]  }
0x1c1: {  	v6 =	vadd.f32 v15, v31;
	v12 =	vadd.f32 v27, v12;
	v26 =	vld [tilespmem:s28+$0x51A0];
	v3 =	vmul.f32 v24, v28  }
0x1c2: {  	v10 =	vld [tilespmem:s26+$0x51C0];
	v42 =	vmul.f32 v33, v42;
	v24 =	vadd.f32 v41, v49;
	v1 =	vadd.f32 v5, v1  }
0x1c3: {  	v16 =	vld [tilespmem:s16+$0x15A0];
	v28 =	vmul.f32 v45, v52;
	v49 =	vadd.f32 v57, v55;
	v0 =	vadd.f32 v3, v0  }
0x1c4: {  	v33 =	vld [tilespmem:s16+$0x8DC0];
	v4 =	vmul.f32 $4.472135900e-01, v4;
	v3 =	vmul.f32 v6, v34;
	v1 =	vadd.f32 v42, v1  }
0x1c5: {  	v42 =	vadd.f32 v43, v53;
	v6 =	vmul.f32 v24, v50;
	v50 =	vld [tilespmem:s28+$0x51B0];
	v13 =	vadd.f32 v39, v13  }
0x1c6: {  	v8 =	vmul.f32 v49, v48;
	v52 =	vadd.f32 v38, v14;
	v34 =	vld [tilespmem:s16+$0x8DB0];
	v55 =	vadd.f32 v36, v26  }
0x1c7: {  	v45 =	vld [tilespmem:s16+$0x15B0];
	v0 =	vadd.f32 v3, v0;
	v3 =	vadd.f32 $0.0e+00, v63;
	v51 =	vmul.f32 v13, v9  }
0x1c8: {  	v53 =	vld [tilespmem:s28+$0x51C0];
	v4 =	vmul.f32 $1.442695020e+00, v4;
	v1 =	vadd.f32 v28, v1;
	v46 =	vmul.f32 v42, v46  }
0x1c9: {  	v37 =	vpop (erf);
	v7 =	vmul.f32 v52, v7;
	v3 =	vadd.f32 v6, v3;
	v6 =	vadd.f32 $0.0e+00, v51  }
0x1ca: {  	v14 =	vld [tilespmem:s16+$0x15C0];
	v63 =	vmul.f32 v12, v47;
	v12 =	vadd.f32 v23, v10;
	v28 =	vmul.f32 v37, v56  }
0x1cb: {  	v9 =	vmul.f32 v55, v16;
	v24 =	vadd.f32 v34, v50;
	v6 =	vadd.f32 v7, v6  }
0x1cc: {  	v32 =	vld [tilespmem:$0x1FDD0];
	(erf) = vpow2.f32 v4;
	v1 =	vadd.f32 v46, v1;
	v3 =	vadd.f32 v8, v3  }
0x1cd: {  	v16 =	vld [tilespmem:s3+$0x51D0];
	v26 =	vadd.f32 v33, v53;
	v5 =	vmul.f32 v24, v45;
	v6 =	vadd.f32 v9, v6  }
0x1ce: {  	s16 =	smul.u32 $0x180, s19;
	v0 =	vmul.f32 $4.472135900e-01, v0;
	v3 =	vadd.f32 v63, v3;
	v7 =	vmul.f32 v12, v11  }
0x1cf: {  	v31 =	vld [tilespmem:s21+$0x51D0];
	v1 =	vmul.f32 $4.472135900e-01, v1;
	v30 =	vmul.f32 v26, v14;
	v5 =	vadd.f32 v5, v6  }
0x1d0: {  	v49 =	vld [tilespmem:$0x1FDE0];
	s16 =	sshra.s32 s16, $0x2;
	v0 =	vmul.f32 $1.442695020e+00, v0;
	v3 =	vadd.f32 v7, v3  }
0x1d1: {  	v42 =	vld [tilespmem:s18+$0x51D0];
	[tilespmem:s16+$0xB980] =	vst v28;
	v1 =	vmul.f32 $1.442695020e+00, v1;
	v5 =	vadd.f32 v30, v5  }
0x1d2: {  	v35 =	vld [tilespmem:s15+$0x51E0];
	(erf) = vpow2.f32 v0;
	v4 =	vadd.f32 v16, v32;
	v3 =	vmul.f32 $4.472135900e-01, v3  }
0x1d3: {  	s12 =	smul.u32 $0x180, s12;
	v52 =	vld [tilespmem:$0x1FDF0];
	v24 =	vpop (erf);
	(erf) = vpow2.f32 v1;
	v5 =	vmul.f32 $4.472135900e-01, v5  }
0x1d4: {  	v46 =	vld [tilespmem:s2+$0x51D0];
	v4 =	vmul.f32 v24, v4;
	v3 =	vmul.f32 $1.442695020e+00, v3  }
0x1d5: {  	s12 =	sshra.s32 s12, $0x2;
	v13 =	vld [tilespmem:$0x1FE00];
	v48 =	vmul.f32 $1.442695020e+00, v5  }
0x1d6: {  	v50 =	vld [tilespmem:s24+$0x51D0];
	v26 =	vpop (erf);
	v1 =	vadd.f32 v42, v17;
	[tilespmem:s12+$0xB980] =	vst v4;
	(erf) = vpow2.f32 v3  }
0x1d7: {  	s29 =	smul.u32 $0x180, s29;
	v0 =	vadd.f32 v35, v49;
	v17 =	vpop (erf);
	v47 =	vld [tilespmem:s3+$0x51E0];
	(erf) = vpow2.f32 v48  }
0x1d8: {  	v53 =	vld [tilespmem:s28+$0x51D0];
	v45 =	vadd.f32 v31, v21;
	v1 =	vmul.f32 v17, v1  }
0x1d9: {  	s14 =	smul.u32 $0x180, s14;
	s29 =	sshra.s32 s29, $0x2;
	v51 =	vld [tilespmem:s26+$0x51D0];
	v0 =	vmul.f32 v37, v0  }
0x1da: {  	v6 =	vadd.f32 v46, v18;
	v4 =	vmul.f32 v26, v45;
	v30 =	vld [tilespmem:$0x1FE10];
	[tilespmem:s29+$0xB980] =	vst v1  }
0x1db: {  	s14 =	sshra.s32 s14, $0x2;
	s9 =	smul.u32 $0x180, s9;
	[tilespmem:s16+$0xB990] =	vst v0;
	v63 =	vld [tilespmem:s18+$0x51E0];
	v28 =	vpop (erf);
	v5 =	vadd.f32 v50, v29  }
0x1dc: {  	s30 =	smul.u32 $0x180, s30;
	[tilespmem:s14+$0xB980] =	vst v4;
	v55 =	vld [tilespmem:s15+$0x51F0];
	v56 =	vmul.f32 v28, v6;
	v0 =	vadd.f32 v47, v52;
	v18 =	vpop (erf)  }
0x1dd: {  	s9 =	sshra.s32 s9, $0x2;
	v4 =	vld [tilespmem:s21+$0x51E0];
	v12 =	vmul.f32 v18, v5  }
0x1de: {  	s30 =	sshra.s32 s30, $0x2;
	v42 =	vld [tilespmem:$0x1FE20];
	v3 =	vadd.f32 v51, v40;
	[tilespmem:s9+$0xB980] =	vst v56;
	v0 =	vmul.f32 v24, v0  }
0x1df: {  	s22 =	smul.u32 $0x180, s22;
	v21 =	vadd.f32 v53, v39;
	v14 =	vld [tilespmem:s2+$0x51E0];
	[tilespmem:s30+$0xB980] =	vst v12;
	v29 =	vpop (erf)  }
0x1e0: {  	s1 =	smul.u32 $0x180, s1;
	v6 =	vadd.f32 v63, v61;
	[tilespmem:s12+$0xB990] =	vst v0;
	v31 =	vld [tilespmem:s24+$0x51E0];
	v3 =	vmul.f32 v29, v3;
	v9 =	vpop (erf)  }
0x1e1: {  	s22 =	sshra.s32 s22, $0x2;
	v7 =	vadd.f32 v55, v30;
	v16 =	vld [tilespmem:s3+$0x51F0];
	v32 =	vmul.f32 v9, v21  }
0x1e2: {  	s1 =	sshra.s32 s1, $0x2;
	v55 =	vld [tilespmem:$0x1FE30];
	v0 =	vadd.f32 v4, v13;
	v6 =	vmul.f32 v17, v6;
	[tilespmem:s22+$0xB980] =	vst v3  }
0x1e3: {  	v35 =	vmul.f32 v37, v7;
	v39 =	vld [tilespmem:s26+$0x51E0];
	[tilespmem:s1+$0xB980] =	vst v32  }
0x1e4: {  	v0 =	vmul.f32 v26, v0;
	[tilespmem:s29+$0xB990] =	vst v6;
	v4 =	vadd.f32 v14, v62;
	v45 =	vld [tilespmem:s28+$0x51E0]  }
0x1e5: {  	[tilespmem:s16+$0xB9A0] =	vst v35;
	v48 =	vld [tilespmem:s18+$0x51F0];
	v47 =	vadd.f32 v31, v25  }
0x1e6: {  	v46 =	vld [tilespmem:s15+$0x5200];
	[tilespmem:s14+$0xB990] =	vst v0;
	v4 =	vmul.f32 v28, v4;
	v1 =	vadd.f32 v16, v42  }
0x1e7: {  	v40 =	vld [tilespmem:s21+$0x51F0];
	v49 =	vmul.f32 v18, v47  }
0x1e8: {  	v13 =	vld [tilespmem:$0x1FE40];
	[tilespmem:s9+$0xB990] =	vst v4;
	v1 =	vmul.f32 v24, v1;
	v0 =	vadd.f32 v39, v41  }
0x1e9: {  	v51 =	vld [tilespmem:s2+$0x51F0];
	[tilespmem:s30+$0xB990] =	vst v49;
	v52 =	vadd.f32 v45, v38  }
0x1ea: {  	v8 =	vadd.f32 v48, v59;
	[tilespmem:s12+$0xB9A0] =	vst v1;
	v56 =	vld [tilespmem:s24+$0x51F0];
	v0 =	vmul.f32 v29, v0  }
0x1eb: {  	v6 =	vadd.f32 v46, v55;
	v53 =	vld [tilespmem:s3+$0x5200];
	v59 =	vmul.f32 v9, v52  }
0x1ec: {  	v32 =	vld [tilespmem:$0x1FE50];
	v50 =	vadd.f32 v40, v2;
	v12 =	vmul.f32 v17, v8;
	[tilespmem:s22+$0xB990] =	vst v0  }
0x1ed: {  	v61 =	vmul.f32 v6, v37;
	v62 =	vld [tilespmem:s26+$0x51F0];
	[tilespmem:s1+$0xB990] =	vst v59  }
0x1ee: {  	v1 =	vmul.f32 v26, v50;
	[tilespmem:s29+$0xB9A0] =	vst v12;
	v3 =	vadd.f32 v51, v60;
	v16 =	vld [tilespmem:s28+$0x51F0]  }
0x1ef: {  	[tilespmem:s16+$0xB9B0] =	vst v61;
	v30 =	vld [tilespmem:s18+$0x5200];
	v25 =	vadd.f32 v56, v22  }
0x1f0: {  	v21 =	vld [tilespmem:s15+$0x5210];
	[tilespmem:s14+$0xB9A0] =	vst v1;
	v3 =	vmul.f32 v28, v3;
	v14 =	vadd.f32 v53, v13  }
0x1f1: {  	[tilespmem:s16+$0xB9D0] =	vst v37;
	v63 =	vld [tilespmem:s21+$0x5200];
	v31 =	vmul.f32 v18, v25  }
0x1f2: {  	v38 =	vld [tilespmem:$0x1FE60];
	[tilespmem:s9+$0xB9A0] =	vst v3;
	v4 =	vmul.f32 v14, v24;
	v1 =	vadd.f32 v62, v57  }
0x1f3: {  	v35 =	vld [tilespmem:s2+$0x5200];
	[tilespmem:s30+$0xB9A0] =	vst v31;
	v36 =	vadd.f32 v16, v36  }
0x1f4: {  	v7 =	vadd.f32 v30, v20;
	[tilespmem:s12+$0xB9B0] =	vst v4;
	v39 =	vld [tilespmem:s24+$0x5200];
	v1 =	vmul.f32 v29, v1  }
0x1f5: {  	v4 =	vld [tilespmem:s3+$0x5210];
	[tilespmem:s12+$0xB9D0] =	vst v24;
	v40 =	vmul.f32 v9, v36  }
0x1f6: {  	v47 =	vld [tilespmem:$0x1FE70];
	v0 =	vadd.f32 v63, v32;
	v46 =	vmul.f32 v7, v17;
	[tilespmem:s22+$0xB9A0] =	vst v1  }
0x1f7: {  	v5 =	vadd.f32 v21, v38;
	v42 =	vld [tilespmem:s26+$0x5200];
	[tilespmem:s1+$0xB9A0] =	vst v40  }
0x1f8: {  	v0 =	vmul.f32 v0, v26;
	[tilespmem:s29+$0xB9B0] =	vst v46;
	v48 =	vld [tilespmem:s28+$0x5200]  }
0x1f9: {  	v41 =	vmul.f32 v5, v37;
	v3 =	vadd.f32 v35, v19;
	v50 =	vld [tilespmem:s18+$0x5210];
	[tilespmem:s29+$0xB9D0] =	vst v17  }
0x1fa: {  	[tilespmem:s14+$0xB9B0] =	vst v0;
	v49 =	vadd.f32 v39, v44  }
0x1fb: {  	[tilespmem:s16+$0xB9C0] =	vst v41;
	v3 =	vmul.f32 v3, v28  }
0x1fc: {  	v45 =	vld [tilespmem:s21+$0x5210];
	[tilespmem:s14+$0xB9D0] =	vst v26;
	v1 =	vmul.f32 v49, v18;
	v0 =	vadd.f32 v42, v27  }
0x1fd: {  	[tilespmem:s9+$0xB9B0] =	vst v3;
	v52 =	vadd.f32 v48, v34  }
0x1fe: {  	v2 =	vadd.f32 v4, v47;
	v3 =	vld [tilespmem:s2+$0x5210];
	[tilespmem:s30+$0xB9B0] =	vst v1;
	v0 =	vmul.f32 v0, v29  }
0x1ff: {  	[tilespmem:s9+$0xB9D0] =	vst v28;
	v53 =	vld [tilespmem:s24+$0x5210];
	v55 =	vmul.f32 v52, v9  }
0x200: {  	v2 =	vmul.f32 v2, v24;
	v54 =	vadd.f32 v50, v54;
	[tilespmem:s22+$0xB9B0] =	vst v0  }
0x201: {  	v51 =	vadd.f32 v45, v58;
	v56 =	vld [tilespmem:s26+$0x5210];
	[tilespmem:s1+$0xB9B0] =	vst v55  }
0x202: {  	[tilespmem:s12+$0xB9C0] =	vst v2;
	v58 =	vmul.f32 v54, v17;
	v59 =	vld [tilespmem:s28+$0x5210]  }
0x203: {  	[tilespmem:s30+$0xB9D0] =	vst v18;
	v2 =	vmul.f32 v51, v26;
	v57 =	vadd.f32 v3, v15  }
0x204: {  	[tilespmem:s29+$0xB9C0] =	vst v58;
	v60 =	vadd.f32 v53, v43  }
0x205: {  	[tilespmem:s14+$0xB9C0] =	vst v2;
	v2 =	vmul.f32 v57, v28  }
0x206: {  	p3 =	slt.u32 s19, $0x38;
	[tilespmem:s22+$0xB9D0] =	vst v29;
	v0 =	vmul.f32 v60, v18;
	v1 =	vadd.f32 v56, v23  }
.Ltmp3:
0x207: {  	[tilespmem:s9+$0xB9C0] =	vst v2;
	v62 =	vadd.f32 v59, v33;
	(pc) =	sbr.rel @p3 .LBB2_5-.Ltmp3, $4  }
0x208: {  	[tilespmem:s30+$0xB9C0] =	vst v0;
	v61 =	vmul.f32 v1, v29  }
0x209: {  	[tilespmem:s1+$0xB9D0] =	vst v9;
	v63 =	vmul.f32 v62, v9  }
0x20a: {  	s30 =	sadd.s32 $0x8, s19;
	[tilespmem:s22+$0xB9C0] =	vst v61  }
0x20b: {  	s19 =	smov.u32 s30;
	[tilespmem:s1+$0xB9C0] =	vst v63  }
0x20c: {  	v0 =	vld [tilespmem:$0xC0]  }
0x20d: {  	v1 =	vld [tilespmem:$0xD0]  }
0x20e: {  	v2 =	vld [tilespmem:$0xE0]  }
0x20f: {  	v3 =	vld [tilespmem:$0xF0];
	_ =	sdelay $0x1  }
0x210: {  	[tilespmem:$0x140] =	vst v0  }
0x211: {  	[tilespmem:$0x150] =	vst v1  }
0x212: {  	[tilespmem:$0x160] =	vst v2  }
0x213: {  	s1 =	rddreg [dreg:$0x1];
	s2 =	simm.s32 $0x140;
	s3 =	simm.s32 $0xB980;
	[tilespmem:$0x170] =	vst v3  }
0x214: {  	[spmem:s1] =	stream.indirect.scatter.add.f32 [tilespmem:s3], [sflag:$0x6], $0x60, s2, s23, $0xb8;
	[tilespmem:$0x1BBE0] =	vst v63  }
0x215: {  	s1 =	simm.s32 @!p2 $0x3  }
0x216: {  	_ =	swait.ge @!p2 [sflag:s1], $0x40  }
0x217: {  	[sflag:s1] =	ssyncset.done @!p2 $0x0  }
0x218: {  	[sflag:s1] =	ssyncadd.s32 @!p2 $0xFFFFFFC0  }
0x219: {  	_ =	swait.ge @!p2 [sflag:s1], $0x40  }
0x21a: {  	s2 =	simm.s32 @!p2 $0x80;
	[sflag:s1] =	ssyncset.done @!p2 $0x0  }
0x21b: {  	s3 =	simm.s32 @!p2 $0x180;
	[sflag:s1] =	ssyncadd.s32 @!p2 $0xFFFFFFC0;
	s1 =	simm.s32 @!p2 $0x40  }
0x21c: {  	[tilespmem:s3], [sflag:$0x1] =	stream.indirect.gather @!p2 [hbm4b:s6+s1], $0x50, s2, s1, $0xb8;
	[tilespmem:$0x1BBE0] =	vst v63  }
0x21d: {  	s9 =	simm.s32 @!p2 $0x2980;
	s3 =	simm.s32 @!p2 $0x0  }
0x21e: {  	[tilespmem:s9], [sflag:$0x1] =	stream.indirect.gather @!p2 [hbm4b:s7+s1], $0xA0, s3, s1, $0xb8;
	[tilespmem:$0x1BBE0] =	vst v63  }
0x21f: {  	s1 =	sshll.u32 @!p2 s17, $0xF  }
0x220: {  	s3 =	simm.s32 @!p2 $0x50;
	s9 =	simm.s32 @!p2 $0x7980;
	s1 =	sadd.s32 @!p2 s1, s13  }
0x221: {  	[tilespmem:s9], [sflag:$0x1] =	stream.strided.gather @!p2 [hbm4b:s1+s3], $0x1400, s2, s3, $0x38;
	[tilespmem:$0x1BBE0] =	vst v63  }
0x222: {  	s1 =	sadd.s32 $0x3, s25  }
0x223: {  	p2 =	sge.u32 s1, s8  }
0x224: {  	s1 =	sshll.u32 @!p2 s1, $0x8  }
0x225: {  	s1 =	sor.u32 @!p2 s10, s1  }
0x226: {  	s3 =	simm.s32 @!p2 $0x0;
	s9 =	simm.s32 @!p2 $0x40;
	s2 =	sadd.s32 @!p2 s4, s1  }
0x227: {  	[tilespmem:s9], [sflag:$0x4] =	stream.linear.gather @!p2 [hbm4b:s2+s3], $0x40, $0x38;
	[tilespmem:$0x1BBE0] =	vst v63  }
0x228: {  	s20 =	sadd.s32 $0x1, s20;
	s1 =	sadd.s32 @!p2 s5, s1;
	s2 =	simm.s32 @!p2 $0xC0  }
0x229: {  	[tilespmem:s2], [sflag:$0x4] =	stream.linear.gather @!p2 [hbm4b:s1+s3], $0x40, $0x38;
	[tilespmem:$0x1BBE0] =	vst v63  }
0x22a: {  	p2 =	sne.s32 s20, $0x4E  }
.Ltmp4:
0x22b: {  	_ = 	snop;
	(pc) =	sbr.rel @p2 .LBB2_2-.Ltmp4, $1  }
0x22c: {  	_ =	sdelay $0x3  }
.Ltmp5:
0x22d: {  	(pc) =	sbr.rel @p1 .LBB2_11-.Ltmp5, $2  }
0x22e: {  	_ =	sdelay $0x2  }
0x22f: {  	s3 =	rddreg [dreg:$0xe]  }
0x230: {  	_ =	swait.ge [sflag:s31], $0x1400  }
0x231: {  	[sflag:s31] =	ssyncset.done $0x0  }
0x232: {  	[sflag:s31] =	ssyncadd.s32 $0xFFFFEC00  }
0x233: {  	_ =	swait.ge [sflag:s31], $0x2800  }
0x234: {  	[sflag:s31] =	ssyncset.done $0x0  }
0x235: {  	[sflag:s31] =	ssyncadd.s32 $0xFFFFD800  }
0x236: {  	_ =	swait.ge [sflag:s31], $0x1400  }
0x237: {  	[sflag:s31] =	ssyncset.done $0x0  }
0x238: {  	s1 =	simm.s32 $0x5;
	[sflag:s31] =	ssyncadd.s32 $0xFFFFEC00  }
0x239: {  	_ =	swait.ge [sflag:s1], $0x1800  }
0x23a: {  	[sflag:s1] =	ssyncset.done $0x0  }
0x23b: {  	s17 =	simm.s32 $0x0;
	[sflag:s1] =	ssyncadd.s32 $0xFFFFE800  }
.LBB2_9:
0x23c: {  	s1 =	smul.u32 $0x50, s17;
	_ =	sdelay $0x1  }
0x23d: {  	v14 =	vld [tilespmem:s1+$0x180]  }
0x23e: {  	v23 =	vld [tilespmem:s1+$0x7980]  }
0x23f: {  	v16 =	vld [tilespmem:s1+$0x190]  }
0x240: {  	v13 =	vld [tilespmem:s1+$0x7990]  }
0x241: {  	v25 =	vld [tilespmem:s1+$0x1A0]  }
0x242: {  	v5 =	vld [tilespmem:s1+$0x79A0]  }
0x243: {  	v32 =	vld [tilespmem:s1+$0x1B0]  }
0x244: {  	s2 =	smul.u32 $0x280, s17;
	v6 =	vld [tilespmem:s1+$0x79B0]  }
0x245: {  	v39 =	vld [tilespmem:s1+$0x1C0]  }
0x246: {  	s15 =	sshra.s32 s2, $0x2;
	v10 =	vld [tilespmem:s1+$0x79C0]  }
0x247: {  	v15 =	vld [tilespmem:s15+$0x2980]  }
0x248: {  	v21 =	vld [tilespmem:s15+$0x2990]  }
0x249: {  	v30 =	vld [tilespmem:s15+$0x29A0]  }
0x24a: {  	s12 =	sor.u32 $0x1, s17;
	v35 =	vld [tilespmem:s15+$0x29B0]  }
0x24b: {  	s18 =	smul.u32 $0x50, s12;
	v40 =	vld [tilespmem:s15+$0x29C0]  }
0x24c: {  	v0 =	vld [tilespmem:s15+$0x29D0]  }
0x24d: {  	v41 =	vld [tilespmem:s18+$0x180]  }
0x24e: {  	v2 =	vld [tilespmem:s18+$0x7980]  }
0x24f: {  	v43 =	vld [tilespmem:s18+$0x190]  }
0x250: {  	v4 =	vld [tilespmem:s18+$0x7990]  }
0x251: {  	v45 =	vld [tilespmem:s18+$0x1A0]  }
0x252: {  	v7 =	vld [tilespmem:s18+$0x79A0]  }
0x253: {  	v47 =	vld [tilespmem:s18+$0x1B0]  }
0x254: {  	s14 =	sor.u32 $0x2, s17;
	v9 =	vld [tilespmem:s18+$0x79B0]  }
0x255: {  	s20 =	smul.u32 $0x50, s14;
	v49 =	vld [tilespmem:s18+$0x1C0]  }
0x256: {  	v11 =	vld [tilespmem:s18+$0x79C0]  }
0x257: {  	v51 =	vld [tilespmem:s20+$0x180]  }
0x258: {  	v53 =	vld [tilespmem:s20+$0x190]  }
0x259: {  	v1 =	vld [tilespmem:s20+$0x7990]  }
0x25a: {  	v55 =	vld [tilespmem:s20+$0x1A0]  }
0x25b: {  	v3 =	vld [tilespmem:s20+$0x79A0]  }
0x25c: {  	v57 =	vld [tilespmem:s20+$0x1B0]  }
0x25d: {  	s24 =	sor.u32 $0x3, s17;
	v8 =	vld [tilespmem:s20+$0x79B0]  }
0x25e: {  	s21 =	smul.u32 $0x50, s24;
	v29 =	vld [tilespmem:s20+$0x1C0]  }
0x25f: {  	v58 =	vld [tilespmem:s20+$0x79C0]  }
0x260: {  	v34 =	vld [tilespmem:s21+$0x180]  }
0x261: {  	v18 =	vld [tilespmem:s21+$0x7980]  }
0x262: {  	v63 =	vld [tilespmem:s21+$0x190]  }
0x263: {  	v61 =	vld [tilespmem:s21+$0x7990]  }
0x264: {  	v19 =	vld [tilespmem:s21+$0x1A0]  }
0x265: {  	v59 =	vld [tilespmem:s21+$0x79A0]  }
0x266: {  	v26 =	vld [tilespmem:s21+$0x1B0]  }
0x267: {  	s19 =	smul.u32 $0x280, s12;
	v20 =	vld [tilespmem:s21+$0x79B0]  }
0x268: {  	v31 =	vld [tilespmem:s21+$0x1C0]  }
0x269: {  	s3 =	sshra.s32 s19, $0x2;
	v37 =	vld [tilespmem:s21+$0x79C0]  }
0x26a: {  	v42 =	vld [tilespmem:s3+$0x2980]  }
0x26b: {  	v44 =	vld [tilespmem:s3+$0x2990]  }
0x26c: {  	s9 =	smul.u32 $0x280, s14;
	v46 =	vld [tilespmem:s3+$0x29A0]  }
0x26d: {  	v48 =	vld [tilespmem:s3+$0x29B0]  }
0x26e: {  	s19 =	sshra.s32 s9, $0x2;
	v50 =	vld [tilespmem:s3+$0x29C0]  }
0x26f: {  	v52 =	vld [tilespmem:s19+$0x2980]  }
0x270: {  	v54 =	vld [tilespmem:s19+$0x2990]  }
0x271: {  	s22 =	smul.u32 $0x280, s24;
	v56 =	vld [tilespmem:s19+$0x29A0]  }
0x272: {  	v12 =	vld [tilespmem:s19+$0x29B0]  }
0x273: {  	s18 =	sshra.s32 s22, $0x2;
	v17 =	vld [tilespmem:s19+$0x29C0]  }
0x274: {  	v62 =	vld [tilespmem:s18+$0x2980]  }
0x275: {  	v27 =	vld [tilespmem:s18+$0x2990]  }
0x276: {  	s9 =	sor.u32 $0x4, s17;
	v36 =	vld [tilespmem:s18+$0x29A0]  }
0x277: {  	v28 =	vld [tilespmem:s18+$0x29B0];
	s25 =	smul.u32 $0x50, s9  }
0x278: {  	v33 =	vld [tilespmem:s18+$0x29C0]  }
0x279: {  	v24 =	vld [tilespmem:s25+$0x7980]  }
0x27a: {  	v38 =	vld [tilespmem:s25+$0x190]  }
0x27b: {  	v60 =	vld [tilespmem:s25+$0x1A0]  }
0x27c: {  	s16 =	smul.u32 $0x280, s9;
	v22 =	vld [tilespmem:s25+$0x1B0]  }
0x27d: {  	[tilespmem:$0x1FB80] =	vst v0;
	v0 =	vld [tilespmem:s20+$0x7980]  }
0x27e: {  	s2 =	sshra.s32 s16, $0x2;
	[tilespmem:$0x1FBC0] =	vst v37;
	v37 =	vld [tilespmem:s25+$0x180]  }
0x27f: {  	[tilespmem:$0x1FBB0] =	vst v26;
	v26 =	vld [tilespmem:s2+$0x2980]  }
0x280: {  	[tilespmem:$0x1FBF0] =	vst v31;
	v31 =	vld [tilespmem:s2+$0x29B0]  }
0x281: {  	s26 =	sor.u32 $0x5, s17;
	[tilespmem:$0x1FB90] =	vst v19;
	v19 =	vld [tilespmem:s25+$0x79B0]  }
0x282: {  	s28 =	smul.u32 $0x50, s26;
	v21 =	vadd.f32 v13, v21;
	[tilespmem:$0x1FBD0] =	vst v33;
	v33 =	vld [tilespmem:s2+$0x2990]  }
0x283: {  	[tilespmem:$0x1FBA0] =	vst v28;
	v28 =	vld [tilespmem:s25+$0x7990]  }
0x284: {  	[tilespmem:$0x1FC90] =	vst v5;
	v16 =	vmul.f32 v21, v16;
	v21 =	vadd.f32 v5, v30;
	v5 =	vld [tilespmem:s28+$0x7980]  }
0x285: {  	[tilespmem:$0x1FC60] =	vst v13;
	v30 =	vld [tilespmem:s28+$0x190]  }
0x286: {  	s20 =	smul.u32 $0x280, s26;
	[tilespmem:$0x1FBE0] =	vst v38;
	v38 =	vld [tilespmem:s2+$0x29A0]  }
0x287: {  	[tilespmem:$0x1FC00] =	vst v60;
	v60 =	vld [tilespmem:s25+$0x79A0]  }
0x288: {  	s20 =	sshra.s32 s20, $0x2;
	[tilespmem:$0x1FC20] =	vst v22;
	v22 =	vld [tilespmem:s25+$0x1C0]  }
0x289: {  	[tilespmem:$0x1FCB0] =	vst v6;
	v13 =	vld [tilespmem:s20+$0x2980]  }
0x28a: {  	v6 =	vadd.f32 v6, v35;
	v35 =	vld [tilespmem:s20+$0x2990];
	[tilespmem:$0x1FC10] =	vst v31;
	v31 =	vadd.f32 v23, v15  }
0x28b: {  	s22 =	sor.u32 $0x6, s17;
	v15 =	vld [tilespmem:s25+$0x79C0]  }
0x28c: {  	[tilespmem:$0x1FCE0] =	vst v10;
	v40 =	vadd.f32 v10, v40;
	v10 =	vadd.f32 v0, v52;
	v52 =	vld [tilespmem:s28+$0x1B0];
	s25 =	smul.u32 $0x50, s22;
	v14 =	vmul.f32 v31, v14  }
0x28d: {  	v31 =	vld [tilespmem:s28+$0x180]  }
0x28e: {  	[tilespmem:$0x1FCF0] =	vst v11;
	v11 =	vadd.f32 v11, v50;
	v50 =	vld [tilespmem:s25+$0x190];
	v14 =	vadd.f32 $0.0e+00, v14  }
0x28f: {  	v46 =	vadd.f32 v7, v46;
	[tilespmem:$0x1FC40] =	vst v22;
	v22 =	vld [tilespmem:s2+$0x29C0]  }
0x290: {  	[tilespmem:$0x1FCA0] =	vst v7;
	v7 =	vadd.f32 v9, v48;
	v48 =	vld [tilespmem:s25+$0x1A0];
	v14 =	vadd.f32 v16, v14;
	v16 =	vmul.f32 v21, v25  }
0x291: {  	v25 =	vld [tilespmem:s28+$0x7990]  }
0x292: {  	v14 =	vadd.f32 v16, v14;
	v16 =	vmul.f32 v6, v32;
	v6 =	vadd.f32 v2, v42;
	v42 =	vld [tilespmem:s28+$0x1A0]  }
0x293: {  	v32 =	vld [tilespmem:s20+$0x29A0]  }
0x294: {  	[tilespmem:$0x1FC30] =	vst v22;
	v22 =	vld [tilespmem:s28+$0x79A0]  }
0x295: {  	[tilespmem:$0x1FC50] =	vst v2;
	v14 =	vadd.f32 v16, v14;
	v2 =	vmul.f32 v6, v41;
	v6 =	vadd.f32 v4, v44;
	v16 =	vld [tilespmem:s20+$0x29B0]  }
0x296: {  	[tilespmem:$0x1FC70] =	vst v4;
	v4 =	vadd.f32 v1, v54;
	v44 =	vld [tilespmem:s28+$0x79B0]  }
0x297: {  	v41 =	vmul.f32 v6, v43;
	v6 =	vmul.f32 v46, v45;
	v46 =	vld [tilespmem:s28+$0x1C0]  }
0x298: {  	s29 =	smul.u32 $0x280, s22;
	[tilespmem:$0x1FCC0] =	vst v9;
	v9 =	vmul.f32 v4, v53;
	v53 =	vld [tilespmem:s20+$0x29C0]  }
0x299: {  	v21 =	vmov v0;
	v0 =	vadd.f32 $0.0e+00, v2;
	v43 =	vld [tilespmem:s28+$0x79C0]  }
0x29a: {  	s21 =	sshra.s32 s29, $0x2;
	v2 =	vmul.f32 v10, v51;
	v10 =	vadd.f32 v3, v56;
	v51 =	vld [tilespmem:s25+$0x180]  }
0x29b: {  	s1 =	sor.u32 $0x7, s17;
	v41 =	vadd.f32 v41, v0;
	v0 =	vmul.f32 v11, v49;
	v49 =	vld [tilespmem:s21+$0x2990]  }
0x29c: {  	s30 =	smul.u32 $0x50, s1;
	v45 =	vmul.f32 v7, v47;
	v7 =	vadd.f32 v18, v62;
	v54 =	vmul.f32 v10, v55;
	v10 =	vld [tilespmem:$0x1FB80]  }
0x29d: {  	v55 =	vadd.f32 v8, v12;
	v12 =	vld [tilespmem:$0x1FBA0]  }
0x29e: {  	[tilespmem:$0x1FCD0] =	vst v8;
	v39 =	vmul.f32 v40, v39;
	v8 =	vmul.f32 v7, v34;
	v7 =	vld [tilespmem:s30+$0x190]  }
0x29f: {  	v40 =	vadd.f32 $0.0e+00, v2;
	v2 =	vmov v3;
	v3 =	vmul.f32 v55, v57;
	v55 =	vld [tilespmem:s21+$0x29A0]  }
0x2a0: {  	v14 =	vadd.f32 v39, v14;
	v41 =	vadd.f32 v6, v41;
	v57 =	vld [tilespmem:s25+$0x79A0]  }
0x2a1: {  	v40 =	vadd.f32 v9, v40;
	v9 =	vadd.f32 v61, v27;
	v27 =	vld [tilespmem:s25+$0x79B0]  }
0x2a2: {  	v56 =	vadd.f32 v45, v41;
	v45 =	vld [tilespmem:s21+$0x2980]  }
0x2a3: {  	[tilespmem:$0x1FC80] =	vst v1;
	v4 =	vadd.f32 v58, v17;
	v14 =	vmul.f32 $4.472135900e-01, v14;
	v1 =	vadd.f32 v54, v40;
	v40 =	vld [tilespmem:s25+$0x7980]  }
0x2a4: {  	v41 =	vld [tilespmem:s25+$0x7990];
	v34 =	vmul.f32 v9, v63;
	v63 =	vadd.f32 v24, v26;
	v39 =	vadd.f32 v0, v56  }
0x2a5: {  	v6 =	vmul.f32 v4, v29;
	v26 =	vadd.f32 v28, v33;
	v33 =	vld [tilespmem:$0x1FBD0];
	v47 =	vadd.f32 v3, v1  }
0x2a6: {  	v14 =	vmul.f32 $1.442695020e+00, v14;
	v54 =	vadd.f32 v59, v36;
	v36 =	vld [tilespmem:$0x1FBE0];
	v39 =	vmul.f32 $4.472135900e-01, v39  }
0x2a7: {  	v9 =	vld [tilespmem:s30+$0x180];
	v47 =	vadd.f32 v6, v47  }
0x2a8: {  	(erf) = vpow2.f32 v14;
	v56 =	vadd.f32 v10, v23;
	v23 =	vld [tilespmem:s25+$0x79C0];
	v11 =	vmul.f32 $1.442695020e+00, v39  }
0x2a9: {  	v17 =	vmovc v18;
	v0 =	vmul.f32 v63, v37;
	v37 =	vadd.f32 v60, v38;
	v38 =	vld [tilespmem:$0x1FBF0];
	v18 =	vmul.f32 $4.472135900e-01, v47  }
0x2aa: {  	v63 =	vadd.f32 v5, v13;
	(erf) = vpow2.f32 v11;
	v11 =	vld [tilespmem:$0x1FB90]  }
0x2ab: {  	v13 =	vld [tilespmem:$0x1FC00];
	v62 =	vmul.f32 $1.442695020e+00, v18  }
0x2ac: {  	v1 =	vmul.f32 v63, v31;
	v31 =	vld [tilespmem:$0x1FC30]  }
0x2ad: {  	v14 =	vadd.f32 $0.0e+00, v8;
	v3 =	vmul.f32 v26, v36;
	v36 =	vld [tilespmem:s30+$0x79A0]  }
0x2ae: {  	v47 =	vld [tilespmem:s25+$0x1B0]  }
0x2af: {  	v14 =	vadd.f32 v34, v14;
	(erf) = vpow2.f32 v62;
	v62 =	vmovc v28;
	v28 =	vld [tilespmem:$0x1FBB0];
	v4 =	vmul.f32 v54, v11  }
0x2b0: {  	v54 =	vld [tilespmem:$0x1FBC0]  }
0x2b1: {  	s28 =	smul.u32 $0x280, s1;
	v4 =	vadd.f32 v4, v14;
	v14 =	vld [tilespmem:$0x1FC10]  }
0x2b2: {  	v0 =	vadd.f32 $0.0e+00, v0;
	v18 =	vmov v24;
	v24 =	vadd.f32 v20, v12;
	v12 =	vld [tilespmem:s21+$0x29B0]  }
0x2b3: {  	v11 =	vld [tilespmem:s25+$0x1C0];
	s25 =	sshra.s32 s28, $0x2  }
0x2b4: {  	v0 =	vadd.f32 v3, v0;
	v3 =	vmul.f32 v37, v13;
	v13 =	vld [tilespmem:s25+$0x2980]  }
0x2b5: {  	v26 =	vadd.f32 v25, v35;
	v29 =	vmul.f32 v24, v28;
	v28 =	vld [tilespmem:$0x1FC20];
	v34 =	vadd.f32 v54, v33  }
0x2b6: {  	v35 =	vadd.f32 v40, v45;
	v24 =	vadd.f32 v19, v14;
	v14 =	vld [tilespmem:s25+$0x2990]  }
0x2b7: {  	v45 =	vadd.f32 v44, v16;
	v4 =	vadd.f32 v29, v4;
	v39 =	vmul.f32 v34, v38;
	v34 =	vld [tilespmem:$0x1FC40]  }
0x2b8: {  	v1 =	vadd.f32 $0.0e+00, v1;
	v63 =	vmul.f32 v35, v51;
	v0 =	vadd.f32 v3, v0;
	v38 =	vld [tilespmem:s30+$0x7990]  }
0x2b9: {  	v33 =	vadd.f32 v22, v32;
	v29 =	vmovc v5;
	v5 =	vmul.f32 v26, v30;
	v4 =	vadd.f32 v39, v4;
	v39 =	vld [tilespmem:s30+$0x7980]  }
0x2ba: {  	v6 =	vadd.f32 v15, v31;
	v12 =	vadd.f32 v27, v12;
	v26 =	vld [tilespmem:s25+$0x29A0];
	v3 =	vmul.f32 v24, v28  }
0x2bb: {  	v10 =	vld [tilespmem:s21+$0x29C0];
	v42 =	vmul.f32 v33, v42;
	v24 =	vadd.f32 v41, v49;
	v1 =	vadd.f32 v5, v1  }
0x2bc: {  	v16 =	vld [tilespmem:s30+$0x1A0];
	v28 =	vmul.f32 v45, v52;
	v49 =	vadd.f32 v57, v55;
	v0 =	vadd.f32 v3, v0  }
0x2bd: {  	v33 =	vld [tilespmem:s30+$0x79C0];
	v4 =	vmul.f32 $4.472135900e-01, v4;
	v3 =	vmul.f32 v6, v34;
	v1 =	vadd.f32 v42, v1  }
0x2be: {  	v42 =	vadd.f32 v43, v53;
	v6 =	vmul.f32 v24, v50;
	v50 =	vld [tilespmem:s25+$0x29B0];
	v13 =	vadd.f32 v39, v13  }
0x2bf: {  	v8 =	vmul.f32 v49, v48;
	v52 =	vadd.f32 v38, v14;
	v34 =	vld [tilespmem:s30+$0x79B0];
	v55 =	vadd.f32 v36, v26  }
0x2c0: {  	v45 =	vld [tilespmem:s30+$0x1B0];
	v0 =	vadd.f32 v3, v0;
	v3 =	vadd.f32 $0.0e+00, v63;
	v51 =	vmul.f32 v13, v9  }
0x2c1: {  	v53 =	vld [tilespmem:s25+$0x29C0];
	v4 =	vmul.f32 $1.442695020e+00, v4;
	v1 =	vadd.f32 v28, v1;
	v46 =	vmul.f32 v42, v46  }
0x2c2: {  	v37 =	vpop (erf);
	v7 =	vmul.f32 v52, v7;
	v3 =	vadd.f32 v6, v3;
	v6 =	vadd.f32 $0.0e+00, v51  }
0x2c3: {  	v14 =	vld [tilespmem:s30+$0x1C0];
	v63 =	vmul.f32 v12, v47;
	v12 =	vadd.f32 v23, v10;
	v28 =	vmul.f32 v37, v56  }
0x2c4: {  	v9 =	vmul.f32 v55, v16;
	v24 =	vadd.f32 v34, v50;
	v6 =	vadd.f32 v7, v6  }
0x2c5: {  	v32 =	vld [tilespmem:$0x1FC50];
	(erf) = vpow2.f32 v4;
	v1 =	vadd.f32 v46, v1;
	v3 =	vadd.f32 v8, v3  }
0x2c6: {  	v16 =	vld [tilespmem:s3+$0x29D0];
	v26 =	vadd.f32 v33, v53;
	v5 =	vmul.f32 v24, v45;
	v6 =	vadd.f32 v9, v6  }
0x2c7: {  	s29 =	smul.u32 $0x180, s17;
	v0 =	vmul.f32 $4.472135900e-01, v0;
	v3 =	vadd.f32 v63, v3;
	v7 =	vmul.f32 v12, v11  }
0x2c8: {  	v31 =	vld [tilespmem:s19+$0x29D0];
	v1 =	vmul.f32 $4.472135900e-01, v1;
	v30 =	vmul.f32 v26, v14;
	v5 =	vadd.f32 v5, v6  }
0x2c9: {  	s16 =	sshra.s32 s29, $0x2;
	v49 =	vld [tilespmem:$0x1FC60];
	v0 =	vmul.f32 $1.442695020e+00, v0;
	v3 =	vadd.f32 v7, v3  }
0x2ca: {  	v42 =	vld [tilespmem:s18+$0x29D0];
	[tilespmem:s16+$0xA180] =	vst v28;
	v1 =	vmul.f32 $1.442695020e+00, v1;
	v5 =	vadd.f32 v30, v5  }
0x2cb: {  	v35 =	vld [tilespmem:s15+$0x29E0];
	(erf) = vpow2.f32 v0;
	v4 =	vadd.f32 v16, v32;
	v3 =	vmul.f32 $4.472135900e-01, v3  }
0x2cc: {  	s12 =	smul.u32 $0x180, s12;
	v52 =	vld [tilespmem:$0x1FC70];
	v24 =	vpop (erf);
	(erf) = vpow2.f32 v1;
	v5 =	vmul.f32 $4.472135900e-01, v5  }
0x2cd: {  	v46 =	vld [tilespmem:s2+$0x29D0];
	v4 =	vmul.f32 v24, v4;
	v3 =	vmul.f32 $1.442695020e+00, v3  }
0x2ce: {  	s12 =	sshra.s32 s12, $0x2;
	v13 =	vld [tilespmem:$0x1FC80];
	v48 =	vmul.f32 $1.442695020e+00, v5  }
0x2cf: {  	v50 =	vld [tilespmem:s20+$0x29D0];
	v26 =	vpop (erf);
	v1 =	vadd.f32 v42, v17;
	[tilespmem:s12+$0xA180] =	vst v4;
	(erf) = vpow2.f32 v3  }
0x2d0: {  	s24 =	smul.u32 $0x180, s24;
	v0 =	vadd.f32 v35, v49;
	v17 =	vpop (erf);
	v47 =	vld [tilespmem:s3+$0x29E0];
	(erf) = vpow2.f32 v48  }
0x2d1: {  	v53 =	vld [tilespmem:s25+$0x29D0];
	v45 =	vadd.f32 v31, v21;
	v1 =	vmul.f32 v17, v1  }
0x2d2: {  	s14 =	smul.u32 $0x180, s14;
	s24 =	sshra.s32 s24, $0x2;
	v51 =	vld [tilespmem:s21+$0x29D0];
	v0 =	vmul.f32 v37, v0  }
0x2d3: {  	v6 =	vadd.f32 v46, v18;
	v4 =	vmul.f32 v26, v45;
	v30 =	vld [tilespmem:$0x1FC90];
	[tilespmem:s24+$0xA180] =	vst v1  }
0x2d4: {  	s14 =	sshra.s32 s14, $0x2;
	s9 =	smul.u32 $0x180, s9;
	[tilespmem:s16+$0xA190] =	vst v0;
	v63 =	vld [tilespmem:s18+$0x29E0];
	v28 =	vpop (erf);
	v5 =	vadd.f32 v50, v29  }
0x2d5: {  	s26 =	smul.u32 $0x180, s26;
	[tilespmem:s14+$0xA180] =	vst v4;
	v55 =	vld [tilespmem:s15+$0x29F0];
	v56 =	vmul.f32 v28, v6;
	v0 =	vadd.f32 v47, v52;
	v18 =	vpop (erf)  }
0x2d6: {  	s9 =	sshra.s32 s9, $0x2;
	v4 =	vld [tilespmem:s19+$0x29E0];
	v12 =	vmul.f32 v18, v5  }
0x2d7: {  	s26 =	sshra.s32 s26, $0x2;
	v42 =	vld [tilespmem:$0x1FCA0];
	v3 =	vadd.f32 v51, v40;
	[tilespmem:s9+$0xA180] =	vst v56;
	v0 =	vmul.f32 v24, v0  }
0x2d8: {  	s22 =	smul.u32 $0x180, s22;
	v21 =	vadd.f32 v53, v39;
	v14 =	vld [tilespmem:s2+$0x29E0];
	[tilespmem:s26+$0xA180] =	vst v12;
	v29 =	vpop (erf)  }
0x2d9: {  	s1 =	smul.u32 $0x180, s1;
	v6 =	vadd.f32 v63, v61;
	[tilespmem:s12+$0xA190] =	vst v0;
	v31 =	vld [tilespmem:s20+$0x29E0];
	v3 =	vmul.f32 v29, v3;
	v9 =	vpop (erf)  }
0x2da: {  	s22 =	sshra.s32 s22, $0x2;
	v7 =	vadd.f32 v55, v30;
	v16 =	vld [tilespmem:s3+$0x29F0];
	v32 =	vmul.f32 v9, v21  }
0x2db: {  	s1 =	sshra.s32 s1, $0x2;
	v55 =	vld [tilespmem:$0x1FCB0];
	v0 =	vadd.f32 v4, v13;
	v6 =	vmul.f32 v17, v6;
	[tilespmem:s22+$0xA180] =	vst v3  }
0x2dc: {  	v35 =	vmul.f32 v37, v7;
	v39 =	vld [tilespmem:s21+$0x29E0];
	[tilespmem:s1+$0xA180] =	vst v32  }
0x2dd: {  	v0 =	vmul.f32 v26, v0;
	[tilespmem:s24+$0xA190] =	vst v6;
	v4 =	vadd.f32 v14, v62;
	v45 =	vld [tilespmem:s25+$0x29E0]  }
0x2de: {  	[tilespmem:s16+$0xA1A0] =	vst v35;
	v48 =	vld [tilespmem:s18+$0x29F0];
	v47 =	vadd.f32 v31, v25  }
0x2df: {  	v46 =	vld [tilespmem:s15+$0x2A00];
	[tilespmem:s14+$0xA190] =	vst v0;
	v4 =	vmul.f32 v28, v4;
	v1 =	vadd.f32 v16, v42  }
0x2e0: {  	v40 =	vld [tilespmem:s19+$0x29F0];
	v49 =	vmul.f32 v18, v47  }
0x2e1: {  	v13 =	vld [tilespmem:$0x1FCC0];
	[tilespmem:s9+$0xA190] =	vst v4;
	v1 =	vmul.f32 v24, v1;
	v0 =	vadd.f32 v39, v41  }
0x2e2: {  	v51 =	vld [tilespmem:s2+$0x29F0];
	[tilespmem:s26+$0xA190] =	vst v49;
	v52 =	vadd.f32 v45, v38  }
0x2e3: {  	v8 =	vadd.f32 v48, v59;
	[tilespmem:s12+$0xA1A0] =	vst v1;
	v56 =	vld [tilespmem:s20+$0x29F0];
	v0 =	vmul.f32 v29, v0  }
0x2e4: {  	v6 =	vadd.f32 v46, v55;
	v53 =	vld [tilespmem:s3+$0x2A00];
	v59 =	vmul.f32 v9, v52  }
0x2e5: {  	v32 =	vld [tilespmem:$0x1FCD0];
	v50 =	vadd.f32 v40, v2;
	v12 =	vmul.f32 v17, v8;
	[tilespmem:s22+$0xA190] =	vst v0  }
0x2e6: {  	v61 =	vmul.f32 v6, v37;
	v62 =	vld [tilespmem:s21+$0x29F0];
	[tilespmem:s1+$0xA190] =	vst v59  }
0x2e7: {  	v1 =	vmul.f32 v26, v50;
	[tilespmem:s24+$0xA1A0] =	vst v12;
	v3 =	vadd.f32 v51, v60;
	v16 =	vld [tilespmem:s25+$0x29F0]  }
0x2e8: {  	[tilespmem:s16+$0xA1B0] =	vst v61;
	v30 =	vld [tilespmem:s18+$0x2A00];
	v25 =	vadd.f32 v56, v22  }
0x2e9: {  	v21 =	vld [tilespmem:s15+$0x2A10];
	[tilespmem:s14+$0xA1A0] =	vst v1;
	v3 =	vmul.f32 v28, v3;
	v14 =	vadd.f32 v53, v13  }
0x2ea: {  	[tilespmem:s16+$0xA1D0] =	vst v37;
	v63 =	vld [tilespmem:s19+$0x2A00];
	v31 =	vmul.f32 v18, v25  }
0x2eb: {  	v38 =	vld [tilespmem:$0x1FCE0];
	[tilespmem:s9+$0xA1A0] =	vst v3;
	v4 =	vmul.f32 v14, v24;
	v1 =	vadd.f32 v62, v57  }
0x2ec: {  	v35 =	vld [tilespmem:s2+$0x2A00];
	[tilespmem:s26+$0xA1A0] =	vst v31;
	v36 =	vadd.f32 v16, v36  }
0x2ed: {  	v7 =	vadd.f32 v30, v20;
	[tilespmem:s12+$0xA1B0] =	vst v4;
	v39 =	vld [tilespmem:s20+$0x2A00];
	v1 =	vmul.f32 v29, v1  }
0x2ee: {  	v4 =	vld [tilespmem:s3+$0x2A10];
	[tilespmem:s12+$0xA1D0] =	vst v24;
	v40 =	vmul.f32 v9, v36  }
0x2ef: {  	v47 =	vld [tilespmem:$0x1FCF0];
	v0 =	vadd.f32 v63, v32;
	v46 =	vmul.f32 v7, v17;
	[tilespmem:s22+$0xA1A0] =	vst v1  }
0x2f0: {  	v5 =	vadd.f32 v21, v38;
	v42 =	vld [tilespmem:s21+$0x2A00];
	[tilespmem:s1+$0xA1A0] =	vst v40  }
0x2f1: {  	v0 =	vmul.f32 v0, v26;
	[tilespmem:s24+$0xA1B0] =	vst v46;
	v48 =	vld [tilespmem:s25+$0x2A00]  }
0x2f2: {  	v41 =	vmul.f32 v5, v37;
	v3 =	vadd.f32 v35, v19;
	v50 =	vld [tilespmem:s18+$0x2A10];
	[tilespmem:s24+$0xA1D0] =	vst v17  }
0x2f3: {  	[tilespmem:s14+$0xA1B0] =	vst v0;
	v49 =	vadd.f32 v39, v44  }
0x2f4: {  	[tilespmem:s16+$0xA1C0] =	vst v41;
	v3 =	vmul.f32 v3, v28  }
0x2f5: {  	v45 =	vld [tilespmem:s19+$0x2A10];
	[tilespmem:s14+$0xA1D0] =	vst v26;
	v1 =	vmul.f32 v49, v18;
	v0 =	vadd.f32 v42, v27  }
0x2f6: {  	[tilespmem:s9+$0xA1B0] =	vst v3;
	v52 =	vadd.f32 v48, v34  }
0x2f7: {  	v2 =	vadd.f32 v4, v47;
	v3 =	vld [tilespmem:s2+$0x2A10];
	[tilespmem:s26+$0xA1B0] =	vst v1;
	v0 =	vmul.f32 v0, v29  }
0x2f8: {  	[tilespmem:s9+$0xA1D0] =	vst v28;
	v53 =	vld [tilespmem:s20+$0x2A10];
	v55 =	vmul.f32 v52, v9  }
0x2f9: {  	v2 =	vmul.f32 v2, v24;
	v54 =	vadd.f32 v50, v54;
	[tilespmem:s22+$0xA1B0] =	vst v0  }
0x2fa: {  	v51 =	vadd.f32 v45, v58;
	v56 =	vld [tilespmem:s21+$0x2A10];
	[tilespmem:s1+$0xA1B0] =	vst v55  }
0x2fb: {  	[tilespmem:s12+$0xA1C0] =	vst v2;
	v58 =	vmul.f32 v54, v17;
	v59 =	vld [tilespmem:s25+$0x2A10]  }
0x2fc: {  	[tilespmem:s26+$0xA1D0] =	vst v18;
	v2 =	vmul.f32 v51, v26;
	v57 =	vadd.f32 v3, v15  }
0x2fd: {  	[tilespmem:s24+$0xA1C0] =	vst v58;
	v60 =	vadd.f32 v53, v43  }
0x2fe: {  	[tilespmem:s14+$0xA1C0] =	vst v2;
	v2 =	vmul.f32 v57, v28  }
0x2ff: {  	p2 =	slt.u32 s17, $0x38;
	[tilespmem:s22+$0xA1D0] =	vst v29;
	v0 =	vmul.f32 v60, v18;
	v1 =	vadd.f32 v56, v23  }
.Ltmp6:
0x300: {  	[tilespmem:s9+$0xA1C0] =	vst v2;
	v62 =	vadd.f32 v59, v33;
	(pc) =	sbr.rel @p2 .LBB2_9-.Ltmp6, $4  }
0x301: {  	[tilespmem:s26+$0xA1C0] =	vst v0;
	v61 =	vmul.f32 v1, v29  }
0x302: {  	[tilespmem:s1+$0xA1D0] =	vst v9;
	v63 =	vmul.f32 v62, v9  }
0x303: {  	s30 =	sadd.s32 $0x8, s17;
	[tilespmem:s22+$0xA1C0] =	vst v61  }
0x304: {  	s17 =	smov.u32 s30;
	[tilespmem:s1+$0xA1C0] =	vst v63  }
0x305: {  	v0 =	vld [tilespmem:$0x80]  }
0x306: {  	v1 =	vld [tilespmem:$0x90]  }
0x307: {  	v2 =	vld [tilespmem:$0xA0]  }
0x308: {  	v3 =	vld [tilespmem:$0xB0];
	_ =	sdelay $0x1  }
0x309: {  	[tilespmem:$0x100] =	vst v0  }
.Ltmp7:
0x30a: {  	[tilespmem:$0x110] =	vst v1;
	(pc) =	sbr.rel .LBB2_11-.Ltmp7, $4  }
0x30b: {  	[tilespmem:$0x120] =	vst v2  }
0x30c: {  	s1 =	rddreg [dreg:$0x1];
	s2 =	simm.s32 $0x100;
	s3 =	simm.s32 $0xA180;
	[tilespmem:$0x130] =	vst v3  }
0x30d: {  	[spmem:s1] =	stream.indirect.scatter.add.f32 [tilespmem:s3], [sflag:$0x5], $0x60, s2, s23, $0xb8;
	[tilespmem:$0x1BBE0] =	vst v63  }
0x30e: {  	s3 =	rddreg [dreg:$0xe]  }
.LBB2_12:
0x30f: {  	_ =	sfence.sel $0x180000  }
0x310: {  	[bflag:$0x0] =	sbarrier.arrive $0xFFFF  }
0x311: {  	_ =	strace $0x90000047  }
0x312: {  	s0 =	stileid.u32;
	[bflag:$0x2] =	sbarrier.arrive $0xFFFF  }
0x313: {  	p0 =	sne.s32 s0, $0x0;
	s0 =	rddreg [dreg:$0x2]  }
0x314: {  	s0 =	sadd.s32 @!p0 $0x100000, s0  }
0x315: {  	[sflag:s0] =	ssyncadd.tile.s32 @!p0 $0x1;
	_ =	shalt  }
.Lfunc_end2:
_tile_overlayer_lowered:
.L_overlay_start_2:
0x316: {  	(tag) =	ssettag $0x2  }
0x317: {  	s0 =	rddreg [dreg:$0x0];
	s2 =	stileid.u32  }
0x318: {  	s1 =	rddreg [dreg:$0x1];
	p0 =	sne.s32 s2, $0x0  }
0x319: {  	s3 =	rddreg [dreg:$0x2];
	[bflag:$0x3] =	sbarrier.arrive $0xFFFF;
	s2 =	simm.s32 @!p0 $0x1C07  }
0x31a: {  	[timem:s3], [sflag:s2] =	dma.local @!p0 [hbm:s0], s1  }
0x31b: {  	s0 =	simm.s32 @!p0 $0x7  }
0x31c: {  	_ =	swait.ge @!p0 [sflag:s0], s1  }
0x31d: {  	s1 =	ssub.s32 @!p0 $0x0, s1;
	[sflag:s0] =	ssyncset.done @!p0 $0x0  }
0x31e: {  	[sflag:s0] =	ssyncadd.s32 @!p0 s1  }
0x31f: {  	[bflag:$0x3] =	sbarrier.arrive $0xFFFF  }
0x320: {  	_ =	shalt  }

// kernel: kernel.13.cloned.1.call-start
scs
__scs_entry_jumppad:
0x0: {  	(pc) =	sbr.rel $0x88, $3  }
0x1: {  	(tag) =	ssettag $0x0;
	lr =	simm.s32 $0x1  }
0x2: {  	[smem:$0x3F86] =	sst lr;
	_ =	strace $0xD0000000  }
0x3: {  	_ = 	snop  }
0x4: {  	_ = 	snop  }
0x5: {  	_ = 	snop  }
0x6: {  	_ = 	snop  }
0x7: {  	_ = 	snop  }
__scs_overlays_trampoline_lowered:
0x8: {  	[smem:$0x3F95] =	sst s0  }
0x9: {  	[smem:$0x3F96] =	sst s1  }
0xa: {  	[smem:$0x3F97] =	sst s2  }
0xb: {  	[smem:$0x3F98] =	sst s3  }
0xc: {  	[smem:$0x3F99] =	sst s4  }
0xd: {  	[smem:$0x3F9A] =	sst s5  }
0xe: {  	[smem:$0x3F9B] =	sst s6  }
0xf: {  	[smem:$0x3F9C] =	sst s7  }
0x10: {  	[smem:$0x3F9D] =	sst s8  }
0x11: {  	[smem:$0x3F9E] =	sst s9;
	s0 =	simm.s32 @!p0 $0x0  }
0x12: {  	s1 =	sld [smem:$0x3F84];
	s0 =	simm.s32 @p0 $0x1  }
0x13: {  	[smem:$0x3F9F] =	sst s0;
	s0 =	simm.s32 @!p1 $0x0  }
0x14: {  	s2 =	sld [smem:$0x3F83];
	s0 =	simm.s32 @p1 $0x1  }
0x15: {  	[smem:$0x3FA0] =	sst s0;
	s0 =	simm.s32 @!p2 $0x0  }
0x16: {  	s3 =	sld [smem:$0x3FDB];
	s0 =	simm.s32 @p2 $0x1  }
0x17: {  	s4 =	simm.s32 $0x1BF5;
	[smem:$0x3FA2] =	sst s0  }
0x18: {  	s0 =	sld [smem:$0x3F85];
	_ =	swait.ge [sflag:s4], $0x0  }
0x19: {  	s7 =	sld [smem:$0x3F86]  }
0x1a: {  	s8 =	sadd.s32 $0xFFFFE003, lr  }
0x1b: {  	s9 =	sadd.s32 $0xFFFFFEF7, lr;
	s5 =	simm.s32 $0xFFFFFFFF;
	p2 =	slt.u32 s8, $0xFFFFF086  }
0x1c: {  	p1 =	slt.u32 s9, $0xF7A;
	s5 =	simm.s32 @!p2 $0x0  }
0x1d: {  	s5 =	simm.s32 @p1 $0x1;
	p0 =	seq.s32 s7, s2  }
0x1e: {  	s7 =	smul.u32 @!p0 $0xF7A, s2;
	p2 =	seq.s32 @!p0 s5, $0x0  }
0x1f: {  	s9 =	smul.u32 $0xF7A, s1;
	s8 =	simm.s32 @!p0 $0x1BF5;
	p2 =	por !p2, p0  }
0x20: {  	[sflag:s8] =	ssyncset.s32 @!p0 $0xFFFFF086;
	s6 =	sadd.s32 @!p0 s3, s7;
	s7 =	simm.s32 @!p0 $0x108  }
0x21: {  	s3 =	sadd.s32 s3, s9;
	s6 =	sadd.s32 @!p0 $0x88, s6;
	s7 =	simm.s32 @p2 $0x1082  }
0x22: {  	[simem:s7], [sflag:s8] =	dma.local @!p0 [hbm:s6], $0xF7A  }
0x23: {  	s9 =	sor.u32 $0xD0000000, s2;
	s6 =	simm.s32 $0x108;
	_ =	swait.ge @!p0 [sflag:s8], $0x0  }
0x24: {  	s3 =	sadd.s32 $0x88, s3;
	s6 =	simm.s32 @!p1 $0x1082;
	[sflag:s4] =	ssyncset.s32 $0xFFFFF086  }
0x25: {  	[simem:s6], [sflag:s4] =	dma.local [hbm:s3], $0xF7A  }
0x26: {  	[smem:$0x3F86] =	sst s1;
	(tag) =	ssettag s2;
	_ =	strace s9  }
0x27: {  	s1 =	sld [smem:$0x3F96]  }
0x28: {  	s2 =	sld [smem:$0x3F97]  }
0x29: {  	s4 =	sld [smem:$0x3F99]  }
0x2a: {  	p0 =	seq.s32 s5, $0x0;
	s5 =	sld [smem:$0x3F9A]  }
0x2b: {  	s6 =	sld [smem:$0x3F9B]  }
0x2c: {  	s7 =	sld [smem:$0x3F9C]  }
0x2d: {  	s3 =	simm.s32 $0x108;
	s8 =	sld [smem:$0x3F9D]  }
0x2e: {  	s3 =	simm.s32 @!p0 $0x1082;
	s9 =	sld [smem:$0x3F9E]  }
0x2f: {  	lr =	sadd.s32 s0, s3;
	s0 =	sld [smem:$0x3F95]  }
0x30: {  	s3 =	sld [smem:$0x3F98]  }
0x31: {  	[smem:$0x3FA1] =	sst s10  }
0x32: {  	s10 =	sld [smem:$0x3F9F];
	_ =	sdelay $0x3  }
0x33: {  	p0 =	seq.s32 s10, $0x1;
	s10 =	sld [smem:$0x3FA1];
	_ =	sdelay $0x3  }
0x34: {  	[smem:$0x3FA1] =	sst s10  }
0x35: {  	s10 =	sld [smem:$0x3FA0];
	_ =	sdelay $0x3  }
0x36: {  	p1 =	seq.s32 s10, $0x1;
	s10 =	sld [smem:$0x3FA1];
	_ =	sdelay $0x3  }
0x37: {  	[smem:$0x3FA1] =	sst s10  }
0x38: {  	s10 =	sld [smem:$0x3FA2]  }
0x39: {  	_ = 	snop;
	(pc) =	sbr.ind lr, $3  }
0x3a: {  	_ = 	snop  }
0x3b: {  	_ = 	snop  }
0x3c: {  	p2 =	seq.s32 s10, $0x1;
	s10 =	sld [smem:$0x3FA1]  }
0x3d: {  	_ =	shalt  }
0x3e: {  	_ =	shalt  }
0x3f: {  	_ =	shalt  }
0x40: {  	_ =	shalt  }
0x41: {  	_ =	shalt  }
0x42: {  	_ =	shalt  }
0x43: {  	_ =	shalt  }
0x44: {  	_ =	shalt  }
0x45: {  	_ =	shalt  }
0x46: {  	_ =	shalt  }
0x47: {  	_ =	shalt  }
0x48: {  	_ =	shalt  }
0x49: {  	_ =	shalt  }
0x4a: {  	_ =	shalt  }
0x4b: {  	_ =	shalt  }
0x4c: {  	_ =	shalt  }
0x4d: {  	_ =	shalt  }
0x4e: {  	_ =	shalt  }
0x4f: {  	_ =	shalt  }
0x50: {  	_ =	shalt  }
0x51: {  	_ =	shalt  }
0x52: {  	_ =	shalt  }
0x53: {  	_ =	shalt  }
0x54: {  	_ =	shalt  }
0x55: {  	_ =	shalt  }
0x56: {  	_ =	shalt  }
0x57: {  	_ =	shalt  }
0x58: {  	_ =	shalt  }
0x59: {  	_ =	shalt  }
0x5a: {  	_ =	shalt  }
0x5b: {  	_ =	shalt  }
0x5c: {  	_ =	shalt  }
0x5d: {  	_ =	shalt  }
0x5e: {  	_ =	shalt  }
0x5f: {  	_ =	shalt  }
0x60: {  	_ =	shalt  }
0x61: {  	_ =	shalt  }
0x62: {  	_ =	shalt  }
0x63: {  	_ =	shalt  }
0x64: {  	_ =	shalt  }
0x65: {  	_ =	shalt  }
0x66: {  	_ =	shalt  }
0x67: {  	_ =	shalt  }
0x68: {  	_ =	shalt  }
0x69: {  	_ =	shalt  }
0x6a: {  	_ =	shalt  }
0x6b: {  	_ =	shalt  }
0x6c: {  	_ =	shalt  }
0x6d: {  	_ =	shalt  }
0x6e: {  	_ =	shalt  }
0x6f: {  	_ =	shalt  }
0x70: {  	_ =	shalt  }
0x71: {  	_ =	shalt  }
0x72: {  	_ =	shalt  }
0x73: {  	_ =	shalt  }
0x74: {  	_ =	shalt  }
0x75: {  	_ =	shalt  }
0x76: {  	_ =	shalt  }
0x77: {  	_ =	shalt  }
0x78: {  	_ =	shalt  }
0x79: {  	_ =	shalt  }
0x7a: {  	_ =	shalt  }
0x7b: {  	_ =	shalt  }
0x7c: {  	_ =	shalt  }
0x7d: {  	_ =	shalt  }
0x7e: {  	_ =	shalt  }
0x7f: {  	_ =	shalt  }
0x80: {  	_ =	shalt  }
0x81: {  	_ =	shalt  }
0x82: {  	_ =	shalt  }
0x83: {  	_ =	shalt  }
0x84: {  	_ =	shalt  }
0x85: {  	_ =	shalt  }
0x86: {  	_ =	shalt  }
0x87: {  	_ =	shalt  }
.Lfunc_end0:
.L_simem_size_0:
called_computation.1_lowered:
.L_overlay_start_0:
0x88: {  	s2 =	sld [smem:$0x3FD9]  }
0x89: {  	s3 =	sld [smem:$0x3FFE];
	_ =	sdelay $0x1  }
0x8a: {  	s1 =	srdreg.scid  }
0x8b: {  	s0 =	sand.u32 $0x1, s1  }
0x8c: {  	s16 =	sshll.u32 s0, $0xA;
	s2 =	sadd.s32 s3, s2  }
0x8d: {  	s2 =	sadd.s32 s2, s16  }
0x8e: {  	[smem:$0x3FAD] =	sst s2  }
0x8f: {  	_ = 	snop  }
0x90: {  	(tm) =	ssettm $0x1  }
0x91: {  	s17 =	sld [smem:$0x3FFB];
	_ =	sdelay $0x3  }
0x92: {  	_ =	strace s17  }
0x93: {  	s2 =	sld [smem:$0x3FFC];
	_ =	sdelay $0x3  }
0x94: {  	_ =	strace s2  }
0x95: {  	s2 =	sld [smem:$0x3FFD];
	_ =	sdelay $0x3  }
0x96: {  	_ =	strace s2  }
0x97: {  	_ =	strace $0x8FFFFFFF  }
0x98: {  	s18 =	sld [smem:$0x3FDB];
	_ =	sdelay $0x1  }
0x99: {  	s19 =	simm.s32 $_scs_section_size  }
0x9a: {  	s4 =	simm.s32 $_size__tile_overlayer_lowered;
	s5 =	simm.s32 $_tile_overlayer_lowered  }
0x9b: {  	s22 =	simm.s32 $0x1BFF;
	s21 =	sshll.u32 s5, $0x1;
	s2 =	sadd.s32 s19, s18  }
0x9c: {  	s6 =	simm.s32 $0x0;
	s20 =	sshll.u32 s4, $0x1;
	s4 =	sadd.s32 s21, s2  }
0x9d: {  	[timem:s6], [sflag:s22] =	dma.local [hbm:s4], s20  }
0x9e: {  	_ =	swait.ge [sflag:s22], s20  }
0x9f: {  	s3 =	ssub.s32 $0x0, s20;
	[sflag:s22] =	ssyncset.done $0x0  }
0xa0: {  	[sflag:s22] =	ssyncadd.s32 s3;
	_ =	sdelay $0x1  }
0xa1: {  	s23 =	simm.s32 $0x1B8B  }
0xa2: {  	_ =	swait.ge [sflag:s23], $0x1  }
0xa3: {  	[sflag:s23] =	ssyncset.done $0x0  }
0xa4: {  	s25 =	simm.s32 $0x1B8E;
	s24 =	sld [smem:$0x3FFE];
	[sflag:s23] =	ssyncadd.s32 $0xFFFFFFFF  }
0xa5: {  	s26 =	simm.s32 $execute0_lowered;
	[smem:$0x3FD2] =	sst s25  }
0xa6: {  	s4 =	sshll.u32 s26, $0x1;
	_ =	strace $0x80000049;
	[dreg:$0x1] =	wrdreg $0xFFFFFFFF  }
0xa7: {  	s28 =	simm.s32 $_size_execute0_lowered;
	s2 =	sadd.s32 s2, s4;
	[dreg:$0x0] =	wrdreg $0x0  }
0xa8: {  	s4 =	sshll.u32 s28, $0x1;
	[dreg:$0x2] =	wrdreg s2  }
0xa9: {  	[dreg:$0x3] =	wrdreg s4  }
0xaa: {  	[dreg:$0x4] =	wrdreg $0xC0  }
0xab: {  	_ =	task [dreg:s6], $0x5FFFF  }
0xac: {  	[dreg:$0x1] =	wrdreg $0xFFFFFFFF  }
0xad: {  	[dreg:$0x0] =	wrdreg $0x60  }
0xae: {  	[dreg:$0x2] =	wrdreg s24  }
0xaf: {  	[dreg:$0x3] =	wrdreg $0x63000  }
0xb0: {  	[dreg:$0x4] =	wrdreg $0x9  }
0xb1: {  	_ =	task.clear_ibuf [dreg:s6], $0x5FFFF;
	_ =	strace $0x90000049  }
0xb2: {  	s29 =	simm.s32 $0x9;
	_ =	strace $0x8000004B  }
0xb3: {  	_ =	swait.ge [sflag:s29], $0x1  }
0xb4: {  	[sflag:s29] =	ssyncadd.s32 $0xFFFFFFFF  }
0xb5: {  	_ =	strace $0x9000004B  }
0xb6: {  	_ =	sfence  }
0xb7: {  	s30 =	sld [smem:$0x0];
	_ =	sdelay $0x2  }
0xb8: {  	s31 =	sshll.u32 s1, $0xD;
	s1 =	sshrl.u32 s1, $0x2  }
0xb9: {  	s3 =	sand.u32 $0x4000, s31;
	s1 =	sadd.s32 s1, s30  }
0xba: {  	s0 =	sor.u32 s3, s0;
	s1 =	sshll.u32 s1, $0x11  }
0xbb: {  	s0 =	sor.u32 s1, s0  }
0xbc: {  	s0 =	sadd.s32 $0x8F2B, s0  }
0xbd: {  	[sflag:s0] =	ssyncadd.remote.s32 $0x1  }
0xbe: {  	_ =	sfence.sel $0xFFFF  }
0xbf: {  	[dreg:$0x0] =	wrdreg $0xFFFFFFFF;
	(pc) =	sbr.abs _section_cstart, $3  }
0xc0: {  	[dreg:$0x1] =	wrdreg $0xFFFFFFFF  }
0xc1: {  	_ =	task.clear_ibuf [dreg:s6], $0x2FFFF;
	_ =	strace $0x9FFFFFFF  }
0xc2: {  	(tm) =	ssettm $0x7FFFFFFF  }
0xc3: {  	_ =	shalt  }
tec
execute0_lowered:
.L_overlay_start_1:
0x0: {  	(tag) =	ssettag $0x1  }
0x1: {  	s0 =	rddreg [dreg:$0x0]  }
0x2: {  	s1 =	rddreg [dreg:$0x1];
	s2 =	simm.s32 $0x0  }
0x3: {  	s19 =	srdreg.scid;
	s15 =	stileid.u32;
	s28 =	simm.s32 $0x10  }
0x4: {  	s30 =	simm.s32 $0x180;
	s31 =	simm.s32 $0x1;
	s29 =	simm.s32 $0x200  }
0x5: {  	s17 =	simm.s32 $0x0;
	[smem:$0x7FF] =	sst s2;
	s2 =	sand.u32 $0x1, s19  }
0x6: {  	s4 =	sadd.s32 $0x27E00, s0;
	s8 =	smul.u32 $0x7D00, s15;
	s5 =	sadd.s32 $0x1E000, s0  }
0x7: {  	s6 =	sadd.s32 $0xF600, s0;
	s11 =	smul.u32 $0xFA0, s15;
	s7 =	sadd.s32 $0x5800, s0  }
0x8: {  	s25 =	smul.u32 $0x1F400, s15;
	_ =	strace $0x8000004A;
	s3 =	sshll.u32 s2, $0x4  }
0x9: {  	s9 =	smul.u32 $0x9C40, s2;
	s2 =	ssub.s32 $0x2, s2;
	s3 =	sor.u32 s15, s3  }
0xa: {  	s20 =	sshrl.u32 s8, $0x3;
	s21 =	sshrl.u32 s2, $0x1;
	s26 =	sshrl.u32 s25, $0x2  }
0xb: {  	s10 =	sshll.u32 s3, $0xB;
	s9 =	sadd.s32 s11, s9;
	s2 =	ssub.s32 s2, s21  }
0xc: {  	p0 =	slt.u32 s3, $0x4;
	p1 =	sgt.u32 s3, $0x3;
	s12 =	sadd.s32 s10, s0  }
0xd: {  	s10 =	sadd.s32 s20, s0;
	s0 =	sadd.s32 s9, s0;
	s9 =	sadd.s32 s8, s1  }
0xe: {  	s8 =	simm.s32 $0x4F;
	s2 =	smax.u32 s2, $0x1;
	s10 =	sadd.s32 $0x58E00, s10  }
0xf: {  	s8 =	simm.s32 @!p0 $0x4E;
	s13 =	sadd.s32 $0xABA0A, s12;
	s16 =	sadd.s32 $0xBBA0A, s12  }
0x10: {  	p0 =	sgt.u32 s15, $0x9;
	s0 =	sadd.s32 $0x62C00, s0;
	[dreg:$0x9] =	wrdreg s2  }
0x11: {  	s12 =	simm.s32 $0x280;
	[dreg:$0x3] =	wrdreg s10;
	s10 =	sshll.u32 s3, $0x4  }
0x12: {  	[dreg:$0x8] =	wrdreg s0;
	s0 =	sadd.s32 s26, s1;
	s2 =	sshrl.u32 @!p0 s9, $0x3  }
0x13: {  	s26 =	simm.s32 $0x3B00;
	s9 =	simm.s32 $0x4300;
	s22 =	sadd.s32 s4, s10  }
0x14: {  	s23 =	sadd.s32 s5, s10;
	s24 =	sor.u32 $0x200, s10;
	[dreg:$0xb] =	wrdreg s2  }
0x15: {  	s0 =	sshrl.u32 @!p0 s0, $0x3;
	s2 =	simm.s32 $0xB00;
	[dreg:$0x4] =	wrdreg s22  }
.Ltmp0:
0x16: {  	[dreg:$0x5] =	wrdreg s23;
	s14 =	sadd.s32 s4, s24;
	(pc) =	sbr.rel .LBB2_1-.Ltmp0, $4  }
0x17: {  	s11 =	sadd.s32 s5, s24;
	s23 =	simm.s32 $0x80;
	[dreg:$0xc] =	wrdreg s0  }
0x18: {  	s0 =	simm.s32 $0x4;
	[dreg:$0x7] =	wrdreg s11;
	s11 =	sshll.u32 @!p0 s15, $0x6  }
0x19: {  	s24 =	simm.s32 $0x2300;
	[dreg:$0x6] =	wrdreg s14;
	s15 =	sor.u32 @!p0 $0x1C07, s11  }
0x1a: {  	s22 =	simm.s32 $0x5300;
	s11 =	simm.s32 $0x2;
	[dreg:$0xa] =	wrdreg s15  }
.LBB2_11:
0x1b: {  	s3 =	simm.s32 $0x5  }
0x1c: {  	_ =	swait.ge [sflag:s3], $0x1000  }
0x1d: {  	[sflag:s3] =	ssyncset.done $0x0  }
0x1e: {  	s21 =	simm.s32 $0x6;
	[sflag:s3] =	ssyncadd.s32 $0xFFFFF000  }
0x1f: {  	_ =	swait.ge [sflag:s21], $0x1000  }
0x20: {  	[sflag:s21] =	ssyncset.done $0x0  }
0x21: {  	[sflag:s21] =	ssyncadd.s32 $0xFFFFF000  }
0x22: {  	[bflag:$0x0] =	sbarrier.arrive $0xFFFF  }
0x23: {  	s3 =	rddreg [dreg:$0x8]  }
0x24: {  	s15 =	rddreg [dreg:$0xa]  }
0x25: {  	s14 =	rddreg [dreg:$0xc]  }
0x26: {  	[hbm:s3], [sflag:s15] =	dma.local @!p0 [spmem:s14], $0xFA0  }
0x27: {  	s3 =	simm.s32 @!p0 $0x7  }
0x28: {  	_ =	swait.ge @!p0 [sflag:s3], $0xFA0  }
0x29: {  	s17 =	sadd.s32 $0x1, s17;
	s25 =	rddreg [dreg:$0x9]  }
0x2a: {  	p2 =	sne.s32 s17, s25  }
.Ltmp1:
0x2b: {  	_ = 	snop;
	(pc) =	sbr.rel @!p2 .LBB2_12-.Ltmp1, $3  }
0x2c: {  	_ =	sdelay $0x1  }
0x2d: {  	[sflag:s3] =	ssyncset.done @!p0 $0x0  }
0x2e: {  	[sflag:s3] =	ssyncadd.s32 @!p0 $0xFFFFF060  }
.LBB2_1:
0x2f: {  	s3 =	rddreg [dreg:$0x3]  }
0x30: {  	s14 =	rddreg [dreg:$0xb]  }
0x31: {  	[spmem:s14], [sflag:s15] =	dma.local @!p0 [hbm:s3], $0xFA0  }
0x32: {  	s3 =	simm.s32 @!p0 $0x7  }
0x33: {  	_ =	swait.ge @!p0 [sflag:s3], $0xFA0  }
0x34: {  	[sflag:s3] =	ssyncset.done @!p0 $0x0  }
0x35: {  	[sflag:s3] =	ssyncadd.s32 @!p0 $0xFFFFF060  }
0x36: {  	[bflag:$0x0] =	sbarrier.arrive $0xFFFF  }
0x37: {  	s21 =	simm.s32 $0x7;
	s3 =	simm.s32 $0x0;
	s20 =	rddreg [dreg:$0x4]  }
0x38: {  	[tilespmem:s3], [sflag:$0x7] =	stream.linear.gather [hbm4b:s20+s3], $0x80, $0x38;
	[tilespmem:$0xB120] =	vst v63  }
0x39: {  	_ =	swait.ge [sflag:s21], $0x80  }
0x3a: {  	[sflag:s21] =	ssyncset.done $0x0  }
0x3b: {  	s18 =	simm.s32 $0x100;
	s25 =	rddreg [dreg:$0x5];
	[sflag:s21] =	ssyncadd.s32 $0xFFFFFF80  }
0x3c: {  	[tilespmem:s18], [sflag:$0x7] =	stream.linear.gather [hbm4b:s25+s3], $0x80, $0x38;
	[tilespmem:$0xB120] =	vst v63  }
0x3d: {  	_ =	swait.ge [sflag:s21], $0x80  }
0x3e: {  	[sflag:s21] =	ssyncset.done $0x0  }
0x3f: {  	s15 =	simm.s32 $0x300;
	[sflag:s21] =	ssyncadd.s32 $0xFFFFFF80  }
0x40: {  	[tilespmem:s15], [sflag:$0x1] =	stream.indirect.gather [hbm4b:s6+s23], $0x10, s18, s23, $0xb8;
	[tilespmem:$0xB120] =	vst v63  }
0x41: {  	s19 =	simm.s32 $0x1300  }
0x42: {  	[tilespmem:s19], [sflag:$0x1] =	stream.indirect.gather [hbm4b:s7+s23], $0x20, s3, s23, $0xb8;
	[tilespmem:$0xB120] =	vst v63  }
0x43: {  	s20 =	simm.s32 $0x3300  }
0x44: {  	[tilespmem:s20], [sflag:$0x1] =	stream.strided.gather [hbm4b:s13+s28], $0x800, s23, s28, $0x38;
	[tilespmem:$0xB120] =	vst v63  }
0x45: {  	s21 =	rddreg [dreg:$0x6]  }
0x46: {  	[tilespmem:s23], [sflag:$0x4] =	stream.linear.gather [hbm4b:s21+s3], $0x80, $0x38;
	[tilespmem:$0xB120] =	vst v63  }
0x47: {  	s25 =	rddreg [dreg:$0x7];
	s18 =	simm.s32 $0x0  }
0x48: {  	[tilespmem:s30], [sflag:$0x4] =	stream.linear.gather [hbm4b:s25+s3], $0x80, $0x38;
	[tilespmem:$0xB120] =	vst v63  }
.LBB2_2:
0x49: {  	_ =	swait.ge [sflag:s31], $0x800  }
0x4a: {  	[sflag:s31] =	ssyncset.done $0x0  }
0x4b: {  	[sflag:s31] =	ssyncadd.s32 $0xFFFFF800  }
0x4c: {  	_ =	swait.ge [sflag:s31], $0x1000  }
0x4d: {  	[sflag:s31] =	ssyncset.done $0x0  }
0x4e: {  	[sflag:s31] =	ssyncadd.s32 $0xFFFFF000  }
0x4f: {  	_ =	swait.ge [sflag:s31], $0x800  }
0x50: {  	[sflag:s31] =	ssyncset.done $0x0  }
0x51: {  	[sflag:s31] =	ssyncadd.s32 $0xFFFFF800  }
0x52: {  	_ =	swait.ge [sflag:s0], $0x80  }
0x53: {  	[sflag:s0] =	ssyncset.done $0x0  }
0x54: {  	[sflag:s0] =	ssyncadd.s32 $0xFFFFFF80  }
0x55: {  	_ =	swait.ge [sflag:s0], $0x80  }
0x56: {  	[sflag:s0] =	ssyncset.done $0x0  }
0x57: {  	[sflag:s0] =	ssyncadd.s32 $0xFFFFFF80  }
0x58: {  	[tilespmem:s2], [sflag:$0x2] =	stream.indirect.gather [hbm4b:s6+s23], $0x10, s30, s23, $0xb8;
	[tilespmem:$0xB120] =	vst v63  }
0x59: {  	s3 =	sshll.u32 s18, $0x11  }
0x5a: {  	[tilespmem:s24], [sflag:$0x2] =	stream.indirect.gather [hbm4b:s7+s23], $0x20, s23, s23, $0xb8;
	[tilespmem:$0xB120] =	vst v63  }
0x5b: {  	p3 =	seq.s32 s18, $0x0;
	s3 =	sadd.s32 s3, s16  }
0x5c: {  	[tilespmem:s26], [sflag:$0x2] =	stream.strided.gather [hbm4b:s3+s28], $0x800, s23, s28, $0x38;
	[tilespmem:$0xB120] =	vst v63  }
0x5d: {  	s3 =	simm.s32 @!p3 $0x5  }
0x5e: {  	_ =	swait.ge @!p3 [sflag:s3], $0x1000  }
0x5f: {  	[sflag:s3] =	ssyncset.done @!p3 $0x0  }
0x60: {  	s21 =	simm.s32 $0x1380;
	[sflag:s3] =	ssyncadd.s32 @!p3 $0xFFFFF000  }
0x61: {  	s25 =	simm.s32 $0x3340;
	v0 =	vld [tilespmem:s21+$0x60]  }
0x62: {  	v5 =	vld [tilespmem:s25+$0x30]  }
0x63: {  	s15 =	simm.s32 $0x340;
	v6 =	vld [tilespmem:s21+$0xFFFFFF80]  }
0x64: {  	v1 =	vld [tilespmem:s15+$0x30]  }
0x65: {  	v11 =	vld [tilespmem:s25+$0xFFFFFFC0]  }
0x66: {  	v7 =	vld [tilespmem:s21+$0xFFFFFFA0]  }
0x67: {  	v12 =	vld [tilespmem:s25+$0xFFFFFFD0]  }
0x68: {  	v8 =	vld [tilespmem:s21+$0xFFFFFFC0]  }
0x69: {  	v9 =	vld [tilespmem:s21+$0xFFFFFFE0]  }
0x6a: {  	v10 =	vld [tilespmem:s21+$0x0]  }
0x6b: {  	v13 =	vld [tilespmem:s21+$0x20]  }
0x6c: {  	v14 =	vld [tilespmem:s21+$0x70]  }
0x6d: {  	v15 =	vld [tilespmem:s21+$0x40]  }
0x6e: {  	v4 =	vld [tilespmem:s25+$0x20]  }
0x6f: {  	v16 =	vld [tilespmem:s15+$0xFFFFFFD0];
	v2 =	vadd.f32 v5, v0  }
0x70: {  	v17 =	vld [tilespmem:s15+$0xFFFFFFE0]  }
0x71: {  	v18 =	vld [tilespmem:s15+$0xFFFFFFF0];
	v2 =	vmul.f32 v2, v1  }
0x72: {  	v22 =	vld [tilespmem:s15+$0xFFFFFFC0]  }
0x73: {  	v0 =	vld [tilespmem:s25+$0xFFFFFFE0];
	v7 =	vadd.f32 v12, v7;
	v3 =	vmul.f32 $1.442695020e+00, v2  }
0x74: {  	v1 =	vld [tilespmem:s25+$0xFFFFFFF0]  }
0x75: {  	v7 =	vmul.f32 v7, v16;
	v16 =	vld [tilespmem:s15+$0x20];
	(erf) = vpow2.f32 v3  }
0x76: {  	v2 =	vld [tilespmem:s25+$0x0]  }
0x77: {  	v3 =	vld [tilespmem:s25+$0x10]  }
0x78: {  	v19 =	vld [tilespmem:s15+$0x0];
	v15 =	vadd.f32 v4, v15;
	v8 =	vadd.f32 v0, v8  }
0x79: {  	v20 =	vld [tilespmem:s15+$0x10];
	v6 =	vadd.f32 v11, v6;
	v23 =	vmul.f32 $1.442695020e+00, v7;
	v9 =	vadd.f32 v1, v9  }
0x7a: {  	v8 =	vmul.f32 v8, v17;
	v15 =	vmul.f32 v15, v16  }
0x7b: {  	v17 =	vld [tilespmem:s21+$0xFFFFFF90];
	v16 =	vmul.f32 v6, v22;
	v10 =	vadd.f32 v2, v10;
	v7 =	vmul.f32 v9, v18  }
0x7c: {  	v18 =	vld [tilespmem:s21+$0xFFFFFFB0];
	v24 =	vmul.f32 $1.442695020e+00, v8;
	v15 =	vmul.f32 $1.442695020e+00, v15;
	v13 =	vadd.f32 v3, v13  }
0x7d: {  	v5 =	vadd.f32 v5, v14;
	v16 =	vmul.f32 $1.442695020e+00, v16;
	v9 =	vmul.f32 v10, v19;
	v10 =	vld [tilespmem:s21+$0xFFFFFFD0]  }
0x7e: {  	v8 =	vld [tilespmem:s21+$0xFFFFFFF0];
	v14 =	vmul.f32 $1.442695020e+00, v7;
	v13 =	vmul.f32 v13, v20;
	v21 =	vpop (erf)  }
0x7f: {  	s19 =	simm.s32 $0x4380;
	v7 =	vld [tilespmem:s21+$0x10];
	v9 =	vmul.f32 $1.442695020e+00, v9;
	v5 =	vmul.f32 v21, v5  }
0x80: {  	v6 =	vld [tilespmem:s21+$0x30];
	v13 =	vmul.f32 $1.442695020e+00, v13;
	(erf) = vpow2.f32 v23;
	[tilespmem:s19+$0x70] =	vst v21  }
0x81: {  	s20 =	sshll.u32 s18, $0x1;
	s14 =	simm.s32 $0x0;
	s3 =	simm.s32 $0x1480;
	(erf) = vpow2.f32 v24;
	[tilespmem:s19+$0x60] =	vst v5;
	v5 =	vadd.f32 v11, v17;
	v11 =	vadd.f32 v12, v18;
	v12 =	vld [tilespmem:s21+$0x50]  }
.LBB2_3:
0x82: {  	v17 =	vld [tilespmem:s3+$0x60];
	v10 =	vadd.f32 v0, v10;
	s25 =	sadd.s32 $0x80, s25;
	(erf) = vpow2.f32 v14  }
0x83: {  	s14 =	sadd.s32 $0x8, s14;
	v14 =	vld [tilespmem:s25+$0x30];
	v8 =	vadd.f32 v1, v8;
	(erf) = vpow2.f32 v16  }
0x84: {  	s15 =	sadd.s32 $0x80, s15;
	p2 =	slt.u32 s14, $0x78;
	v1 =	vld [tilespmem:s3+$0xFFFFFF80];
	v7 =	vadd.f32 v2, v7;
	(erf) = vpow2.f32 v9  }
0x85: {  	v2 =	vld [tilespmem:s15+$0x30];
	v3 =	vadd.f32 v3, v6;
	(erf) = vpow2.f32 v13  }
0x86: {  	v6 =	vld [tilespmem:s25+$0xFFFFFFC0];
	v4 =	vadd.f32 v4, v12;
	(erf) = vpow2.f32 v15  }
0x87: {  	v9 =	vld [tilespmem:s3+$0xFFFFFFA0]  }
0x88: {  	v12 =	vld [tilespmem:s25+$0xFFFFFFD0];
	v17 =	vadd.f32 v14, v17  }
0x89: {  	v15 =	vld [tilespmem:s3+$0xFFFFFFC0];
	v16 =	vpop (erf)  }
0x8a: {  	v0 =	vld [tilespmem:s25+$0xFFFFFFE0];
	v2 =	vmul.f32 v17, v2;
	v19 =	vmul.f32 v16, v11;
	[tilespmem:s19+$0xFFFFFFB0] =	vst v16;
	v13 =	vpop (erf)  }
0x8b: {  	v16 =	vadd.f32 v6, v1;
	v17 =	vld [tilespmem:s3+$0xFFFFFFE0];
	v20 =	vmul.f32 v13, v10;
	[tilespmem:s19+$0xFFFFFFD0] =	vst v13;
	v13 =	vpop (erf)  }
0x8c: {  	v1 =	vld [tilespmem:s25+$0xFFFFFFF0];
	v18 =	vmul.f32 $1.442695020e+00, v2;
	[tilespmem:s19+$0xFFFFFFA0] =	vst v19;
	v21 =	vmul.f32 v13, v8;
	v11 =	vpop (erf)  }
0x8d: {  	v9 =	vadd.f32 v12, v9;
	v19 =	vld [tilespmem:s3+$0x0];
	v5 =	vmul.f32 v11, v5;
	[tilespmem:s19+$0xFFFFFFC0] =	vst v20;
	v10 =	vpop (erf)  }
0x8e: {  	v2 =	vld [tilespmem:s25+$0x0];
	(erf) = vpow2.f32 v18;
	[tilespmem:s19+$0xFFFFFFE0] =	vst v21;
	v7 =	vmul.f32 v10, v7;
	v8 =	vpop (erf)  }
0x8f: {  	v15 =	vadd.f32 v0, v15;
	v18 =	vld [tilespmem:s3+$0x20];
	[tilespmem:s19+$0xFFFFFF80] =	vst v5;
	v5 =	vmul.f32 v8, v3;
	v20 =	vpop (erf)  }
0x90: {  	v3 =	vld [tilespmem:s25+$0x10];
	[tilespmem:s19+$0x0] =	vst v7;
	v4 =	vmul.f32 v20, v4  }
0x91: {  	v7 =	vadd.f32 v1, v17;
	v17 =	vld [tilespmem:s3+$0x70];
	[tilespmem:s19+$0x20] =	vst v5  }
0x92: {  	v5 =	vld [tilespmem:s3+$0x40];
	[tilespmem:s19+$0x40] =	vst v4  }
0x93: {  	v19 =	vadd.f32 v2, v19;
	v4 =	vld [tilespmem:s25+$0x20];
	[tilespmem:s19+$0xFFFFFF90] =	vst v11  }
0x94: {  	v11 =	vld [tilespmem:s15+$0xFFFFFFD0];
	[tilespmem:s19+$0xFFFFFFF0] =	vst v13  }
0x95: {  	v13 =	vld [tilespmem:s15+$0xFFFFFFE0];
	v18 =	vadd.f32 v3, v18;
	[tilespmem:s19+$0x10] =	vst v10  }
0x96: {  	v10 =	vld [tilespmem:s15+$0xFFFFFFF0];
	v14 =	vadd.f32 v14, v17;
	[tilespmem:s19+$0x30] =	vst v8  }
0x97: {  	v8 =	vld [tilespmem:s15+$0x0];
	v17 =	vpop (erf);
	[tilespmem:s19+$0x50] =	vst v20  }
0x98: {  	v20 =	vld [tilespmem:s15+$0x10];
	v5 =	vadd.f32 v4, v5;
	v14 =	vmul.f32 v17, v14  }
0x99: {  	s19 =	sadd.s32 $0x100, s19;
	v9 =	vmul.f32 v9, v11;
	v11 =	vld [tilespmem:s15+$0x20]  }
0x9a: {  	v21 =	vld [tilespmem:s15+$0xFFFFFFC0];
	v13 =	vmul.f32 v15, v13;
	[tilespmem:s19+$0x60] =	vst v14  }
0x9b: {  	v15 =	vld [tilespmem:s3+$0xFFFFFF90];
	v22 =	vmul.f32 $1.442695020e+00, v9;
	v7 =	vmul.f32 v7, v10;
	[tilespmem:s19+$0x70] =	vst v17  }
0x9c: {  	v17 =	vld [tilespmem:s3+$0xFFFFFFB0];
	v23 =	vmul.f32 $1.442695020e+00, v13;
	v9 =	vmul.f32 v19, v8  }
.Ltmp2:
0x9d: {  	v10 =	vld [tilespmem:s3+$0xFFFFFFD0];
	v14 =	vmul.f32 $1.442695020e+00, v7;
	v13 =	vmul.f32 v18, v20;
	(pc) =	sbr.rel @p2 .LBB2_3-.Ltmp2, $4  }
0x9e: {  	v8 =	vld [tilespmem:s3+$0xFFFFFFF0];
	v9 =	vmul.f32 $1.442695020e+00, v9;
	v11 =	vmul.f32 v5, v11  }
0x9f: {  	v16 =	vmul.f32 v16, v21;
	v7 =	vld [tilespmem:s3+$0x10];
	v13 =	vmul.f32 $1.442695020e+00, v13  }
0xa0: {  	v5 =	vadd.f32 v6, v15;
	v6 =	vld [tilespmem:s3+$0x30];
	v15 =	vmul.f32 $1.442695020e+00, v11;
	(erf) = vpow2.f32 v22  }
0xa1: {  	v16 =	vmul.f32 $1.442695020e+00, v16;
	v11 =	vadd.f32 v12, v17;
	v12 =	vld [tilespmem:s3+$0x50];
	s3 =	sadd.s32 $0x100, s3;
	(erf) = vpow2.f32 v23  }
0xa2: {  	_ = 	snop  }
0xa3: {  	(erf) = vpow2.f32 v14;
	_ =	sdelay $0x1  }
0xa4: {  	(erf) = vpow2.f32 v16;
	_ =	sdelay $0x2  }
0xa5: {  	(erf) = vpow2.f32 v9  }
0xa6: {  	(erf) = vpow2.f32 v13;
	v9 =	vpop (erf)  }
0xa7: {  	v0 =	vadd.f32 v0, v10;
	v1 =	vadd.f32 v1, v8;
	v8 =	vmul.f32 v9, v11;
	[tilespmem:s19+$0xFFFFFFB0] =	vst v9;
	v9 =	vpop (erf)  }
0xa8: {  	(erf) = vpow2.f32 v15;
	[tilespmem:s19+$0xFFFFFFD0] =	vst v9  }
0xa9: {  	v0 =	vmul.f32 v9, v0;
	v9 =	vpop (erf);
	[tilespmem:s19+$0xFFFFFFA0] =	vst v8  }
0xaa: {  	[tilespmem:s19+$0xFFFFFFF0] =	vst v9  }
0xab: {  	v2 =	vadd.f32 v2, v7;
	v1 =	vmul.f32 v9, v1;
	v7 =	vpop (erf);
	[tilespmem:s19+$0xFFFFFFC0] =	vst v0  }
0xac: {  	v5 =	vmul.f32 v7, v5;
	[tilespmem:s19+$0xFFFFFF90] =	vst v7  }
0xad: {  	[tilespmem:s19+$0xFFFFFFE0] =	vst v1  }
0xae: {  	v0 =	vpop (erf);
	[tilespmem:s19+$0xFFFFFF80] =	vst v5  }
0xaf: {  	v3 =	vadd.f32 v3, v6;
	v1 =	vmul.f32 v0, v2;
	v2 =	vpop (erf);
	[tilespmem:s19+$0x10] =	vst v0  }
0xb0: {  	v4 =	vadd.f32 v4, v12;
	[tilespmem:s19+$0x30] =	vst v2  }
0xb1: {  	v3 =	vmul.f32 v2, v3;
	v5 =	vpop (erf);
	[tilespmem:s19+$0x0] =	vst v1  }
0xb2: {  	v1 =	vmul.f32 v5, v4;
	[tilespmem:s19+$0x50] =	vst v5  }
0xb3: {  	[tilespmem:s19+$0x20] =	vst v3  }
0xb4: {  	[tilespmem:s19+$0x40] =	vst v1  }
0xb5: {  	v0 =	vld [tilespmem:$0x100]  }
0xb6: {  	v1 =	vld [tilespmem:$0x110]  }
0xb7: {  	v2 =	vld [tilespmem:$0x120]  }
0xb8: {  	v3 =	vld [tilespmem:$0x130]  }
0xb9: {  	v4 =	vld [tilespmem:$0x140]  }
0xba: {  	[tilespmem:$0x200] =	vst v0;
	v0 =	vld [tilespmem:$0x150]  }
0xbb: {  	[tilespmem:$0x210] =	vst v1;
	v1 =	vld [tilespmem:$0x160]  }
0xbc: {  	[tilespmem:$0x220] =	vst v2;
	v2 =	vld [tilespmem:$0x170]  }
0xbd: {  	[tilespmem:$0x230] =	vst v3  }
0xbe: {  	s25 =	sadd.s32 $0x2, s20;
	[tilespmem:$0x240] =	vst v4  }
0xbf: {  	p2 =	sge.u32 s25, s8;
	[tilespmem:$0x250] =	vst v0  }
0xc0: {  	s3 =	sshll.u32 @!p2 s25, $0x9;
	[tilespmem:$0x260] =	vst v1  }
0xc1: {  	s3 =	sor.u32 @!p2 s10, s3;
	[tilespmem:$0x270] =	vst v2  }
0xc2: {  	[spmem:s1] =	stream.indirect.scatter.add.f32 [tilespmem:s9], [sflag:$0x5], $0x20, s29, s23, $0xb8;
	[tilespmem:$0xB120] =	vst v63  }
0xc3: {  	s15 =	simm.s32 @!p2 $0x0;
	s14 =	sadd.s32 @!p2 s4, s3  }
0xc4: {  	[tilespmem:s15], [sflag:$0x3] =	stream.linear.gather @!p2 [hbm4b:s14+s15], $0x80, $0x38;
	[tilespmem:$0xB120] =	vst v63  }
0xc5: {  	s3 =	sadd.s32 @!p2 s5, s3;
	s14 =	simm.s32 @!p2 $0x100  }
0xc6: {  	[tilespmem:s14], [sflag:$0x3] =	stream.linear.gather @!p2 [hbm4b:s3+s15], $0x80, $0x38;
	[tilespmem:$0xB120] =	vst v63  }
0xc7: {  	_ =	swait.ge [sflag:s11], $0x800  }
0xc8: {  	[sflag:s11] =	ssyncset.done $0x0  }
0xc9: {  	[sflag:s11] =	ssyncadd.s32 $0xFFFFF800  }
0xca: {  	_ =	swait.ge [sflag:s11], $0x1000  }
0xcb: {  	[sflag:s11] =	ssyncset.done $0x0  }
0xcc: {  	[sflag:s11] =	ssyncadd.s32 $0xFFFFF000  }
0xcd: {  	_ =	swait.ge [sflag:s11], $0x800  }
0xce: {  	[sflag:s11] =	ssyncset.done $0x0  }
0xcf: {  	s3 =	simm.s32 @!p3 $0x6;
	[sflag:s11] =	ssyncadd.s32 $0xFFFFF800  }
0xd0: {  	_ =	swait.ge @!p3 [sflag:s3], $0x1000  }
0xd1: {  	[sflag:s3] =	ssyncset.done @!p3 $0x0  }
0xd2: {  	s21 =	simm.s32 $0x2380;
	[sflag:s3] =	ssyncadd.s32 @!p3 $0xFFFFF000  }
0xd3: {  	s15 =	simm.s32 $0x3B40;
	v0 =	vld [tilespmem:s21+$0x60]  }
0xd4: {  	v5 =	vld [tilespmem:s15+$0x30]  }
0xd5: {  	s19 =	simm.s32 $0xB40;
	v6 =	vld [tilespmem:s21+$0xFFFFFF80]  }
0xd6: {  	v1 =	vld [tilespmem:s19+$0x30]  }
0xd7: {  	v11 =	vld [tilespmem:s15+$0xFFFFFFC0]  }
0xd8: {  	v7 =	vld [tilespmem:s21+$0xFFFFFFA0]  }
0xd9: {  	v12 =	vld [tilespmem:s15+$0xFFFFFFD0]  }
0xda: {  	v8 =	vld [tilespmem:s21+$0xFFFFFFC0]  }
0xdb: {  	v9 =	vld [tilespmem:s21+$0xFFFFFFE0]  }
0xdc: {  	v10 =	vld [tilespmem:s21+$0x0]  }
0xdd: {  	v13 =	vld [tilespmem:s21+$0x20]  }
0xde: {  	v14 =	vld [tilespmem:s21+$0x70]  }
0xdf: {  	v15 =	vld [tilespmem:s21+$0x40]  }
0xe0: {  	v4 =	vld [tilespmem:s15+$0x20]  }
0xe1: {  	v16 =	vld [tilespmem:s19+$0xFFFFFFD0];
	v2 =	vadd.f32 v5, v0  }
0xe2: {  	v17 =	vld [tilespmem:s19+$0xFFFFFFE0]  }
0xe3: {  	v18 =	vld [tilespmem:s19+$0xFFFFFFF0];
	v2 =	vmul.f32 v2, v1  }
0xe4: {  	v22 =	vld [tilespmem:s19+$0xFFFFFFC0]  }
0xe5: {  	v0 =	vld [tilespmem:s15+$0xFFFFFFE0];
	v7 =	vadd.f32 v12, v7;
	v3 =	vmul.f32 $1.442695020e+00, v2  }
0xe6: {  	v1 =	vld [tilespmem:s15+$0xFFFFFFF0]  }
0xe7: {  	v7 =	vmul.f32 v7, v16;
	v16 =	vld [tilespmem:s19+$0x20];
	(erf) = vpow2.f32 v3  }
0xe8: {  	v2 =	vld [tilespmem:s15+$0x0]  }
0xe9: {  	v3 =	vld [tilespmem:s15+$0x10]  }
0xea: {  	v19 =	vld [tilespmem:s19+$0x0];
	v15 =	vadd.f32 v4, v15;
	v8 =	vadd.f32 v0, v8  }
0xeb: {  	v20 =	vld [tilespmem:s19+$0x10];
	v6 =	vadd.f32 v11, v6;
	v23 =	vmul.f32 $1.442695020e+00, v7  }
0xec: {  	v9 =	vadd.f32 v1, v9;
	v8 =	vmul.f32 v8, v17;
	v15 =	vmul.f32 v15, v16  }
0xed: {  	v17 =	vld [tilespmem:s21+$0xFFFFFF90];
	v16 =	vmul.f32 v6, v22;
	(erf) = vpow2.f32 v23;
	v10 =	vadd.f32 v2, v10  }
0xee: {  	v7 =	vmul.f32 v9, v18;
	v18 =	vld [tilespmem:s21+$0xFFFFFFB0];
	v24 =	vmul.f32 $1.442695020e+00, v8;
	v13 =	vadd.f32 v3, v13  }
0xef: {  	v5 =	vadd.f32 v5, v14;
	v15 =	vmul.f32 $1.442695020e+00, v15;
	v9 =	vmul.f32 v10, v19;
	v10 =	vld [tilespmem:s21+$0xFFFFFFD0]  }
0xf0: {  	v8 =	vld [tilespmem:s21+$0xFFFFFFF0];
	v16 =	vmul.f32 $1.442695020e+00, v16;
	v13 =	vmul.f32 v13, v20;
	v21 =	vpop (erf)  }
0xf1: {  	s14 =	simm.s32 $0x5380;
	v14 =	vmul.f32 $1.442695020e+00, v7;
	v7 =	vld [tilespmem:s21+$0x10];
	v5 =	vmul.f32 v21, v5  }
0xf2: {  	v6 =	vld [tilespmem:s21+$0x30];
	v9 =	vmul.f32 $1.442695020e+00, v9;
	v13 =	vmul.f32 $1.442695020e+00, v13;
	[tilespmem:s14+$0x70] =	vst v21  }
0xf3: {  	s3 =	simm.s32 $0x0;
	(erf) = vpow2.f32 v24;
	[tilespmem:s14+$0x60] =	vst v5;
	v5 =	vadd.f32 v11, v17;
	v11 =	vadd.f32 v12, v18;
	v12 =	vld [tilespmem:s21+$0x50];
	s21 =	simm.s32 $0x2480  }
.LBB2_5:
0xf4: {  	v17 =	vld [tilespmem:s21+$0x60];
	v10 =	vadd.f32 v0, v10;
	s15 =	sadd.s32 $0x80, s15;
	(erf) = vpow2.f32 v14  }
0xf5: {  	s3 =	sadd.s32 $0x8, s3;
	v14 =	vld [tilespmem:s15+$0x30];
	v8 =	vadd.f32 v1, v8;
	(erf) = vpow2.f32 v16  }
0xf6: {  	s19 =	sadd.s32 $0x80, s19;
	p3 =	slt.u32 s3, $0x78;
	v1 =	vld [tilespmem:s21+$0xFFFFFF80];
	v7 =	vadd.f32 v2, v7;
	(erf) = vpow2.f32 v9  }
0xf7: {  	v2 =	vld [tilespmem:s19+$0x30];
	v3 =	vadd.f32 v3, v6;
	(erf) = vpow2.f32 v13  }
0xf8: {  	v6 =	vld [tilespmem:s15+$0xFFFFFFC0];
	v4 =	vadd.f32 v4, v12;
	(erf) = vpow2.f32 v15  }
0xf9: {  	v9 =	vld [tilespmem:s21+$0xFFFFFFA0]  }
0xfa: {  	v12 =	vld [tilespmem:s15+$0xFFFFFFD0];
	v17 =	vadd.f32 v14, v17  }
0xfb: {  	v15 =	vld [tilespmem:s21+$0xFFFFFFC0];
	v16 =	vpop (erf)  }
0xfc: {  	v0 =	vld [tilespmem:s15+$0xFFFFFFE0];
	v2 =	vmul.f32 v17, v2;
	v19 =	vmul.f32 v16, v11;
	[tilespmem:s14+$0xFFFFFFB0] =	vst v16;
	v13 =	vpop (erf)  }
0xfd: {  	v16 =	vadd.f32 v6, v1;
	v17 =	vld [tilespmem:s21+$0xFFFFFFE0];
	v20 =	vmul.f32 v13, v10;
	[tilespmem:s14+$0xFFFFFFD0] =	vst v13;
	v13 =	vpop (erf)  }
0xfe: {  	v1 =	vld [tilespmem:s15+$0xFFFFFFF0];
	v18 =	vmul.f32 $1.442695020e+00, v2;
	[tilespmem:s14+$0xFFFFFFA0] =	vst v19;
	v21 =	vmul.f32 v13, v8;
	v11 =	vpop (erf)  }
0xff: {  	v9 =	vadd.f32 v12, v9;
	v19 =	vld [tilespmem:s21+$0x0];
	v5 =	vmul.f32 v11, v5;
	[tilespmem:s14+$0xFFFFFFC0] =	vst v20;
	v10 =	vpop (erf)  }
0x100: {  	v2 =	vld [tilespmem:s15+$0x0];
	(erf) = vpow2.f32 v18;
	[tilespmem:s14+$0xFFFFFFE0] =	vst v21;
	v7 =	vmul.f32 v10, v7;
	v8 =	vpop (erf)  }
0x101: {  	v15 =	vadd.f32 v0, v15;
	v18 =	vld [tilespmem:s21+$0x20];
	[tilespmem:s14+$0xFFFFFF80] =	vst v5;
	v5 =	vmul.f32 v8, v3;
	v20 =	vpop (erf)  }
0x102: {  	v3 =	vld [tilespmem:s15+$0x10];
	[tilespmem:s14+$0x0] =	vst v7;
	v4 =	vmul.f32 v20, v4  }
0x103: {  	v7 =	vadd.f32 v1, v17;
	v17 =	vld [tilespmem:s21+$0x70];
	[tilespmem:s14+$0x20] =	vst v5  }
0x104: {  	v5 =	vld [tilespmem:s21+$0x40];
	[tilespmem:s14+$0x40] =	vst v4  }
0x105: {  	v19 =	vadd.f32 v2, v19;
	v4 =	vld [tilespmem:s15+$0x20];
	[tilespmem:s14+$0xFFFFFF90] =	vst v11  }
0x106: {  	v11 =	vld [tilespmem:s19+$0xFFFFFFD0];
	[tilespmem:s14+$0xFFFFFFF0] =	vst v13  }
0x107: {  	v13 =	vld [tilespmem:s19+$0xFFFFFFE0];
	v18 =	vadd.f32 v3, v18;
	[tilespmem:s14+$0x10] =	vst v10  }
0x108: {  	v10 =	vld [tilespmem:s19+$0xFFFFFFF0];
	v14 =	vadd.f32 v14, v17;
	[tilespmem:s14+$0x30] =	vst v8  }
0x109: {  	v8 =	vld [tilespmem:s19+$0x0];
	v17 =	vpop (erf);
	[tilespmem:s14+$0x50] =	vst v20  }
0x10a: {  	v20 =	vld [tilespmem:s19+$0x10];
	v5 =	vadd.f32 v4, v5;
	v14 =	vmul.f32 v17, v14  }
0x10b: {  	s14 =	sadd.s32 $0x100, s14;
	v9 =	vmul.f32 v9, v11;
	v11 =	vld [tilespmem:s19+$0x20]  }
0x10c: {  	v21 =	vld [tilespmem:s19+$0xFFFFFFC0];
	v13 =	vmul.f32 v15, v13;
	[tilespmem:s14+$0x60] =	vst v14  }
0x10d: {  	v15 =	vld [tilespmem:s21+$0xFFFFFF90];
	v22 =	vmul.f32 $1.442695020e+00, v9;
	v7 =	vmul.f32 v7, v10;
	[tilespmem:s14+$0x70] =	vst v17  }
0x10e: {  	v17 =	vld [tilespmem:s21+$0xFFFFFFB0];
	v23 =	vmul.f32 $1.442695020e+00, v13;
	v9 =	vmul.f32 v19, v8  }
.Ltmp3:
0x10f: {  	v10 =	vld [tilespmem:s21+$0xFFFFFFD0];
	v14 =	vmul.f32 $1.442695020e+00, v7;
	v13 =	vmul.f32 v18, v20;
	(pc) =	sbr.rel @p3 .LBB2_5-.Ltmp3, $4  }
0x110: {  	v8 =	vld [tilespmem:s21+$0xFFFFFFF0];
	v9 =	vmul.f32 $1.442695020e+00, v9;
	v11 =	vmul.f32 v5, v11  }
0x111: {  	v16 =	vmul.f32 v16, v21;
	v7 =	vld [tilespmem:s21+$0x10];
	v13 =	vmul.f32 $1.442695020e+00, v13  }
0x112: {  	v5 =	vadd.f32 v6, v15;
	v6 =	vld [tilespmem:s21+$0x30];
	v15 =	vmul.f32 $1.442695020e+00, v11;
	(erf) = vpow2.f32 v22  }
0x113: {  	v16 =	vmul.f32 $1.442695020e+00, v16;
	v11 =	vadd.f32 v12, v17;
	v12 =	vld [tilespmem:s21+$0x50];
	s21 =	sadd.s32 $0x100, s21;
	(erf) = vpow2.f32 v23  }
0x114: {  	_ = 	snop  }
0x115: {  	(erf) = vpow2.f32 v14;
	_ =	sdelay $0x1  }
0x116: {  	(erf) = vpow2.f32 v16;
	_ =	sdelay $0x1  }
0x117: {  	(erf) = vpow2.f32 v9;
	_ =	sdelay $0x1  }
0x118: {  	(erf) = vpow2.f32 v13;
	v50 =	vpop (erf)  }
0x119: {  	v0 =	vadd.f32 v0, v10;
	v51 =	vmul.f32 v50, v11;
	[tilespmem:s14+$0xFFFFFFB0] =	vst v50;
	v52 =	vpop (erf)  }
0x11a: {  	(erf) = vpow2.f32 v15;
	[tilespmem:s14+$0xFFFFFFD0] =	vst v52  }
0x11b: {  	v1 =	vadd.f32 v1, v8;
	v0 =	vmul.f32 v52, v0;
	v53 =	vpop (erf);
	[tilespmem:s14+$0xFFFFFFA0] =	vst v51  }
0x11c: {  	[tilespmem:s14+$0xFFFFFFF0] =	vst v53  }
0x11d: {  	v1 =	vmul.f32 v53, v1;
	v54 =	vpop (erf);
	[tilespmem:s14+$0xFFFFFFC0] =	vst v0  }
0x11e: {  	[tilespmem:s14+$0xFFFFFF90] =	vst v54  }
0x11f: {  	v2 =	vadd.f32 v2, v7;
	v5 =	vmul.f32 v54, v5;
	v55 =	vpop (erf);
	[tilespmem:s14+$0xFFFFFFE0] =	vst v1  }
0x120: {  	[tilespmem:s14+$0x10] =	vst v55  }
0x121: {  	v3 =	vadd.f32 v3, v6;
	v56 =	vmul.f32 v55, v2;
	v57 =	vpop (erf);
	[tilespmem:s14+$0xFFFFFF80] =	vst v5  }
0x122: {  	v4 =	vadd.f32 v4, v12;
	[tilespmem:s14+$0x30] =	vst v57  }
0x123: {  	v3 =	vmul.f32 v57, v3;
	v58 =	vpop (erf);
	[tilespmem:s14+$0x0] =	vst v56  }
0x124: {  	v59 =	vmul.f32 v58, v4;
	[tilespmem:s14+$0x50] =	vst v58  }
0x125: {  	[tilespmem:s14+$0x20] =	vst v3  }
0x126: {  	[tilespmem:s14+$0x40] =	vst v59  }
0x127: {  	v0 =	vld [tilespmem:$0x180]  }
0x128: {  	v1 =	vld [tilespmem:$0x190]  }
0x129: {  	v2 =	vld [tilespmem:$0x1A0]  }
0x12a: {  	v3 =	vld [tilespmem:$0x1B0]  }
0x12b: {  	v60 =	vld [tilespmem:$0x1C0]  }
0x12c: {  	v61 =	vld [tilespmem:$0x1D0];
	[tilespmem:$0x280] =	vst v0  }
0x12d: {  	v62 =	vld [tilespmem:$0x1E0];
	[tilespmem:$0x290] =	vst v1  }
0x12e: {  	v63 =	vld [tilespmem:$0x1F0];
	[tilespmem:$0x2A0] =	vst v2  }
0x12f: {  	[tilespmem:$0x2B0] =	vst v3  }
0x130: {  	[tilespmem:$0x2C0] =	vst v60  }
0x131: {  	[tilespmem:$0x2D0] =	vst v61  }
0x132: {  	[tilespmem:$0x2E0] =	vst v62  }
0x133: {  	s3 =	simm.s32 @!p2 $0x3;
	[tilespmem:$0x2F0] =	vst v63  }
0x134: {  	[spmem:s1] =	stream.indirect.scatter.add.f32 [tilespmem:s22], [sflag:$0x6], $0x20, s12, s23, $0xb8;
	[tilespmem:$0xB120] =	vst v63  }
0x135: {  	_ =	swait.ge @!p2 [sflag:s3], $0x80  }
0x136: {  	[sflag:s3] =	ssyncset.done @!p2 $0x0  }
0x137: {  	[sflag:s3] =	ssyncadd.s32 @!p2 $0xFFFFFF80  }
0x138: {  	_ =	swait.ge @!p2 [sflag:s3], $0x80  }
0x139: {  	s15 =	simm.s32 @!p2 $0x300;
	[sflag:s3] =	ssyncset.done @!p2 $0x0  }
0x13a: {  	s14 =	simm.s32 @!p2 $0x100;
	[sflag:s3] =	ssyncadd.s32 @!p2 $0xFFFFFF80;
	s3 =	simm.s32 @!p2 $0x80  }
0x13b: {  	[tilespmem:s15], [sflag:$0x1] =	stream.indirect.gather @!p2 [hbm4b:s6+s3], $0x10, s14, s3, $0xb8;
	[tilespmem:$0xB120] =	vst v63  }
0x13c: {  	s14 =	simm.s32 @!p2 $0x0;
	s15 =	simm.s32 @!p2 $0x1300  }
0x13d: {  	[tilespmem:s15], [sflag:$0x1] =	stream.indirect.gather @!p2 [hbm4b:s7+s3], $0x20, s14, s3, $0xb8;
	[tilespmem:$0xB120] =	vst v63  }
0x13e: {  	s14 =	sshll.u32 @!p2 s25, $0x10  }
0x13f: {  	s19 =	simm.s32 @!p2 $0x3300;
	s15 =	simm.s32 @!p2 $0x10;
	s14 =	sadd.s32 @!p2 s14, s13  }
0x140: {  	[tilespmem:s19], [sflag:$0x1] =	stream.strided.gather @!p2 [hbm4b:s14+s15], $0x800, s3, s15, $0x38;
	[tilespmem:$0xB120] =	vst v63  }
0x141: {  	s3 =	sadd.s32 $0x3, s20  }
0x142: {  	p2 =	sge.u32 s3, s8  }
0x143: {  	s3 =	sshll.u32 @!p2 s3, $0x9  }
0x144: {  	s3 =	sor.u32 @!p2 s10, s3  }
0x145: {  	s15 =	simm.s32 @!p2 $0x0;
	s19 =	simm.s32 @!p2 $0x80;
	s14 =	sadd.s32 @!p2 s4, s3  }
0x146: {  	[tilespmem:s19], [sflag:$0x4] =	stream.linear.gather @!p2 [hbm4b:s14+s15], $0x80, $0x38;
	[tilespmem:$0xB120] =	vst v63  }
0x147: {  	s18 =	sadd.s32 $0x1, s18;
	s3 =	sadd.s32 @!p2 s5, s3;
	s14 =	simm.s32 @!p2 $0x180  }
0x148: {  	[tilespmem:s14], [sflag:$0x4] =	stream.linear.gather @!p2 [hbm4b:s3+s15], $0x80, $0x38;
	[tilespmem:$0xB120] =	vst v63  }
0x149: {  	p2 =	sne.s32 s18, $0x27  }
.Ltmp4:
0x14a: {  	_ = 	snop;
	(pc) =	sbr.rel @p2 .LBB2_2-.Ltmp4, $1  }
0x14b: {  	_ =	sdelay $0x3  }
.Ltmp5:
0x14c: {  	(pc) =	sbr.rel @p1 .LBB2_11-.Ltmp5, $1  }
0x14d: {  	_ =	sdelay $0x3  }
0x14e: {  	_ =	swait.ge [sflag:s31], $0x800  }
0x14f: {  	[sflag:s31] =	ssyncset.done $0x0  }
0x150: {  	[sflag:s31] =	ssyncadd.s32 $0xFFFFF800  }
0x151: {  	_ =	swait.ge [sflag:s31], $0x1000  }
0x152: {  	[sflag:s31] =	ssyncset.done $0x0  }
0x153: {  	[sflag:s31] =	ssyncadd.s32 $0xFFFFF000  }
0x154: {  	_ =	swait.ge [sflag:s31], $0x800  }
0x155: {  	[sflag:s31] =	ssyncset.done $0x0  }
0x156: {  	s3 =	simm.s32 $0x5;
	[sflag:s31] =	ssyncadd.s32 $0xFFFFF800  }
0x157: {  	_ =	swait.ge [sflag:s3], $0x1000  }
0x158: {  	[sflag:s3] =	ssyncset.done $0x0  }
0x159: {  	s19 =	simm.s32 $0x1380;
	[sflag:s3] =	ssyncadd.s32 $0xFFFFF000  }
0x15a: {  	s15 =	simm.s32 $0x3340;
	v0 =	vld [tilespmem:s19+$0x60]  }
0x15b: {  	v5 =	vld [tilespmem:s15+$0x30]  }
0x15c: {  	s18 =	simm.s32 $0x340;
	v6 =	vld [tilespmem:s19+$0xFFFFFF80]  }
0x15d: {  	v1 =	vld [tilespmem:s18+$0x30]  }
0x15e: {  	v11 =	vld [tilespmem:s15+$0xFFFFFFC0]  }
0x15f: {  	v7 =	vld [tilespmem:s19+$0xFFFFFFA0]  }
0x160: {  	v12 =	vld [tilespmem:s15+$0xFFFFFFD0]  }
0x161: {  	v8 =	vld [tilespmem:s19+$0xFFFFFFC0]  }
0x162: {  	v9 =	vld [tilespmem:s19+$0xFFFFFFE0]  }
0x163: {  	v10 =	vld [tilespmem:s19+$0x0]  }
0x164: {  	v13 =	vld [tilespmem:s19+$0x20]  }
0x165: {  	v14 =	vld [tilespmem:s19+$0x70]  }
0x166: {  	v15 =	vld [tilespmem:s19+$0x40]  }
0x167: {  	v4 =	vld [tilespmem:s15+$0x20]  }
0x168: {  	v16 =	vld [tilespmem:s18+$0xFFFFFFD0];
	v2 =	vadd.f32 v5, v0  }
0x169: {  	v17 =	vld [tilespmem:s18+$0xFFFFFFE0]  }
0x16a: {  	v18 =	vld [tilespmem:s18+$0xFFFFFFF0];
	v2 =	vmul.f32 v2, v1  }
0x16b: {  	v22 =	vld [tilespmem:s18+$0xFFFFFFC0]  }
0x16c: {  	v0 =	vld [tilespmem:s15+$0xFFFFFFE0];
	v7 =	vadd.f32 v12, v7;
	v3 =	vmul.f32 $1.442695020e+00, v2  }
0x16d: {  	v1 =	vld [tilespmem:s15+$0xFFFFFFF0]  }
0x16e: {  	v7 =	vmul.f32 v7, v16;
	v16 =	vld [tilespmem:s18+$0x20];
	(erf) = vpow2.f32 v3  }
0x16f: {  	v2 =	vld [tilespmem:s15+$0x0]  }
0x170: {  	v3 =	vld [tilespmem:s15+$0x10]  }
0x171: {  	v19 =	vld [tilespmem:s18+$0x0];
	v15 =	vadd.f32 v4, v15;
	v8 =	vadd.f32 v0, v8  }
0x172: {  	v20 =	vld [tilespmem:s18+$0x10];
	v6 =	vadd.f32 v11, v6;
	v23 =	vmul.f32 $1.442695020e+00, v7;
	v9 =	vadd.f32 v1, v9  }
0x173: {  	v8 =	vmul.f32 v8, v17;
	v15 =	vmul.f32 v15, v16  }
0x174: {  	v17 =	vld [tilespmem:s19+$0xFFFFFF90];
	v16 =	vmul.f32 v6, v22;
	v10 =	vadd.f32 v2, v10;
	v7 =	vmul.f32 v9, v18  }
0x175: {  	v18 =	vld [tilespmem:s19+$0xFFFFFFB0];
	v24 =	vmul.f32 $1.442695020e+00, v8;
	v15 =	vmul.f32 $1.442695020e+00, v15;
	v13 =	vadd.f32 v3, v13  }
0x176: {  	v5 =	vadd.f32 v5, v14;
	v16 =	vmul.f32 $1.442695020e+00, v16;
	v9 =	vmul.f32 v10, v19;
	v10 =	vld [tilespmem:s19+$0xFFFFFFD0]  }
0x177: {  	v8 =	vld [tilespmem:s19+$0xFFFFFFF0];
	v14 =	vmul.f32 $1.442695020e+00, v7;
	v13 =	vmul.f32 v13, v20;
	v21 =	vpop (erf)  }
0x178: {  	s14 =	simm.s32 $0x4380;
	v7 =	vld [tilespmem:s19+$0x10];
	v9 =	vmul.f32 $1.442695020e+00, v9;
	v5 =	vmul.f32 v21, v5  }
0x179: {  	v6 =	vld [tilespmem:s19+$0x30];
	v13 =	vmul.f32 $1.442695020e+00, v13;
	(erf) = vpow2.f32 v23;
	[tilespmem:s14+$0x70] =	vst v21  }
0x17a: {  	s3 =	simm.s32 $0x0;
	(erf) = vpow2.f32 v24;
	[tilespmem:s14+$0x60] =	vst v5;
	v5 =	vadd.f32 v11, v17;
	v11 =	vadd.f32 v12, v18;
	v12 =	vld [tilespmem:s19+$0x50];
	s19 =	simm.s32 $0x1480  }
.LBB2_9:
0x17b: {  	v17 =	vld [tilespmem:s19+$0x60];
	v10 =	vadd.f32 v0, v10;
	s15 =	sadd.s32 $0x80, s15;
	(erf) = vpow2.f32 v14  }
0x17c: {  	s3 =	sadd.s32 $0x8, s3;
	v14 =	vld [tilespmem:s15+$0x30];
	v8 =	vadd.f32 v1, v8;
	(erf) = vpow2.f32 v16  }
0x17d: {  	s18 =	sadd.s32 $0x80, s18;
	p2 =	slt.u32 s3, $0x78;
	v1 =	vld [tilespmem:s19+$0xFFFFFF80];
	v7 =	vadd.f32 v2, v7;
	(erf) = vpow2.f32 v9  }
0x17e: {  	v2 =	vld [tilespmem:s18+$0x30];
	v3 =	vadd.f32 v3, v6;
	(erf) = vpow2.f32 v13  }
0x17f: {  	v6 =	vld [tilespmem:s15+$0xFFFFFFC0];
	v4 =	vadd.f32 v4, v12;
	(erf) = vpow2.f32 v15  }
0x180: {  	v9 =	vld [tilespmem:s19+$0xFFFFFFA0]  }
0x181: {  	v12 =	vld [tilespmem:s15+$0xFFFFFFD0];
	v17 =	vadd.f32 v14, v17  }
0x182: {  	v15 =	vld [tilespmem:s19+$0xFFFFFFC0];
	v16 =	vpop (erf)  }
0x183: {  	v0 =	vld [tilespmem:s15+$0xFFFFFFE0];
	v2 =	vmul.f32 v17, v2;
	v19 =	vmul.f32 v16, v11;
	[tilespmem:s14+$0xFFFFFFB0] =	vst v16;
	v13 =	vpop (erf)  }
0x184: {  	v16 =	vadd.f32 v6, v1;
	v17 =	vld [tilespmem:s19+$0xFFFFFFE0];
	v20 =	vmul.f32 v13, v10;
	[tilespmem:s14+$0xFFFFFFD0] =	vst v13;
	v13 =	vpop (erf)  }
0x185: {  	v1 =	vld [tilespmem:s15+$0xFFFFFFF0];
	v18 =	vmul.f32 $1.442695020e+00, v2;
	[tilespmem:s14+$0xFFFFFFA0] =	vst v19;
	v21 =	vmul.f32 v13, v8;
	v11 =	vpop (erf)  }
0x186: {  	v9 =	vadd.f32 v12, v9;
	v19 =	vld [tilespmem:s19+$0x0];
	v5 =	vmul.f32 v11, v5;
	[tilespmem:s14+$0xFFFFFFC0] =	vst v20;
	v10 =	vpop (erf)  }
0x187: {  	v2 =	vld [tilespmem:s15+$0x0];
	(erf) = vpow2.f32 v18;
	[tilespmem:s14+$0xFFFFFFE0] =	vst v21;
	v7 =	vmul.f32 v10, v7;
	v8 =	vpop (erf)  }
0x188: {  	v15 =	vadd.f32 v0, v15;
	v18 =	vld [tilespmem:s19+$0x20];
	[tilespmem:s14+$0xFFFFFF80] =	vst v5;
	v5 =	vmul.f32 v8, v3;
	v20 =	vpop (erf)  }
0x189: {  	v3 =	vld [tilespmem:s15+$0x10];
	[tilespmem:s14+$0x0] =	vst v7;
	v4 =	vmul.f32 v20, v4  }
0x18a: {  	v7 =	vadd.f32 v1, v17;
	v17 =	vld [tilespmem:s19+$0x70];
	[tilespmem:s14+$0x20] =	vst v5  }
0x18b: {  	v5 =	vld [tilespmem:s19+$0x40];
	[tilespmem:s14+$0x40] =	vst v4  }
0x18c: {  	v19 =	vadd.f32 v2, v19;
	v4 =	vld [tilespmem:s15+$0x20];
	[tilespmem:s14+$0xFFFFFF90] =	vst v11  }
0x18d: {  	v11 =	vld [tilespmem:s18+$0xFFFFFFD0];
	[tilespmem:s14+$0xFFFFFFF0] =	vst v13  }
0x18e: {  	v13 =	vld [tilespmem:s18+$0xFFFFFFE0];
	v18 =	vadd.f32 v3, v18;
	[tilespmem:s14+$0x10] =	vst v10  }
0x18f: {  	v10 =	vld [tilespmem:s18+$0xFFFFFFF0];
	v14 =	vadd.f32 v14, v17;
	[tilespmem:s14+$0x30] =	vst v8  }
0x190: {  	v8 =	vld [tilespmem:s18+$0x0];
	v17 =	vpop (erf);
	[tilespmem:s14+$0x50] =	vst v20  }
0x191: {  	v20 =	vld [tilespmem:s18+$0x10];
	v5 =	vadd.f32 v4, v5;
	v14 =	vmul.f32 v17, v14  }
0x192: {  	s14 =	sadd.s32 $0x100, s14;
	v9 =	vmul.f32 v9, v11;
	v11 =	vld [tilespmem:s18+$0x20]  }
0x193: {  	v21 =	vld [tilespmem:s18+$0xFFFFFFC0];
	v13 =	vmul.f32 v15, v13;
	[tilespmem:s14+$0x60] =	vst v14  }
0x194: {  	v15 =	vld [tilespmem:s19+$0xFFFFFF90];
	v22 =	vmul.f32 $1.442695020e+00, v9;
	v7 =	vmul.f32 v7, v10;
	[tilespmem:s14+$0x70] =	vst v17  }
0x195: {  	v17 =	vld [tilespmem:s19+$0xFFFFFFB0];
	v23 =	vmul.f32 $1.442695020e+00, v13;
	v9 =	vmul.f32 v19, v8  }
.Ltmp6:
0x196: {  	v10 =	vld [tilespmem:s19+$0xFFFFFFD0];
	v14 =	vmul.f32 $1.442695020e+00, v7;
	v13 =	vmul.f32 v18, v20;
	(pc) =	sbr.rel @p2 .LBB2_9-.Ltmp6, $4  }
0x197: {  	v8 =	vld [tilespmem:s19+$0xFFFFFFF0];
	v9 =	vmul.f32 $1.442695020e+00, v9;
	v11 =	vmul.f32 v5, v11  }
0x198: {  	v16 =	vmul.f32 v16, v21;
	v7 =	vld [tilespmem:s19+$0x10];
	v13 =	vmul.f32 $1.442695020e+00, v13  }
0x199: {  	v5 =	vadd.f32 v6, v15;
	v6 =	vld [tilespmem:s19+$0x30];
	v15 =	vmul.f32 $1.442695020e+00, v11;
	(erf) = vpow2.f32 v22  }
0x19a: {  	v16 =	vmul.f32 $1.442695020e+00, v16;
	v11 =	vadd.f32 v12, v17;
	v12 =	vld [tilespmem:s19+$0x50];
	s19 =	sadd.s32 $0x100, s19;
	(erf) = vpow2.f32 v23  }
0x19b: {  	_ = 	snop  }
0x19c: {  	(erf) = vpow2.f32 v14;
	_ =	sdelay $0x1  }
0x19d: {  	(erf) = vpow2.f32 v16;
	_ =	sdelay $0x1  }
0x19e: {  	(erf) = vpow2.f32 v9;
	_ =	sdelay $0x1  }
0x19f: {  	(erf) = vpow2.f32 v13;
	v50 =	vpop (erf)  }
0x1a0: {  	v0 =	vadd.f32 v0, v10;
	v51 =	vmul.f32 v50, v11;
	[tilespmem:s14+$0xFFFFFFB0] =	vst v50;
	v52 =	vpop (erf)  }
0x1a1: {  	(erf) = vpow2.f32 v15;
	[tilespmem:s14+$0xFFFFFFD0] =	vst v52  }
0x1a2: {  	v1 =	vadd.f32 v1, v8;
	v0 =	vmul.f32 v52, v0;
	v53 =	vpop (erf);
	[tilespmem:s14+$0xFFFFFFA0] =	vst v51  }
0x1a3: {  	[tilespmem:s14+$0xFFFFFFF0] =	vst v53  }
0x1a4: {  	v1 =	vmul.f32 v53, v1;
	v54 =	vpop (erf);
	[tilespmem:s14+$0xFFFFFFC0] =	vst v0  }
0x1a5: {  	[tilespmem:s14+$0xFFFFFF90] =	vst v54  }
0x1a6: {  	v2 =	vadd.f32 v2, v7;
	v5 =	vmul.f32 v54, v5;
	v55 =	vpop (erf);
	[tilespmem:s14+$0xFFFFFFE0] =	vst v1  }
0x1a7: {  	[tilespmem:s14+$0x10] =	vst v55  }
0x1a8: {  	v3 =	vadd.f32 v3, v6;
	v56 =	vmul.f32 v55, v2;
	v57 =	vpop (erf);
	[tilespmem:s14+$0xFFFFFF80] =	vst v5  }
0x1a9: {  	v4 =	vadd.f32 v4, v12;
	[tilespmem:s14+$0x30] =	vst v57  }
0x1aa: {  	v3 =	vmul.f32 v57, v3;
	v58 =	vpop (erf);
	[tilespmem:s14+$0x0] =	vst v56  }
0x1ab: {  	v59 =	vmul.f32 v58, v4;
	[tilespmem:s14+$0x50] =	vst v58  }
0x1ac: {  	[tilespmem:s14+$0x20] =	vst v3  }
0x1ad: {  	[tilespmem:s14+$0x40] =	vst v59  }
0x1ae: {  	v0 =	vld [tilespmem:$0x100]  }
0x1af: {  	v1 =	vld [tilespmem:$0x110]  }
0x1b0: {  	v2 =	vld [tilespmem:$0x120]  }
0x1b1: {  	v3 =	vld [tilespmem:$0x130]  }
0x1b2: {  	v60 =	vld [tilespmem:$0x140]  }
0x1b3: {  	v61 =	vld [tilespmem:$0x150];
	[tilespmem:$0x200] =	vst v0  }
0x1b4: {  	v62 =	vld [tilespmem:$0x160];
	[tilespmem:$0x210] =	vst v1  }
0x1b5: {  	v63 =	vld [tilespmem:$0x170];
	[tilespmem:$0x220] =	vst v2  }
0x1b6: {  	[tilespmem:$0x230] =	vst v3  }
.Ltmp7:
0x1b7: {  	[tilespmem:$0x240] =	vst v60;
	(pc) =	sbr.rel .LBB2_11-.Ltmp7, $4  }
0x1b8: {  	[tilespmem:$0x250] =	vst v61  }
0x1b9: {  	[tilespmem:$0x260] =	vst v62  }
0x1ba: {  	[tilespmem:$0x270] =	vst v63  }
0x1bb: {  	[spmem:s1] =	stream.indirect.scatter.add.f32 [tilespmem:s9], [sflag:$0x5], $0x20, s29, s23, $0xb8;
	[tilespmem:$0xB120] =	vst v63  }
.LBB2_12:
0x1bc: {  	_ =	sfence.sel $0x180000  }
0x1bd: {  	[bflag:$0x0] =	sbarrier.arrive $0xFFFF  }
0x1be: {  	_ =	strace $0x9000004A  }
0x1bf: {  	s0 =	stileid.u32;
	[bflag:$0x2] =	sbarrier.arrive $0xFFFF  }
0x1c0: {  	p0 =	sne.s32 s0, $0x0;
	s0 =	rddreg [dreg:$0x2]  }
0x1c1: {  	s0 =	sadd.s32 @!p0 $0x100000, s0  }
0x1c2: {  	[sflag:s0] =	ssyncadd.tile.s32 @!p0 $0x1;
	_ =	shalt  }
.Lfunc_end2:
_tile_overlayer_lowered:
.L_overlay_start_2:
0x1c3: {  	(tag) =	ssettag $0x2  }
0x1c4: {  	s0 =	rddreg [dreg:$0x0];
	s2 =	stileid.u32  }
0x1c5: {  	s1 =	rddreg [dreg:$0x1];
	p0 =	sne.s32 s2, $0x0  }
0x1c6: {  	s3 =	rddreg [dreg:$0x2];
	[bflag:$0x3] =	sbarrier.arrive $0xFFFF;
	s2 =	simm.s32 @!p0 $0x1C07  }
0x1c7: {  	[timem:s3], [sflag:s2] =	dma.local @!p0 [hbm:s0], s1  }
0x1c8: {  	s0 =	simm.s32 @!p0 $0x7  }
0x1c9: {  	_ =	swait.ge @!p0 [sflag:s0], s1  }
0x1ca: {  	s1 =	ssub.s32 @!p0 $0x0, s1;
	[sflag:s0] =	ssyncset.done @!p0 $0x0  }
0x1cb: {  	[sflag:s0] =	ssyncadd.s32 @!p0 s1  }
0x1cc: {  	[bflag:$0x3] =	sbarrier.arrive $0xFFFF  }
0x1cd: {  	_ =	shalt  }

</sc_bundles>
